<compile_context>
chip_gen: v7x
topology: tpu7x:2x2x1
jax: 0.10.2.dev20260603
libtpu: 0.0.44.dev20260713+nightly
codegen_flags: <defaults>
</compile_context>

<pallas_src>
import functools

import jax
import jax.numpy as jnp
from jax import lax
from jax.experimental import pallas as pl
from jax.experimental.pallas import tpu as pltpu
from jax.experimental.pallas import tpu_sc as plsc

_NC = 2
_NS = 16
_NW = _NC * _NS
_L = 16

_USAGE_TILE = 2048


def _keep_body(idx_ref, keep_ref):
    B = idx_ref.shape[1]
    C = B // 8
    idxv = idx_ref[0, :]
    iota_b = lax.broadcasted_iota(jnp.int32, (C, B), 1)
    for c in range(8):
        chunk = idxv[c * C:(c + 1) * C]
        eq = chunk[:, None] == idxv[None, :]
        last = jnp.max(jnp.where(eq, iota_b, -1), axis=1)
        local_iota = (lax.broadcasted_iota(jnp.int32, (C, 1), 0)[:, 0] + c * C)
        keep_ref[0, c * C:(c + 1) * C] = (last == local_iota).astype(jnp.int32)


def _keep_mask(idx):
    B = idx.shape[0]
    return pl.pallas_call(
        _keep_body,
        out_shape=jax.ShapeDtypeStruct((1, B), jnp.int32),
    )(idx.reshape(1, B))


def _usage_body(usage_hbm, idx_hbm, usage2_hbm, mask_hbm, ubuf, mbuf, idx_v,
                *, span):
    M = usage_hbm.shape[0]
    B = idx_hbm.shape[0]
    wid = lax.axis_index("s") * _NC + lax.axis_index("c")
    raw = wid * (M // _NW)
    lo = (raw // 8) * 8

    pltpu.sync_copy(idx_hbm, idx_v)
    pltpu.sync_copy(usage_hbm.at[pl.ds(lo, span)], ubuf.at[pl.ds(0, span)])
    ones = jnp.full((_L,), 1.0, dtype=jnp.float32)
    zeros = jnp.zeros((_L,), dtype=jnp.float32)

    def decay(i):
        sl = pl.ds(i * _L, _L)
        ubuf[sl] = ubuf[sl] * 0.9
        mbuf[sl] = zeros

    pl.loop(0, (span + _L - 1) // _L)(decay)

    def scatter(k):
        iv = idx_v[pl.ds(k * _L, _L)]
        local = iv - lo
        mask = (iv >= lo) & (local < span)
        safe = jnp.where(mask, local, 0)
        plsc.store_scatter(ubuf, [safe], ones, mask=mask)
        plsc.store_scatter(mbuf, [safe], ones, mask=mask)

    pl.loop(0, B // _L)(scatter)
    pltpu.sync_copy(ubuf.at[pl.ds(0, span)], usage2_hbm.at[pl.ds(lo, span)])
    pltpu.sync_copy(mbuf.at[pl.ds(0, span)], mask_hbm.at[pl.ds(lo, span)])


def _usage_update(usage, idx):
    M = usage.shape[0]
    shift_max = max((w * (M // _NW)) % 8 for w in range(_NW))
    span = M // _NW + shift_max
    assert (_NW - 1) * (M // _NW) // 8 * 8 + span == M
    buf_n = ((span + _L - 1) // _L) * _L
    mesh = plsc.VectorSubcoreMesh(core_axis_name="c", subcore_axis_name="s")
    return pl.kernel(
        functools.partial(_usage_body, span=span),
        out_type=[
            jax.ShapeDtypeStruct((M,), jnp.float32),
            jax.ShapeDtypeStruct((M,), jnp.float32),
        ],
        mesh=mesh,
        scratch_types=[
            pltpu.VMEM((buf_n,), jnp.float32),
            pltpu.VMEM((buf_n,), jnp.float32),
            pltpu.VMEM((idx.shape[0],), jnp.int32),
        ],
        compiler_params=pltpu.CompilerParams(needs_layout_passes=False),
    )(usage, idx)


_COPY_SPLIT = 5


_MEM_TILE = 400
_SLOT_CAP = 256


def _mem2_body(mem_hbm, val_hbm, idx_hbm, keep_hbm, mem2_hbm,
               idx_v, keep_v, vbuf, tslots, tb0, tb1,
               sem, si0, si1, so0, so1, *, D):
    M = mem_hbm.shape[0] // D
    B = idx_hbm.shape[0]
    wid = lax.axis_index("s") * _NC + lax.axis_index("c")

    pltpu.sync_copy(idx_hbm, idx_v)
    pltpu.sync_copy(keep_hbm, keep_v)

    lane = lax.iota(jnp.int32, _L)
    big = jnp.int32(2**30)
    ntiles = M // _MEM_TILE
    nit = (ntiles + _NW - 1) // _NW

    TB = _MEM_TILE * D

    def t_off(j):
        return (j * _NW + wid) * TB

    def valid(j):
        return j * _NW + wid < ntiles

    def in_copy(j, buf, s):
        pltpu.make_async_copy(mem_hbm.at[pl.ds(t_off(j), TB)], buf, s).start()

    def out_copy(j, buf, s):
        pltpu.make_async_copy(buf, mem2_hbm.at[pl.ds(t_off(j), TB)], s).start()

    def in_wait(j, buf, s):
        pltpu.make_async_copy(mem_hbm.at[pl.ds(t_off(j), TB)], buf, s).wait()

    def out_wait(j, buf, s):
        pltpu.make_async_copy(buf, mem2_hbm.at[pl.ds(t_off(j), TB)], s).wait()

    npair = (nit + 1) // 2

    def pair(p):
        j0, j1 = 2 * p, 2 * p + 1

        @pl.when(valid(j0))
        def _():
            @pl.when(p > 0)
            def _():
                out_wait(j0 - 2, tb0, so0)
            in_copy(j0, tb0, si0)

        @pl.when(valid(j1))
        def _():
            @pl.when(p > 0)
            def _():
                out_wait(j1 - 2, tb1, so1)
            in_copy(j1, tb1, si1)

        @pl.when(valid(j0))
        def _():
            in_wait(j0, tb0, si0)
            out_copy(j0, tb0, so0)

        @pl.when(valid(j1))
        def _():
            in_wait(j1, tb1, si1)
            out_copy(j1, tb1, so1)

    pl.loop(0, npair)(pair)

    @pl.when(valid(0))
    def _():
        out_wait(0, tb0, so0)

    @pl.when(valid(1))
    def _():
        out_wait(1, tb1, so1)

    def flush(ns):
        def one_wait(_i, c):
            pltpu.make_async_copy(val_hbm.at[pl.ds(0, D)],
                                  vbuf.at[pl.ds(0, D)], sem).wait()
            return c

        lax.fori_loop(0, ns, one_wait, jnp.int32(0))

        def write_slot(slot, c):
            grp = (slot // _L) * _L
            tj = jnp.min(jnp.where(lane == slot - grp,
                                   tslots[pl.ds(grp, _L)], big))
            pltpu.make_async_copy(
                vbuf.at[pl.ds(slot * D, D)],
                mem2_hbm.at[pl.ds(tj * D, D)],
                sem,
            ).start()
            return c

        lax.fori_loop(0, ns, write_slot, jnp.int32(0))

        def one_wait2(_i, c):
            pltpu.make_async_copy(vbuf.at[pl.ds(0, D)],
                                  mem2_hbm.at[pl.ds(0, D)], sem).wait()
            return c

        lax.fori_loop(0, ns, one_wait2, jnp.int32(0))

    def scan_vec(k, nslots):
        iv = idx_v[pl.ds(k * _L, _L)]
        kp = keep_v[pl.ds(k * _L, _L)]
        tile = iv // _MEM_TILE
        own = (kp > 0) & (tile - (tile // _NW) * _NW == wid)
        ns = nslots
        for j in range(_L):
            tj = jnp.min(jnp.where(own & (lane == j), iv, big))
            hitj = tj < big
            slot = ns

            @pl.when(hitj)
            def _():
                b = k * _L + j
                pltpu.make_async_copy(
                    val_hbm.at[pl.ds(b * D, D)],
                    vbuf.at[pl.ds(slot * D, D)],
                    sem,
                ).start()
                plsc.store_scatter(
                    tslots, [jnp.full((_L,), slot, jnp.int32)],
                    jnp.full((_L,), tj, jnp.int32), mask=lane == 0)

            ns = jnp.where(hitj, ns + 1, ns)

        full = ns >= _SLOT_CAP - _L
        pl.when(full)(lambda: flush(ns))
        return jnp.where(full, 0, ns)

    nslots = lax.fori_loop(0, B // _L, scan_vec, jnp.int32(0))
    flush(nslots)


def _mem2_scatter(mem, val, idx, keep):
    M, D = mem.shape
    B = val.shape[0]
    mesh = plsc.VectorSubcoreMesh(core_axis_name="c", subcore_axis_name="s")
    out = pl.kernel(
        functools.partial(_mem2_body, D=D),
        out_type=jax.ShapeDtypeStruct((M * D,), jnp.float32),
        mesh=mesh,
        scratch_types=[
            pltpu.VMEM((B,), jnp.int32),
            pltpu.VMEM((B,), jnp.int32),
            pltpu.VMEM((_SLOT_CAP * D,), jnp.float32),
            pltpu.VMEM((_SLOT_CAP,), jnp.int32),
            pltpu.VMEM((_MEM_TILE * D,), jnp.float32),
            pltpu.VMEM((_MEM_TILE * D,), jnp.float32),
            pltpu.SemaphoreType.DMA,
            pltpu.SemaphoreType.DMA,
            pltpu.SemaphoreType.DMA,
            pltpu.SemaphoreType.DMA,
            pltpu.SemaphoreType.DMA,
        ],
        compiler_params=pltpu.CompilerParams(needs_layout_passes=False),
    )(mem.reshape(M * D), val.reshape(B * D), idx, keep)
    return out.reshape(M, D)


def _topk_body(mask_ref, mem_ref, q_ref, val_ref, idx_ref, keep_ref,
               tv_ref, ti_ref, *, blk):
    i = pl.program_id(0)
    Q, D = q_ref.shape
    B = val_ref.shape[0]

    q = q_ref[...]
    qn = q / (jnp.sqrt(jnp.sum(q * q, axis=1, keepdims=True)) + 1e-10)
    neg = jnp.float32(-jnp.inf)
    big = jnp.int32(2**31 - 1)

    @pl.when(i == 0)
    def _():
        idxv = idx_ref[0, :]
        keep = keep_ref[0, :]
        v = val_ref[...]
        vn = v / (jnp.sqrt(jnp.sum(v * v, axis=1, keepdims=True)) + 1e-10)
        sv = lax.dot_general(qn, vn, (((1,), (1,)), ((), ())),
                             preferred_element_type=jnp.float32)
        sv = jnp.where(keep[None, :] > 0, sv, neg)
        iota_qb = lax.broadcasted_iota(jnp.int32, (Q, B), 1)
        vs, js = [], []
        s = sv
        for _ in range(3):
            m = jnp.max(s, axis=1)
            am = jnp.min(jnp.where(s == m[:, None], iota_qb, B), axis=1)
            gl = jnp.sum(jnp.where(iota_qb == am[:, None], idxv[None, :], 0),
                         axis=1)
            vs.append(m)
            js.append(gl)
            s = jnp.where(iota_qb == am[:, None], neg, s)
        tv_ref[...] = jnp.stack(vs, axis=1)
        ti_ref[...] = jnp.stack(js, axis=1)

    rows = mem_ref[...]
    mask = mask_ref[0, 0, :]
    rn = rows / (jnp.sqrt(jnp.sum(rows * rows, axis=1, keepdims=True)) + 1e-10)
    s = lax.dot_general(qn, rn, (((1,), (1,)), ((), ())),
                        preferred_element_type=jnp.float32)
    s = jnp.where(mask[None, :] > 0.5, neg, s)

    nfull = blk // 128
    tailw = blk - nfull * 128
    a = jnp.full((Q, 128), neg)
    b = jnp.full((Q, 128), neg)
    ca = jnp.zeros((Q, 128), jnp.int32)
    cb = jnp.zeros((Q, 128), jnp.int32)

    def fold(a, b, ca, cb, x, c):
        cc = jnp.full((Q, 128), c, jnp.int32)
        cmp1 = x > a
        dem_v = jnp.where(cmp1, a, x)
        dem_c = jnp.where(cmp1, ca, cc)
        a = jnp.where(cmp1, x, a)
        ca = jnp.where(cmp1, cc, ca)
        cmp2 = dem_v > b
        b = jnp.where(cmp2, dem_v, b)
        cb = jnp.where(cmp2, dem_c, cb)
        return a, b, ca, cb

    for c in range(nfull):
        a, b, ca, cb = fold(a, b, ca, cb, s[:, c * 128:(c + 1) * 128], c)
    if tailw:
        xt = jnp.concatenate(
            [s[:, nfull * 128:], jnp.full((Q, 128 - tailw), neg)], axis=1)
        a, b, ca, cb = fold(a, b, ca, cb, xt, nfull)

    lane = lax.broadcasted_iota(jnp.int32, (Q, 128), 1)
    cand_v = jnp.concatenate([a, b], axis=1)
    cand_i = jnp.concatenate([ca * 128 + lane, cb * 128 + lane], axis=1)
    cand_i = jnp.where(cand_v == neg, big, cand_i + i * blk)

    new_v, new_i = [], []
    for _ in range(3):
        m = jnp.max(cand_v, axis=1)
        key = jnp.where(cand_v == m[:, None], cand_i, big)
        gmin = jnp.min(key, axis=1)
        new_v.append(m)
        new_i.append(gmin)
        cand_v = jnp.where((cand_v == m[:, None]) & (cand_i == gmin[:, None]),
                           neg, cand_v)
    new_v = jnp.stack(new_v, axis=1)
    new_i = jnp.stack(new_i, axis=1)

    prev_v = tv_ref[...]
    prev_i = ti_ref[...]
    cat_v = jnp.concatenate([new_v, prev_v], axis=1)
    cat_i = jnp.concatenate([new_i, prev_i], axis=1)
    iota6 = lax.broadcasted_iota(jnp.int32, (Q, 6), 1)
    out_v, out_i = [], []
    for _ in range(3):
        m = jnp.max(cat_v, axis=1)
        key = jnp.where(cat_v == m[:, None], cat_i, big)
        gmin = jnp.min(key, axis=1)
        pos = jnp.min(jnp.where(key == gmin[:, None], iota6, 6), axis=1)
        sel = iota6 == pos[:, None]
        out_v.append(m)
        out_i.append(gmin)
        cat_v = jnp.where(sel, neg, cat_v)
    tv_ref[...] = jnp.stack(out_v, axis=1)
    ti_ref[...] = jnp.stack(out_i, axis=1)


def _topk(mem, rowmask, query, val, idx, keep, blk=25000):
    M, D = mem.shape
    Q = query.shape[0]
    B = val.shape[0]
    nblk = M // blk
    assert nblk * blk == M
    body = functools.partial(_topk_body, blk=blk)
    return pl.pallas_call(
        body,
        grid=(nblk,),
        in_specs=[
            pl.BlockSpec((1, 1, blk), lambda i: (i, 0, 0)),
            pl.BlockSpec((blk, D), lambda i: (i, 0)),
            pl.BlockSpec((Q, D), lambda i: (0, 0)),
            pl.BlockSpec((B, D), lambda i: (0, 0)),
            pl.BlockSpec((1, B), lambda i: (0, 0)),
            pl.BlockSpec((1, B), lambda i: (0, 0)),
        ],
        out_specs=[
            pl.BlockSpec((Q, 3), lambda i: (0, 0)),
            pl.BlockSpec((Q, 3), lambda i: (0, 0)),
        ],
        out_shape=[
            jax.ShapeDtypeStruct((Q, 3), jnp.float32),
            jax.ShapeDtypeStruct((Q, 3), jnp.int32),
        ],
    )(rowmask.reshape(nblk, 1, blk), mem, query, val,
      idx.reshape(1, B), keep)


def kernel(mem, usage, val, query, idx):
    idx = idx.astype(jnp.int32)
    keep = _keep_mask(idx)
    usage2, rowmask = _usage_update(usage, idx)
    tv, ti = _topk(mem, rowmask, query, val, idx, keep)
    mem2 = _mem2_scatter(mem, val, idx, keep[0])
    return tv, ti, mem2, usage2

# --- scband reference (transcript-rebuilt; emitter-appended) ---
"""Pipeline reference for scband-persistent-memory-34711925686847 (READ-ONLY COPY).

The authoritative reference and input builder live on the scoring server;
editing this copy changes nothing except your own understanding.
"""

import jax, jax.numpy as jnp
import numpy as np

M, D, B, Q = 1000000, 64, 4096, 64

def setup_inputs(seed: int = 0) -> dict:
    key = jax.random.key(seed)
    k1, k2, k3, k4, k5 = jax.random.split(key, 5)
    mem = jax.random.normal(k1, (M, D), dtype=jnp.float32)
    usage = jax.random.uniform(k2, (M,), dtype=jnp.float32)
    val = jax.random.normal(k3, (B, D), dtype=jnp.float32)
    query = jax.random.normal(k4, (Q, D), dtype=jnp.float32)
    idx = jax.random.randint(k5, (B,), 0, M)
    return {"mem": mem, "usage": usage, "val": val, "query": query, "idx": idx}

def reference(mem, usage, val, query, idx):
    # Tensorized PersistentMemory.write: scatter-overwrite embeddings into chosen slots,
    # decay usage scores, mark written slots as fully used (usage = 1.0).
    mem2 = mem.at[idx].set(val)
    usage2 = (usage * 0.9).at[idx].set(1.0)
    # Tensorized PersistentMemory.read: cosine similarity between queries and all
    # memory slots, followed by top-k retrieval (top_k=3 as in the default).
    memory_norm = jnp.linalg.norm(mem2, axis=1, keepdims=True) + 1e-10
    query_norm = jnp.linalg.norm(query, axis=1, keepdims=True) + 1e-10
    normalized_memory = mem2 / memory_norm
    normalized_query = query / query_norm
    cosine_sim = normalized_query @ normalized_memory.T  # [Q, M]
    topk_values, topk_indices = jax.lax.top_k(cosine_sim, 3)
    return topk_values, topk_indices, mem2, usage2

if __name__ == "__main__":
    import jax
    _d = setup_inputs()
    print(jax.jit(kernel)(*tuple(_d.values())))

</pallas_src>

<mosaic_0001>
#map = affine_map<(d0, d1) -> (0)>
module attributes {stable_mosaic.version = 14 : i64} {
  func.func @_mem2_body(%arg0: i32, %arg1: i32, %arg2: memref<64000000xf32, #tpu.memory_space<hbm>>, %arg3: memref<262144xf32, #tpu.memory_space<hbm>>, %arg4: memref<4096xi32, #tpu.memory_space<hbm>>, %arg5: memref<4096xi32, #tpu.memory_space<hbm>>, %arg6: memref<64000000xf32, #tpu.memory_space<hbm>>, %arg7: memref<4096xi32, #tpu.memory_space<vmem>>, %arg8: memref<4096xi32, #tpu.memory_space<vmem>>, %arg9: memref<16384xf32, #tpu.memory_space<vmem>>, %arg10: memref<256xi32, #tpu.memory_space<vmem>>, %arg11: memref<25600xf32, #tpu.memory_space<vmem>>, %arg12: memref<25600xf32, #tpu.memory_space<vmem>>, %arg13: memref<!tpu.dma_semaphore, #tpu.memory_space<semaphore_mem>>, %arg14: memref<!tpu.dma_semaphore, #tpu.memory_space<semaphore_mem>>, %arg15: memref<!tpu.dma_semaphore, #tpu.memory_space<semaphore_mem>>, %arg16: memref<!tpu.dma_semaphore, #tpu.memory_space<semaphore_mem>>, %arg17: memref<!tpu.dma_semaphore, #tpu.memory_space<semaphore_mem>>) attributes {dimension_semantics = [#tpu.dimension_semantics<core_parallel>, #tpu.dimension_semantics<subcore_parallel>], iteration_bounds = array<i64: 2, 16>, scalar_prefetch = 0 : i64, scratch_operands = 11 : i64, tpu.core_type = #tpu.core_type<sc_vector_subcore>, window_params = [{transform_indices = #map}, {transform_indices = #map}, {transform_indices = #map}, {transform_indices = #map}, {transform_indices = #map}]} {
    %mul3A = arith.constant 2 : i32
    %mul3A_0 = arith.muli %arg1, %mul3A : i32
    %add3A = arith.addi %mul3A_0, %arg0 : i32
    "tpu.region"() ({
      %run_scoped3A = tpu.sem_alloc : memref<!tpu.dma_semaphore, #tpu.memory_space<semaphore_mem>>
      tpu.enqueue_dma source(%arg4 : memref<4096xi32, #tpu.memory_space<hbm>>) target(%arg7 : memref<4096xi32, #tpu.memory_space<vmem>>) target_semaphore(%run_scoped3A : memref<!tpu.dma_semaphore, #tpu.memory_space<semaphore_mem>>)
      tpu.wait_dma2 semaphore(%run_scoped3A : memref<!tpu.dma_semaphore, #tpu.memory_space<semaphore_mem>>) src(%arg4 : memref<4096xi32, #tpu.memory_space<hbm>>) dst(%arg7 : memref<4096xi32, #tpu.memory_space<vmem>>)
      tpu.yield
    }) : () -> ()
    "tpu.region"() ({
      %run_scoped3A = tpu.sem_alloc : memref<!tpu.dma_semaphore, #tpu.memory_space<semaphore_mem>>
      tpu.enqueue_dma source(%arg5 : memref<4096xi32, #tpu.memory_space<hbm>>) target(%arg8 : memref<4096xi32, #tpu.memory_space<vmem>>) target_semaphore(%run_scoped3A : memref<!tpu.dma_semaphore, #tpu.memory_space<semaphore_mem>>)
      tpu.wait_dma2 semaphore(%run_scoped3A : memref<!tpu.dma_semaphore, #tpu.memory_space<semaphore_mem>>) src(%arg5 : memref<4096xi32, #tpu.memory_space<hbm>>) dst(%arg8 : memref<4096xi32, #tpu.memory_space<vmem>>)
      tpu.yield
    }) : () -> ()
    %iota3A = tpu.iota {dimensions = array<i32: 0>} : vector<16xi32>
    %scan3A = arith.constant 0 : i32
    %scan3A_1 = arith.constant 40 : i32
    %scan3A_2 = arith.addi %scan3A, %scan3A_1 : i32
    %scan3A_3 = arith.constant 1 : i32
    scf.for %scan3A_54 = %scan3A to %scan3A_2 step %scan3A_3  : i32 {
      %mul3A_55 = arith.constant 1 : i32
      %mul3A_56 = arith.muli %scan3A_54, %mul3A_55 : i32
      %add3A_57 = arith.constant 0 : i32
      %add3A_58 = arith.addi %add3A_57, %mul3A_56 : i32
      %mul3A_59 = arith.constant 2 : i32
      %mul3A_60 = arith.muli %mul3A_59, %add3A_58 : i32
      %mul3A_61 = arith.constant 2 : i32
      %mul3A_62 = arith.muli %mul3A_61, %add3A_58 : i32
      %add3A_63 = arith.constant 1 : i32
      %add3A_64 = arith.addi %mul3A_62, %add3A_63 : i32
      %mul3A_65 = arith.constant 32 : i32
      %mul3A_66 = arith.muli %mul3A_60, %mul3A_65 : i32
      %add3A_67 = arith.addi %mul3A_66, %add3A : i32
      %lt3A_68 = arith.constant 2500 : i32
      %lt3A_69 = arith.cmpi slt, %add3A_67, %lt3A_68 : i32
      %convert_element_type3A_70 = arith.extui %lt3A_69 : i1 to i32
      %cond3A_71 = arith.constant 0 : i32
      %cond3A_72 = arith.cmpi ne, %convert_element_type3A_70, %cond3A_71 : i32
      scf.if %cond3A_72 {
        %gt3A = arith.constant 0 : i32
        %gt3A_97 = arith.cmpi sgt, %add3A_58, %gt3A : i32
        %convert_element_type3A_98 = arith.extui %gt3A_97 : i1 to i32
        %cond3A_99 = arith.constant 0 : i32
        %cond3A_100 = arith.cmpi ne, %convert_element_type3A_98, %cond3A_99 : i32
        scf.if %cond3A_100 {
          %sub3A = arith.constant 2 : i32
          %sub3A_107 = arith.subi %mul3A_60, %sub3A : i32
          %mul3A_108 = arith.constant 32 : i32
          %mul3A_109 = arith.muli %sub3A_107, %mul3A_108 : i32
          %add3A_110 = arith.addi %mul3A_109, %add3A : i32
          %mul3A_111 = arith.constant 25600 : i32
          %mul3A_112 = arith.muli %add3A_110, %mul3A_111 : i32
          %dma_wait3A = tpu.memref_slice %arg6[%mul3A_112] : memref<64000000xf32, #tpu.memory_space<hbm>> -> memref<25600xf32, #tpu.memory_space<hbm>>
          %dma_wait3A_113 = tpu.memref_slice %arg6[%mul3A_112] : memref<64000000xf32, #tpu.memory_space<hbm>> -> memref<25600xf32, #tpu.memory_space<hbm>>
          tpu.wait_dma2 semaphore(%arg16 : memref<!tpu.dma_semaphore, #tpu.memory_space<semaphore_mem>>) src(%arg11 : memref<25600xf32, #tpu.memory_space<vmem>>) dst(%dma_wait3A_113 : memref<25600xf32, #tpu.memory_space<hbm>>)
        } else {
        }
        %mul3A_101 = arith.constant 32 : i32
        %mul3A_102 = arith.muli %mul3A_60, %mul3A_101 : i32
        %add3A_103 = arith.addi %mul3A_102, %add3A : i32
        %mul3A_104 = arith.constant 25600 : i32
        %mul3A_105 = arith.muli %add3A_103, %mul3A_104 : i32
        %dma_start3A = tpu.memref_slice %arg2[%mul3A_105] : memref<64000000xf32, #tpu.memory_space<hbm>> -> memref<25600xf32, #tpu.memory_space<hbm>>
        %dma_start3A_106 = tpu.memref_slice %arg2[%mul3A_105] : memref<64000000xf32, #tpu.memory_space<hbm>> -> memref<25600xf32, #tpu.memory_space<hbm>>
        tpu.enqueue_dma source(%dma_start3A_106 : memref<25600xf32, #tpu.memory_space<hbm>>) target(%arg11 : memref<25600xf32, #tpu.memory_space<vmem>>) target_semaphore(%arg14 : memref<!tpu.dma_semaphore, #tpu.memory_space<semaphore_mem>>)
      } else {
      }
      %mul3A_73 = arith.constant 32 : i32
      %mul3A_74 = arith.muli %add3A_64, %mul3A_73 : i32
      %add3A_75 = arith.addi %mul3A_74, %add3A : i32
      %lt3A_76 = arith.constant 2500 : i32
      %lt3A_77 = arith.cmpi slt, %add3A_75, %lt3A_76 : i32
      %convert_element_type3A_78 = arith.extui %lt3A_77 : i1 to i32
      %cond3A_79 = arith.constant 0 : i32
      %cond3A_80 = arith.cmpi ne, %convert_element_type3A_78, %cond3A_79 : i32
      scf.if %cond3A_80 {
        %gt3A = arith.constant 0 : i32
        %gt3A_97 = arith.cmpi sgt, %add3A_58, %gt3A : i32
        %convert_element_type3A_98 = arith.extui %gt3A_97 : i1 to i32
        %cond3A_99 = arith.constant 0 : i32
        %cond3A_100 = arith.cmpi ne, %convert_element_type3A_98, %cond3A_99 : i32
        scf.if %cond3A_100 {
          %sub3A = arith.constant 2 : i32
          %sub3A_107 = arith.subi %add3A_64, %sub3A : i32
          %mul3A_108 = arith.constant 32 : i32
          %mul3A_109 = arith.muli %sub3A_107, %mul3A_108 : i32
          %add3A_110 = arith.addi %mul3A_109, %add3A : i32
          %mul3A_111 = arith.constant 25600 : i32
          %mul3A_112 = arith.muli %add3A_110, %mul3A_111 : i32
          %dma_wait3A = tpu.memref_slice %arg6[%mul3A_112] : memref<64000000xf32, #tpu.memory_space<hbm>> -> memref<25600xf32, #tpu.memory_space<hbm>>
          %dma_wait3A_113 = tpu.memref_slice %arg6[%mul3A_112] : memref<64000000xf32, #tpu.memory_space<hbm>> -> memref<25600xf32, #tpu.memory_space<hbm>>
          tpu.wait_dma2 semaphore(%arg17 : memref<!tpu.dma_semaphore, #tpu.memory_space<semaphore_mem>>) src(%arg12 : memref<25600xf32, #tpu.memory_space<vmem>>) dst(%dma_wait3A_113 : memref<25600xf32, #tpu.memory_space<hbm>>)
        } else {
        }
        %mul3A_101 = arith.constant 32 : i32
        %mul3A_102 = arith.muli %add3A_64, %mul3A_101 : i32
        %add3A_103 = arith.addi %mul3A_102, %add3A : i32
        %mul3A_104 = arith.constant 25600 : i32
        %mul3A_105 = arith.muli %add3A_103, %mul3A_104 : i32
        %dma_start3A = tpu.memref_slice %arg2[%mul3A_105] : memref<64000000xf32, #tpu.memory_space<hbm>> -> memref<25600xf32, #tpu.memory_space<hbm>>
        %dma_start3A_106 = tpu.memref_slice %arg2[%mul3A_105] : memref<64000000xf32, #tpu.memory_space<hbm>> -> memref<25600xf32, #tpu.memory_space<hbm>>
        tpu.enqueue_dma source(%dma_start3A_106 : memref<25600xf32, #tpu.memory_space<hbm>>) target(%arg12 : memref<25600xf32, #tpu.memory_space<vmem>>) target_semaphore(%arg15 : memref<!tpu.dma_semaphore, #tpu.memory_space<semaphore_mem>>)
      } else {
      }
      %mul3A_81 = arith.constant 32 : i32
      %mul3A_82 = arith.muli %mul3A_60, %mul3A_81 : i32
      %add3A_83 = arith.addi %mul3A_82, %add3A : i32
      %lt3A_84 = arith.constant 2500 : i32
      %lt3A_85 = arith.cmpi slt, %add3A_83, %lt3A_84 : i32
      %convert_element_type3A_86 = arith.extui %lt3A_85 : i1 to i32
      %cond3A_87 = arith.constant 0 : i32
      %cond3A_88 = arith.cmpi ne, %convert_element_type3A_86, %cond3A_87 : i32
      scf.if %cond3A_88 {
        %mul3A_97 = arith.constant 32 : i32
        %mul3A_98 = arith.muli %mul3A_60, %mul3A_97 : i32
        %add3A_99 = arith.addi %mul3A_98, %add3A : i32
        %mul3A_100 = arith.constant 25600 : i32
        %mul3A_101 = arith.muli %add3A_99, %mul3A_100 : i32
        %dma_wait3A = tpu.memref_slice %arg2[%mul3A_101] : memref<64000000xf32, #tpu.memory_space<hbm>> -> memref<25600xf32, #tpu.memory_space<hbm>>
        %dma_wait3A_102 = tpu.memref_slice %arg2[%mul3A_101] : memref<64000000xf32, #tpu.memory_space<hbm>> -> memref<25600xf32, #tpu.memory_space<hbm>>
        tpu.wait_dma2 semaphore(%arg14 : memref<!tpu.dma_semaphore, #tpu.memory_space<semaphore_mem>>) src(%dma_wait3A_102 : memref<25600xf32, #tpu.memory_space<hbm>>) dst(%arg11 : memref<25600xf32, #tpu.memory_space<vmem>>)
        %mul3A_103 = arith.constant 32 : i32
        %mul3A_104 = arith.muli %mul3A_60, %mul3A_103 : i32
        %add3A_105 = arith.addi %mul3A_104, %add3A : i32
        %mul3A_106 = arith.constant 25600 : i32
        %mul3A_107 = arith.muli %add3A_105, %mul3A_106 : i32
        %dma_start3A = tpu.memref_slice %arg6[%mul3A_107] : memref<64000000xf32, #tpu.memory_space<hbm>> -> memref<25600xf32, #tpu.memory_space<hbm>>
        %dma_start3A_108 = tpu.memref_slice %arg6[%mul3A_107] : memref<64000000xf32, #tpu.memory_space<hbm>> -> memref<25600xf32, #tpu.memory_space<hbm>>
        tpu.enqueue_dma source(%arg11 : memref<25600xf32, #tpu.memory_space<vmem>>) target(%dma_start3A_108 : memref<25600xf32, #tpu.memory_space<hbm>>) target_semaphore(%arg16 : memref<!tpu.dma_semaphore, #tpu.memory_space<semaphore_mem>>)
      } else {
      }
      %mul3A_89 = arith.constant 32 : i32
      %mul3A_90 = arith.muli %add3A_64, %mul3A_89 : i32
      %add3A_91 = arith.addi %mul3A_90, %add3A : i32
      %lt3A_92 = arith.constant 2500 : i32
      %lt3A_93 = arith.cmpi slt, %add3A_91, %lt3A_92 : i32
      %convert_element_type3A_94 = arith.extui %lt3A_93 : i1 to i32
      %cond3A_95 = arith.constant 0 : i32
      %cond3A_96 = arith.cmpi ne, %convert_element_type3A_94, %cond3A_95 : i32
      scf.if %cond3A_96 {
        %mul3A_97 = arith.constant 32 : i32
        %mul3A_98 = arith.muli %add3A_64, %mul3A_97 : i32
        %add3A_99 = arith.addi %mul3A_98, %add3A : i32
        %mul3A_100 = arith.constant 25600 : i32
        %mul3A_101 = arith.muli %add3A_99, %mul3A_100 : i32
        %dma_wait3A = tpu.memref_slice %arg2[%mul3A_101] : memref<64000000xf32, #tpu.memory_space<hbm>> -> memref<25600xf32, #tpu.memory_space<hbm>>
        %dma_wait3A_102 = tpu.memref_slice %arg2[%mul3A_101] : memref<64000000xf32, #tpu.memory_space<hbm>> -> memref<25600xf32, #tpu.memory_space<hbm>>
        tpu.wait_dma2 semaphore(%arg15 : memref<!tpu.dma_semaphore, #tpu.memory_space<semaphore_mem>>) src(%dma_wait3A_102 : memref<25600xf32, #tpu.memory_space<hbm>>) dst(%arg12 : memref<25600xf32, #tpu.memory_space<vmem>>)
        %mul3A_103 = arith.constant 32 : i32
        %mul3A_104 = arith.muli %add3A_64, %mul3A_103 : i32
        %add3A_105 = arith.addi %mul3A_104, %add3A : i32
        %mul3A_106 = arith.constant 25600 : i32
        %mul3A_107 = arith.muli %add3A_105, %mul3A_106 : i32
        %dma_start3A = tpu.memref_slice %arg6[%mul3A_107] : memref<64000000xf32, #tpu.memory_space<hbm>> -> memref<25600xf32, #tpu.memory_space<hbm>>
        %dma_start3A_108 = tpu.memref_slice %arg6[%mul3A_107] : memref<64000000xf32, #tpu.memory_space<hbm>> -> memref<25600xf32, #tpu.memory_space<hbm>>
        tpu.enqueue_dma source(%arg12 : memref<25600xf32, #tpu.memory_space<vmem>>) target(%dma_start3A_108 : memref<25600xf32, #tpu.memory_space<hbm>>) target_semaphore(%arg17 : memref<!tpu.dma_semaphore, #tpu.memory_space<semaphore_mem>>)
      } else {
      }
    }
    %scan3A_4 = arith.constant 40 : i32
    %add3A_5 = arith.constant 0 : i32
    %add3A_6 = arith.addi %add3A_5, %add3A : i32
    %lt3A = arith.constant 2500 : i32
    %lt3A_7 = arith.cmpi slt, %add3A_6, %lt3A : i32
    %convert_element_type3A = arith.extui %lt3A_7 : i1 to i32
    %cond3A = arith.constant 0 : i32
    %cond3A_8 = arith.cmpi ne, %convert_element_type3A, %cond3A : i32
    scf.if %cond3A_8 {
      %add3A_54 = arith.constant 0 : i32
      %add3A_55 = arith.addi %add3A_54, %add3A : i32
      %mul3A_56 = arith.constant 25600 : i32
      %mul3A_57 = arith.muli %add3A_55, %mul3A_56 : i32
      %dma_wait3A = tpu.memref_slice %arg6[%mul3A_57] : memref<64000000xf32, #tpu.memory_space<hbm>> -> memref<25600xf32, #tpu.memory_space<hbm>>
      %dma_wait3A_58 = tpu.memref_slice %arg6[%mul3A_57] : memref<64000000xf32, #tpu.memory_space<hbm>> -> memref<25600xf32, #tpu.memory_space<hbm>>
      tpu.wait_dma2 semaphore(%arg16 : memref<!tpu.dma_semaphore, #tpu.memory_space<semaphore_mem>>) src(%arg11 : memref<25600xf32, #tpu.memory_space<vmem>>) dst(%dma_wait3A_58 : memref<25600xf32, #tpu.memory_space<hbm>>)
    } else {
    }
    %add3A_9 = arith.constant 32 : i32
    %add3A_10 = arith.addi %add3A_9, %add3A : i32
    %lt3A_11 = arith.constant 2500 : i32
    %lt3A_12 = arith.cmpi slt, %add3A_10, %lt3A_11 : i32
    %convert_element_type3A_13 = arith.extui %lt3A_12 : i1 to i32
    %cond3A_14 = arith.constant 0 : i32
    %cond3A_15 = arith.cmpi ne, %convert_element_type3A_13, %cond3A_14 : i32
    scf.if %cond3A_15 {
      %add3A_54 = arith.constant 32 : i32
      %add3A_55 = arith.addi %add3A_54, %add3A : i32
      %mul3A_56 = arith.constant 25600 : i32
      %mul3A_57 = arith.muli %add3A_55, %mul3A_56 : i32
      %dma_wait3A = tpu.memref_slice %arg6[%mul3A_57] : memref<64000000xf32, #tpu.memory_space<hbm>> -> memref<25600xf32, #tpu.memory_space<hbm>>
      %dma_wait3A_58 = tpu.memref_slice %arg6[%mul3A_57] : memref<64000000xf32, #tpu.memory_space<hbm>> -> memref<25600xf32, #tpu.memory_space<hbm>>
      tpu.wait_dma2 semaphore(%arg17 : memref<!tpu.dma_semaphore, #tpu.memory_space<semaphore_mem>>) src(%arg12 : memref<25600xf32, #tpu.memory_space<vmem>>) dst(%dma_wait3A_58 : memref<25600xf32, #tpu.memory_space<hbm>>)
    } else {
    }
    %scan3A_16 = arith.constant 1073741824 : i32
    %scan3A_17 = arith.constant 0 : i32
    %scan3A_18 = arith.constant 0 : i32
    %scan3A_19 = arith.constant 256 : i32
    %scan3A_20 = arith.addi %scan3A_18, %scan3A_19 : i32
    %scan3A_21 = arith.constant 1 : i32
    %scan3A_22 = scf.for %scan3A_54 = %scan3A_18 to %scan3A_20 step %scan3A_21 iter_args(%scan3A_55 = %scan3A_17) -> (i32)  : i32 {
      %mul3A_56 = arith.constant 16 : i32
      %mul3A_57 = arith.muli %scan3A_54, %mul3A_56 : i32
      %get3A = arith.index_cast %mul3A_57 : i32 to index
      %get3A_58 = tpu.vector_load %arg7[%get3A] {strides = array<i32>} : memref<4096xi32, #tpu.memory_space<vmem>>, vector<16xi32>,
      %mul3A_59 = arith.constant 16 : i32
      %mul3A_60 = arith.muli %scan3A_54, %mul3A_59 : i32
      %get3A_61 = arith.index_cast %mul3A_60 : i32 to index
      %get3A_62 = tpu.vector_load %arg8[%get3A_61] {strides = array<i32>} : memref<4096xi32, #tpu.memory_space<vmem>>, vector<16xi32>,
      %jit3A = arith.constant 400 : i32
      %div3A = vector.broadcast %jit3A : i32 to vector<16xi32>
      %div3A_63 = arith.divsi %get3A_58, %div3A : vector<16xi32>
      %sign3A = arith.constant 0 : i32
      %sign3A_64 = vector.broadcast %sign3A : i32 to vector<16xi32>
      %sign3A_65 = arith.cmpi sgt, %get3A_58, %sign3A_64 : vector<16xi32>
      %sign3A_66 = arith.extui %sign3A_65 : vector<16xi1> to vector<16xi32>
      %sign3A_67 = arith.constant 0 : i32
      %sign3A_68 = vector.broadcast %sign3A_67 : i32 to vector<16xi32>
      %sign3A_69 = arith.cmpi slt, %get3A_58, %sign3A_68 : vector<16xi32>
      %sign3A_70 = arith.extui %sign3A_69 : vector<16xi1> to vector<16xi32>
      %sign3A_71 = arith.subi %sign3A_66, %sign3A_70 : vector<16xi32>
      %sign3A_72 = arith.constant 0 : i32
      %sign3A_73 = arith.cmpi sgt, %jit3A, %sign3A_72 : i32
      %sign3A_74 = arith.extui %sign3A_73 : i1 to i32
      %sign3A_75 = arith.constant 0 : i32
      %sign3A_76 = arith.cmpi slt, %jit3A, %sign3A_75 : i32
      %sign3A_77 = arith.extui %sign3A_76 : i1 to i32
      %sign3A_78 = arith.subi %sign3A_74, %sign3A_77 : i32
      %ne3A = vector.broadcast %sign3A_78 : i32 to vector<16xi32>
      %ne3A_79 = arith.cmpi ne, %sign3A_71, %ne3A : vector<16xi32>
      %rem3A = vector.broadcast %jit3A : i32 to vector<16xi32>
      %rem3A_80 = arith.remsi %get3A_58, %rem3A : vector<16xi32>
      %ne3A_81 = arith.constant 0 : i32
      %ne3A_82 = vector.broadcast %ne3A_81 : i32 to vector<16xi32>
      %ne3A_83 = arith.cmpi ne, %rem3A_80, %ne3A_82 : vector<16xi32>
      %and3A = arith.andi %ne3A_79, %ne3A_83 : vector<16xi1>
      %sub3A = arith.constant 1 : i32
      %sub3A_84 = vector.broadcast %sub3A : i32 to vector<16xi32>
      %sub3A_85 = arith.subi %div3A_63, %sub3A_84 : vector<16xi32>
      %select_n3A = arith.select %and3A, %sub3A_85, %div3A_63 : vector<16xi1>, vector<16xi32>
      %gt3A = arith.constant 0 : i32
      %gt3A_86 = vector.broadcast %gt3A : i32 to vector<16xi32>
      %gt3A_87 = arith.cmpi sgt, %get3A_62, %gt3A_86 : vector<16xi32>
      %jit3A_88 = arith.constant 32 : i32
      %div3A_89 = vector.broadcast %jit3A_88 : i32 to vector<16xi32>
      %div3A_90 = arith.divsi %select_n3A, %div3A_89 : vector<16xi32>
      %sign3A_91 = arith.constant 0 : i32
      %sign3A_92 = vector.broadcast %sign3A_91 : i32 to vector<16xi32>
      %sign3A_93 = arith.cmpi sgt, %select_n3A, %sign3A_92 : vector<16xi32>
      %sign3A_94 = arith.extui %sign3A_93 : vector<16xi1> to vector<16xi32>
      %sign3A_95 = arith.constant 0 : i32
      %sign3A_96 = vector.broadcast %sign3A_95 : i32 to vector<16xi32>
      %sign3A_97 = arith.cmpi slt, %select_n3A, %sign3A_96 : vector<16xi32>
      %sign3A_98 = arith.extui %sign3A_97 : vector<16xi1> to vector<16xi32>
      %sign3A_99 = arith.subi %sign3A_94, %sign3A_98 : vector<16xi32>
      %sign3A_100 = arith.constant 0 : i32
      %sign3A_101 = arith.cmpi sgt, %jit3A_88, %sign3A_100 : i32
      %sign3A_102 = arith.extui %sign3A_101 : i1 to i32
      %sign3A_103 = arith.constant 0 : i32
      %sign3A_104 = arith.cmpi slt, %jit3A_88, %sign3A_103 : i32
      %sign3A_105 = arith.extui %sign3A_104 : i1 to i32
      %sign3A_106 = arith.subi %sign3A_102, %sign3A_105 : i32
      %ne3A_107 = vector.broadcast %sign3A_106 : i32 to vector<16xi32>
      %ne3A_108 = arith.cmpi ne, %sign3A_99, %ne3A_107 : vector<16xi32>
      %rem3A_109 = vector.broadcast %jit3A_88 : i32 to vector<16xi32>
      %rem3A_110 = arith.remsi %select_n3A, %rem3A_109 : vector<16xi32>
      %ne3A_111 = arith.constant 0 : i32
      %ne3A_112 = vector.broadcast %ne3A_111 : i32 to vector<16xi32>
      %ne3A_113 = arith.cmpi ne, %rem3A_110, %ne3A_112 : vector<16xi32>
      %and3A_114 = arith.andi %ne3A_108, %ne3A_113 : vector<16xi1>
      %sub3A_115 = arith.constant 1 : i32
      %sub3A_116 = vector.broadcast %sub3A_115 : i32 to vector<16xi32>
      %sub3A_117 = arith.subi %div3A_90, %sub3A_116 : vector<16xi32>
      %select_n3A_118 = arith.select %and3A_114, %sub3A_117, %div3A_90 : vector<16xi1>, vector<16xi32>
      %mul3A_119 = arith.constant 32 : i32
      %mul3A_120 = vector.broadcast %mul3A_119 : i32 to vector<16xi32>
      %mul3A_121 = arith.muli %select_n3A_118, %mul3A_120 : vector<16xi32>
      %sub3A_122 = arith.subi %select_n3A, %mul3A_121 : vector<16xi32>
      %eq3A = vector.broadcast %add3A : i32 to vector<16xi32>
      %eq3A_123 = arith.cmpi eq, %sub3A_122, %eq3A : vector<16xi32>
      %and3A_124 = arith.andi %gt3A_87, %eq3A_123 : vector<16xi1>
      %eq3A_125 = arith.constant 0 : i32
      %eq3A_126 = vector.broadcast %eq3A_125 : i32 to vector<16xi32>
      %eq3A_127 = arith.cmpi eq, %iota3A, %eq3A_126 : vector<16xi32>
      %and3A_128 = arith.andi %and3A_124, %eq3A_127 : vector<16xi1>
      %broadcast_in_dim3A = vector.broadcast %scan3A_16 : i32 to vector<16xi32>
      %select_n3A_129 = arith.select %and3A_128, %get3A_58, %broadcast_in_dim3A : vector<16xi1>, vector<16xi32>
      %reduce_min3A = arith.constant true
      %reduce_min3A_130 = vector.broadcast %reduce_min3A : i1 to vector<16xi1>
      %reduce_min3A_131 = arith.constant -2147483648 : i32
      %reduce_min3A_132 = vector.broadcast %reduce_min3A_131 : i32 to vector<16xi32>
      %reduce_min3A_133 = arith.xori %select_n3A_129, %reduce_min3A_132 : vector<16xi32>
      %reduce_min3A_134 = tpu.scan <min>, %reduce_min3A_133 masked %reduce_min3A_130 : vector<16xi32>, vector<16xi1> -> vector<16xi32>
      %reduce_min3A_135 = arith.xori %reduce_min3A_134, %reduce_min3A_132 : vector<16xi32>
      %reduce_min3A_136 = vector.extract %reduce_min3A_135[15] : i32 from vector<16xi32>
      %lt3A_137 = arith.cmpi slt, %reduce_min3A_136, %scan3A_16 : i32
      %convert_element_type3A_138 = arith.extui %lt3A_137 : i1 to i32
      %cond3A_139 = arith.constant 0 : i32
      %cond3A_140 = arith.cmpi ne, %convert_element_type3A_138, %cond3A_139 : i32
      scf.if %cond3A_140 {
        %mul3A_465 = arith.constant 16 : i32
        %mul3A_466 = arith.muli %scan3A_54, %mul3A_465 : i32
        %add3A_467 = arith.constant 0 : i32
        %add3A_468 = arith.addi %mul3A_466, %add3A_467 : i32
        %mul3A_469 = arith.constant 64 : i32
        %mul3A_470 = arith.muli %add3A_468, %mul3A_469 : i32
        %mul3A_471 = arith.constant 64 : i32
        %mul3A_472 = arith.muli %scan3A_55, %mul3A_471 : i32
        %dma_start3A = tpu.memref_slice %arg9[%mul3A_472] : memref<16384xf32, #tpu.memory_space<vmem>> -> memref<64xf32, #tpu.memory_space<vmem>>
        %dma_start3A_473 = tpu.memref_slice %arg3[%mul3A_470] : memref<262144xf32, #tpu.memory_space<hbm>> -> memref<64xf32, #tpu.memory_space<hbm>>
        %dma_start3A_474 = tpu.memref_slice %arg9[%mul3A_472] : memref<16384xf32, #tpu.memory_space<vmem>> -> memref<64xf32, #tpu.memory_space<vmem>>
        %dma_start3A_475 = tpu.memref_slice %arg3[%mul3A_470] : memref<262144xf32, #tpu.memory_space<hbm>> -> memref<64xf32, #tpu.memory_space<hbm>>
        tpu.enqueue_dma source(%dma_start3A_475 : memref<64xf32, #tpu.memory_space<hbm>>) target(%dma_start3A_474 : memref<64xf32, #tpu.memory_space<vmem>>) target_semaphore(%arg13 : memref<!tpu.dma_semaphore, #tpu.memory_space<semaphore_mem>>)
        %broadcast_in_dim3A_476 = vector.broadcast %scan3A_55 : i32 to vector<16xi32>
        %broadcast_in_dim3A_477 = vector.broadcast %reduce_min3A_136 : i32 to vector<16xi32>
        %eq3A_478 = arith.constant 0 : i32
        %eq3A_479 = vector.broadcast %eq3A_478 : i32 to vector<16xi32>
        %eq3A_480 = arith.cmpi eq, %iota3A, %eq3A_479 : vector<16xi32>
        tpu.vector_store_idx %arg10[%broadcast_in_dim3A_476], %broadcast_in_dim3A_477 masked %eq3A_480 : memref<256xi32, #tpu.memory_space<vmem>>[vector<16xi32>], vector<16xi32>, vector<16xi1>
      } else {
      }
      %add3A_141 = arith.constant 1 : i32
      %add3A_142 = arith.addi %scan3A_55, %add3A_141 : i32
      %select_n3A_143 = arith.select %lt3A_137, %add3A_142, %scan3A_55 : i32
      %eq3A_144 = arith.constant 1 : i32
      %eq3A_145 = vector.broadcast %eq3A_144 : i32 to vector<16xi32>
      %eq3A_146 = arith.cmpi eq, %iota3A, %eq3A_145 : vector<16xi32>
      %and3A_147 = arith.andi %and3A_124, %eq3A_146 : vector<16xi1>
      %broadcast_in_dim3A_148 = vector.broadcast %scan3A_16 : i32 to vector<16xi32>
      %select_n3A_149 = arith.select %and3A_147, %get3A_58, %broadcast_in_dim3A_148 : vector<16xi1>, vector<16xi32>
      %reduce_min3A_150 = arith.constant true
      %reduce_min3A_151 = vector.broadcast %reduce_min3A_150 : i1 to vector<16xi1>
      %reduce_min3A_152 = arith.constant -2147483648 : i32
      %reduce_min3A_153 = vector.broadcast %reduce_min3A_152 : i32 to vector<16xi32>
      %reduce_min3A_154 = arith.xori %select_n3A_149, %reduce_min3A_153 : vector<16xi32>
      %reduce_min3A_155 = tpu.scan <min>, %reduce_min3A_154 masked %reduce_min3A_151 : vector<16xi32>, vector<16xi1> -> vector<16xi32>
      %reduce_min3A_156 = arith.xori %reduce_min3A_155, %reduce_min3A_153 : vector<16xi32>
      %reduce_min3A_157 = vector.extract %reduce_min3A_156[15] : i32 from vector<16xi32>
      %lt3A_158 = arith.cmpi slt, %reduce_min3A_157, %scan3A_16 : i32
      %convert_element_type3A_159 = arith.extui %lt3A_158 : i1 to i32
      %cond3A_160 = arith.constant 0 : i32
      %cond3A_161 = arith.cmpi ne, %convert_element_type3A_159, %cond3A_160 : i32
      scf.if %cond3A_161 {
        %mul3A_465 = arith.constant 16 : i32
        %mul3A_466 = arith.muli %scan3A_54, %mul3A_465 : i32
        %add3A_467 = arith.constant 1 : i32
        %add3A_468 = arith.addi %mul3A_466, %add3A_467 : i32
        %mul3A_469 = arith.constant 64 : i32
        %mul3A_470 = arith.muli %add3A_468, %mul3A_469 : i32
        %mul3A_471 = arith.constant 64 : i32
        %mul3A_472 = arith.muli %select_n3A_143, %mul3A_471 : i32
        %dma_start3A = tpu.memref_slice %arg9[%mul3A_472] : memref<16384xf32, #tpu.memory_space<vmem>> -> memref<64xf32, #tpu.memory_space<vmem>>
        %dma_start3A_473 = tpu.memref_slice %arg3[%mul3A_470] : memref<262144xf32, #tpu.memory_space<hbm>> -> memref<64xf32, #tpu.memory_space<hbm>>
        %dma_start3A_474 = tpu.memref_slice %arg9[%mul3A_472] : memref<16384xf32, #tpu.memory_space<vmem>> -> memref<64xf32, #tpu.memory_space<vmem>>
        %dma_start3A_475 = tpu.memref_slice %arg3[%mul3A_470] : memref<262144xf32, #tpu.memory_space<hbm>> -> memref<64xf32, #tpu.memory_space<hbm>>
        tpu.enqueue_dma source(%dma_start3A_475 : memref<64xf32, #tpu.memory_space<hbm>>) target(%dma_start3A_474 : memref<64xf32, #tpu.memory_space<vmem>>) target_semaphore(%arg13 : memref<!tpu.dma_semaphore, #tpu.memory_space<semaphore_mem>>)
        %broadcast_in_dim3A_476 = vector.broadcast %select_n3A_143 : i32 to vector<16xi32>
        %broadcast_in_dim3A_477 = vector.broadcast %reduce_min3A_157 : i32 to vector<16xi32>
        %eq3A_478 = arith.constant 0 : i32
        %eq3A_479 = vector.broadcast %eq3A_478 : i32 to vector<16xi32>
        %eq3A_480 = arith.cmpi eq, %iota3A, %eq3A_479 : vector<16xi32>
        tpu.vector_store_idx %arg10[%broadcast_in_dim3A_476], %broadcast_in_dim3A_477 masked %eq3A_480 : memref<256xi32, #tpu.memory_space<vmem>>[vector<16xi32>], vector<16xi32>, vector<16xi1>
      } else {
      }
      %add3A_162 = arith.constant 1 : i32
      %add3A_163 = arith.addi %select_n3A_143, %add3A_162 : i32
      %select_n3A_164 = arith.select %lt3A_158, %add3A_163, %select_n3A_143 : i32
      %eq3A_165 = arith.constant 2 : i32
      %eq3A_166 = vector.broadcast %eq3A_165 : i32 to vector<16xi32>
      %eq3A_167 = arith.cmpi eq, %iota3A, %eq3A_166 : vector<16xi32>
      %and3A_168 = arith.andi %and3A_124, %eq3A_167 : vector<16xi1>
      %broadcast_in_dim3A_169 = vector.broadcast %scan3A_16 : i32 to vector<16xi32>
      %select_n3A_170 = arith.select %and3A_168, %get3A_58, %broadcast_in_dim3A_169 : vector<16xi1>, vector<16xi32>
      %reduce_min3A_171 = arith.constant true
      %reduce_min3A_172 = vector.broadcast %reduce_min3A_171 : i1 to vector<16xi1>
      %reduce_min3A_173 = arith.constant -2147483648 : i32
      %reduce_min3A_174 = vector.broadcast %reduce_min3A_173 : i32 to vector<16xi32>
      %reduce_min3A_175 = arith.xori %select_n3A_170, %reduce_min3A_174 : vector<16xi32>
      %reduce_min3A_176 = tpu.scan <min>, %reduce_min3A_175 masked %reduce_min3A_172 : vector<16xi32>, vector<16xi1> -> vector<16xi32>
      %reduce_min3A_177 = arith.xori %reduce_min3A_176, %reduce_min3A_174 : vector<16xi32>
      %reduce_min3A_178 = vector.extract %reduce_min3A_177[15] : i32 from vector<16xi32>
      %lt3A_179 = arith.cmpi slt, %reduce_min3A_178, %scan3A_16 : i32
      %convert_element_type3A_180 = arith.extui %lt3A_179 : i1 to i32
      %cond3A_181 = arith.constant 0 : i32
      %cond3A_182 = arith.cmpi ne, %convert_element_type3A_180, %cond3A_181 : i32
      scf.if %cond3A_182 {
        %mul3A_465 = arith.constant 16 : i32
        %mul3A_466 = arith.muli %scan3A_54, %mul3A_465 : i32
        %add3A_467 = arith.constant 2 : i32
        %add3A_468 = arith.addi %mul3A_466, %add3A_467 : i32
        %mul3A_469 = arith.constant 64 : i32
        %mul3A_470 = arith.muli %add3A_468, %mul3A_469 : i32
        %mul3A_471 = arith.constant 64 : i32
        %mul3A_472 = arith.muli %select_n3A_164, %mul3A_471 : i32
        %dma_start3A = tpu.memref_slice %arg9[%mul3A_472] : memref<16384xf32, #tpu.memory_space<vmem>> -> memref<64xf32, #tpu.memory_space<vmem>>
        %dma_start3A_473 = tpu.memref_slice %arg3[%mul3A_470] : memref<262144xf32, #tpu.memory_space<hbm>> -> memref<64xf32, #tpu.memory_space<hbm>>
        %dma_start3A_474 = tpu.memref_slice %arg9[%mul3A_472] : memref<16384xf32, #tpu.memory_space<vmem>> -> memref<64xf32, #tpu.memory_space<vmem>>
        %dma_start3A_475 = tpu.memref_slice %arg3[%mul3A_470] : memref<262144xf32, #tpu.memory_space<hbm>> -> memref<64xf32, #tpu.memory_space<hbm>>
        tpu.enqueue_dma source(%dma_start3A_475 : memref<64xf32, #tpu.memory_space<hbm>>) target(%dma_start3A_474 : memref<64xf32, #tpu.memory_space<vmem>>) target_semaphore(%arg13 : memref<!tpu.dma_semaphore, #tpu.memory_space<semaphore_mem>>)
        %broadcast_in_dim3A_476 = vector.broadcast %select_n3A_164 : i32 to vector<16xi32>
        %broadcast_in_dim3A_477 = vector.broadcast %reduce_min3A_178 : i32 to vector<16xi32>
        %eq3A_478 = arith.constant 0 : i32
        %eq3A_479 = vector.broadcast %eq3A_478 : i32 to vector<16xi32>
        %eq3A_480 = arith.cmpi eq, %iota3A, %eq3A_479 : vector<16xi32>
        tpu.vector_store_idx %arg10[%broadcast_in_dim3A_476], %broadcast_in_dim3A_477 masked %eq3A_480 : memref<256xi32, #tpu.memory_space<vmem>>[vector<16xi32>], vector<16xi32>, vector<16xi1>
      } else {
      }
      %add3A_183 = arith.constant 1 : i32
      %add3A_184 = arith.addi %select_n3A_164, %add3A_183 : i32
      %select_n3A_185 = arith.select %lt3A_179, %add3A_184, %select_n3A_164 : i32
      %eq3A_186 = arith.constant 3 : i32
      %eq3A_187 = vector.broadcast %eq3A_186 : i32 to vector<16xi32>
      %eq3A_188 = arith.cmpi eq, %iota3A, %eq3A_187 : vector<16xi32>
      %and3A_189 = arith.andi %and3A_124, %eq3A_188 : vector<16xi1>
      %broadcast_in_dim3A_190 = vector.broadcast %scan3A_16 : i32 to vector<16xi32>
      %select_n3A_191 = arith.select %and3A_189, %get3A_58, %broadcast_in_dim3A_190 : vector<16xi1>, vector<16xi32>
      %reduce_min3A_192 = arith.constant true
      %reduce_min3A_193 = vector.broadcast %reduce_min3A_192 : i1 to vector<16xi1>
      %reduce_min3A_194 = arith.constant -2147483648 : i32
      %reduce_min3A_195 = vector.broadcast %reduce_min3A_194 : i32 to vector<16xi32>
      %reduce_min3A_196 = arith.xori %select_n3A_191, %reduce_min3A_195 : vector<16xi32>
      %reduce_min3A_197 = tpu.scan <min>, %reduce_min3A_196 masked %reduce_min3A_193 : vector<16xi32>, vector<16xi1> -> vector<16xi32>
      %reduce_min3A_198 = arith.xori %reduce_min3A_197, %reduce_min3A_195 : vector<16xi32>
      %reduce_min3A_199 = vector.extract %reduce_min3A_198[15] : i32 from vector<16xi32>
      %lt3A_200 = arith.cmpi slt, %reduce_min3A_199, %scan3A_16 : i32
      %convert_element_type3A_201 = arith.extui %lt3A_200 : i1 to i32
      %cond3A_202 = arith.constant 0 : i32
      %cond3A_203 = arith.cmpi ne, %convert_element_type3A_201, %cond3A_202 : i32
      scf.if %cond3A_203 {
        %mul3A_465 = arith.constant 16 : i32
        %mul3A_466 = arith.muli %scan3A_54, %mul3A_465 : i32
        %add3A_467 = arith.constant 3 : i32
        %add3A_468 = arith.addi %mul3A_466, %add3A_467 : i32
        %mul3A_469 = arith.constant 64 : i32
        %mul3A_470 = arith.muli %add3A_468, %mul3A_469 : i32
        %mul3A_471 = arith.constant 64 : i32
        %mul3A_472 = arith.muli %select_n3A_185, %mul3A_471 : i32
        %dma_start3A = tpu.memref_slice %arg9[%mul3A_472] : memref<16384xf32, #tpu.memory_space<vmem>> -> memref<64xf32, #tpu.memory_space<vmem>>
        %dma_start3A_473 = tpu.memref_slice %arg3[%mul3A_470] : memref<262144xf32, #tpu.memory_space<hbm>> -> memref<64xf32, #tpu.memory_space<hbm>>
        %dma_start3A_474 = tpu.memref_slice %arg9[%mul3A_472] : memref<16384xf32, #tpu.memory_space<vmem>> -> memref<64xf32, #tpu.memory_space<vmem>>
        %dma_start3A_475 = tpu.memref_slice %arg3[%mul3A_470] : memref<262144xf32, #tpu.memory_space<hbm>> -> memref<64xf32, #tpu.memory_space<hbm>>
        tpu.enqueue_dma source(%dma_start3A_475 : memref<64xf32, #tpu.memory_space<hbm>>) target(%dma_start3A_474 : memref<64xf32, #tpu.memory_space<vmem>>) target_semaphore(%arg13 : memref<!tpu.dma_semaphore, #tpu.memory_space<semaphore_mem>>)
        %broadcast_in_dim3A_476 = vector.broadcast %select_n3A_185 : i32 to vector<16xi32>
        %broadcast_in_dim3A_477 = vector.broadcast %reduce_min3A_199 : i32 to vector<16xi32>
        %eq3A_478 = arith.constant 0 : i32
        %eq3A_479 = vector.broadcast %eq3A_478 : i32 to vector<16xi32>
        %eq3A_480 = arith.cmpi eq, %iota3A, %eq3A_479 : vector<16xi32>
        tpu.vector_store_idx %arg10[%broadcast_in_dim3A_476], %broadcast_in_dim3A_477 masked %eq3A_480 : memref<256xi32, #tpu.memory_space<vmem>>[vector<16xi32>], vector<16xi32>, vector<16xi1>
      } else {
      }
      %add3A_204 = arith.constant 1 : i32
      %add3A_205 = arith.addi %select_n3A_185, %add3A_204 : i32
      %select_n3A_206 = arith.select %lt3A_200, %add3A_205, %select_n3A_185 : i32
      %eq3A_207 = arith.constant 4 : i32
      %eq3A_208 = vector.broadcast %eq3A_207 : i32 to vector<16xi32>
      %eq3A_209 = arith.cmpi eq, %iota3A, %eq3A_208 : vector<16xi32>
      %and3A_210 = arith.andi %and3A_124, %eq3A_209 : vector<16xi1>
      %broadcast_in_dim3A_211 = vector.broadcast %scan3A_16 : i32 to vector<16xi32>
      %select_n3A_212 = arith.select %and3A_210, %get3A_58, %broadcast_in_dim3A_211 : vector<16xi1>, vector<16xi32>
      %reduce_min3A_213 = arith.constant true
      %reduce_min3A_214 = vector.broadcast %reduce_min3A_213 : i1 to vector<16xi1>
      %reduce_min3A_215 = arith.constant -2147483648 : i32
      %reduce_min3A_216 = vector.broadcast %reduce_min3A_215 : i32 to vector<16xi32>
      %reduce_min3A_217 = arith.xori %select_n3A_212, %reduce_min3A_216 : vector<16xi32>
      %reduce_min3A_218 = tpu.scan <min>, %reduce_min3A_217 masked %reduce_min3A_214 : vector<16xi32>, vector<16xi1> -> vector<16xi32>
      %reduce_min3A_219 = arith.xori %reduce_min3A_218, %reduce_min3A_216 : vector<16xi32>
      %reduce_min3A_220 = vector.extract %reduce_min3A_219[15] : i32 from vector<16xi32>
      %lt3A_221 = arith.cmpi slt, %reduce_min3A_220, %scan3A_16 : i32
      %convert_element_type3A_222 = arith.extui %lt3A_221 : i1 to i32
      %cond3A_223 = arith.constant 0 : i32
      %cond3A_224 = arith.cmpi ne, %convert_element_type3A_222, %cond3A_223 : i32
      scf.if %cond3A_224 {
        %mul3A_465 = arith.constant 16 : i32
        %mul3A_466 = arith.muli %scan3A_54, %mul3A_465 : i32
        %add3A_467 = arith.constant 4 : i32
        %add3A_468 = arith.addi %mul3A_466, %add3A_467 : i32
        %mul3A_469 = arith.constant 64 : i32
        %mul3A_470 = arith.muli %add3A_468, %mul3A_469 : i32
        %mul3A_471 = arith.constant 64 : i32
        %mul3A_472 = arith.muli %select_n3A_206, %mul3A_471 : i32
        %dma_start3A = tpu.memref_slice %arg9[%mul3A_472] : memref<16384xf32, #tpu.memory_space<vmem>> -> memref<64xf32, #tpu.memory_space<vmem>>
        %dma_start3A_473 = tpu.memref_slice %arg3[%mul3A_470] : memref<262144xf32, #tpu.memory_space<hbm>> -> memref<64xf32, #tpu.memory_space<hbm>>
        %dma_start3A_474 = tpu.memref_slice %arg9[%mul3A_472] : memref<16384xf32, #tpu.memory_space<vmem>> -> memref<64xf32, #tpu.memory_space<vmem>>
        %dma_start3A_475 = tpu.memref_slice %arg3[%mul3A_470] : memref<262144xf32, #tpu.memory_space<hbm>> -> memref<64xf32, #tpu.memory_space<hbm>>
        tpu.enqueue_dma source(%dma_start3A_475 : memref<64xf32, #tpu.memory_space<hbm>>) target(%dma_start3A_474 : memref<64xf32, #tpu.memory_space<vmem>>) target_semaphore(%arg13 : memref<!tpu.dma_semaphore, #tpu.memory_space<semaphore_mem>>)
        %broadcast_in_dim3A_476 = vector.broadcast %select_n3A_206 : i32 to vector<16xi32>
        %broadcast_in_dim3A_477 = vector.broadcast %reduce_min3A_220 : i32 to vector<16xi32>
        %eq3A_478 = arith.constant 0 : i32
        %eq3A_479 = vector.broadcast %eq3A_478 : i32 to vector<16xi32>
        %eq3A_480 = arith.cmpi eq, %iota3A, %eq3A_479 : vector<16xi32>
        tpu.vector_store_idx %arg10[%broadcast_in_dim3A_476], %broadcast_in_dim3A_477 masked %eq3A_480 : memref<256xi32, #tpu.memory_space<vmem>>[vector<16xi32>], vector<16xi32>, vector<16xi1>
      } else {
      }
      %add3A_225 = arith.constant 1 : i32
      %add3A_226 = arith.addi %select_n3A_206, %add3A_225 : i32
      %select_n3A_227 = arith.select %lt3A_221, %add3A_226, %select_n3A_206 : i32
      %eq3A_228 = arith.constant 5 : i32
      %eq3A_229 = vector.broadcast %eq3A_228 : i32 to vector<16xi32>
      %eq3A_230 = arith.cmpi eq, %iota3A, %eq3A_229 : vector<16xi32>
      %and3A_231 = arith.andi %and3A_124, %eq3A_230 : vector<16xi1>
      %broadcast_in_dim3A_232 = vector.broadcast %scan3A_16 : i32 to vector<16xi32>
      %select_n3A_233 = arith.select %and3A_231, %get3A_58, %broadcast_in_dim3A_232 : vector<16xi1>, vector<16xi32>
      %reduce_min3A_234 = arith.constant true
      %reduce_min3A_235 = vector.broadcast %reduce_min3A_234 : i1 to vector<16xi1>
      %reduce_min3A_236 = arith.constant -2147483648 : i32
      %reduce_min3A_237 = vector.broadcast %reduce_min3A_236 : i32 to vector<16xi32>
      %reduce_min3A_238 = arith.xori %select_n3A_233, %reduce_min3A_237 : vector<16xi32>
      %reduce_min3A_239 = tpu.scan <min>, %reduce_min3A_238 masked %reduce_min3A_235 : vector<16xi32>, vector<16xi1> -> vector<16xi32>
      %reduce_min3A_240 = arith.xori %reduce_min3A_239, %reduce_min3A_237 : vector<16xi32>
      %reduce_min3A_241 = vector.extract %reduce_min3A_240[15] : i32 from vector<16xi32>
      %lt3A_242 = arith.cmpi slt, %reduce_min3A_241, %scan3A_16 : i32
      %convert_element_type3A_243 = arith.extui %lt3A_242 : i1 to i32
      %cond3A_244 = arith.constant 0 : i32
      %cond3A_245 = arith.cmpi ne, %convert_element_type3A_243, %cond3A_244 : i32
      scf.if %cond3A_245 {
        %mul3A_465 = arith.constant 16 : i32
        %mul3A_466 = arith.muli %scan3A_54, %mul3A_465 : i32
        %add3A_467 = arith.constant 5 : i32
        %add3A_468 = arith.addi %mul3A_466, %add3A_467 : i32
        %mul3A_469 = arith.constant 64 : i32
        %mul3A_470 = arith.muli %add3A_468, %mul3A_469 : i32
        %mul3A_471 = arith.constant 64 : i32
        %mul3A_472 = arith.muli %select_n3A_227, %mul3A_471 : i32
        %dma_start3A = tpu.memref_slice %arg9[%mul3A_472] : memref<16384xf32, #tpu.memory_space<vmem>> -> memref<64xf32, #tpu.memory_space<vmem>>
        %dma_start3A_473 = tpu.memref_slice %arg3[%mul3A_470] : memref<262144xf32, #tpu.memory_space<hbm>> -> memref<64xf32, #tpu.memory_space<hbm>>
        %dma_start3A_474 = tpu.memref_slice %arg9[%mul3A_472] : memref<16384xf32, #tpu.memory_space<vmem>> -> memref<64xf32, #tpu.memory_space<vmem>>
        %dma_start3A_475 = tpu.memref_slice %arg3[%mul3A_470] : memref<262144xf32, #tpu.memory_space<hbm>> -> memref<64xf32, #tpu.memory_space<hbm>>
        tpu.enqueue_dma source(%dma_start3A_475 : memref<64xf32, #tpu.memory_space<hbm>>) target(%dma_start3A_474 : memref<64xf32, #tpu.memory_space<vmem>>) target_semaphore(%arg13 : memref<!tpu.dma_semaphore, #tpu.memory_space<semaphore_mem>>)
        %broadcast_in_dim3A_476 = vector.broadcast %select_n3A_227 : i32 to vector<16xi32>
        %broadcast_in_dim3A_477 = vector.broadcast %reduce_min3A_241 : i32 to vector<16xi32>
        %eq3A_478 = arith.constant 0 : i32
        %eq3A_479 = vector.broadcast %eq3A_478 : i32 to vector<16xi32>
        %eq3A_480 = arith.cmpi eq, %iota3A, %eq3A_479 : vector<16xi32>
        tpu.vector_store_idx %arg10[%broadcast_in_dim3A_476], %broadcast_in_dim3A_477 masked %eq3A_480 : memref<256xi32, #tpu.memory_space<vmem>>[vector<16xi32>], vector<16xi32>, vector<16xi1>
      } else {
      }
      %add3A_246 = arith.constant 1 : i32
      %add3A_247 = arith.addi %select_n3A_227, %add3A_246 : i32
      %select_n3A_248 = arith.select %lt3A_242, %add3A_247, %select_n3A_227 : i32
      %eq3A_249 = arith.constant 6 : i32
      %eq3A_250 = vector.broadcast %eq3A_249 : i32 to vector<16xi32>
      %eq3A_251 = arith.cmpi eq, %iota3A, %eq3A_250 : vector<16xi32>
      %and3A_252 = arith.andi %and3A_124, %eq3A_251 : vector<16xi1>
      %broadcast_in_dim3A_253 = vector.broadcast %scan3A_16 : i32 to vector<16xi32>
      %select_n3A_254 = arith.select %and3A_252, %get3A_58, %broadcast_in_dim3A_253 : vector<16xi1>, vector<16xi32>
      %reduce_min3A_255 = arith.constant true
      %reduce_min3A_256 = vector.broadcast %reduce_min3A_255 : i1 to vector<16xi1>
      %reduce_min3A_257 = arith.constant -2147483648 : i32
      %reduce_min3A_258 = vector.broadcast %reduce_min3A_257 : i32 to vector<16xi32>
      %reduce_min3A_259 = arith.xori %select_n3A_254, %reduce_min3A_258 : vector<16xi32>
      %reduce_min3A_260 = tpu.scan <min>, %reduce_min3A_259 masked %reduce_min3A_256 : vector<16xi32>, vector<16xi1> -> vector<16xi32>
      %reduce_min3A_261 = arith.xori %reduce_min3A_260, %reduce_min3A_258 : vector<16xi32>
      %reduce_min3A_262 = vector.extract %reduce_min3A_261[15] : i32 from vector<16xi32>
      %lt3A_263 = arith.cmpi slt, %reduce_min3A_262, %scan3A_16 : i32
      %convert_element_type3A_264 = arith.extui %lt3A_263 : i1 to i32
      %cond3A_265 = arith.constant 0 : i32
      %cond3A_266 = arith.cmpi ne, %convert_element_type3A_264, %cond3A_265 : i32
      scf.if %cond3A_266 {
        %mul3A_465 = arith.constant 16 : i32
        %mul3A_466 = arith.muli %scan3A_54, %mul3A_465 : i32
        %add3A_467 = arith.constant 6 : i32
        %add3A_468 = arith.addi %mul3A_466, %add3A_467 : i32
        %mul3A_469 = arith.constant 64 : i32
        %mul3A_470 = arith.muli %add3A_468, %mul3A_469 : i32
        %mul3A_471 = arith.constant 64 : i32
        %mul3A_472 = arith.muli %select_n3A_248, %mul3A_471 : i32
        %dma_start3A = tpu.memref_slice %arg9[%mul3A_472] : memref<16384xf32, #tpu.memory_space<vmem>> -> memref<64xf32, #tpu.memory_space<vmem>>
        %dma_start3A_473 = tpu.memref_slice %arg3[%mul3A_470] : memref<262144xf32, #tpu.memory_space<hbm>> -> memref<64xf32, #tpu.memory_space<hbm>>
        %dma_start3A_474 = tpu.memref_slice %arg9[%mul3A_472] : memref<16384xf32, #tpu.memory_space<vmem>> -> memref<64xf32, #tpu.memory_space<vmem>>
        %dma_start3A_475 = tpu.memref_slice %arg3[%mul3A_470] : memref<262144xf32, #tpu.memory_space<hbm>> -> memref<64xf32, #tpu.memory_space<hbm>>
        tpu.enqueue_dma source(%dma_start3A_475 : memref<64xf32, #tpu.memory_space<hbm>>) target(%dma_start3A_474 : memref<64xf32, #tpu.memory_space<vmem>>) target_semaphore(%arg13 : memref<!tpu.dma_semaphore, #tpu.memory_space<semaphore_mem>>)
        %broadcast_in_dim3A_476 = vector.broadcast %select_n3A_248 : i32 to vector<16xi32>
        %broadcast_in_dim3A_477 = vector.broadcast %reduce_min3A_262 : i32 to vector<16xi32>
        %eq3A_478 = arith.constant 0 : i32
        %eq3A_479 = vector.broadcast %eq3A_478 : i32 to vector<16xi32>
        %eq3A_480 = arith.cmpi eq, %iota3A, %eq3A_479 : vector<16xi32>
        tpu.vector_store_idx %arg10[%broadcast_in_dim3A_476], %broadcast_in_dim3A_477 masked %eq3A_480 : memref<256xi32, #tpu.memory_space<vmem>>[vector<16xi32>], vector<16xi32>, vector<16xi1>
      } else {
      }
      %add3A_267 = arith.constant 1 : i32
      %add3A_268 = arith.addi %select_n3A_248, %add3A_267 : i32
      %select_n3A_269 = arith.select %lt3A_263, %add3A_268, %select_n3A_248 : i32
      %eq3A_270 = arith.constant 7 : i32
      %eq3A_271 = vector.broadcast %eq3A_270 : i32 to vector<16xi32>
      %eq3A_272 = arith.cmpi eq, %iota3A, %eq3A_271 : vector<16xi32>
      %and3A_273 = arith.andi %and3A_124, %eq3A_272 : vector<16xi1>
      %broadcast_in_dim3A_274 = vector.broadcast %scan3A_16 : i32 to vector<16xi32>
      %select_n3A_275 = arith.select %and3A_273, %get3A_58, %broadcast_in_dim3A_274 : vector<16xi1>, vector<16xi32>
      %reduce_min3A_276 = arith.constant true
      %reduce_min3A_277 = vector.broadcast %reduce_min3A_276 : i1 to vector<16xi1>
      %reduce_min3A_278 = arith.constant -2147483648 : i32
      %reduce_min3A_279 = vector.broadcast %reduce_min3A_278 : i32 to vector<16xi32>
      %reduce_min3A_280 = arith.xori %select_n3A_275, %reduce_min3A_279 : vector<16xi32>
      %reduce_min3A_281 = tpu.scan <min>, %reduce_min3A_280 masked %reduce_min3A_277 : vector<16xi32>, vector<16xi1> -> vector<16xi32>
      %reduce_min3A_282 = arith.xori %reduce_min3A_281, %reduce_min3A_279 : vector<16xi32>
      %reduce_min3A_283 = vector.extract %reduce_min3A_282[15] : i32 from vector<16xi32>
      %lt3A_284 = arith.cmpi slt, %reduce_min3A_283, %scan3A_16 : i32
      %convert_element_type3A_285 = arith.extui %lt3A_284 : i1 to i32
      %cond3A_286 = arith.constant 0 : i32
      %cond3A_287 = arith.cmpi ne, %convert_element_type3A_285, %cond3A_286 : i32
      scf.if %cond3A_287 {
        %mul3A_465 = arith.constant 16 : i32
        %mul3A_466 = arith.muli %scan3A_54, %mul3A_465 : i32
        %add3A_467 = arith.constant 7 : i32
        %add3A_468 = arith.addi %mul3A_466, %add3A_467 : i32
        %mul3A_469 = arith.constant 64 : i32
        %mul3A_470 = arith.muli %add3A_468, %mul3A_469 : i32
        %mul3A_471 = arith.constant 64 : i32
        %mul3A_472 = arith.muli %select_n3A_269, %mul3A_471 : i32
        %dma_start3A = tpu.memref_slice %arg9[%mul3A_472] : memref<16384xf32, #tpu.memory_space<vmem>> -> memref<64xf32, #tpu.memory_space<vmem>>
        %dma_start3A_473 = tpu.memref_slice %arg3[%mul3A_470] : memref<262144xf32, #tpu.memory_space<hbm>> -> memref<64xf32, #tpu.memory_space<hbm>>
        %dma_start3A_474 = tpu.memref_slice %arg9[%mul3A_472] : memref<16384xf32, #tpu.memory_space<vmem>> -> memref<64xf32, #tpu.memory_space<vmem>>
        %dma_start3A_475 = tpu.memref_slice %arg3[%mul3A_470] : memref<262144xf32, #tpu.memory_space<hbm>> -> memref<64xf32, #tpu.memory_space<hbm>>
        tpu.enqueue_dma source(%dma_start3A_475 : memref<64xf32, #tpu.memory_space<hbm>>) target(%dma_start3A_474 : memref<64xf32, #tpu.memory_space<vmem>>) target_semaphore(%arg13 : memref<!tpu.dma_semaphore, #tpu.memory_space<semaphore_mem>>)
        %broadcast_in_dim3A_476 = vector.broadcast %select_n3A_269 : i32 to vector<16xi32>
        %broadcast_in_dim3A_477 = vector.broadcast %reduce_min3A_283 : i32 to vector<16xi32>
        %eq3A_478 = arith.constant 0 : i32
        %eq3A_479 = vector.broadcast %eq3A_478 : i32 to vector<16xi32>
        %eq3A_480 = arith.cmpi eq, %iota3A, %eq3A_479 : vector<16xi32>
        tpu.vector_store_idx %arg10[%broadcast_in_dim3A_476], %broadcast_in_dim3A_477 masked %eq3A_480 : memref<256xi32, #tpu.memory_space<vmem>>[vector<16xi32>], vector<16xi32>, vector<16xi1>
      } else {
      }
      %add3A_288 = arith.constant 1 : i32
      %add3A_289 = arith.addi %select_n3A_269, %add3A_288 : i32
      %select_n3A_290 = arith.select %lt3A_284, %add3A_289, %select_n3A_269 : i32
      %eq3A_291 = arith.constant 8 : i32
      %eq3A_292 = vector.broadcast %eq3A_291 : i32 to vector<16xi32>
      %eq3A_293 = arith.cmpi eq, %iota3A, %eq3A_292 : vector<16xi32>
      %and3A_294 = arith.andi %and3A_124, %eq3A_293 : vector<16xi1>
      %broadcast_in_dim3A_295 = vector.broadcast %scan3A_16 : i32 to vector<16xi32>
      %select_n3A_296 = arith.select %and3A_294, %get3A_58, %broadcast_in_dim3A_295 : vector<16xi1>, vector<16xi32>
      %reduce_min3A_297 = arith.constant true
      %reduce_min3A_298 = vector.broadcast %reduce_min3A_297 : i1 to vector<16xi1>
      %reduce_min3A_299 = arith.constant -2147483648 : i32
      %reduce_min3A_300 = vector.broadcast %reduce_min3A_299 : i32 to vector<16xi32>
      %reduce_min3A_301 = arith.xori %select_n3A_296, %reduce_min3A_300 : vector<16xi32>
      %reduce_min3A_302 = tpu.scan <min>, %reduce_min3A_301 masked %reduce_min3A_298 : vector<16xi32>, vector<16xi1> -> vector<16xi32>
      %reduce_min3A_303 = arith.xori %reduce_min3A_302, %reduce_min3A_300 : vector<16xi32>
      %reduce_min3A_304 = vector.extract %reduce_min3A_303[15] : i32 from vector<16xi32>
      %lt3A_305 = arith.cmpi slt, %reduce_min3A_304, %scan3A_16 : i32
      %convert_element_type3A_306 = arith.extui %lt3A_305 : i1 to i32
      %cond3A_307 = arith.constant 0 : i32
      %cond3A_308 = arith.cmpi ne, %convert_element_type3A_306, %cond3A_307 : i32
      scf.if %cond3A_308 {
        %mul3A_465 = arith.constant 16 : i32
        %mul3A_466 = arith.muli %scan3A_54, %mul3A_465 : i32
        %add3A_467 = arith.constant 8 : i32
        %add3A_468 = arith.addi %mul3A_466, %add3A_467 : i32
        %mul3A_469 = arith.constant 64 : i32
        %mul3A_470 = arith.muli %add3A_468, %mul3A_469 : i32
        %mul3A_471 = arith.constant 64 : i32
        %mul3A_472 = arith.muli %select_n3A_290, %mul3A_471 : i32
        %dma_start3A = tpu.memref_slice %arg9[%mul3A_472] : memref<16384xf32, #tpu.memory_space<vmem>> -> memref<64xf32, #tpu.memory_space<vmem>>
        %dma_start3A_473 = tpu.memref_slice %arg3[%mul3A_470] : memref<262144xf32, #tpu.memory_space<hbm>> -> memref<64xf32, #tpu.memory_space<hbm>>
        %dma_start3A_474 = tpu.memref_slice %arg9[%mul3A_472] : memref<16384xf32, #tpu.memory_space<vmem>> -> memref<64xf32, #tpu.memory_space<vmem>>
        %dma_start3A_475 = tpu.memref_slice %arg3[%mul3A_470] : memref<262144xf32, #tpu.memory_space<hbm>> -> memref<64xf32, #tpu.memory_space<hbm>>
        tpu.enqueue_dma source(%dma_start3A_475 : memref<64xf32, #tpu.memory_space<hbm>>) target(%dma_start3A_474 : memref<64xf32, #tpu.memory_space<vmem>>) target_semaphore(%arg13 : memref<!tpu.dma_semaphore, #tpu.memory_space<semaphore_mem>>)
        %broadcast_in_dim3A_476 = vector.broadcast %select_n3A_290 : i32 to vector<16xi32>
        %broadcast_in_dim3A_477 = vector.broadcast %reduce_min3A_304 : i32 to vector<16xi32>
        %eq3A_478 = arith.constant 0 : i32
        %eq3A_479 = vector.broadcast %eq3A_478 : i32 to vector<16xi32>
        %eq3A_480 = arith.cmpi eq, %iota3A, %eq3A_479 : vector<16xi32>
        tpu.vector_store_idx %arg10[%broadcast_in_dim3A_476], %broadcast_in_dim3A_477 masked %eq3A_480 : memref<256xi32, #tpu.memory_space<vmem>>[vector<16xi32>], vector<16xi32>, vector<16xi1>
      } else {
      }
      %add3A_309 = arith.constant 1 : i32
      %add3A_310 = arith.addi %select_n3A_290, %add3A_309 : i32
      %select_n3A_311 = arith.select %lt3A_305, %add3A_310, %select_n3A_290 : i32
      %eq3A_312 = arith.constant 9 : i32
      %eq3A_313 = vector.broadcast %eq3A_312 : i32 to vector<16xi32>
      %eq3A_314 = arith.cmpi eq, %iota3A, %eq3A_313 : vector<16xi32>
      %and3A_315 = arith.andi %and3A_124, %eq3A_314 : vector<16xi1>
      %broadcast_in_dim3A_316 = vector.broadcast %scan3A_16 : i32 to vector<16xi32>
      %select_n3A_317 = arith.select %and3A_315, %get3A_58, %broadcast_in_dim3A_316 : vector<16xi1>, vector<16xi32>
      %reduce_min3A_318 = arith.constant true
      %reduce_min3A_319 = vector.broadcast %reduce_min3A_318 : i1 to vector<16xi1>
      %reduce_min3A_320 = arith.constant -2147483648 : i32
      %reduce_min3A_321 = vector.broadcast %reduce_min3A_320 : i32 to vector<16xi32>
      %reduce_min3A_322 = arith.xori %select_n3A_317, %reduce_min3A_321 : vector<16xi32>
      %reduce_min3A_323 = tpu.scan <min>, %reduce_min3A_322 masked %reduce_min3A_319 : vector<16xi32>, vector<16xi1> -> vector<16xi32>
      %reduce_min3A_324 = arith.xori %reduce_min3A_323, %reduce_min3A_321 : vector<16xi32>
      %reduce_min3A_325 = vector.extract %reduce_min3A_324[15] : i32 from vector<16xi32>
      %lt3A_326 = arith.cmpi slt, %reduce_min3A_325, %scan3A_16 : i32
      %convert_element_type3A_327 = arith.extui %lt3A_326 : i1 to i32
      %cond3A_328 = arith.constant 0 : i32
      %cond3A_329 = arith.cmpi ne, %convert_element_type3A_327, %cond3A_328 : i32
      scf.if %cond3A_329 {
        %mul3A_465 = arith.constant 16 : i32
        %mul3A_466 = arith.muli %scan3A_54, %mul3A_465 : i32
        %add3A_467 = arith.constant 9 : i32
        %add3A_468 = arith.addi %mul3A_466, %add3A_467 : i32
        %mul3A_469 = arith.constant 64 : i32
        %mul3A_470 = arith.muli %add3A_468, %mul3A_469 : i32
        %mul3A_471 = arith.constant 64 : i32
        %mul3A_472 = arith.muli %select_n3A_311, %mul3A_471 : i32
        %dma_start3A = tpu.memref_slice %arg9[%mul3A_472] : memref<16384xf32, #tpu.memory_space<vmem>> -> memref<64xf32, #tpu.memory_space<vmem>>
        %dma_start3A_473 = tpu.memref_slice %arg3[%mul3A_470] : memref<262144xf32, #tpu.memory_space<hbm>> -> memref<64xf32, #tpu.memory_space<hbm>>
        %dma_start3A_474 = tpu.memref_slice %arg9[%mul3A_472] : memref<16384xf32, #tpu.memory_space<vmem>> -> memref<64xf32, #tpu.memory_space<vmem>>
        %dma_start3A_475 = tpu.memref_slice %arg3[%mul3A_470] : memref<262144xf32, #tpu.memory_space<hbm>> -> memref<64xf32, #tpu.memory_space<hbm>>
        tpu.enqueue_dma source(%dma_start3A_475 : memref<64xf32, #tpu.memory_space<hbm>>) target(%dma_start3A_474 : memref<64xf32, #tpu.memory_space<vmem>>) target_semaphore(%arg13 : memref<!tpu.dma_semaphore, #tpu.memory_space<semaphore_mem>>)
        %broadcast_in_dim3A_476 = vector.broadcast %select_n3A_311 : i32 to vector<16xi32>
        %broadcast_in_dim3A_477 = vector.broadcast %reduce_min3A_325 : i32 to vector<16xi32>
        %eq3A_478 = arith.constant 0 : i32
        %eq3A_479 = vector.broadcast %eq3A_478 : i32 to vector<16xi32>
        %eq3A_480 = arith.cmpi eq, %iota3A, %eq3A_479 : vector<16xi32>
        tpu.vector_store_idx %arg10[%broadcast_in_dim3A_476], %broadcast_in_dim3A_477 masked %eq3A_480 : memref<256xi32, #tpu.memory_space<vmem>>[vector<16xi32>], vector<16xi32>, vector<16xi1>
      } else {
      }
      %add3A_330 = arith.constant 1 : i32
      %add3A_331 = arith.addi %select_n3A_311, %add3A_330 : i32
      %select_n3A_332 = arith.select %lt3A_326, %add3A_331, %select_n3A_311 : i32
      %eq3A_333 = arith.constant 10 : i32
      %eq3A_334 = vector.broadcast %eq3A_333 : i32 to vector<16xi32>
      %eq3A_335 = arith.cmpi eq, %iota3A, %eq3A_334 : vector<16xi32>
      %and3A_336 = arith.andi %and3A_124, %eq3A_335 : vector<16xi1>
      %broadcast_in_dim3A_337 = vector.broadcast %scan3A_16 : i32 to vector<16xi32>
      %select_n3A_338 = arith.select %and3A_336, %get3A_58, %broadcast_in_dim3A_337 : vector<16xi1>, vector<16xi32>
      %reduce_min3A_339 = arith.constant true
      %reduce_min3A_340 = vector.broadcast %reduce_min3A_339 : i1 to vector<16xi1>
      %reduce_min3A_341 = arith.constant -2147483648 : i32
      %reduce_min3A_342 = vector.broadcast %reduce_min3A_341 : i32 to vector<16xi32>
      %reduce_min3A_343 = arith.xori %select_n3A_338, %reduce_min3A_342 : vector<16xi32>
      %reduce_min3A_344 = tpu.scan <min>, %reduce_min3A_343 masked %reduce_min3A_340 : vector<16xi32>, vector<16xi1> -> vector<16xi32>
      %reduce_min3A_345 = arith.xori %reduce_min3A_344, %reduce_min3A_342 : vector<16xi32>
      %reduce_min3A_346 = vector.extract %reduce_min3A_345[15] : i32 from vector<16xi32>
      %lt3A_347 = arith.cmpi slt, %reduce_min3A_346, %scan3A_16 : i32
      %convert_element_type3A_348 = arith.extui %lt3A_347 : i1 to i32
      %cond3A_349 = arith.constant 0 : i32
      %cond3A_350 = arith.cmpi ne, %convert_element_type3A_348, %cond3A_349 : i32
      scf.if %cond3A_350 {
        %mul3A_465 = arith.constant 16 : i32
        %mul3A_466 = arith.muli %scan3A_54, %mul3A_465 : i32
        %add3A_467 = arith.constant 10 : i32
        %add3A_468 = arith.addi %mul3A_466, %add3A_467 : i32
        %mul3A_469 = arith.constant 64 : i32
        %mul3A_470 = arith.muli %add3A_468, %mul3A_469 : i32
        %mul3A_471 = arith.constant 64 : i32
        %mul3A_472 = arith.muli %select_n3A_332, %mul3A_471 : i32
        %dma_start3A = tpu.memref_slice %arg9[%mul3A_472] : memref<16384xf32, #tpu.memory_space<vmem>> -> memref<64xf32, #tpu.memory_space<vmem>>
        %dma_start3A_473 = tpu.memref_slice %arg3[%mul3A_470] : memref<262144xf32, #tpu.memory_space<hbm>> -> memref<64xf32, #tpu.memory_space<hbm>>
        %dma_start3A_474 = tpu.memref_slice %arg9[%mul3A_472] : memref<16384xf32, #tpu.memory_space<vmem>> -> memref<64xf32, #tpu.memory_space<vmem>>
        %dma_start3A_475 = tpu.memref_slice %arg3[%mul3A_470] : memref<262144xf32, #tpu.memory_space<hbm>> -> memref<64xf32, #tpu.memory_space<hbm>>
        tpu.enqueue_dma source(%dma_start3A_475 : memref<64xf32, #tpu.memory_space<hbm>>) target(%dma_start3A_474 : memref<64xf32, #tpu.memory_space<vmem>>) target_semaphore(%arg13 : memref<!tpu.dma_semaphore, #tpu.memory_space<semaphore_mem>>)
        %broadcast_in_dim3A_476 = vector.broadcast %select_n3A_332 : i32 to vector<16xi32>
        %broadcast_in_dim3A_477 = vector.broadcast %reduce_min3A_346 : i32 to vector<16xi32>
        %eq3A_478 = arith.constant 0 : i32
        %eq3A_479 = vector.broadcast %eq3A_478 : i32 to vector<16xi32>
        %eq3A_480 = arith.cmpi eq, %iota3A, %eq3A_479 : vector<16xi32>
        tpu.vector_store_idx %arg10[%broadcast_in_dim3A_476], %broadcast_in_dim3A_477 masked %eq3A_480 : memref<256xi32, #tpu.memory_space<vmem>>[vector<16xi32>], vector<16xi32>, vector<16xi1>
      } else {
      }
      %add3A_351 = arith.constant 1 : i32
      %add3A_352 = arith.addi %select_n3A_332, %add3A_351 : i32
      %select_n3A_353 = arith.select %lt3A_347, %add3A_352, %select_n3A_332 : i32
      %eq3A_354 = arith.constant 11 : i32
      %eq3A_355 = vector.broadcast %eq3A_354 : i32 to vector<16xi32>
      %eq3A_356 = arith.cmpi eq, %iota3A, %eq3A_355 : vector<16xi32>
      %and3A_357 = arith.andi %and3A_124, %eq3A_356 : vector<16xi1>
      %broadcast_in_dim3A_358 = vector.broadcast %scan3A_16 : i32 to vector<16xi32>
      %select_n3A_359 = arith.select %and3A_357, %get3A_58, %broadcast_in_dim3A_358 : vector<16xi1>, vector<16xi32>
      %reduce_min3A_360 = arith.constant true
      %reduce_min3A_361 = vector.broadcast %reduce_min3A_360 : i1 to vector<16xi1>
      %reduce_min3A_362 = arith.constant -2147483648 : i32
      %reduce_min3A_363 = vector.broadcast %reduce_min3A_362 : i32 to vector<16xi32>
      %reduce_min3A_364 = arith.xori %select_n3A_359, %reduce_min3A_363 : vector<16xi32>
      %reduce_min3A_365 = tpu.scan <min>, %reduce_min3A_364 masked %reduce_min3A_361 : vector<16xi32>, vector<16xi1> -> vector<16xi32>
      %reduce_min3A_366 = arith.xori %reduce_min3A_365, %reduce_min3A_363 : vector<16xi32>
      %reduce_min3A_367 = vector.extract %reduce_min3A_366[15] : i32 from vector<16xi32>
      %lt3A_368 = arith.cmpi slt, %reduce_min3A_367, %scan3A_16 : i32
      %convert_element_type3A_369 = arith.extui %lt3A_368 : i1 to i32
      %cond3A_370 = arith.constant 0 : i32
      %cond3A_371 = arith.cmpi ne, %convert_element_type3A_369, %cond3A_370 : i32
      scf.if %cond3A_371 {
        %mul3A_465 = arith.constant 16 : i32
        %mul3A_466 = arith.muli %scan3A_54, %mul3A_465 : i32
        %add3A_467 = arith.constant 11 : i32
        %add3A_468 = arith.addi %mul3A_466, %add3A_467 : i32
        %mul3A_469 = arith.constant 64 : i32
        %mul3A_470 = arith.muli %add3A_468, %mul3A_469 : i32
        %mul3A_471 = arith.constant 64 : i32
        %mul3A_472 = arith.muli %select_n3A_353, %mul3A_471 : i32
        %dma_start3A = tpu.memref_slice %arg9[%mul3A_472] : memref<16384xf32, #tpu.memory_space<vmem>> -> memref<64xf32, #tpu.memory_space<vmem>>
        %dma_start3A_473 = tpu.memref_slice %arg3[%mul3A_470] : memref<262144xf32, #tpu.memory_space<hbm>> -> memref<64xf32, #tpu.memory_space<hbm>>
        %dma_start3A_474 = tpu.memref_slice %arg9[%mul3A_472] : memref<16384xf32, #tpu.memory_space<vmem>> -> memref<64xf32, #tpu.memory_space<vmem>>
        %dma_start3A_475 = tpu.memref_slice %arg3[%mul3A_470] : memref<262144xf32, #tpu.memory_space<hbm>> -> memref<64xf32, #tpu.memory_space<hbm>>
        tpu.enqueue_dma source(%dma_start3A_475 : memref<64xf32, #tpu.memory_space<hbm>>) target(%dma_start3A_474 : memref<64xf32, #tpu.memory_space<vmem>>) target_semaphore(%arg13 : memref<!tpu.dma_semaphore, #tpu.memory_space<semaphore_mem>>)
        %broadcast_in_dim3A_476 = vector.broadcast %select_n3A_353 : i32 to vector<16xi32>
        %broadcast_in_dim3A_477 = vector.broadcast %reduce_min3A_367 : i32 to vector<16xi32>
        %eq3A_478 = arith.constant 0 : i32
        %eq3A_479 = vector.broadcast %eq3A_478 : i32 to vector<16xi32>
        %eq3A_480 = arith.cmpi eq, %iota3A, %eq3A_479 : vector<16xi32>
        tpu.vector_store_idx %arg10[%broadcast_in_dim3A_476], %broadcast_in_dim3A_477 masked %eq3A_480 : memref<256xi32, #tpu.memory_space<vmem>>[vector<16xi32>], vector<16xi32>, vector<16xi1>
      } else {
      }
      %add3A_372 = arith.constant 1 : i32
      %add3A_373 = arith.addi %select_n3A_353, %add3A_372 : i32
      %select_n3A_374 = arith.select %lt3A_368, %add3A_373, %select_n3A_353 : i32
      %eq3A_375 = arith.constant 12 : i32
      %eq3A_376 = vector.broadcast %eq3A_375 : i32 to vector<16xi32>
      %eq3A_377 = arith.cmpi eq, %iota3A, %eq3A_376 : vector<16xi32>
      %and3A_378 = arith.andi %and3A_124, %eq3A_377 : vector<16xi1>
      %broadcast_in_dim3A_379 = vector.broadcast %scan3A_16 : i32 to vector<16xi32>
      %select_n3A_380 = arith.select %and3A_378, %get3A_58, %broadcast_in_dim3A_379 : vector<16xi1>, vector<16xi32>
      %reduce_min3A_381 = arith.constant true
      %reduce_min3A_382 = vector.broadcast %reduce_min3A_381 : i1 to vector<16xi1>
      %reduce_min3A_383 = arith.constant -2147483648 : i32
      %reduce_min3A_384 = vector.broadcast %reduce_min3A_383 : i32 to vector<16xi32>
      %reduce_min3A_385 = arith.xori %select_n3A_380, %reduce_min3A_384 : vector<16xi32>
      %reduce_min3A_386 = tpu.scan <min>, %reduce_min3A_385 masked %reduce_min3A_382 : vector<16xi32>, vector<16xi1> -> vector<16xi32>
      %reduce_min3A_387 = arith.xori %reduce_min3A_386, %reduce_min3A_384 : vector<16xi32>
      %reduce_min3A_388 = vector.extract %reduce_min3A_387[15] : i32 from vector<16xi32>
      %lt3A_389 = arith.cmpi slt, %reduce_min3A_388, %scan3A_16 : i32
      %convert_element_type3A_390 = arith.extui %lt3A_389 : i1 to i32
      %cond3A_391 = arith.constant 0 : i32
      %cond3A_392 = arith.cmpi ne, %convert_element_type3A_390, %cond3A_391 : i32
      scf.if %cond3A_392 {
        %mul3A_465 = arith.constant 16 : i32
        %mul3A_466 = arith.muli %scan3A_54, %mul3A_465 : i32
        %add3A_467 = arith.constant 12 : i32
        %add3A_468 = arith.addi %mul3A_466, %add3A_467 : i32
        %mul3A_469 = arith.constant 64 : i32
        %mul3A_470 = arith.muli %add3A_468, %mul3A_469 : i32
        %mul3A_471 = arith.constant 64 : i32
        %mul3A_472 = arith.muli %select_n3A_374, %mul3A_471 : i32
        %dma_start3A = tpu.memref_slice %arg9[%mul3A_472] : memref<16384xf32, #tpu.memory_space<vmem>> -> memref<64xf32, #tpu.memory_space<vmem>>
        %dma_start3A_473 = tpu.memref_slice %arg3[%mul3A_470] : memref<262144xf32, #tpu.memory_space<hbm>> -> memref<64xf32, #tpu.memory_space<hbm>>
        %dma_start3A_474 = tpu.memref_slice %arg9[%mul3A_472] : memref<16384xf32, #tpu.memory_space<vmem>> -> memref<64xf32, #tpu.memory_space<vmem>>
        %dma_start3A_475 = tpu.memref_slice %arg3[%mul3A_470] : memref<262144xf32, #tpu.memory_space<hbm>> -> memref<64xf32, #tpu.memory_space<hbm>>
        tpu.enqueue_dma source(%dma_start3A_475 : memref<64xf32, #tpu.memory_space<hbm>>) target(%dma_start3A_474 : memref<64xf32, #tpu.memory_space<vmem>>) target_semaphore(%arg13 : memref<!tpu.dma_semaphore, #tpu.memory_space<semaphore_mem>>)
        %broadcast_in_dim3A_476 = vector.broadcast %select_n3A_374 : i32 to vector<16xi32>
        %broadcast_in_dim3A_477 = vector.broadcast %reduce_min3A_388 : i32 to vector<16xi32>
        %eq3A_478 = arith.constant 0 : i32
        %eq3A_479 = vector.broadcast %eq3A_478 : i32 to vector<16xi32>
        %eq3A_480 = arith.cmpi eq, %iota3A, %eq3A_479 : vector<16xi32>
        tpu.vector_store_idx %arg10[%broadcast_in_dim3A_476], %broadcast_in_dim3A_477 masked %eq3A_480 : memref<256xi32, #tpu.memory_space<vmem>>[vector<16xi32>], vector<16xi32>, vector<16xi1>
      } else {
      }
      %add3A_393 = arith.constant 1 : i32
      %add3A_394 = arith.addi %select_n3A_374, %add3A_393 : i32
      %select_n3A_395 = arith.select %lt3A_389, %add3A_394, %select_n3A_374 : i32
      %eq3A_396 = arith.constant 13 : i32
      %eq3A_397 = vector.broadcast %eq3A_396 : i32 to vector<16xi32>
      %eq3A_398 = arith.cmpi eq, %iota3A, %eq3A_397 : vector<16xi32>
      %and3A_399 = arith.andi %and3A_124, %eq3A_398 : vector<16xi1>
      %broadcast_in_dim3A_400 = vector.broadcast %scan3A_16 : i32 to vector<16xi32>
      %select_n3A_401 = arith.select %and3A_399, %get3A_58, %broadcast_in_dim3A_400 : vector<16xi1>, vector<16xi32>
      %reduce_min3A_402 = arith.constant true
      %reduce_min3A_403 = vector.broadcast %reduce_min3A_402 : i1 to vector<16xi1>
      %reduce_min3A_404 = arith.constant -2147483648 : i32
      %reduce_min3A_405 = vector.broadcast %reduce_min3A_404 : i32 to vector<16xi32>
      %reduce_min3A_406 = arith.xori %select_n3A_401, %reduce_min3A_405 : vector<16xi32>
      %reduce_min3A_407 = tpu.scan <min>, %reduce_min3A_406 masked %reduce_min3A_403 : vector<16xi32>, vector<16xi1> -> vector<16xi32>
      %reduce_min3A_408 = arith.xori %reduce_min3A_407, %reduce_min3A_405 : vector<16xi32>
      %reduce_min3A_409 = vector.extract %reduce_min3A_408[15] : i32 from vector<16xi32>
      %lt3A_410 = arith.cmpi slt, %reduce_min3A_409, %scan3A_16 : i32
      %convert_element_type3A_411 = arith.extui %lt3A_410 : i1 to i32
      %cond3A_412 = arith.constant 0 : i32
      %cond3A_413 = arith.cmpi ne, %convert_element_type3A_411, %cond3A_412 : i32
      scf.if %cond3A_413 {
        %mul3A_465 = arith.constant 16 : i32
        %mul3A_466 = arith.muli %scan3A_54, %mul3A_465 : i32
        %add3A_467 = arith.constant 13 : i32
        %add3A_468 = arith.addi %mul3A_466, %add3A_467 : i32
        %mul3A_469 = arith.constant 64 : i32
        %mul3A_470 = arith.muli %add3A_468, %mul3A_469 : i32
        %mul3A_471 = arith.constant 64 : i32
        %mul3A_472 = arith.muli %select_n3A_395, %mul3A_471 : i32
        %dma_start3A = tpu.memref_slice %arg9[%mul3A_472] : memref<16384xf32, #tpu.memory_space<vmem>> -> memref<64xf32, #tpu.memory_space<vmem>>
        %dma_start3A_473 = tpu.memref_slice %arg3[%mul3A_470] : memref<262144xf32, #tpu.memory_space<hbm>> -> memref<64xf32, #tpu.memory_space<hbm>>
        %dma_start3A_474 = tpu.memref_slice %arg9[%mul3A_472] : memref<16384xf32, #tpu.memory_space<vmem>> -> memref<64xf32, #tpu.memory_space<vmem>>
        %dma_start3A_475 = tpu.memref_slice %arg3[%mul3A_470] : memref<262144xf32, #tpu.memory_space<hbm>> -> memref<64xf32, #tpu.memory_space<hbm>>
        tpu.enqueue_dma source(%dma_start3A_475 : memref<64xf32, #tpu.memory_space<hbm>>) target(%dma_start3A_474 : memref<64xf32, #tpu.memory_space<vmem>>) target_semaphore(%arg13 : memref<!tpu.dma_semaphore, #tpu.memory_space<semaphore_mem>>)
        %broadcast_in_dim3A_476 = vector.broadcast %select_n3A_395 : i32 to vector<16xi32>
        %broadcast_in_dim3A_477 = vector.broadcast %reduce_min3A_409 : i32 to vector<16xi32>
        %eq3A_478 = arith.constant 0 : i32
        %eq3A_479 = vector.broadcast %eq3A_478 : i32 to vector<16xi32>
        %eq3A_480 = arith.cmpi eq, %iota3A, %eq3A_479 : vector<16xi32>
        tpu.vector_store_idx %arg10[%broadcast_in_dim3A_476], %broadcast_in_dim3A_477 masked %eq3A_480 : memref<256xi32, #tpu.memory_space<vmem>>[vector<16xi32>], vector<16xi32>, vector<16xi1>
      } else {
      }
      %add3A_414 = arith.constant 1 : i32
      %add3A_415 = arith.addi %select_n3A_395, %add3A_414 : i32
      %select_n3A_416 = arith.select %lt3A_410, %add3A_415, %select_n3A_395 : i32
      %eq3A_417 = arith.constant 14 : i32
      %eq3A_418 = vector.broadcast %eq3A_417 : i32 to vector<16xi32>
      %eq3A_419 = arith.cmpi eq, %iota3A, %eq3A_418 : vector<16xi32>
      %and3A_420 = arith.andi %and3A_124, %eq3A_419 : vector<16xi1>
      %broadcast_in_dim3A_421 = vector.broadcast %scan3A_16 : i32 to vector<16xi32>
      %select_n3A_422 = arith.select %and3A_420, %get3A_58, %broadcast_in_dim3A_421 : vector<16xi1>, vector<16xi32>
      %reduce_min3A_423 = arith.constant true
      %reduce_min3A_424 = vector.broadcast %reduce_min3A_423 : i1 to vector<16xi1>
      %reduce_min3A_425 = arith.constant -2147483648 : i32
      %reduce_min3A_426 = vector.broadcast %reduce_min3A_425 : i32 to vector<16xi32>
      %reduce_min3A_427 = arith.xori %select_n3A_422, %reduce_min3A_426 : vector<16xi32>
      %reduce_min3A_428 = tpu.scan <min>, %reduce_min3A_427 masked %reduce_min3A_424 : vector<16xi32>, vector<16xi1> -> vector<16xi32>
      %reduce_min3A_429 = arith.xori %reduce_min3A_428, %reduce_min3A_426 : vector<16xi32>
      %reduce_min3A_430 = vector.extract %reduce_min3A_429[15] : i32 from vector<16xi32>
      %lt3A_431 = arith.cmpi slt, %reduce_min3A_430, %scan3A_16 : i32
      %convert_element_type3A_432 = arith.extui %lt3A_431 : i1 to i32
      %cond3A_433 = arith.constant 0 : i32
      %cond3A_434 = arith.cmpi ne, %convert_element_type3A_432, %cond3A_433 : i32
      scf.if %cond3A_434 {
        %mul3A_465 = arith.constant 16 : i32
        %mul3A_466 = arith.muli %scan3A_54, %mul3A_465 : i32
        %add3A_467 = arith.constant 14 : i32
        %add3A_468 = arith.addi %mul3A_466, %add3A_467 : i32
        %mul3A_469 = arith.constant 64 : i32
        %mul3A_470 = arith.muli %add3A_468, %mul3A_469 : i32
        %mul3A_471 = arith.constant 64 : i32
        %mul3A_472 = arith.muli %select_n3A_416, %mul3A_471 : i32
        %dma_start3A = tpu.memref_slice %arg9[%mul3A_472] : memref<16384xf32, #tpu.memory_space<vmem>> -> memref<64xf32, #tpu.memory_space<vmem>>
        %dma_start3A_473 = tpu.memref_slice %arg3[%mul3A_470] : memref<262144xf32, #tpu.memory_space<hbm>> -> memref<64xf32, #tpu.memory_space<hbm>>
        %dma_start3A_474 = tpu.memref_slice %arg9[%mul3A_472] : memref<16384xf32, #tpu.memory_space<vmem>> -> memref<64xf32, #tpu.memory_space<vmem>>
        %dma_start3A_475 = tpu.memref_slice %arg3[%mul3A_470] : memref<262144xf32, #tpu.memory_space<hbm>> -> memref<64xf32, #tpu.memory_space<hbm>>
        tpu.enqueue_dma source(%dma_start3A_475 : memref<64xf32, #tpu.memory_space<hbm>>) target(%dma_start3A_474 : memref<64xf32, #tpu.memory_space<vmem>>) target_semaphore(%arg13 : memref<!tpu.dma_semaphore, #tpu.memory_space<semaphore_mem>>)
        %broadcast_in_dim3A_476 = vector.broadcast %select_n3A_416 : i32 to vector<16xi32>
        %broadcast_in_dim3A_477 = vector.broadcast %reduce_min3A_430 : i32 to vector<16xi32>
        %eq3A_478 = arith.constant 0 : i32
        %eq3A_479 = vector.broadcast %eq3A_478 : i32 to vector<16xi32>
        %eq3A_480 = arith.cmpi eq, %iota3A, %eq3A_479 : vector<16xi32>
        tpu.vector_store_idx %arg10[%broadcast_in_dim3A_476], %broadcast_in_dim3A_477 masked %eq3A_480 : memref<256xi32, #tpu.memory_space<vmem>>[vector<16xi32>], vector<16xi32>, vector<16xi1>
      } else {
      }
      %add3A_435 = arith.constant 1 : i32
      %add3A_436 = arith.addi %select_n3A_416, %add3A_435 : i32
      %select_n3A_437 = arith.select %lt3A_431, %add3A_436, %select_n3A_416 : i32
      %eq3A_438 = arith.constant 15 : i32
      %eq3A_439 = vector.broadcast %eq3A_438 : i32 to vector<16xi32>
      %eq3A_440 = arith.cmpi eq, %iota3A, %eq3A_439 : vector<16xi32>
      %and3A_441 = arith.andi %and3A_124, %eq3A_440 : vector<16xi1>
      %broadcast_in_dim3A_442 = vector.broadcast %scan3A_16 : i32 to vector<16xi32>
      %select_n3A_443 = arith.select %and3A_441, %get3A_58, %broadcast_in_dim3A_442 : vector<16xi1>, vector<16xi32>
      %reduce_min3A_444 = arith.constant true
      %reduce_min3A_445 = vector.broadcast %reduce_min3A_444 : i1 to vector<16xi1>
      %reduce_min3A_446 = arith.constant -2147483648 : i32
      %reduce_min3A_447 = vector.broadcast %reduce_min3A_446 : i32 to vector<16xi32>
      %reduce_min3A_448 = arith.xori %select_n3A_443, %reduce_min3A_447 : vector<16xi32>
      %reduce_min3A_449 = tpu.scan <min>, %reduce_min3A_448 masked %reduce_min3A_445 : vector<16xi32>, vector<16xi1> -> vector<16xi32>
      %reduce_min3A_450 = arith.xori %reduce_min3A_449, %reduce_min3A_447 : vector<16xi32>
      %reduce_min3A_451 = vector.extract %reduce_min3A_450[15] : i32 from vector<16xi32>
      %lt3A_452 = arith.cmpi slt, %reduce_min3A_451, %scan3A_16 : i32
      %convert_element_type3A_453 = arith.extui %lt3A_452 : i1 to i32
      %cond3A_454 = arith.constant 0 : i32
      %cond3A_455 = arith.cmpi ne, %convert_element_type3A_453, %cond3A_454 : i32
      scf.if %cond3A_455 {
        %mul3A_465 = arith.constant 16 : i32
        %mul3A_466 = arith.muli %scan3A_54, %mul3A_465 : i32
        %add3A_467 = arith.constant 15 : i32
        %add3A_468 = arith.addi %mul3A_466, %add3A_467 : i32
        %mul3A_469 = arith.constant 64 : i32
        %mul3A_470 = arith.muli %add3A_468, %mul3A_469 : i32
        %mul3A_471 = arith.constant 64 : i32
        %mul3A_472 = arith.muli %select_n3A_437, %mul3A_471 : i32
        %dma_start3A = tpu.memref_slice %arg9[%mul3A_472] : memref<16384xf32, #tpu.memory_space<vmem>> -> memref<64xf32, #tpu.memory_space<vmem>>
        %dma_start3A_473 = tpu.memref_slice %arg3[%mul3A_470] : memref<262144xf32, #tpu.memory_space<hbm>> -> memref<64xf32, #tpu.memory_space<hbm>>
        %dma_start3A_474 = tpu.memref_slice %arg9[%mul3A_472] : memref<16384xf32, #tpu.memory_space<vmem>> -> memref<64xf32, #tpu.memory_space<vmem>>
        %dma_start3A_475 = tpu.memref_slice %arg3[%mul3A_470] : memref<262144xf32, #tpu.memory_space<hbm>> -> memref<64xf32, #tpu.memory_space<hbm>>
        tpu.enqueue_dma source(%dma_start3A_475 : memref<64xf32, #tpu.memory_space<hbm>>) target(%dma_start3A_474 : memref<64xf32, #tpu.memory_space<vmem>>) target_semaphore(%arg13 : memref<!tpu.dma_semaphore, #tpu.memory_space<semaphore_mem>>)
        %broadcast_in_dim3A_476 = vector.broadcast %select_n3A_437 : i32 to vector<16xi32>
        %broadcast_in_dim3A_477 = vector.broadcast %reduce_min3A_451 : i32 to vector<16xi32>
        %eq3A_478 = arith.constant 0 : i32
        %eq3A_479 = vector.broadcast %eq3A_478 : i32 to vector<16xi32>
        %eq3A_480 = arith.cmpi eq, %iota3A, %eq3A_479 : vector<16xi32>
        tpu.vector_store_idx %arg10[%broadcast_in_dim3A_476], %broadcast_in_dim3A_477 masked %eq3A_480 : memref<256xi32, #tpu.memory_space<vmem>>[vector<16xi32>], vector<16xi32>, vector<16xi1>
      } else {
      }
      %add3A_456 = arith.constant 1 : i32
      %add3A_457 = arith.addi %select_n3A_437, %add3A_456 : i32
      %select_n3A_458 = arith.select %lt3A_452, %add3A_457, %select_n3A_437 : i32
      %ge3A = arith.constant 240 : i32
      %ge3A_459 = arith.cmpi sge, %select_n3A_458, %ge3A : i32
      %convert_element_type3A_460 = arith.extui %ge3A_459 : i1 to i32
      %cond3A_461 = arith.constant 0 : i32
      %cond3A_462 = arith.cmpi ne, %convert_element_type3A_460, %cond3A_461 : i32
      scf.if %cond3A_462 {
        %while3A_465 = arith.constant 0 : i32
        %while3A_466 = arith.constant 0 : i32
        %while3A_467 = arith.subi %select_n3A_458, %while3A_466 : i32
        %while3A_468 = arith.addi %while3A_466, %while3A_467 : i32
        %while3A_469 = arith.constant 1 : i32
        %while3A_470 = arith.divsi %while3A_467, %while3A_469 : i32
        %while3A_471 = arith.muli %while3A_470, %while3A_469 : i32
        %while3A_472 = arith.addi %while3A_466, %while3A_471 : i32
        %while3A_473 = arith.constant 1 : i32
        scf.for %while3A_495 = %while3A_466 to %while3A_472 step %while3A_473  : i32 {
          %dma_wait3A = arith.constant 0 : i32
          %dma_wait3A_496 = tpu.memref_slice %arg9[%dma_wait3A] : memref<16384xf32, #tpu.memory_space<vmem>> -> memref<64xf32, #tpu.memory_space<vmem>>
          %dma_wait3A_497 = arith.constant 0 : i32
          %dma_wait3A_498 = tpu.memref_slice %arg3[%dma_wait3A_497] : memref<262144xf32, #tpu.memory_space<hbm>> -> memref<64xf32, #tpu.memory_space<hbm>>
          %dma_wait3A_499 = arith.constant 0 : i32
          %dma_wait3A_500 = tpu.memref_slice %arg9[%dma_wait3A_499] : memref<16384xf32, #tpu.memory_space<vmem>> -> memref<64xf32, #tpu.memory_space<vmem>>
          %dma_wait3A_501 = arith.constant 0 : i32
          %dma_wait3A_502 = tpu.memref_slice %arg3[%dma_wait3A_501] : memref<262144xf32, #tpu.memory_space<hbm>> -> memref<64xf32, #tpu.memory_space<hbm>>
          tpu.wait_dma2 semaphore(%arg13 : memref<!tpu.dma_semaphore, #tpu.memory_space<semaphore_mem>>) src(%dma_wait3A_502 : memref<64xf32, #tpu.memory_space<hbm>>) dst(%dma_wait3A_500 : memref<64xf32, #tpu.memory_space<vmem>>)
        }
        %while3A_474 = arith.constant 1 : i32
        scf.for %while3A_495 = %while3A_472 to %while3A_468 step %while3A_474  : i32 {
          %dma_wait3A = arith.constant 0 : i32
          %dma_wait3A_496 = tpu.memref_slice %arg9[%dma_wait3A] : memref<16384xf32, #tpu.memory_space<vmem>> -> memref<64xf32, #tpu.memory_space<vmem>>
          %dma_wait3A_497 = arith.constant 0 : i32
          %dma_wait3A_498 = tpu.memref_slice %arg3[%dma_wait3A_497] : memref<262144xf32, #tpu.memory_space<hbm>> -> memref<64xf32, #tpu.memory_space<hbm>>
          %dma_wait3A_499 = arith.constant 0 : i32
          %dma_wait3A_500 = tpu.memref_slice %arg9[%dma_wait3A_499] : memref<16384xf32, #tpu.memory_space<vmem>> -> memref<64xf32, #tpu.memory_space<vmem>>
          %dma_wait3A_501 = arith.constant 0 : i32
          %dma_wait3A_502 = tpu.memref_slice %arg3[%dma_wait3A_501] : memref<262144xf32, #tpu.memory_space<hbm>> -> memref<64xf32, #tpu.memory_space<hbm>>
          tpu.wait_dma2 semaphore(%arg13 : memref<!tpu.dma_semaphore, #tpu.memory_space<semaphore_mem>>) src(%dma_wait3A_502 : memref<64xf32, #tpu.memory_space<hbm>>) dst(%dma_wait3A_500 : memref<64xf32, #tpu.memory_space<vmem>>)
        }
        %while3A_475 = arith.constant 0 : i32
        %while3A_476 = arith.constant 0 : i32
        %while3A_477 = arith.subi %select_n3A_458, %while3A_476 : i32
        %while3A_478 = arith.addi %while3A_476, %while3A_477 : i32
        %while3A_479 = arith.constant 1 : i32
        %while3A_480 = arith.divsi %while3A_477, %while3A_479 : i32
        %while3A_481 = arith.muli %while3A_480, %while3A_479 : i32
        %while3A_482 = arith.addi %while3A_476, %while3A_481 : i32
        %while3A_483 = arith.constant 1 : i32
        scf.for %while3A_495 = %while3A_476 to %while3A_482 step %while3A_483  : i32 {
          %jit3A_496 = arith.constant 16 : i32
          %div3A_497 = arith.divsi %while3A_495, %jit3A_496 : i32
          %sign3A_498 = arith.constant 0 : i32
          %sign3A_499 = arith.cmpi sgt, %while3A_495, %sign3A_498 : i32
          %sign3A_500 = arith.extui %sign3A_499 : i1 to i32
          %sign3A_501 = arith.constant 0 : i32
          %sign3A_502 = arith.cmpi slt, %while3A_495, %sign3A_501 : i32
          %sign3A_503 = arith.extui %sign3A_502 : i1 to i32
          %sign3A_504 = arith.subi %sign3A_500, %sign3A_503 : i32
          %sign3A_505 = arith.constant 0 : i32
          %sign3A_506 = arith.cmpi sgt, %jit3A_496, %sign3A_505 : i32
          %sign3A_507 = arith.extui %sign3A_506 : i1 to i32
          %sign3A_508 = arith.constant 0 : i32
          %sign3A_509 = arith.cmpi slt, %jit3A_496, %sign3A_508 : i32
          %sign3A_510 = arith.extui %sign3A_509 : i1 to i32
          %sign3A_511 = arith.subi %sign3A_507, %sign3A_510 : i32
          %ne3A_512 = arith.cmpi ne, %sign3A_504, %sign3A_511 : i32
          %rem3A_513 = arith.remsi %while3A_495, %jit3A_496 : i32
          %ne3A_514 = arith.constant 0 : i32
          %ne3A_515 = arith.cmpi ne, %rem3A_513, %ne3A_514 : i32
          %and3A_516 = arith.andi %ne3A_512, %ne3A_515 : i1
          %sub3A_517 = arith.constant 1 : i32
          %sub3A_518 = arith.subi %div3A_497, %sub3A_517 : i32
          %select_n3A_519 = arith.select %and3A_516, %sub3A_518, %div3A_497 : i32
          %mul3A_520 = arith.constant 16 : i32
          %mul3A_521 = arith.muli %select_n3A_519, %mul3A_520 : i32
          %sub3A_522 = arith.subi %while3A_495, %mul3A_521 : i32
          %eq3A_523 = vector.broadcast %sub3A_522 : i32 to vector<16xi32>
          %eq3A_524 = arith.cmpi eq, %iota3A, %eq3A_523 : vector<16xi32>
          %get3A_525 = arith.index_cast %mul3A_521 : i32 to index
          %get3A_526 = tpu.vector_load %arg10[%get3A_525] {strides = array<i32>} : memref<256xi32, #tpu.memory_space<vmem>>, vector<16xi32>,
          %broadcast_in_dim3A_527 = vector.broadcast %scan3A_16 : i32 to vector<16xi32>
          %select_n3A_528 = arith.select %eq3A_524, %get3A_526, %broadcast_in_dim3A_527 : vector<16xi1>, vector<16xi32>
          %reduce_min3A_529 = arith.constant true
          %reduce_min3A_530 = vector.broadcast %reduce_min3A_529 : i1 to vector<16xi1>
          %reduce_min3A_531 = arith.constant -2147483648 : i32
          %reduce_min3A_532 = vector.broadcast %reduce_min3A_531 : i32 to vector<16xi32>
          %reduce_min3A_533 = arith.xori %select_n3A_528, %reduce_min3A_532 : vector<16xi32>
          %reduce_min3A_534 = tpu.scan <min>, %reduce_min3A_533 masked %reduce_min3A_530 : vector<16xi32>, vector<16xi1> -> vector<16xi32>
          %reduce_min3A_535 = arith.xori %reduce_min3A_534, %reduce_min3A_532 : vector<16xi32>
          %reduce_min3A_536 = vector.extract %reduce_min3A_535[15] : i32 from vector<16xi32>
          %mul3A_537 = arith.constant 64 : i32
          %mul3A_538 = arith.muli %while3A_495, %mul3A_537 : i32
          %mul3A_539 = arith.constant 64 : i32
          %mul3A_540 = arith.muli %reduce_min3A_536, %mul3A_539 : i32
          %dma_start3A = tpu.memref_slice %arg9[%mul3A_538] : memref<16384xf32, #tpu.memory_space<vmem>> -> memref<64xf32, #tpu.memory_space<vmem>>
          %dma_start3A_541 = tpu.memref_slice %arg6[%mul3A_540] : memref<64000000xf32, #tpu.memory_space<hbm>> -> memref<64xf32, #tpu.memory_space<hbm>>
          %dma_start3A_542 = tpu.memref_slice %arg6[%mul3A_540] : memref<64000000xf32, #tpu.memory_space<hbm>> -> memref<64xf32, #tpu.memory_space<hbm>>
          %dma_start3A_543 = tpu.memref_slice %arg9[%mul3A_538] : memref<16384xf32, #tpu.memory_space<vmem>> -> memref<64xf32, #tpu.memory_space<vmem>>
          tpu.enqueue_dma source(%dma_start3A_543 : memref<64xf32, #tpu.memory_space<vmem>>) target(%dma_start3A_542 : memref<64xf32, #tpu.memory_space<hbm>>) target_semaphore(%arg13 : memref<!tpu.dma_semaphore, #tpu.memory_space<semaphore_mem>>)
        }
        %while3A_484 = arith.constant 1 : i32
        scf.for %while3A_495 = %while3A_482 to %while3A_478 step %while3A_484  : i32 {
          %jit3A_496 = arith.constant 16 : i32
          %div3A_497 = arith.divsi %while3A_495, %jit3A_496 : i32
          %sign3A_498 = arith.constant 0 : i32
          %sign3A_499 = arith.cmpi sgt, %while3A_495, %sign3A_498 : i32
          %sign3A_500 = arith.extui %sign3A_499 : i1 to i32
          %sign3A_501 = arith.constant 0 : i32
          %sign3A_502 = arith.cmpi slt, %while3A_495, %sign3A_501 : i32
          %sign3A_503 = arith.extui %sign3A_502 : i1 to i32
          %sign3A_504 = arith.subi %sign3A_500, %sign3A_503 : i32
          %sign3A_505 = arith.constant 0 : i32
          %sign3A_506 = arith.cmpi sgt, %jit3A_496, %sign3A_505 : i32
          %sign3A_507 = arith.extui %sign3A_506 : i1 to i32
          %sign3A_508 = arith.constant 0 : i32
          %sign3A_509 = arith.cmpi slt, %jit3A_496, %sign3A_508 : i32
          %sign3A_510 = arith.extui %sign3A_509 : i1 to i32
          %sign3A_511 = arith.subi %sign3A_507, %sign3A_510 : i32
          %ne3A_512 = arith.cmpi ne, %sign3A_504, %sign3A_511 : i32
          %rem3A_513 = arith.remsi %while3A_495, %jit3A_496 : i32
          %ne3A_514 = arith.constant 0 : i32
          %ne3A_515 = arith.cmpi ne, %rem3A_513, %ne3A_514 : i32
          %and3A_516 = arith.andi %ne3A_512, %ne3A_515 : i1
          %sub3A_517 = arith.constant 1 : i32
          %sub3A_518 = arith.subi %div3A_497, %sub3A_517 : i32
          %select_n3A_519 = arith.select %and3A_516, %sub3A_518, %div3A_497 : i32
          %mul3A_520 = arith.constant 16 : i32
          %mul3A_521 = arith.muli %select_n3A_519, %mul3A_520 : i32
          %sub3A_522 = arith.subi %while3A_495, %mul3A_521 : i32
          %eq3A_523 = vector.broadcast %sub3A_522 : i32 to vector<16xi32>
          %eq3A_524 = arith.cmpi eq, %iota3A, %eq3A_523 : vector<16xi32>
          %get3A_525 = arith.index_cast %mul3A_521 : i32 to index
          %get3A_526 = tpu.vector_load %arg10[%get3A_525] {strides = array<i32>} : memref<256xi32, #tpu.memory_space<vmem>>, vector<16xi32>,
          %broadcast_in_dim3A_527 = vector.broadcast %scan3A_16 : i32 to vector<16xi32>
          %select_n3A_528 = arith.select %eq3A_524, %get3A_526, %broadcast_in_dim3A_527 : vector<16xi1>, vector<16xi32>
          %reduce_min3A_529 = arith.constant true
          %reduce_min3A_530 = vector.broadcast %reduce_min3A_529 : i1 to vector<16xi1>
          %reduce_min3A_531 = arith.constant -2147483648 : i32
          %reduce_min3A_532 = vector.broadcast %reduce_min3A_531 : i32 to vector<16xi32>
          %reduce_min3A_533 = arith.xori %select_n3A_528, %reduce_min3A_532 : vector<16xi32>
          %reduce_min3A_534 = tpu.scan <min>, %reduce_min3A_533 masked %reduce_min3A_530 : vector<16xi32>, vector<16xi1> -> vector<16xi32>
          %reduce_min3A_535 = arith.xori %reduce_min3A_534, %reduce_min3A_532 : vector<16xi32>
          %reduce_min3A_536 = vector.extract %reduce_min3A_535[15] : i32 from vector<16xi32>
          %mul3A_537 = arith.constant 64 : i32
          %mul3A_538 = arith.muli %while3A_495, %mul3A_537 : i32
          %mul3A_539 = arith.constant 64 : i32
          %mul3A_540 = arith.muli %reduce_min3A_536, %mul3A_539 : i32
          %dma_start3A = tpu.memref_slice %arg9[%mul3A_538] : memref<16384xf32, #tpu.memory_space<vmem>> -> memref<64xf32, #tpu.memory_space<vmem>>
          %dma_start3A_541 = tpu.memref_slice %arg6[%mul3A_540] : memref<64000000xf32, #tpu.memory_space<hbm>> -> memref<64xf32, #tpu.memory_space<hbm>>
          %dma_start3A_542 = tpu.memref_slice %arg6[%mul3A_540] : memref<64000000xf32, #tpu.memory_space<hbm>> -> memref<64xf32, #tpu.memory_space<hbm>>
          %dma_start3A_543 = tpu.memref_slice %arg9[%mul3A_538] : memref<16384xf32, #tpu.memory_space<vmem>> -> memref<64xf32, #tpu.memory_space<vmem>>
          tpu.enqueue_dma source(%dma_start3A_543 : memref<64xf32, #tpu.memory_space<vmem>>) target(%dma_start3A_542 : memref<64xf32, #tpu.memory_space<hbm>>) target_semaphore(%arg13 : memref<!tpu.dma_semaphore, #tpu.memory_space<semaphore_mem>>)
        }
        %while3A_485 = arith.constant 0 : i32
        %while3A_486 = arith.constant 0 : i32
        %while3A_487 = arith.subi %select_n3A_458, %while3A_486 : i32
        %while3A_488 = arith.addi %while3A_486, %while3A_487 : i32
        %while3A_489 = arith.constant 1 : i32
        %while3A_490 = arith.divsi %while3A_487, %while3A_489 : i32
        %while3A_491 = arith.muli %while3A_490, %while3A_489 : i32
        %while3A_492 = arith.addi %while3A_486, %while3A_491 : i32
        %while3A_493 = arith.constant 1 : i32
        scf.for %while3A_495 = %while3A_486 to %while3A_492 step %while3A_493  : i32 {
          %dma_wait3A = arith.constant 0 : i32
          %dma_wait3A_496 = tpu.memref_slice %arg9[%dma_wait3A] : memref<16384xf32, #tpu.memory_space<vmem>> -> memref<64xf32, #tpu.memory_space<vmem>>
          %dma_wait3A_497 = arith.constant 0 : i32
          %dma_wait3A_498 = tpu.memref_slice %arg6[%dma_wait3A_497] : memref<64000000xf32, #tpu.memory_space<hbm>> -> memref<64xf32, #tpu.memory_space<hbm>>
          %dma_wait3A_499 = arith.constant 0 : i32
          %dma_wait3A_500 = tpu.memref_slice %arg6[%dma_wait3A_499] : memref<64000000xf32, #tpu.memory_space<hbm>> -> memref<64xf32, #tpu.memory_space<hbm>>
          %dma_wait3A_501 = arith.constant 0 : i32
          %dma_wait3A_502 = tpu.memref_slice %arg9[%dma_wait3A_501] : memref<16384xf32, #tpu.memory_space<vmem>> -> memref<64xf32, #tpu.memory_space<vmem>>
          tpu.wait_dma2 semaphore(%arg13 : memref<!tpu.dma_semaphore, #tpu.memory_space<semaphore_mem>>) src(%dma_wait3A_502 : memref<64xf32, #tpu.memory_space<vmem>>) dst(%dma_wait3A_500 : memref<64xf32, #tpu.memory_space<hbm>>)
        }
        %while3A_494 = arith.constant 1 : i32
        scf.for %while3A_495 = %while3A_492 to %while3A_488 step %while3A_494  : i32 {
          %dma_wait3A = arith.constant 0 : i32
          %dma_wait3A_496 = tpu.memref_slice %arg9[%dma_wait3A] : memref<16384xf32, #tpu.memory_space<vmem>> -> memref<64xf32, #tpu.memory_space<vmem>>
          %dma_wait3A_497 = arith.constant 0 : i32
          %dma_wait3A_498 = tpu.memref_slice %arg6[%dma_wait3A_497] : memref<64000000xf32, #tpu.memory_space<hbm>> -> memref<64xf32, #tpu.memory_space<hbm>>
          %dma_wait3A_499 = arith.constant 0 : i32
          %dma_wait3A_500 = tpu.memref_slice %arg6[%dma_wait3A_499] : memref<64000000xf32, #tpu.memory_space<hbm>> -> memref<64xf32, #tpu.memory_space<hbm>>
          %dma_wait3A_501 = arith.constant 0 : i32
          %dma_wait3A_502 = tpu.memref_slice %arg9[%dma_wait3A_501] : memref<16384xf32, #tpu.memory_space<vmem>> -> memref<64xf32, #tpu.memory_space<vmem>>
          tpu.wait_dma2 semaphore(%arg13 : memref<!tpu.dma_semaphore, #tpu.memory_space<semaphore_mem>>) src(%dma_wait3A_502 : memref<64xf32, #tpu.memory_space<vmem>>) dst(%dma_wait3A_500 : memref<64xf32, #tpu.memory_space<hbm>>)
        }
      } else {
      }
      %jit3A_463 = arith.constant 0 : i32
      %select_n3A_464 = arith.select %ge3A_459, %jit3A_463, %select_n3A_458 : i32
      scf.yield %select_n3A_464 : i32
    }
    %scan3A_23 = arith.constant 256 : i32
    %while3A = arith.constant 0 : i32
    %while3A_24 = arith.constant 0 : i32
    %while3A_25 = arith.subi %scan3A_22, %while3A_24 : i32
    %while3A_26 = arith.addi %while3A_24, %while3A_25 : i32
    %while3A_27 = arith.constant 1 : i32
    %while3A_28 = arith.divsi %while3A_25, %while3A_27 : i32
    %while3A_29 = arith.muli %while3A_28, %while3A_27 : i32
    %while3A_30 = arith.addi %while3A_24, %while3A_29 : i32
    %while3A_31 = arith.constant 1 : i32
    scf.for %while3A_54 = %while3A_24 to %while3A_30 step %while3A_31  : i32 {
      %dma_wait3A = arith.constant 0 : i32
      %dma_wait3A_55 = tpu.memref_slice %arg9[%dma_wait3A] : memref<16384xf32, #tpu.memory_space<vmem>> -> memref<64xf32, #tpu.memory_space<vmem>>
      %dma_wait3A_56 = arith.constant 0 : i32
      %dma_wait3A_57 = tpu.memref_slice %arg3[%dma_wait3A_56] : memref<262144xf32, #tpu.memory_space<hbm>> -> memref<64xf32, #tpu.memory_space<hbm>>
      %dma_wait3A_58 = arith.constant 0 : i32
      %dma_wait3A_59 = tpu.memref_slice %arg9[%dma_wait3A_58] : memref<16384xf32, #tpu.memory_space<vmem>> -> memref<64xf32, #tpu.memory_space<vmem>>
      %dma_wait3A_60 = arith.constant 0 : i32
      %dma_wait3A_61 = tpu.memref_slice %arg3[%dma_wait3A_60] : memref<262144xf32, #tpu.memory_space<hbm>> -> memref<64xf32, #tpu.memory_space<hbm>>
      tpu.wait_dma2 semaphore(%arg13 : memref<!tpu.dma_semaphore, #tpu.memory_space<semaphore_mem>>) src(%dma_wait3A_61 : memref<64xf32, #tpu.memory_space<hbm>>) dst(%dma_wait3A_59 : memref<64xf32, #tpu.memory_space<vmem>>)
    }
    %while3A_32 = arith.constant 1 : i32
    scf.for %while3A_54 = %while3A_30 to %while3A_26 step %while3A_32  : i32 {
      %dma_wait3A = arith.constant 0 : i32
      %dma_wait3A_55 = tpu.memref_slice %arg9[%dma_wait3A] : memref<16384xf32, #tpu.memory_space<vmem>> -> memref<64xf32, #tpu.memory_space<vmem>>
      %dma_wait3A_56 = arith.constant 0 : i32
      %dma_wait3A_57 = tpu.memref_slice %arg3[%dma_wait3A_56] : memref<262144xf32, #tpu.memory_space<hbm>> -> memref<64xf32, #tpu.memory_space<hbm>>
      %dma_wait3A_58 = arith.constant 0 : i32
      %dma_wait3A_59 = tpu.memref_slice %arg9[%dma_wait3A_58] : memref<16384xf32, #tpu.memory_space<vmem>> -> memref<64xf32, #tpu.memory_space<vmem>>
      %dma_wait3A_60 = arith.constant 0 : i32
      %dma_wait3A_61 = tpu.memref_slice %arg3[%dma_wait3A_60] : memref<262144xf32, #tpu.memory_space<hbm>> -> memref<64xf32, #tpu.memory_space<hbm>>
      tpu.wait_dma2 semaphore(%arg13 : memref<!tpu.dma_semaphore, #tpu.memory_space<semaphore_mem>>) src(%dma_wait3A_61 : memref<64xf32, #tpu.memory_space<hbm>>) dst(%dma_wait3A_59 : memref<64xf32, #tpu.memory_space<vmem>>)
    }
    %while3A_33 = arith.constant 0 : i32
    %while3A_34 = arith.constant 1073741824 : i32
    %while3A_35 = arith.constant 0 : i32
    %while3A_36 = arith.subi %scan3A_22, %while3A_35 : i32
    %while3A_37 = arith.addi %while3A_35, %while3A_36 : i32
    %while3A_38 = arith.constant 1 : i32
    %while3A_39 = arith.divsi %while3A_36, %while3A_38 : i32
    %while3A_40 = arith.muli %while3A_39, %while3A_38 : i32
    %while3A_41 = arith.addi %while3A_35, %while3A_40 : i32
    %while3A_42 = arith.constant 1 : i32
    scf.for %while3A_54 = %while3A_35 to %while3A_41 step %while3A_42  : i32 {
      %jit3A = arith.constant 16 : i32
      %div3A = arith.divsi %while3A_54, %jit3A : i32
      %sign3A = arith.constant 0 : i32
      %sign3A_55 = arith.cmpi sgt, %while3A_54, %sign3A : i32
      %sign3A_56 = arith.extui %sign3A_55 : i1 to i32
      %sign3A_57 = arith.constant 0 : i32
      %sign3A_58 = arith.cmpi slt, %while3A_54, %sign3A_57 : i32
      %sign3A_59 = arith.extui %sign3A_58 : i1 to i32
      %sign3A_60 = arith.subi %sign3A_56, %sign3A_59 : i32
      %sign3A_61 = arith.constant 0 : i32
      %sign3A_62 = arith.cmpi sgt, %jit3A, %sign3A_61 : i32
      %sign3A_63 = arith.extui %sign3A_62 : i1 to i32
      %sign3A_64 = arith.constant 0 : i32
      %sign3A_65 = arith.cmpi slt, %jit3A, %sign3A_64 : i32
      %sign3A_66 = arith.extui %sign3A_65 : i1 to i32
      %sign3A_67 = arith.subi %sign3A_63, %sign3A_66 : i32
      %ne3A = arith.cmpi ne, %sign3A_60, %sign3A_67 : i32
      %rem3A = arith.remsi %while3A_54, %jit3A : i32
      %ne3A_68 = arith.constant 0 : i32
      %ne3A_69 = arith.cmpi ne, %rem3A, %ne3A_68 : i32
      %and3A = arith.andi %ne3A, %ne3A_69 : i1
      %sub3A = arith.constant 1 : i32
      %sub3A_70 = arith.subi %div3A, %sub3A : i32
      %select_n3A = arith.select %and3A, %sub3A_70, %div3A : i32
      %mul3A_71 = arith.constant 16 : i32
      %mul3A_72 = arith.muli %select_n3A, %mul3A_71 : i32
      %sub3A_73 = arith.subi %while3A_54, %mul3A_72 : i32
      %eq3A = vector.broadcast %sub3A_73 : i32 to vector<16xi32>
      %eq3A_74 = arith.cmpi eq, %iota3A, %eq3A : vector<16xi32>
      %get3A = arith.index_cast %mul3A_72 : i32 to index
      %get3A_75 = tpu.vector_load %arg10[%get3A] {strides = array<i32>} : memref<256xi32, #tpu.memory_space<vmem>>, vector<16xi32>,
      %broadcast_in_dim3A = vector.broadcast %while3A_34 : i32 to vector<16xi32>
      %select_n3A_76 = arith.select %eq3A_74, %get3A_75, %broadcast_in_dim3A : vector<16xi1>, vector<16xi32>
      %reduce_min3A = arith.constant true
      %reduce_min3A_77 = vector.broadcast %reduce_min3A : i1 to vector<16xi1>
      %reduce_min3A_78 = arith.constant -2147483648 : i32
      %reduce_min3A_79 = vector.broadcast %reduce_min3A_78 : i32 to vector<16xi32>
      %reduce_min3A_80 = arith.xori %select_n3A_76, %reduce_min3A_79 : vector<16xi32>
      %reduce_min3A_81 = tpu.scan <min>, %reduce_min3A_80 masked %reduce_min3A_77 : vector<16xi32>, vector<16xi1> -> vector<16xi32>
      %reduce_min3A_82 = arith.xori %reduce_min3A_81, %reduce_min3A_79 : vector<16xi32>
      %reduce_min3A_83 = vector.extract %reduce_min3A_82[15] : i32 from vector<16xi32>
      %mul3A_84 = arith.constant 64 : i32
      %mul3A_85 = arith.muli %while3A_54, %mul3A_84 : i32
      %mul3A_86 = arith.constant 64 : i32
      %mul3A_87 = arith.muli %reduce_min3A_83, %mul3A_86 : i32
      %dma_start3A = tpu.memref_slice %arg9[%mul3A_85] : memref<16384xf32, #tpu.memory_space<vmem>> -> memref<64xf32, #tpu.memory_space<vmem>>
      %dma_start3A_88 = tpu.memref_slice %arg6[%mul3A_87] : memref<64000000xf32, #tpu.memory_space<hbm>> -> memref<64xf32, #tpu.memory_space<hbm>>
      %dma_start3A_89 = tpu.memref_slice %arg6[%mul3A_87] : memref<64000000xf32, #tpu.memory_space<hbm>> -> memref<64xf32, #tpu.memory_space<hbm>>
      %dma_start3A_90 = tpu.memref_slice %arg9[%mul3A_85] : memref<16384xf32, #tpu.memory_space<vmem>> -> memref<64xf32, #tpu.memory_space<vmem>>
      tpu.enqueue_dma source(%dma_start3A_90 : memref<64xf32, #tpu.memory_space<vmem>>) target(%dma_start3A_89 : memref<64xf32, #tpu.memory_space<hbm>>) target_semaphore(%arg13 : memref<!tpu.dma_semaphore, #tpu.memory_space<semaphore_mem>>)
    }
    %while3A_43 = arith.constant 1 : i32
    scf.for %while3A_54 = %while3A_41 to %while3A_37 step %while3A_43  : i32 {
      %jit3A = arith.constant 16 : i32
      %div3A = arith.divsi %while3A_54, %jit3A : i32
      %sign3A = arith.constant 0 : i32
      %sign3A_55 = arith.cmpi sgt, %while3A_54, %sign3A : i32
      %sign3A_56 = arith.extui %sign3A_55 : i1 to i32
      %sign3A_57 = arith.constant 0 : i32
      %sign3A_58 = arith.cmpi slt, %while3A_54, %sign3A_57 : i32
      %sign3A_59 = arith.extui %sign3A_58 : i1 to i32
      %sign3A_60 = arith.subi %sign3A_56, %sign3A_59 : i32
      %sign3A_61 = arith.constant 0 : i32
      %sign3A_62 = arith.cmpi sgt, %jit3A, %sign3A_61 : i32
      %sign3A_63 = arith.extui %sign3A_62 : i1 to i32
      %sign3A_64 = arith.constant 0 : i32
      %sign3A_65 = arith.cmpi slt, %jit3A, %sign3A_64 : i32
      %sign3A_66 = arith.extui %sign3A_65 : i1 to i32
      %sign3A_67 = arith.subi %sign3A_63, %sign3A_66 : i32
      %ne3A = arith.cmpi ne, %sign3A_60, %sign3A_67 : i32
      %rem3A = arith.remsi %while3A_54, %jit3A : i32
      %ne3A_68 = arith.constant 0 : i32
      %ne3A_69 = arith.cmpi ne, %rem3A, %ne3A_68 : i32
      %and3A = arith.andi %ne3A, %ne3A_69 : i1
      %sub3A = arith.constant 1 : i32
      %sub3A_70 = arith.subi %div3A, %sub3A : i32
      %select_n3A = arith.select %and3A, %sub3A_70, %div3A : i32
      %mul3A_71 = arith.constant 16 : i32
      %mul3A_72 = arith.muli %select_n3A, %mul3A_71 : i32
      %sub3A_73 = arith.subi %while3A_54, %mul3A_72 : i32
      %eq3A = vector.broadcast %sub3A_73 : i32 to vector<16xi32>
      %eq3A_74 = arith.cmpi eq, %iota3A, %eq3A : vector<16xi32>
      %get3A = arith.index_cast %mul3A_72 : i32 to index
      %get3A_75 = tpu.vector_load %arg10[%get3A] {strides = array<i32>} : memref<256xi32, #tpu.memory_space<vmem>>, vector<16xi32>,
      %broadcast_in_dim3A = vector.broadcast %while3A_34 : i32 to vector<16xi32>
      %select_n3A_76 = arith.select %eq3A_74, %get3A_75, %broadcast_in_dim3A : vector<16xi1>, vector<16xi32>
      %reduce_min3A = arith.constant true
      %reduce_min3A_77 = vector.broadcast %reduce_min3A : i1 to vector<16xi1>
      %reduce_min3A_78 = arith.constant -2147483648 : i32
      %reduce_min3A_79 = vector.broadcast %reduce_min3A_78 : i32 to vector<16xi32>
      %reduce_min3A_80 = arith.xori %select_n3A_76, %reduce_min3A_79 : vector<16xi32>
      %reduce_min3A_81 = tpu.scan <min>, %reduce_min3A_80 masked %reduce_min3A_77 : vector<16xi32>, vector<16xi1> -> vector<16xi32>
      %reduce_min3A_82 = arith.xori %reduce_min3A_81, %reduce_min3A_79 : vector<16xi32>
      %reduce_min3A_83 = vector.extract %reduce_min3A_82[15] : i32 from vector<16xi32>
      %mul3A_84 = arith.constant 64 : i32
      %mul3A_85 = arith.muli %while3A_54, %mul3A_84 : i32
      %mul3A_86 = arith.constant 64 : i32
      %mul3A_87 = arith.muli %reduce_min3A_83, %mul3A_86 : i32
      %dma_start3A = tpu.memref_slice %arg9[%mul3A_85] : memref<16384xf32, #tpu.memory_space<vmem>> -> memref<64xf32, #tpu.memory_space<vmem>>
      %dma_start3A_88 = tpu.memref_slice %arg6[%mul3A_87] : memref<64000000xf32, #tpu.memory_space<hbm>> -> memref<64xf32, #tpu.memory_space<hbm>>
      %dma_start3A_89 = tpu.memref_slice %arg6[%mul3A_87] : memref<64000000xf32, #tpu.memory_space<hbm>> -> memref<64xf32, #tpu.memory_space<hbm>>
      %dma_start3A_90 = tpu.memref_slice %arg9[%mul3A_85] : memref<16384xf32, #tpu.memory_space<vmem>> -> memref<64xf32, #tpu.memory_space<vmem>>
      tpu.enqueue_dma source(%dma_start3A_90 : memref<64xf32, #tpu.memory_space<vmem>>) target(%dma_start3A_89 : memref<64xf32, #tpu.memory_space<hbm>>) target_semaphore(%arg13 : memref<!tpu.dma_semaphore, #tpu.memory_space<semaphore_mem>>)
    }
    %while3A_44 = arith.constant 0 : i32
    %while3A_45 = arith.constant 0 : i32
    %while3A_46 = arith.subi %scan3A_22, %while3A_45 : i32
    %while3A_47 = arith.addi %while3A_45, %while3A_46 : i32
    %while3A_48 = arith.constant 1 : i32
    %while3A_49 = arith.divsi %while3A_46, %while3A_48 : i32
    %while3A_50 = arith.muli %while3A_49, %while3A_48 : i32
    %while3A_51 = arith.addi %while3A_45, %while3A_50 : i32
    %while3A_52 = arith.constant 1 : i32
    scf.for %while3A_54 = %while3A_45 to %while3A_51 step %while3A_52  : i32 {
      %dma_wait3A = arith.constant 0 : i32
      %dma_wait3A_55 = tpu.memref_slice %arg9[%dma_wait3A] : memref<16384xf32, #tpu.memory_space<vmem>> -> memref<64xf32, #tpu.memory_space<vmem>>
      %dma_wait3A_56 = arith.constant 0 : i32
      %dma_wait3A_57 = tpu.memref_slice %arg6[%dma_wait3A_56] : memref<64000000xf32, #tpu.memory_space<hbm>> -> memref<64xf32, #tpu.memory_space<hbm>>
      %dma_wait3A_58 = arith.constant 0 : i32
      %dma_wait3A_59 = tpu.memref_slice %arg6[%dma_wait3A_58] : memref<64000000xf32, #tpu.memory_space<hbm>> -> memref<64xf32, #tpu.memory_space<hbm>>
      %dma_wait3A_60 = arith.constant 0 : i32
      %dma_wait3A_61 = tpu.memref_slice %arg9[%dma_wait3A_60] : memref<16384xf32, #tpu.memory_space<vmem>> -> memref<64xf32, #tpu.memory_space<vmem>>
      tpu.wait_dma2 semaphore(%arg13 : memref<!tpu.dma_semaphore, #tpu.memory_space<semaphore_mem>>) src(%dma_wait3A_61 : memref<64xf32, #tpu.memory_space<vmem>>) dst(%dma_wait3A_59 : memref<64xf32, #tpu.memory_space<hbm>>)
    }
    %while3A_53 = arith.constant 1 : i32
    scf.for %while3A_54 = %while3A_51 to %while3A_47 step %while3A_53  : i32 {
      %dma_wait3A = arith.constant 0 : i32
      %dma_wait3A_55 = tpu.memref_slice %arg9[%dma_wait3A] : memref<16384xf32, #tpu.memory_space<vmem>> -> memref<64xf32, #tpu.memory_space<vmem>>
      %dma_wait3A_56 = arith.constant 0 : i32
      %dma_wait3A_57 = tpu.memref_slice %arg6[%dma_wait3A_56] : memref<64000000xf32, #tpu.memory_space<hbm>> -> memref<64xf32, #tpu.memory_space<hbm>>
      %dma_wait3A_58 = arith.constant 0 : i32
      %dma_wait3A_59 = tpu.memref_slice %arg6[%dma_wait3A_58] : memref<64000000xf32, #tpu.memory_space<hbm>> -> memref<64xf32, #tpu.memory_space<hbm>>
      %dma_wait3A_60 = arith.constant 0 : i32
      %dma_wait3A_61 = tpu.memref_slice %arg9[%dma_wait3A_60] : memref<16384xf32, #tpu.memory_space<vmem>> -> memref<64xf32, #tpu.memory_space<vmem>>
      tpu.wait_dma2 semaphore(%arg13 : memref<!tpu.dma_semaphore, #tpu.memory_space<semaphore_mem>>) src(%dma_wait3A_61 : memref<64xf32, #tpu.memory_space<vmem>>) dst(%dma_wait3A_59 : memref<64xf32, #tpu.memory_space<hbm>>)
    }
    return
  }
}

#map = affine_map<(d0, d1) -> (0)>
module attributes {stable_mosaic.version = 14 : i64} {
  func.func @_usage_body(%arg0: i32, %arg1: i32, %arg2: memref<1000000xf32, #tpu.memory_space<hbm>>, %arg3: memref<4096xi32, #tpu.memory_space<hbm>>, %arg4: memref<1000000xf32, #tpu.memory_space<hbm>>, %arg5: memref<1000000xf32, #tpu.memory_space<hbm>>, %arg6: memref<31264xf32, #tpu.memory_space<vmem>>, %arg7: memref<31264xf32, #tpu.memory_space<vmem>>, %arg8: memref<4096xi32, #tpu.memory_space<vmem>>) attributes {dimension_semantics = [#tpu.dimension_semantics<core_parallel>, #tpu.dimension_semantics<subcore_parallel>], iteration_bounds = array<i64: 2, 16>, scalar_prefetch = 0 : i64, scratch_operands = 3 : i64, tpu.core_type = #tpu.core_type<sc_vector_subcore>, window_params = [{transform_indices = #map}, {transform_indices = #map}, {transform_indices = #map}, {transform_indices = #map}]} {
    %mul3A = arith.constant 2 : i32
    %mul3A_0 = arith.muli %arg1, %mul3A : i32
    %add3A = arith.addi %mul3A_0, %arg0 : i32
    %mul3A_1 = arith.constant 31250 : i32
    %mul3A_2 = arith.muli %add3A, %mul3A_1 : i32
    %jit3A = arith.constant 8 : i32
    %div3A = arith.divsi %mul3A_2, %jit3A : i32
    %sign3A = arith.constant 0 : i32
    %sign3A_3 = arith.cmpi sgt, %mul3A_2, %sign3A : i32
    %sign3A_4 = arith.extui %sign3A_3 : i1 to i32
    %sign3A_5 = arith.constant 0 : i32
    %sign3A_6 = arith.cmpi slt, %mul3A_2, %sign3A_5 : i32
    %sign3A_7 = arith.extui %sign3A_6 : i1 to i32
    %sign3A_8 = arith.subi %sign3A_4, %sign3A_7 : i32
    %sign3A_9 = arith.constant 0 : i32
    %sign3A_10 = arith.cmpi sgt, %jit3A, %sign3A_9 : i32
    %sign3A_11 = arith.extui %sign3A_10 : i1 to i32
    %sign3A_12 = arith.constant 0 : i32
    %sign3A_13 = arith.cmpi slt, %jit3A, %sign3A_12 : i32
    %sign3A_14 = arith.extui %sign3A_13 : i1 to i32
    %sign3A_15 = arith.subi %sign3A_11, %sign3A_14 : i32
    %ne3A = arith.cmpi ne, %sign3A_8, %sign3A_15 : i32
    %rem3A = arith.remsi %mul3A_2, %jit3A : i32
    %ne3A_16 = arith.constant 0 : i32
    %ne3A_17 = arith.cmpi ne, %rem3A, %ne3A_16 : i32
    %and3A = arith.andi %ne3A, %ne3A_17 : i1
    %sub3A = arith.constant 1 : i32
    %sub3A_18 = arith.subi %div3A, %sub3A : i32
    %select_n3A = arith.select %and3A, %sub3A_18, %div3A : i32
    %mul3A_19 = arith.constant 8 : i32
    %mul3A_20 = arith.muli %select_n3A, %mul3A_19 : i32
    "tpu.region"() ({
      %run_scoped3A = tpu.sem_alloc : memref<!tpu.dma_semaphore, #tpu.memory_space<semaphore_mem>>
      tpu.enqueue_dma source(%arg3 : memref<4096xi32, #tpu.memory_space<hbm>>) target(%arg8 : memref<4096xi32, #tpu.memory_space<vmem>>) target_semaphore(%run_scoped3A : memref<!tpu.dma_semaphore, #tpu.memory_space<semaphore_mem>>)
      tpu.wait_dma2 semaphore(%run_scoped3A : memref<!tpu.dma_semaphore, #tpu.memory_space<semaphore_mem>>) src(%arg3 : memref<4096xi32, #tpu.memory_space<hbm>>) dst(%arg8 : memref<4096xi32, #tpu.memory_space<vmem>>)
      tpu.yield
    }) : () -> ()
    "tpu.region"() ({
      %run_scoped3A = tpu.sem_alloc : memref<!tpu.dma_semaphore, #tpu.memory_space<semaphore_mem>>
      %dma_start3A = arith.constant 0 : i32
      %dma_start3A_33 = tpu.memref_slice %arg6[%dma_start3A] : memref<31264xf32, #tpu.memory_space<vmem>> -> memref<31256xf32, #tpu.memory_space<vmem>>
      %dma_start3A_34 = tpu.memref_slice %arg2[%mul3A_20] : memref<1000000xf32, #tpu.memory_space<hbm>> -> memref<31256xf32, #tpu.memory_space<hbm>>
      %dma_start3A_35 = arith.constant 0 : i32
      %dma_start3A_36 = tpu.memref_slice %arg6[%dma_start3A_35] : memref<31264xf32, #tpu.memory_space<vmem>> -> memref<31256xf32, #tpu.memory_space<vmem>>
      %dma_start3A_37 = tpu.memref_slice %arg2[%mul3A_20] : memref<1000000xf32, #tpu.memory_space<hbm>> -> memref<31256xf32, #tpu.memory_space<hbm>>
      tpu.enqueue_dma source(%dma_start3A_37 : memref<31256xf32, #tpu.memory_space<hbm>>) target(%dma_start3A_36 : memref<31256xf32, #tpu.memory_space<vmem>>) target_semaphore(%run_scoped3A : memref<!tpu.dma_semaphore, #tpu.memory_space<semaphore_mem>>)
      %dma_wait3A = arith.constant 0 : i32
      %dma_wait3A_38 = tpu.memref_slice %arg6[%dma_wait3A] : memref<31264xf32, #tpu.memory_space<vmem>> -> memref<31256xf32, #tpu.memory_space<vmem>>
      %dma_wait3A_39 = tpu.memref_slice %arg2[%mul3A_20] : memref<1000000xf32, #tpu.memory_space<hbm>> -> memref<31256xf32, #tpu.memory_space<hbm>>
      %dma_wait3A_40 = arith.constant 0 : i32
      %dma_wait3A_41 = tpu.memref_slice %arg6[%dma_wait3A_40] : memref<31264xf32, #tpu.memory_space<vmem>> -> memref<31256xf32, #tpu.memory_space<vmem>>
      %dma_wait3A_42 = tpu.memref_slice %arg2[%mul3A_20] : memref<1000000xf32, #tpu.memory_space<hbm>> -> memref<31256xf32, #tpu.memory_space<hbm>>
      tpu.wait_dma2 semaphore(%run_scoped3A : memref<!tpu.dma_semaphore, #tpu.memory_space<semaphore_mem>>) src(%dma_wait3A_42 : memref<31256xf32, #tpu.memory_space<hbm>>) dst(%dma_wait3A_41 : memref<31256xf32, #tpu.memory_space<vmem>>)
      tpu.yield
    }) : () -> ()
    %broadcast_in_dim3A = arith.constant 1.000000e+00 : f32
    %broadcast_in_dim3A_21 = vector.broadcast %broadcast_in_dim3A : f32 to vector<16xf32>
    %broadcast_in_dim3A_22 = arith.constant 0.000000e+00 : f32
    %broadcast_in_dim3A_23 = vector.broadcast %broadcast_in_dim3A_22 : f32 to vector<16xf32>
    %scan3A = arith.constant 0 : i32
    %scan3A_24 = arith.constant 1954 : i32
    %scan3A_25 = arith.addi %scan3A, %scan3A_24 : i32
    %scan3A_26 = arith.constant 1 : i32
    scf.for %scan3A_33 = %scan3A to %scan3A_25 step %scan3A_26  : i32 {
      %mul3A_34 = arith.constant 1 : i32
      %mul3A_35 = arith.muli %scan3A_33, %mul3A_34 : i32
      %add3A_36 = arith.constant 0 : i32
      %add3A_37 = arith.addi %add3A_36, %mul3A_35 : i32
      %mul3A_38 = arith.constant 16 : i32
      %mul3A_39 = arith.muli %add3A_37, %mul3A_38 : i32
      %get3A = arith.index_cast %mul3A_39 : i32 to index
      %get3A_40 = tpu.vector_load %arg6[%get3A] {strides = array<i32>} : memref<31264xf32, #tpu.memory_space<vmem>>, vector<16xf32>,
      %mul3A_41 = arith.constant 0.899999976 : f32
      %mul3A_42 = vector.broadcast %mul3A_41 : f32 to vector<16xf32>
      %mul3A_43 = arith.mulf %get3A_40, %mul3A_42 : vector<16xf32>
      %swap3A = arith.index_cast %mul3A_39 : i32 to index
      %swap3A_44 = tpu.vector_load %arg6[%swap3A] {strides = array<i32>} : memref<31264xf32, #tpu.memory_space<vmem>>, vector<16xf32>,
      tpu.vector_store %arg6[%swap3A], %mul3A_43 {strides = array<i32>} : memref<31264xf32, #tpu.memory_space<vmem>>, vector<16xf32>,
      %swap3A_45 = arith.index_cast %mul3A_39 : i32 to index
      %swap3A_46 = tpu.vector_load %arg7[%swap3A_45] {strides = array<i32>} : memref<31264xf32, #tpu.memory_space<vmem>>, vector<16xf32>,
      tpu.vector_store %arg7[%swap3A_45], %broadcast_in_dim3A_23 {strides = array<i32>} : memref<31264xf32, #tpu.memory_space<vmem>>, vector<16xf32>,
    }
    %scan3A_27 = arith.constant 1954 : i32
    %scan3A_28 = arith.constant 0 : i32
    %scan3A_29 = arith.constant 256 : i32
    %scan3A_30 = arith.addi %scan3A_28, %scan3A_29 : i32
    %scan3A_31 = arith.constant 1 : i32
    scf.for %scan3A_33 = %scan3A_28 to %scan3A_30 step %scan3A_31  : i32 {
      %mul3A_34 = arith.constant 1 : i32
      %mul3A_35 = arith.muli %scan3A_33, %mul3A_34 : i32
      %add3A_36 = arith.constant 0 : i32
      %add3A_37 = arith.addi %add3A_36, %mul3A_35 : i32
      %mul3A_38 = arith.constant 16 : i32
      %mul3A_39 = arith.muli %add3A_37, %mul3A_38 : i32
      %get3A = arith.index_cast %mul3A_39 : i32 to index
      %get3A_40 = tpu.vector_load %arg8[%get3A] {strides = array<i32>} : memref<4096xi32, #tpu.memory_space<vmem>>, vector<16xi32>,
      %sub3A_41 = vector.broadcast %mul3A_20 : i32 to vector<16xi32>
      %sub3A_42 = arith.subi %get3A_40, %sub3A_41 : vector<16xi32>
      %ge3A = vector.broadcast %mul3A_20 : i32 to vector<16xi32>
      %ge3A_43 = arith.cmpi sge, %get3A_40, %ge3A : vector<16xi32>
      %lt3A = arith.constant 31256 : i32
      %lt3A_44 = vector.broadcast %lt3A : i32 to vector<16xi32>
      %lt3A_45 = arith.cmpi slt, %sub3A_42, %lt3A_44 : vector<16xi32>
      %and3A_46 = arith.andi %ge3A_43, %lt3A_45 : vector<16xi1>
      %jit3A_47 = arith.constant 0 : i32
      %broadcast_in_dim3A_48 = vector.broadcast %jit3A_47 : i32 to vector<16xi32>
      %select_n3A_49 = arith.select %and3A_46, %sub3A_42, %broadcast_in_dim3A_48 : vector<16xi1>, vector<16xi32>
      tpu.vector_store_idx %arg6[%select_n3A_49], %broadcast_in_dim3A_21 masked %and3A_46 : memref<31264xf32, #tpu.memory_space<vmem>>[vector<16xi32>], vector<16xf32>, vector<16xi1>
      tpu.vector_store_idx %arg7[%select_n3A_49], %broadcast_in_dim3A_21 masked %and3A_46 : memref<31264xf32, #tpu.memory_space<vmem>>[vector<16xi32>], vector<16xf32>, vector<16xi1>
    }
    %scan3A_32 = arith.constant 256 : i32
    "tpu.region"() ({
      %run_scoped3A = tpu.sem_alloc : memref<!tpu.dma_semaphore, #tpu.memory_space<semaphore_mem>>
      %dma_start3A = arith.constant 0 : i32
      %dma_start3A_33 = tpu.memref_slice %arg6[%dma_start3A] : memref<31264xf32, #tpu.memory_space<vmem>> -> memref<31256xf32, #tpu.memory_space<vmem>>
      %dma_start3A_34 = tpu.memref_slice %arg4[%mul3A_20] : memref<1000000xf32, #tpu.memory_space<hbm>> -> memref<31256xf32, #tpu.memory_space<hbm>>
      %dma_start3A_35 = tpu.memref_slice %arg4[%mul3A_20] : memref<1000000xf32, #tpu.memory_space<hbm>> -> memref<31256xf32, #tpu.memory_space<hbm>>
      %dma_start3A_36 = arith.constant 0 : i32
      %dma_start3A_37 = tpu.memref_slice %arg6[%dma_start3A_36] : memref<31264xf32, #tpu.memory_space<vmem>> -> memref<31256xf32, #tpu.memory_space<vmem>>
      tpu.enqueue_dma source(%dma_start3A_37 : memref<31256xf32, #tpu.memory_space<vmem>>) target(%dma_start3A_35 : memref<31256xf32, #tpu.memory_space<hbm>>) target_semaphore(%run_scoped3A : memref<!tpu.dma_semaphore, #tpu.memory_space<semaphore_mem>>)
      %dma_wait3A = arith.constant 0 : i32
      %dma_wait3A_38 = tpu.memref_slice %arg6[%dma_wait3A] : memref<31264xf32, #tpu.memory_space<vmem>> -> memref<31256xf32, #tpu.memory_space<vmem>>
      %dma_wait3A_39 = tpu.memref_slice %arg4[%mul3A_20] : memref<1000000xf32, #tpu.memory_space<hbm>> -> memref<31256xf32, #tpu.memory_space<hbm>>
      %dma_wait3A_40 = tpu.memref_slice %arg4[%mul3A_20] : memref<1000000xf32, #tpu.memory_space<hbm>> -> memref<31256xf32, #tpu.memory_space<hbm>>
      %dma_wait3A_41 = arith.constant 0 : i32
      %dma_wait3A_42 = tpu.memref_slice %arg6[%dma_wait3A_41] : memref<31264xf32, #tpu.memory_space<vmem>> -> memref<31256xf32, #tpu.memory_space<vmem>>
      tpu.wait_dma2 semaphore(%run_scoped3A : memref<!tpu.dma_semaphore, #tpu.memory_space<semaphore_mem>>) src(%dma_wait3A_42 : memref<31256xf32, #tpu.memory_space<vmem>>) dst(%dma_wait3A_40 : memref<31256xf32, #tpu.memory_space<hbm>>)
      tpu.yield
    }) : () -> ()
    "tpu.region"() ({
      %run_scoped3A = tpu.sem_alloc : memref<!tpu.dma_semaphore, #tpu.memory_space<semaphore_mem>>
      %dma_start3A = arith.constant 0 : i32
      %dma_start3A_33 = tpu.memref_slice %arg7[%dma_start3A] : memref<31264xf32, #tpu.memory_space<vmem>> -> memref<31256xf32, #tpu.memory_space<vmem>>
      %dma_start3A_34 = tpu.memref_slice %arg5[%mul3A_20] : memref<1000000xf32, #tpu.memory_space<hbm>> -> memref<31256xf32, #tpu.memory_space<hbm>>
      %dma_start3A_35 = tpu.memref_slice %arg5[%mul3A_20] : memref<1000000xf32, #tpu.memory_space<hbm>> -> memref<31256xf32, #tpu.memory_space<hbm>>
      %dma_start3A_36 = arith.constant 0 : i32
      %dma_start3A_37 = tpu.memref_slice %arg7[%dma_start3A_36] : memref<31264xf32, #tpu.memory_space<vmem>> -> memref<31256xf32, #tpu.memory_space<vmem>>
      tpu.enqueue_dma source(%dma_start3A_37 : memref<31256xf32, #tpu.memory_space<vmem>>) target(%dma_start3A_35 : memref<31256xf32, #tpu.memory_space<hbm>>) target_semaphore(%run_scoped3A : memref<!tpu.dma_semaphore, #tpu.memory_space<semaphore_mem>>)
      %dma_wait3A = arith.constant 0 : i32
      %dma_wait3A_38 = tpu.memref_slice %arg7[%dma_wait3A] : memref<31264xf32, #tpu.memory_space<vmem>> -> memref<31256xf32, #tpu.memory_space<vmem>>
      %dma_wait3A_39 = tpu.memref_slice %arg5[%mul3A_20] : memref<1000000xf32, #tpu.memory_space<hbm>> -> memref<31256xf32, #tpu.memory_space<hbm>>
      %dma_wait3A_40 = tpu.memref_slice %arg5[%mul3A_20] : memref<1000000xf32, #tpu.memory_space<hbm>> -> memref<31256xf32, #tpu.memory_space<hbm>>
      %dma_wait3A_41 = arith.constant 0 : i32
      %dma_wait3A_42 = tpu.memref_slice %arg7[%dma_wait3A_41] : memref<31264xf32, #tpu.memory_space<vmem>> -> memref<31256xf32, #tpu.memory_space<vmem>>
      tpu.wait_dma2 semaphore(%run_scoped3A : memref<!tpu.dma_semaphore, #tpu.memory_space<semaphore_mem>>) src(%dma_wait3A_42 : memref<31256xf32, #tpu.memory_space<vmem>>) dst(%dma_wait3A_40 : memref<31256xf32, #tpu.memory_space<hbm>>)
      tpu.yield
    }) : () -> ()
    return
  }
}

module attributes {stable_mosaic.version = 14 : i64} {
  func.func @_keep_body(%arg0: memref<1x4096xi32, #tpu.memory_space<vmem>>, %arg1: memref<1x4096xi32, #tpu.memory_space<vmem>>) attributes {dimension_semantics = [], scalar_prefetch = 0 : i64, scratch_operands = 0 : i64, tpu.core_type = #tpu.core_type<tc>} {
    %get3A = arith.constant 0 : index
    %get3A_0 = arith.constant 0 : index
    %get3A_1 = vector.load %arg0[%get3A, %get3A_0] : memref<1x4096xi32, #tpu.memory_space<vmem>>, vector<1x4096xi32>
    %get3A_2 = vector.shape_cast %get3A_1 : vector<1x4096xi32> to vector<4096xi32>
    %iota3A = tpu.iota {dimensions = array<i32: 1>} : vector<512x4096xi32>
    %slice3A = vector.extract_strided_slice %get3A_2 {offsets = [0], sizes = [512], strides = [1]} : vector<4096xi32> to vector<512xi32>
    %broadcast_in_dim3A = vector.shape_cast %slice3A : vector<512xi32> to vector<512x1xi32>
    %broadcast_in_dim3A_3 = vector.shape_cast %get3A_2 : vector<4096xi32> to vector<1x4096xi32>
    %eq3A = vector.broadcast %broadcast_in_dim3A : vector<512x1xi32> to vector<512x4096xi32>
    %eq3A_4 = vector.broadcast %broadcast_in_dim3A_3 : vector<1x4096xi32> to vector<512x4096xi32>
    %eq3A_5 = arith.cmpi eq, %eq3A, %eq3A_4 : vector<512x4096xi32>
    %jit3A = arith.constant -1 : i32
    %broadcast_in_dim3A_6 = vector.broadcast %jit3A : i32 to vector<512x4096xi32>
    %select_n3A = arith.select %eq3A_5, %iota3A, %broadcast_in_dim3A_6 : vector<512x4096xi1>, vector<512x4096xi32>
    %reduce_max3A = arith.constant dense<-2147483648> : vector<512xi32>
    %reduce_max3A_7 = vector.multi_reduction <maxsi>, %select_n3A, %reduce_max3A [1] : vector<512x4096xi32> to vector<512xi32>
    %iota3A_8 = tpu.iota {dimensions = array<i32: 0>} : vector<512x1xi32>
    %squeeze3A = vector.shape_cast %iota3A_8 : vector<512x1xi32> to vector<512xi32>
    %add3A = arith.constant 0 : i32
    %add3A_9 = vector.broadcast %add3A : i32 to vector<512xi32>
    %add3A_10 = arith.addi %squeeze3A, %add3A_9 : vector<512xi32>
    %eq3A_11 = arith.cmpi eq, %reduce_max3A_7, %add3A_10 : vector<512xi32>
    %convert_element_type3A = arith.extui %eq3A_11 : vector<512xi1> to vector<512xi32>
    %swap3A = arith.constant 0 : index
    %swap3A_12 = arith.constant 0 : index
    %swap3A_13 = vector.load %arg1[%swap3A, %swap3A_12] : memref<1x4096xi32, #tpu.memory_space<vmem>>, vector<1x512xi32>
    %swap3A_14 = vector.shape_cast %swap3A_13 : vector<1x512xi32> to vector<512xi32>
    %swap3A_15 = vector.shape_cast %convert_element_type3A : vector<512xi32> to vector<1x512xi32>
    tpu.vector_store %arg1[%swap3A, %swap3A_12], %swap3A_15 {strides = array<i32>} : memref<1x4096xi32, #tpu.memory_space<vmem>>, vector<1x512xi32>,
    %slice3A_16 = vector.extract_strided_slice %get3A_2 {offsets = [512], sizes = [512], strides = [1]} : vector<4096xi32> to vector<512xi32>
    %broadcast_in_dim3A_17 = vector.shape_cast %slice3A_16 : vector<512xi32> to vector<512x1xi32>
    %broadcast_in_dim3A_18 = vector.shape_cast %get3A_2 : vector<4096xi32> to vector<1x4096xi32>
    %eq3A_19 = vector.broadcast %broadcast_in_dim3A_17 : vector<512x1xi32> to vector<512x4096xi32>
    %eq3A_20 = vector.broadcast %broadcast_in_dim3A_18 : vector<1x4096xi32> to vector<512x4096xi32>
    %eq3A_21 = arith.cmpi eq, %eq3A_19, %eq3A_20 : vector<512x4096xi32>
    %jit3A_22 = arith.constant -1 : i32
    %broadcast_in_dim3A_23 = vector.broadcast %jit3A_22 : i32 to vector<512x4096xi32>
    %select_n3A_24 = arith.select %eq3A_21, %iota3A, %broadcast_in_dim3A_23 : vector<512x4096xi1>, vector<512x4096xi32>
    %reduce_max3A_25 = arith.constant dense<-2147483648> : vector<512xi32>
    %reduce_max3A_26 = vector.multi_reduction <maxsi>, %select_n3A_24, %reduce_max3A_25 [1] : vector<512x4096xi32> to vector<512xi32>
    %iota3A_27 = tpu.iota {dimensions = array<i32: 0>} : vector<512x1xi32>
    %squeeze3A_28 = vector.shape_cast %iota3A_27 : vector<512x1xi32> to vector<512xi32>
    %add3A_29 = arith.constant 512 : i32
    %add3A_30 = vector.broadcast %add3A_29 : i32 to vector<512xi32>
    %add3A_31 = arith.addi %squeeze3A_28, %add3A_30 : vector<512xi32>
    %eq3A_32 = arith.cmpi eq, %reduce_max3A_26, %add3A_31 : vector<512xi32>
    %convert_element_type3A_33 = arith.extui %eq3A_32 : vector<512xi1> to vector<512xi32>
    %swap3A_34 = arith.constant 0 : index
    %swap3A_35 = arith.constant 512 : index
    %swap3A_36 = vector.load %arg1[%swap3A_34, %swap3A_35] : memref<1x4096xi32, #tpu.memory_space<vmem>>, vector<1x512xi32>
    %swap3A_37 = vector.shape_cast %swap3A_36 : vector<1x512xi32> to vector<512xi32>
    %swap3A_38 = vector.shape_cast %convert_element_type3A_33 : vector<512xi32> to vector<1x512xi32>
    tpu.vector_store %arg1[%swap3A_34, %swap3A_35], %swap3A_38 {strides = array<i32>} : memref<1x4096xi32, #tpu.memory_space<vmem>>, vector<1x512xi32>,
    %slice3A_39 = vector.extract_strided_slice %get3A_2 {offsets = [1024], sizes = [512], strides = [1]} : vector<4096xi32> to vector<512xi32>
    %broadcast_in_dim3A_40 = vector.shape_cast %slice3A_39 : vector<512xi32> to vector<512x1xi32>
    %broadcast_in_dim3A_41 = vector.shape_cast %get3A_2 : vector<4096xi32> to vector<1x4096xi32>
    %eq3A_42 = vector.broadcast %broadcast_in_dim3A_40 : vector<512x1xi32> to vector<512x4096xi32>
    %eq3A_43 = vector.broadcast %broadcast_in_dim3A_41 : vector<1x4096xi32> to vector<512x4096xi32>
    %eq3A_44 = arith.cmpi eq, %eq3A_42, %eq3A_43 : vector<512x4096xi32>
    %jit3A_45 = arith.constant -1 : i32
    %broadcast_in_dim3A_46 = vector.broadcast %jit3A_45 : i32 to vector<512x4096xi32>
    %select_n3A_47 = arith.select %eq3A_44, %iota3A, %broadcast_in_dim3A_46 : vector<512x4096xi1>, vector<512x4096xi32>
    %reduce_max3A_48 = arith.constant dense<-2147483648> : vector<512xi32>
    %reduce_max3A_49 = vector.multi_reduction <maxsi>, %select_n3A_47, %reduce_max3A_48 [1] : vector<512x4096xi32> to vector<512xi32>
    %iota3A_50 = tpu.iota {dimensions = array<i32: 0>} : vector<512x1xi32>
    %squeeze3A_51 = vector.shape_cast %iota3A_50 : vector<512x1xi32> to vector<512xi32>
    %add3A_52 = arith.constant 1024 : i32
    %add3A_53 = vector.broadcast %add3A_52 : i32 to vector<512xi32>
    %add3A_54 = arith.addi %squeeze3A_51, %add3A_53 : vector<512xi32>
    %eq3A_55 = arith.cmpi eq, %reduce_max3A_49, %add3A_54 : vector<512xi32>
    %convert_element_type3A_56 = arith.extui %eq3A_55 : vector<512xi1> to vector<512xi32>
    %swap3A_57 = arith.constant 0 : index
    %swap3A_58 = arith.constant 1024 : index
    %swap3A_59 = vector.load %arg1[%swap3A_57, %swap3A_58] : memref<1x4096xi32, #tpu.memory_space<vmem>>, vector<1x512xi32>
    %swap3A_60 = vector.shape_cast %swap3A_59 : vector<1x512xi32> to vector<512xi32>
    %swap3A_61 = vector.shape_cast %convert_element_type3A_56 : vector<512xi32> to vector<1x512xi32>
    tpu.vector_store %arg1[%swap3A_57, %swap3A_58], %swap3A_61 {strides = array<i32>} : memref<1x4096xi32, #tpu.memory_space<vmem>>, vector<1x512xi32>,
    %slice3A_62 = vector.extract_strided_slice %get3A_2 {offsets = [1536], sizes = [512], strides = [1]} : vector<4096xi32> to vector<512xi32>
    %broadcast_in_dim3A_63 = vector.shape_cast %slice3A_62 : vector<512xi32> to vector<512x1xi32>
    %broadcast_in_dim3A_64 = vector.shape_cast %get3A_2 : vector<4096xi32> to vector<1x4096xi32>
    %eq3A_65 = vector.broadcast %broadcast_in_dim3A_63 : vector<512x1xi32> to vector<512x4096xi32>
    %eq3A_66 = vector.broadcast %broadcast_in_dim3A_64 : vector<1x4096xi32> to vector<512x4096xi32>
    %eq3A_67 = arith.cmpi eq, %eq3A_65, %eq3A_66 : vector<512x4096xi32>
    %jit3A_68 = arith.constant -1 : i32
    %broadcast_in_dim3A_69 = vector.broadcast %jit3A_68 : i32 to vector<512x4096xi32>
    %select_n3A_70 = arith.select %eq3A_67, %iota3A, %broadcast_in_dim3A_69 : vector<512x4096xi1>, vector<512x4096xi32>
    %reduce_max3A_71 = arith.constant dense<-2147483648> : vector<512xi32>
    %reduce_max3A_72 = vector.multi_reduction <maxsi>, %select_n3A_70, %reduce_max3A_71 [1] : vector<512x4096xi32> to vector<512xi32>
    %iota3A_73 = tpu.iota {dimensions = array<i32: 0>} : vector<512x1xi32>
    %squeeze3A_74 = vector.shape_cast %iota3A_73 : vector<512x1xi32> to vector<512xi32>
    %add3A_75 = arith.constant 1536 : i32
    %add3A_76 = vector.broadcast %add3A_75 : i32 to vector<512xi32>
    %add3A_77 = arith.addi %squeeze3A_74, %add3A_76 : vector<512xi32>
    %eq3A_78 = arith.cmpi eq, %reduce_max3A_72, %add3A_77 : vector<512xi32>
    %convert_element_type3A_79 = arith.extui %eq3A_78 : vector<512xi1> to vector<512xi32>
    %swap3A_80 = arith.constant 0 : index
    %swap3A_81 = arith.constant 1536 : index
    %swap3A_82 = vector.load %arg1[%swap3A_80, %swap3A_81] : memref<1x4096xi32, #tpu.memory_space<vmem>>, vector<1x512xi32>
    %swap3A_83 = vector.shape_cast %swap3A_82 : vector<1x512xi32> to vector<512xi32>
    %swap3A_84 = vector.shape_cast %convert_element_type3A_79 : vector<512xi32> to vector<1x512xi32>
    tpu.vector_store %arg1[%swap3A_80, %swap3A_81], %swap3A_84 {strides = array<i32>} : memref<1x4096xi32, #tpu.memory_space<vmem>>, vector<1x512xi32>,
    %slice3A_85 = vector.extract_strided_slice %get3A_2 {offsets = [2048], sizes = [512], strides = [1]} : vector<4096xi32> to vector<512xi32>
    %broadcast_in_dim3A_86 = vector.shape_cast %slice3A_85 : vector<512xi32> to vector<512x1xi32>
    %broadcast_in_dim3A_87 = vector.shape_cast %get3A_2 : vector<4096xi32> to vector<1x4096xi32>
    %eq3A_88 = vector.broadcast %broadcast_in_dim3A_86 : vector<512x1xi32> to vector<512x4096xi32>
    %eq3A_89 = vector.broadcast %broadcast_in_dim3A_87 : vector<1x4096xi32> to vector<512x4096xi32>
    %eq3A_90 = arith.cmpi eq, %eq3A_88, %eq3A_89 : vector<512x4096xi32>
    %jit3A_91 = arith.constant -1 : i32
    %broadcast_in_dim3A_92 = vector.broadcast %jit3A_91 : i32 to vector<512x4096xi32>
    %select_n3A_93 = arith.select %eq3A_90, %iota3A, %broadcast_in_dim3A_92 : vector<512x4096xi1>, vector<512x4096xi32>
    %reduce_max3A_94 = arith.constant dense<-2147483648> : vector<512xi32>
    %reduce_max3A_95 = vector.multi_reduction <maxsi>, %select_n3A_93, %reduce_max3A_94 [1] : vector<512x4096xi32> to vector<512xi32>
    %iota3A_96 = tpu.iota {dimensions = array<i32: 0>} : vector<512x1xi32>
    %squeeze3A_97 = vector.shape_cast %iota3A_96 : vector<512x1xi32> to vector<512xi32>
    %add3A_98 = arith.constant 2048 : i32
    %add3A_99 = vector.broadcast %add3A_98 : i32 to vector<512xi32>
    %add3A_100 = arith.addi %squeeze3A_97, %add3A_99 : vector<512xi32>
    %eq3A_101 = arith.cmpi eq, %reduce_max3A_95, %add3A_100 : vector<512xi32>
    %convert_element_type3A_102 = arith.extui %eq3A_101 : vector<512xi1> to vector<512xi32>
    %swap3A_103 = arith.constant 0 : index
    %swap3A_104 = arith.constant 2048 : index
    %swap3A_105 = vector.load %arg1[%swap3A_103, %swap3A_104] : memref<1x4096xi32, #tpu.memory_space<vmem>>, vector<1x512xi32>
    %swap3A_106 = vector.shape_cast %swap3A_105 : vector<1x512xi32> to vector<512xi32>
    %swap3A_107 = vector.shape_cast %convert_element_type3A_102 : vector<512xi32> to vector<1x512xi32>
    tpu.vector_store %arg1[%swap3A_103, %swap3A_104], %swap3A_107 {strides = array<i32>} : memref<1x4096xi32, #tpu.memory_space<vmem>>, vector<1x512xi32>,
    %slice3A_108 = vector.extract_strided_slice %get3A_2 {offsets = [2560], sizes = [512], strides = [1]} : vector<4096xi32> to vector<512xi32>
    %broadcast_in_dim3A_109 = vector.shape_cast %slice3A_108 : vector<512xi32> to vector<512x1xi32>
    %broadcast_in_dim3A_110 = vector.shape_cast %get3A_2 : vector<4096xi32> to vector<1x4096xi32>
    %eq3A_111 = vector.broadcast %broadcast_in_dim3A_109 : vector<512x1xi32> to vector<512x4096xi32>
    %eq3A_112 = vector.broadcast %broadcast_in_dim3A_110 : vector<1x4096xi32> to vector<512x4096xi32>
    %eq3A_113 = arith.cmpi eq, %eq3A_111, %eq3A_112 : vector<512x4096xi32>
    %jit3A_114 = arith.constant -1 : i32
    %broadcast_in_dim3A_115 = vector.broadcast %jit3A_114 : i32 to vector<512x4096xi32>
    %select_n3A_116 = arith.select %eq3A_113, %iota3A, %broadcast_in_dim3A_115 : vector<512x4096xi1>, vector<512x4096xi32>
    %reduce_max3A_117 = arith.constant dense<-2147483648> : vector<512xi32>
    %reduce_max3A_118 = vector.multi_reduction <maxsi>, %select_n3A_116, %reduce_max3A_117 [1] : vector<512x4096xi32> to vector<512xi32>
    %iota3A_119 = tpu.iota {dimensions = array<i32: 0>} : vector<512x1xi32>
    %squeeze3A_120 = vector.shape_cast %iota3A_119 : vector<512x1xi32> to vector<512xi32>
    %add3A_121 = arith.constant 2560 : i32
    %add3A_122 = vector.broadcast %add3A_121 : i32 to vector<512xi32>
    %add3A_123 = arith.addi %squeeze3A_120, %add3A_122 : vector<512xi32>
    %eq3A_124 = arith.cmpi eq, %reduce_max3A_118, %add3A_123 : vector<512xi32>
    %convert_element_type3A_125 = arith.extui %eq3A_124 : vector<512xi1> to vector<512xi32>
    %swap3A_126 = arith.constant 0 : index
    %swap3A_127 = arith.constant 2560 : index
    %swap3A_128 = vector.load %arg1[%swap3A_126, %swap3A_127] : memref<1x4096xi32, #tpu.memory_space<vmem>>, vector<1x512xi32>
    %swap3A_129 = vector.shape_cast %swap3A_128 : vector<1x512xi32> to vector<512xi32>
    %swap3A_130 = vector.shape_cast %convert_element_type3A_125 : vector<512xi32> to vector<1x512xi32>
    tpu.vector_store %arg1[%swap3A_126, %swap3A_127], %swap3A_130 {strides = array<i32>} : memref<1x4096xi32, #tpu.memory_space<vmem>>, vector<1x512xi32>,
    %slice3A_131 = vector.extract_strided_slice %get3A_2 {offsets = [3072], sizes = [512], strides = [1]} : vector<4096xi32> to vector<512xi32>
    %broadcast_in_dim3A_132 = vector.shape_cast %slice3A_131 : vector<512xi32> to vector<512x1xi32>
    %broadcast_in_dim3A_133 = vector.shape_cast %get3A_2 : vector<4096xi32> to vector<1x4096xi32>
    %eq3A_134 = vector.broadcast %broadcast_in_dim3A_132 : vector<512x1xi32> to vector<512x4096xi32>
    %eq3A_135 = vector.broadcast %broadcast_in_dim3A_133 : vector<1x4096xi32> to vector<512x4096xi32>
    %eq3A_136 = arith.cmpi eq, %eq3A_134, %eq3A_135 : vector<512x4096xi32>
    %jit3A_137 = arith.constant -1 : i32
    %broadcast_in_dim3A_138 = vector.broadcast %jit3A_137 : i32 to vector<512x4096xi32>
    %select_n3A_139 = arith.select %eq3A_136, %iota3A, %broadcast_in_dim3A_138 : vector<512x4096xi1>, vector<512x4096xi32>
    %reduce_max3A_140 = arith.constant dense<-2147483648> : vector<512xi32>
    %reduce_max3A_141 = vector.multi_reduction <maxsi>, %select_n3A_139, %reduce_max3A_140 [1] : vector<512x4096xi32> to vector<512xi32>
    %iota3A_142 = tpu.iota {dimensions = array<i32: 0>} : vector<512x1xi32>
    %squeeze3A_143 = vector.shape_cast %iota3A_142 : vector<512x1xi32> to vector<512xi32>
    %add3A_144 = arith.constant 3072 : i32
    %add3A_145 = vector.broadcast %add3A_144 : i32 to vector<512xi32>
    %add3A_146 = arith.addi %squeeze3A_143, %add3A_145 : vector<512xi32>
    %eq3A_147 = arith.cmpi eq, %reduce_max3A_141, %add3A_146 : vector<512xi32>
    %convert_element_type3A_148 = arith.extui %eq3A_147 : vector<512xi1> to vector<512xi32>
    %swap3A_149 = arith.constant 0 : index
    %swap3A_150 = arith.constant 3072 : index
    %swap3A_151 = vector.load %arg1[%swap3A_149, %swap3A_150] : memref<1x4096xi32, #tpu.memory_space<vmem>>, vector<1x512xi32>
    %swap3A_152 = vector.shape_cast %swap3A_151 : vector<1x512xi32> to vector<512xi32>
    %swap3A_153 = vector.shape_cast %convert_element_type3A_148 : vector<512xi32> to vector<1x512xi32>
    tpu.vector_store %arg1[%swap3A_149, %swap3A_150], %swap3A_153 {strides = array<i32>} : memref<1x4096xi32, #tpu.memory_space<vmem>>, vector<1x512xi32>,
    %slice3A_154 = vector.extract_strided_slice %get3A_2 {offsets = [3584], sizes = [512], strides = [1]} : vector<4096xi32> to vector<512xi32>
    %broadcast_in_dim3A_155 = vector.shape_cast %slice3A_154 : vector<512xi32> to vector<512x1xi32>
    %broadcast_in_dim3A_156 = vector.shape_cast %get3A_2 : vector<4096xi32> to vector<1x4096xi32>
    %eq3A_157 = vector.broadcast %broadcast_in_dim3A_155 : vector<512x1xi32> to vector<512x4096xi32>
    %eq3A_158 = vector.broadcast %broadcast_in_dim3A_156 : vector<1x4096xi32> to vector<512x4096xi32>
    %eq3A_159 = arith.cmpi eq, %eq3A_157, %eq3A_158 : vector<512x4096xi32>
    %jit3A_160 = arith.constant -1 : i32
    %broadcast_in_dim3A_161 = vector.broadcast %jit3A_160 : i32 to vector<512x4096xi32>
    %select_n3A_162 = arith.select %eq3A_159, %iota3A, %broadcast_in_dim3A_161 : vector<512x4096xi1>, vector<512x4096xi32>
    %reduce_max3A_163 = arith.constant dense<-2147483648> : vector<512xi32>
    %reduce_max3A_164 = vector.multi_reduction <maxsi>, %select_n3A_162, %reduce_max3A_163 [1] : vector<512x4096xi32> to vector<512xi32>
    %iota3A_165 = tpu.iota {dimensions = array<i32: 0>} : vector<512x1xi32>
    %squeeze3A_166 = vector.shape_cast %iota3A_165 : vector<512x1xi32> to vector<512xi32>
    %add3A_167 = arith.constant 3584 : i32
    %add3A_168 = vector.broadcast %add3A_167 : i32 to vector<512xi32>
    %add3A_169 = arith.addi %squeeze3A_166, %add3A_168 : vector<512xi32>
    %eq3A_170 = arith.cmpi eq, %reduce_max3A_164, %add3A_169 : vector<512xi32>
    %convert_element_type3A_171 = arith.extui %eq3A_170 : vector<512xi1> to vector<512xi32>
    %swap3A_172 = arith.constant 0 : index
    %swap3A_173 = arith.constant 3584 : index
    %swap3A_174 = vector.load %arg1[%swap3A_172, %swap3A_173] : memref<1x4096xi32, #tpu.memory_space<vmem>>, vector<1x512xi32>
    %swap3A_175 = vector.shape_cast %swap3A_174 : vector<1x512xi32> to vector<512xi32>
    %swap3A_176 = vector.shape_cast %convert_element_type3A_171 : vector<512xi32> to vector<1x512xi32>
    tpu.vector_store %arg1[%swap3A_172, %swap3A_173], %swap3A_176 {strides = array<i32>} : memref<1x4096xi32, #tpu.memory_space<vmem>>, vector<1x512xi32>,
    return
  }
}

module attributes {stable_mosaic.version = 14 : i64} {
  func.func @_topk_body(%arg0: i32, %arg1: memref<1x1x25000xf32, #tpu.memory_space<vmem>>, %arg2: memref<25000x64xf32, #tpu.memory_space<vmem>>, %arg3: memref<64x64xf32, #tpu.memory_space<vmem>>, %arg4: memref<4096x64xf32, #tpu.memory_space<vmem>>, %arg5: memref<1x4096xi32, #tpu.memory_space<vmem>>, %arg6: memref<1x4096xi32, #tpu.memory_space<vmem>>, %arg7: memref<64x3xf32, #tpu.memory_space<vmem>>, %arg8: memref<64x3xi32, #tpu.memory_space<vmem>>) attributes {dimension_semantics = [#tpu.dimension_semantics<arbitrary>], iteration_bounds = array<i64: 40>, scalar_prefetch = 0 : i64, scratch_operands = 0 : i64, tpu.core_type = #tpu.core_type<tc>, window_params = [{transform_indices = @transform_0, window_bounds = array<i64: 1, 1, 25000>}, {transform_indices = @transform_1, window_bounds = array<i64: 25000, 64>}, {pipeline_mode = #tpu.pipeline_mode<synchronous>, transform_indices = @transform_2, window_bounds = array<i64: 64, 64>}, {pipeline_mode = #tpu.pipeline_mode<synchronous>, transform_indices = @transform_3, window_bounds = array<i64: 4096, 64>}, {pipeline_mode = #tpu.pipeline_mode<synchronous>, transform_indices = @transform_4, window_bounds = array<i64: 1, 4096>}, {pipeline_mode = #tpu.pipeline_mode<synchronous>, transform_indices = @transform_5, window_bounds = array<i64: 1, 4096>}, {pipeline_mode = #tpu.pipeline_mode<synchronous>, transform_indices = @transform_6, window_bounds = array<i64: 64, 3>}, {pipeline_mode = #tpu.pipeline_mode<synchronous>, transform_indices = @transform_7, window_bounds = array<i64: 64, 3>}]} {
    %get3A = arith.constant 0 : index
    %get3A_0 = arith.constant 0 : index
    %get3A_1 = vector.load %arg3[%get3A, %get3A_0] : memref<64x64xf32, #tpu.memory_space<vmem>>, vector<64x64xf32>
    %mul3A = arith.mulf %get3A_1, %get3A_1 : vector<64x64xf32>
    %reduce_sum3A = arith.constant dense<0.000000e+00> : vector<64xf32>
    %reduce_sum3A_2 = vector.multi_reduction <add>, %mul3A, %reduce_sum3A [1] : vector<64x64xf32> to vector<64xf32>
    %broadcast_in_dim3A = vector.shape_cast %reduce_sum3A_2 : vector<64xf32> to vector<64x1xf32>
    %sqrt3A = math.sqrt %broadcast_in_dim3A : vector<64x1xf32>
    %add3A = arith.constant 1.000000e-10 : f32
    %add3A_3 = vector.broadcast %add3A : f32 to vector<64x1xf32>
    %add3A_4 = arith.addf %sqrt3A, %add3A_3 : vector<64x1xf32>
    %div3A = vector.broadcast %add3A_4 : vector<64x1xf32> to vector<64x64xf32>
    %div3A_5 = arith.divf %get3A_1, %div3A : vector<64x64xf32>
    %eq3A = arith.constant 0 : i32
    %eq3A_6 = arith.cmpi eq, %arg0, %eq3A : i32
    %convert_element_type3A = arith.extui %eq3A_6 : i1 to i32
    %cond3A = arith.constant 0xFF800000 : f32
    %cond3A_7 = arith.constant 0 : i32
    %cond3A_8 = arith.cmpi ne, %convert_element_type3A, %cond3A_7 : i32
    scf.if %cond3A_8 {
      %get3A_2353 = arith.constant 0 : index
      %get3A_2354 = arith.constant 0 : index
      %get3A_2355 = vector.load %arg5[%get3A_2353, %get3A_2354] : memref<1x4096xi32, #tpu.memory_space<vmem>>, vector<1x4096xi32>
      %get3A_2356 = vector.shape_cast %get3A_2355 : vector<1x4096xi32> to vector<4096xi32>
      %get3A_2357 = arith.constant 0 : index
      %get3A_2358 = arith.constant 0 : index
      %get3A_2359 = vector.load %arg6[%get3A_2357, %get3A_2358] : memref<1x4096xi32, #tpu.memory_space<vmem>>, vector<1x4096xi32>
      %get3A_2360 = vector.shape_cast %get3A_2359 : vector<1x4096xi32> to vector<4096xi32>
      %get3A_2361 = arith.constant 0 : index
      %get3A_2362 = arith.constant 0 : index
      %get3A_2363 = vector.load %arg4[%get3A_2361, %get3A_2362] : memref<4096x64xf32, #tpu.memory_space<vmem>>, vector<4096x64xf32>
      %mul3A_2364 = arith.mulf %get3A_2363, %get3A_2363 : vector<4096x64xf32>
      %reduce_sum3A_2365 = arith.constant dense<0.000000e+00> : vector<4096xf32>
      %reduce_sum3A_2366 = vector.multi_reduction <add>, %mul3A_2364, %reduce_sum3A_2365 [1] : vector<4096x64xf32> to vector<4096xf32>
      %broadcast_in_dim3A_2367 = vector.shape_cast %reduce_sum3A_2366 : vector<4096xf32> to vector<4096x1xf32>
      %sqrt3A_2368 = math.sqrt %broadcast_in_dim3A_2367 : vector<4096x1xf32>
      %add3A_2369 = arith.constant 1.000000e-10 : f32
      %add3A_2370 = vector.broadcast %add3A_2369 : f32 to vector<4096x1xf32>
      %add3A_2371 = arith.addf %sqrt3A_2368, %add3A_2370 : vector<4096x1xf32>
      %div3A_2372 = vector.broadcast %add3A_2371 : vector<4096x1xf32> to vector<4096x64xf32>
      %div3A_2373 = arith.divf %get3A_2363, %div3A_2372 : vector<4096x64xf32>
      %dot_general3A_2374 = arith.constant dense<0.000000e+00> : vector<64x4096xf32>
      %dot_general3A_2375 = tpu.matmul %div3A_5, %div3A_2373, %dot_general3A_2374 {dimension_numbers = #tpu.dot_dimension_numbers<[1], [1], [0], [0], [0, 0, 1, 0], [], []>, transpose_lhs_hint = false} : vector<64x64xf32>, vector<4096x64xf32>, vector<64x4096xf32> -> vector<64x4096xf32>
      %broadcast_in_dim3A_2376 = vector.shape_cast %get3A_2360 : vector<4096xi32> to vector<1x4096xi32>
      %gt3A_2377 = arith.constant 0 : i32
      %gt3A_2378 = vector.broadcast %gt3A_2377 : i32 to vector<1x4096xi32>
      %gt3A_2379 = arith.cmpi sgt, %broadcast_in_dim3A_2376, %gt3A_2378 : vector<1x4096xi32>
      %broadcast_in_dim3A_2380 = vector.shape_cast %gt3A_2379 : vector<1x4096xi1> to vector<1x4096xi1>
      %broadcast_in_dim3A_2381 = vector.broadcast %broadcast_in_dim3A_2380 : vector<1x4096xi1> to vector<64x4096xi1>
      %broadcast_in_dim3A_2382 = vector.broadcast %cond3A : f32 to vector<64x4096xf32>
      %select_n3A_2383 = arith.select %broadcast_in_dim3A_2381, %dot_general3A_2375, %broadcast_in_dim3A_2382 : vector<64x4096xi1>, vector<64x4096xf32>
      %iota3A_2384 = tpu.iota {dimensions = array<i32: 1>} : vector<64x4096xi32>
      %reduce_max3A_2385 = arith.constant dense<0xFF800000> : vector<64xf32>
      %reduce_max3A_2386 = vector.multi_reduction <maximumf>, %select_n3A_2383, %reduce_max3A_2385 [1] : vector<64x4096xf32> to vector<64xf32>
      %broadcast_in_dim3A_2387 = vector.shape_cast %reduce_max3A_2386 : vector<64xf32> to vector<64x1xf32>
      %eq3A_2388 = vector.broadcast %broadcast_in_dim3A_2387 : vector<64x1xf32> to vector<64x4096xf32>
      %eq3A_2389 = arith.cmpf oeq, %select_n3A_2383, %eq3A_2388 : vector<64x4096xf32>
      %jit3A_2390 = arith.constant 4096 : i32
      %broadcast_in_dim3A_2391 = vector.broadcast %jit3A_2390 : i32 to vector<64x4096xi32>
      %select_n3A_2392 = arith.select %eq3A_2389, %iota3A_2384, %broadcast_in_dim3A_2391 : vector<64x4096xi1>, vector<64x4096xi32>
      %reduce_min3A_2393 = arith.constant dense<2147483647> : vector<64xi32>
      %reduce_min3A_2394 = vector.multi_reduction <minsi>, %select_n3A_2392, %reduce_min3A_2393 [1] : vector<64x4096xi32> to vector<64xi32>
      %broadcast_in_dim3A_2395 = vector.shape_cast %reduce_min3A_2394 : vector<64xi32> to vector<64x1xi32>
      %eq3A_2396 = vector.broadcast %broadcast_in_dim3A_2395 : vector<64x1xi32> to vector<64x4096xi32>
      %eq3A_2397 = arith.cmpi eq, %iota3A_2384, %eq3A_2396 : vector<64x4096xi32>
      %broadcast_in_dim3A_2398 = vector.shape_cast %get3A_2356 : vector<4096xi32> to vector<1x4096xi32>
      %jit3A_2399 = arith.constant 0 : i32
      %broadcast_in_dim3A_2400 = vector.shape_cast %broadcast_in_dim3A_2398 : vector<1x4096xi32> to vector<1x4096xi32>
      %broadcast_in_dim3A_2401 = vector.broadcast %broadcast_in_dim3A_2400 : vector<1x4096xi32> to vector<64x4096xi32>
      %broadcast_in_dim3A_2402 = vector.broadcast %jit3A_2399 : i32 to vector<64x4096xi32>
      %select_n3A_2403 = arith.select %eq3A_2397, %broadcast_in_dim3A_2401, %broadcast_in_dim3A_2402 : vector<64x4096xi1>, vector<64x4096xi32>
      %reduce_sum3A_2404 = arith.constant dense<0> : vector<64xi32>
      %reduce_sum3A_2405 = vector.multi_reduction <add>, %select_n3A_2403, %reduce_sum3A_2404 [1] : vector<64x4096xi32> to vector<64xi32>
      %broadcast_in_dim3A_2406 = vector.shape_cast %reduce_min3A_2394 : vector<64xi32> to vector<64x1xi32>
      %eq3A_2407 = vector.broadcast %broadcast_in_dim3A_2406 : vector<64x1xi32> to vector<64x4096xi32>
      %eq3A_2408 = arith.cmpi eq, %iota3A_2384, %eq3A_2407 : vector<64x4096xi32>
      %broadcast_in_dim3A_2409 = vector.broadcast %cond3A : f32 to vector<64x4096xf32>
      %select_n3A_2410 = arith.select %eq3A_2408, %broadcast_in_dim3A_2409, %select_n3A_2383 : vector<64x4096xi1>, vector<64x4096xf32>
      %reduce_max3A_2411 = arith.constant dense<0xFF800000> : vector<64xf32>
      %reduce_max3A_2412 = vector.multi_reduction <maximumf>, %select_n3A_2410, %reduce_max3A_2411 [1] : vector<64x4096xf32> to vector<64xf32>
      %broadcast_in_dim3A_2413 = vector.shape_cast %reduce_max3A_2412 : vector<64xf32> to vector<64x1xf32>
      %eq3A_2414 = vector.broadcast %broadcast_in_dim3A_2413 : vector<64x1xf32> to vector<64x4096xf32>
      %eq3A_2415 = arith.cmpf oeq, %select_n3A_2410, %eq3A_2414 : vector<64x4096xf32>
      %jit3A_2416 = arith.constant 4096 : i32
      %broadcast_in_dim3A_2417 = vector.broadcast %jit3A_2416 : i32 to vector<64x4096xi32>
      %select_n3A_2418 = arith.select %eq3A_2415, %iota3A_2384, %broadcast_in_dim3A_2417 : vector<64x4096xi1>, vector<64x4096xi32>
      %reduce_min3A_2419 = arith.constant dense<2147483647> : vector<64xi32>
      %reduce_min3A_2420 = vector.multi_reduction <minsi>, %select_n3A_2418, %reduce_min3A_2419 [1] : vector<64x4096xi32> to vector<64xi32>
      %broadcast_in_dim3A_2421 = vector.shape_cast %reduce_min3A_2420 : vector<64xi32> to vector<64x1xi32>
      %eq3A_2422 = vector.broadcast %broadcast_in_dim3A_2421 : vector<64x1xi32> to vector<64x4096xi32>
      %eq3A_2423 = arith.cmpi eq, %iota3A_2384, %eq3A_2422 : vector<64x4096xi32>
      %broadcast_in_dim3A_2424 = vector.shape_cast %get3A_2356 : vector<4096xi32> to vector<1x4096xi32>
      %jit3A_2425 = arith.constant 0 : i32
      %broadcast_in_dim3A_2426 = vector.shape_cast %broadcast_in_dim3A_2424 : vector<1x4096xi32> to vector<1x4096xi32>
      %broadcast_in_dim3A_2427 = vector.broadcast %broadcast_in_dim3A_2426 : vector<1x4096xi32> to vector<64x4096xi32>
      %broadcast_in_dim3A_2428 = vector.broadcast %jit3A_2425 : i32 to vector<64x4096xi32>
      %select_n3A_2429 = arith.select %eq3A_2423, %broadcast_in_dim3A_2427, %broadcast_in_dim3A_2428 : vector<64x4096xi1>, vector<64x4096xi32>
      %reduce_sum3A_2430 = arith.constant dense<0> : vector<64xi32>
      %reduce_sum3A_2431 = vector.multi_reduction <add>, %select_n3A_2429, %reduce_sum3A_2430 [1] : vector<64x4096xi32> to vector<64xi32>
      %broadcast_in_dim3A_2432 = vector.shape_cast %reduce_min3A_2420 : vector<64xi32> to vector<64x1xi32>
      %eq3A_2433 = vector.broadcast %broadcast_in_dim3A_2432 : vector<64x1xi32> to vector<64x4096xi32>
      %eq3A_2434 = arith.cmpi eq, %iota3A_2384, %eq3A_2433 : vector<64x4096xi32>
      %broadcast_in_dim3A_2435 = vector.broadcast %cond3A : f32 to vector<64x4096xf32>
      %select_n3A_2436 = arith.select %eq3A_2434, %broadcast_in_dim3A_2435, %select_n3A_2410 : vector<64x4096xi1>, vector<64x4096xf32>
      %reduce_max3A_2437 = arith.constant dense<0xFF800000> : vector<64xf32>
      %reduce_max3A_2438 = vector.multi_reduction <maximumf>, %select_n3A_2436, %reduce_max3A_2437 [1] : vector<64x4096xf32> to vector<64xf32>
      %broadcast_in_dim3A_2439 = vector.shape_cast %reduce_max3A_2438 : vector<64xf32> to vector<64x1xf32>
      %eq3A_2440 = vector.broadcast %broadcast_in_dim3A_2439 : vector<64x1xf32> to vector<64x4096xf32>
      %eq3A_2441 = arith.cmpf oeq, %select_n3A_2436, %eq3A_2440 : vector<64x4096xf32>
      %jit3A_2442 = arith.constant 4096 : i32
      %broadcast_in_dim3A_2443 = vector.broadcast %jit3A_2442 : i32 to vector<64x4096xi32>
      %select_n3A_2444 = arith.select %eq3A_2441, %iota3A_2384, %broadcast_in_dim3A_2443 : vector<64x4096xi1>, vector<64x4096xi32>
      %reduce_min3A_2445 = arith.constant dense<2147483647> : vector<64xi32>
      %reduce_min3A_2446 = vector.multi_reduction <minsi>, %select_n3A_2444, %reduce_min3A_2445 [1] : vector<64x4096xi32> to vector<64xi32>
      %broadcast_in_dim3A_2447 = vector.shape_cast %reduce_min3A_2446 : vector<64xi32> to vector<64x1xi32>
      %eq3A_2448 = vector.broadcast %broadcast_in_dim3A_2447 : vector<64x1xi32> to vector<64x4096xi32>
      %eq3A_2449 = arith.cmpi eq, %iota3A_2384, %eq3A_2448 : vector<64x4096xi32>
      %broadcast_in_dim3A_2450 = vector.shape_cast %get3A_2356 : vector<4096xi32> to vector<1x4096xi32>
      %jit3A_2451 = arith.constant 0 : i32
      %broadcast_in_dim3A_2452 = vector.shape_cast %broadcast_in_dim3A_2450 : vector<1x4096xi32> to vector<1x4096xi32>
      %broadcast_in_dim3A_2453 = vector.broadcast %broadcast_in_dim3A_2452 : vector<1x4096xi32> to vector<64x4096xi32>
      %broadcast_in_dim3A_2454 = vector.broadcast %jit3A_2451 : i32 to vector<64x4096xi32>
      %select_n3A_2455 = arith.select %eq3A_2449, %broadcast_in_dim3A_2453, %broadcast_in_dim3A_2454 : vector<64x4096xi1>, vector<64x4096xi32>
      %reduce_sum3A_2456 = arith.constant dense<0> : vector<64xi32>
      %reduce_sum3A_2457 = vector.multi_reduction <add>, %select_n3A_2455, %reduce_sum3A_2456 [1] : vector<64x4096xi32> to vector<64xi32>
      %stack3A_2458 = vector.shape_cast %reduce_max3A_2386 : vector<64xf32> to vector<64x1xf32>
      %stack3A_2459 = vector.shape_cast %reduce_max3A_2412 : vector<64xf32> to vector<64x1xf32>
      %stack3A_2460 = vector.shape_cast %reduce_max3A_2438 : vector<64xf32> to vector<64x1xf32>
      %stack3A_2461 = tpu.concatenate %stack3A_2458, %stack3A_2459, %stack3A_2460 in 1 : vector<64x1xf32>, vector<64x1xf32>, vector<64x1xf32> -> vector<64x3xf32>
      %swap3A_2462 = arith.constant 0 : index
      %swap3A_2463 = arith.constant 0 : index
      %swap3A_2464 = vector.load %arg7[%swap3A_2462, %swap3A_2463] : memref<64x3xf32, #tpu.memory_space<vmem>>, vector<64x3xf32>
      tpu.vector_store %arg7[%swap3A_2462, %swap3A_2463], %stack3A_2461 {strides = array<i32>} : memref<64x3xf32, #tpu.memory_space<vmem>>, vector<64x3xf32>,
      %stack3A_2465 = vector.shape_cast %reduce_sum3A_2405 : vector<64xi32> to vector<64x1xi32>
      %stack3A_2466 = vector.shape_cast %reduce_sum3A_2431 : vector<64xi32> to vector<64x1xi32>
      %stack3A_2467 = vector.shape_cast %reduce_sum3A_2457 : vector<64xi32> to vector<64x1xi32>
      %stack3A_2468 = tpu.concatenate %stack3A_2465, %stack3A_2466, %stack3A_2467 in 1 : vector<64x1xi32>, vector<64x1xi32>, vector<64x1xi32> -> vector<64x3xi32>
      %swap3A_2469 = arith.constant 0 : index
      %swap3A_2470 = arith.constant 0 : index
      %swap3A_2471 = vector.load %arg8[%swap3A_2469, %swap3A_2470] : memref<64x3xi32, #tpu.memory_space<vmem>>, vector<64x3xi32>
      tpu.vector_store %arg8[%swap3A_2469, %swap3A_2470], %stack3A_2468 {strides = array<i32>} : memref<64x3xi32, #tpu.memory_space<vmem>>, vector<64x3xi32>,
    } else {
    }
    %get3A_9 = arith.constant 0 : index
    %get3A_10 = arith.constant 0 : index
    %get3A_11 = vector.load %arg2[%get3A_9, %get3A_10] : memref<25000x64xf32, #tpu.memory_space<vmem>>, vector<25000x64xf32>
    %get3A_12 = arith.constant 0 : index
    %get3A_13 = arith.constant 0 : index
    %get3A_14 = arith.constant 0 : index
    %get3A_15 = vector.load %arg1[%get3A_12, %get3A_13, %get3A_14] : memref<1x1x25000xf32, #tpu.memory_space<vmem>>, vector<1x1x25000xf32>
    %get3A_16 = vector.shape_cast %get3A_15 : vector<1x1x25000xf32> to vector<25000xf32>
    %mul3A_17 = arith.mulf %get3A_11, %get3A_11 : vector<25000x64xf32>
    %reduce_sum3A_18 = arith.constant dense<0.000000e+00> : vector<25000xf32>
    %reduce_sum3A_19 = vector.multi_reduction <add>, %mul3A_17, %reduce_sum3A_18 [1] : vector<25000x64xf32> to vector<25000xf32>
    %broadcast_in_dim3A_20 = vector.shape_cast %reduce_sum3A_19 : vector<25000xf32> to vector<25000x1xf32>
    %sqrt3A_21 = math.sqrt %broadcast_in_dim3A_20 : vector<25000x1xf32>
    %add3A_22 = arith.constant 1.000000e-10 : f32
    %add3A_23 = vector.broadcast %add3A_22 : f32 to vector<25000x1xf32>
    %add3A_24 = arith.addf %sqrt3A_21, %add3A_23 : vector<25000x1xf32>
    %div3A_25 = vector.broadcast %add3A_24 : vector<25000x1xf32> to vector<25000x64xf32>
    %div3A_26 = arith.divf %get3A_11, %div3A_25 : vector<25000x64xf32>
    %dot_general3A = arith.constant dense<0.000000e+00> : vector<64x25000xf32>
    %dot_general3A_27 = tpu.matmul %div3A_5, %div3A_26, %dot_general3A {dimension_numbers = #tpu.dot_dimension_numbers<[1], [1], [0], [0], [0, 0, 1, 0], [], []>, transpose_lhs_hint = false} : vector<64x64xf32>, vector<25000x64xf32>, vector<64x25000xf32> -> vector<64x25000xf32>
    %broadcast_in_dim3A_28 = vector.shape_cast %get3A_16 : vector<25000xf32> to vector<1x25000xf32>
    %gt3A = arith.constant 5.000000e-01 : f32
    %gt3A_29 = vector.broadcast %gt3A : f32 to vector<1x25000xf32>
    %gt3A_30 = arith.cmpf ogt, %broadcast_in_dim3A_28, %gt3A_29 : vector<1x25000xf32>
    %jit3A = arith.constant 0xFF800000 : f32
    %broadcast_in_dim3A_31 = vector.shape_cast %gt3A_30 : vector<1x25000xi1> to vector<1x25000xi1>
    %broadcast_in_dim3A_32 = vector.broadcast %broadcast_in_dim3A_31 : vector<1x25000xi1> to vector<64x25000xi1>
    %broadcast_in_dim3A_33 = vector.broadcast %jit3A : f32 to vector<64x25000xf32>
    %select_n3A = arith.select %broadcast_in_dim3A_32, %broadcast_in_dim3A_33, %dot_general3A_27 : vector<64x25000xi1>, vector<64x25000xf32>
    %broadcast_in_dim3A_34 = arith.constant 0xFF800000 : f32
    %broadcast_in_dim3A_35 = vector.broadcast %broadcast_in_dim3A_34 : f32 to vector<64x128xf32>
    %broadcast_in_dim3A_36 = arith.constant 0xFF800000 : f32
    %broadcast_in_dim3A_37 = vector.broadcast %broadcast_in_dim3A_36 : f32 to vector<64x128xf32>
    %broadcast_in_dim3A_38 = arith.constant 0 : i32
    %broadcast_in_dim3A_39 = vector.broadcast %broadcast_in_dim3A_38 : i32 to vector<64x128xi32>
    %broadcast_in_dim3A_40 = arith.constant 0 : i32
    %broadcast_in_dim3A_41 = vector.broadcast %broadcast_in_dim3A_40 : i32 to vector<64x128xi32>
    %slice3A = vector.extract_strided_slice %select_n3A {offsets = [0, 0], sizes = [64, 128], strides = [1, 1]} : vector<64x25000xf32> to vector<64x128xf32>
    %broadcast_in_dim3A_42 = arith.constant 0 : i32
    %broadcast_in_dim3A_43 = vector.broadcast %broadcast_in_dim3A_42 : i32 to vector<64x128xi32>
    %gt3A_44 = arith.cmpf ogt, %slice3A, %broadcast_in_dim3A_35 : vector<64x128xf32>
    %select_n3A_45 = arith.select %gt3A_44, %broadcast_in_dim3A_35, %slice3A : vector<64x128xi1>, vector<64x128xf32>
    %select_n3A_46 = arith.select %gt3A_44, %broadcast_in_dim3A_39, %broadcast_in_dim3A_43 : vector<64x128xi1>, vector<64x128xi32>
    %select_n3A_47 = arith.select %gt3A_44, %slice3A, %broadcast_in_dim3A_35 : vector<64x128xi1>, vector<64x128xf32>
    %select_n3A_48 = arith.select %gt3A_44, %broadcast_in_dim3A_43, %broadcast_in_dim3A_39 : vector<64x128xi1>, vector<64x128xi32>
    %gt3A_49 = arith.cmpf ogt, %select_n3A_45, %broadcast_in_dim3A_37 : vector<64x128xf32>
    %select_n3A_50 = arith.select %gt3A_49, %select_n3A_45, %broadcast_in_dim3A_37 : vector<64x128xi1>, vector<64x128xf32>
    %select_n3A_51 = arith.select %gt3A_49, %select_n3A_46, %broadcast_in_dim3A_41 : vector<64x128xi1>, vector<64x128xi32>
    %slice3A_52 = vector.extract_strided_slice %select_n3A {offsets = [0, 128], sizes = [64, 128], strides = [1, 1]} : vector<64x25000xf32> to vector<64x128xf32>
    %broadcast_in_dim3A_53 = arith.constant 1 : i32
    %broadcast_in_dim3A_54 = vector.broadcast %broadcast_in_dim3A_53 : i32 to vector<64x128xi32>
    %gt3A_55 = arith.cmpf ogt, %slice3A_52, %select_n3A_47 : vector<64x128xf32>
    %select_n3A_56 = arith.select %gt3A_55, %select_n3A_47, %slice3A_52 : vector<64x128xi1>, vector<64x128xf32>
    %select_n3A_57 = arith.select %gt3A_55, %select_n3A_48, %broadcast_in_dim3A_54 : vector<64x128xi1>, vector<64x128xi32>
    %select_n3A_58 = arith.select %gt3A_55, %slice3A_52, %select_n3A_47 : vector<64x128xi1>, vector<64x128xf32>
    %select_n3A_59 = arith.select %gt3A_55, %broadcast_in_dim3A_54, %select_n3A_48 : vector<64x128xi1>, vector<64x128xi32>
    %gt3A_60 = arith.cmpf ogt, %select_n3A_56, %select_n3A_50 : vector<64x128xf32>
    %select_n3A_61 = arith.select %gt3A_60, %select_n3A_56, %select_n3A_50 : vector<64x128xi1>, vector<64x128xf32>
    %select_n3A_62 = arith.select %gt3A_60, %select_n3A_57, %select_n3A_51 : vector<64x128xi1>, vector<64x128xi32>
    %slice3A_63 = vector.extract_strided_slice %select_n3A {offsets = [0, 256], sizes = [64, 128], strides = [1, 1]} : vector<64x25000xf32> to vector<64x128xf32>
    %broadcast_in_dim3A_64 = arith.constant 2 : i32
    %broadcast_in_dim3A_65 = vector.broadcast %broadcast_in_dim3A_64 : i32 to vector<64x128xi32>
    %gt3A_66 = arith.cmpf ogt, %slice3A_63, %select_n3A_58 : vector<64x128xf32>
    %select_n3A_67 = arith.select %gt3A_66, %select_n3A_58, %slice3A_63 : vector<64x128xi1>, vector<64x128xf32>
    %select_n3A_68 = arith.select %gt3A_66, %select_n3A_59, %broadcast_in_dim3A_65 : vector<64x128xi1>, vector<64x128xi32>
    %select_n3A_69 = arith.select %gt3A_66, %slice3A_63, %select_n3A_58 : vector<64x128xi1>, vector<64x128xf32>
    %select_n3A_70 = arith.select %gt3A_66, %broadcast_in_dim3A_65, %select_n3A_59 : vector<64x128xi1>, vector<64x128xi32>
    %gt3A_71 = arith.cmpf ogt, %select_n3A_67, %select_n3A_61 : vector<64x128xf32>
    %select_n3A_72 = arith.select %gt3A_71, %select_n3A_67, %select_n3A_61 : vector<64x128xi1>, vector<64x128xf32>
    %select_n3A_73 = arith.select %gt3A_71, %select_n3A_68, %select_n3A_62 : vector<64x128xi1>, vector<64x128xi32>
    %slice3A_74 = vector.extract_strided_slice %select_n3A {offsets = [0, 384], sizes = [64, 128], strides = [1, 1]} : vector<64x25000xf32> to vector<64x128xf32>
    %broadcast_in_dim3A_75 = arith.constant 3 : i32
    %broadcast_in_dim3A_76 = vector.broadcast %broadcast_in_dim3A_75 : i32 to vector<64x128xi32>
    %gt3A_77 = arith.cmpf ogt, %slice3A_74, %select_n3A_69 : vector<64x128xf32>
    %select_n3A_78 = arith.select %gt3A_77, %select_n3A_69, %slice3A_74 : vector<64x128xi1>, vector<64x128xf32>
    %select_n3A_79 = arith.select %gt3A_77, %select_n3A_70, %broadcast_in_dim3A_76 : vector<64x128xi1>, vector<64x128xi32>
    %select_n3A_80 = arith.select %gt3A_77, %slice3A_74, %select_n3A_69 : vector<64x128xi1>, vector<64x128xf32>
    %select_n3A_81 = arith.select %gt3A_77, %broadcast_in_dim3A_76, %select_n3A_70 : vector<64x128xi1>, vector<64x128xi32>
    %gt3A_82 = arith.cmpf ogt, %select_n3A_78, %select_n3A_72 : vector<64x128xf32>
    %select_n3A_83 = arith.select %gt3A_82, %select_n3A_78, %select_n3A_72 : vector<64x128xi1>, vector<64x128xf32>
    %select_n3A_84 = arith.select %gt3A_82, %select_n3A_79, %select_n3A_73 : vector<64x128xi1>, vector<64x128xi32>
    %slice3A_85 = vector.extract_strided_slice %select_n3A {offsets = [0, 512], sizes = [64, 128], strides = [1, 1]} : vector<64x25000xf32> to vector<64x128xf32>
    %broadcast_in_dim3A_86 = arith.constant 4 : i32
    %broadcast_in_dim3A_87 = vector.broadcast %broadcast_in_dim3A_86 : i32 to vector<64x128xi32>
    %gt3A_88 = arith.cmpf ogt, %slice3A_85, %select_n3A_80 : vector<64x128xf32>
    %select_n3A_89 = arith.select %gt3A_88, %select_n3A_80, %slice3A_85 : vector<64x128xi1>, vector<64x128xf32>
    %select_n3A_90 = arith.select %gt3A_88, %select_n3A_81, %broadcast_in_dim3A_87 : vector<64x128xi1>, vector<64x128xi32>
    %select_n3A_91 = arith.select %gt3A_88, %slice3A_85, %select_n3A_80 : vector<64x128xi1>, vector<64x128xf32>
    %select_n3A_92 = arith.select %gt3A_88, %broadcast_in_dim3A_87, %select_n3A_81 : vector<64x128xi1>, vector<64x128xi32>
    %gt3A_93 = arith.cmpf ogt, %select_n3A_89, %select_n3A_83 : vector<64x128xf32>
    %select_n3A_94 = arith.select %gt3A_93, %select_n3A_89, %select_n3A_83 : vector<64x128xi1>, vector<64x128xf32>
    %select_n3A_95 = arith.select %gt3A_93, %select_n3A_90, %select_n3A_84 : vector<64x128xi1>, vector<64x128xi32>
    %slice3A_96 = vector.extract_strided_slice %select_n3A {offsets = [0, 640], sizes = [64, 128], strides = [1, 1]} : vector<64x25000xf32> to vector<64x128xf32>
    %broadcast_in_dim3A_97 = arith.constant 5 : i32
    %broadcast_in_dim3A_98 = vector.broadcast %broadcast_in_dim3A_97 : i32 to vector<64x128xi32>
    %gt3A_99 = arith.cmpf ogt, %slice3A_96, %select_n3A_91 : vector<64x128xf32>
    %select_n3A_100 = arith.select %gt3A_99, %select_n3A_91, %slice3A_96 : vector<64x128xi1>, vector<64x128xf32>
    %select_n3A_101 = arith.select %gt3A_99, %select_n3A_92, %broadcast_in_dim3A_98 : vector<64x128xi1>, vector<64x128xi32>
    %select_n3A_102 = arith.select %gt3A_99, %slice3A_96, %select_n3A_91 : vector<64x128xi1>, vector<64x128xf32>
    %select_n3A_103 = arith.select %gt3A_99, %broadcast_in_dim3A_98, %select_n3A_92 : vector<64x128xi1>, vector<64x128xi32>
    %gt3A_104 = arith.cmpf ogt, %select_n3A_100, %select_n3A_94 : vector<64x128xf32>
    %select_n3A_105 = arith.select %gt3A_104, %select_n3A_100, %select_n3A_94 : vector<64x128xi1>, vector<64x128xf32>
    %select_n3A_106 = arith.select %gt3A_104, %select_n3A_101, %select_n3A_95 : vector<64x128xi1>, vector<64x128xi32>
    %slice3A_107 = vector.extract_strided_slice %select_n3A {offsets = [0, 768], sizes = [64, 128], strides = [1, 1]} : vector<64x25000xf32> to vector<64x128xf32>
    %broadcast_in_dim3A_108 = arith.constant 6 : i32
    %broadcast_in_dim3A_109 = vector.broadcast %broadcast_in_dim3A_108 : i32 to vector<64x128xi32>
    %gt3A_110 = arith.cmpf ogt, %slice3A_107, %select_n3A_102 : vector<64x128xf32>
    %select_n3A_111 = arith.select %gt3A_110, %select_n3A_102, %slice3A_107 : vector<64x128xi1>, vector<64x128xf32>
    %select_n3A_112 = arith.select %gt3A_110, %select_n3A_103, %broadcast_in_dim3A_109 : vector<64x128xi1>, vector<64x128xi32>
    %select_n3A_113 = arith.select %gt3A_110, %slice3A_107, %select_n3A_102 : vector<64x128xi1>, vector<64x128xf32>
    %select_n3A_114 = arith.select %gt3A_110, %broadcast_in_dim3A_109, %select_n3A_103 : vector<64x128xi1>, vector<64x128xi32>
    %gt3A_115 = arith.cmpf ogt, %select_n3A_111, %select_n3A_105 : vector<64x128xf32>
    %select_n3A_116 = arith.select %gt3A_115, %select_n3A_111, %select_n3A_105 : vector<64x128xi1>, vector<64x128xf32>
    %select_n3A_117 = arith.select %gt3A_115, %select_n3A_112, %select_n3A_106 : vector<64x128xi1>, vector<64x128xi32>
    %slice3A_118 = vector.extract_strided_slice %select_n3A {offsets = [0, 896], sizes = [64, 128], strides = [1, 1]} : vector<64x25000xf32> to vector<64x128xf32>
    %broadcast_in_dim3A_119 = arith.constant 7 : i32
    %broadcast_in_dim3A_120 = vector.broadcast %broadcast_in_dim3A_119 : i32 to vector<64x128xi32>
    %gt3A_121 = arith.cmpf ogt, %slice3A_118, %select_n3A_113 : vector<64x128xf32>
    %select_n3A_122 = arith.select %gt3A_121, %select_n3A_113, %slice3A_118 : vector<64x128xi1>, vector<64x128xf32>
    %select_n3A_123 = arith.select %gt3A_121, %select_n3A_114, %broadcast_in_dim3A_120 : vector<64x128xi1>, vector<64x128xi32>
    %select_n3A_124 = arith.select %gt3A_121, %slice3A_118, %select_n3A_113 : vector<64x128xi1>, vector<64x128xf32>
    %select_n3A_125 = arith.select %gt3A_121, %broadcast_in_dim3A_120, %select_n3A_114 : vector<64x128xi1>, vector<64x128xi32>
    %gt3A_126 = arith.cmpf ogt, %select_n3A_122, %select_n3A_116 : vector<64x128xf32>
    %select_n3A_127 = arith.select %gt3A_126, %select_n3A_122, %select_n3A_116 : vector<64x128xi1>, vector<64x128xf32>
    %select_n3A_128 = arith.select %gt3A_126, %select_n3A_123, %select_n3A_117 : vector<64x128xi1>, vector<64x128xi32>
    %slice3A_129 = vector.extract_strided_slice %select_n3A {offsets = [0, 1024], sizes = [64, 128], strides = [1, 1]} : vector<64x25000xf32> to vector<64x128xf32>
    %broadcast_in_dim3A_130 = arith.constant 8 : i32
    %broadcast_in_dim3A_131 = vector.broadcast %broadcast_in_dim3A_130 : i32 to vector<64x128xi32>
    %gt3A_132 = arith.cmpf ogt, %slice3A_129, %select_n3A_124 : vector<64x128xf32>
    %select_n3A_133 = arith.select %gt3A_132, %select_n3A_124, %slice3A_129 : vector<64x128xi1>, vector<64x128xf32>
    %select_n3A_134 = arith.select %gt3A_132, %select_n3A_125, %broadcast_in_dim3A_131 : vector<64x128xi1>, vector<64x128xi32>
    %select_n3A_135 = arith.select %gt3A_132, %slice3A_129, %select_n3A_124 : vector<64x128xi1>, vector<64x128xf32>
    %select_n3A_136 = arith.select %gt3A_132, %broadcast_in_dim3A_131, %select_n3A_125 : vector<64x128xi1>, vector<64x128xi32>
    %gt3A_137 = arith.cmpf ogt, %select_n3A_133, %select_n3A_127 : vector<64x128xf32>
    %select_n3A_138 = arith.select %gt3A_137, %select_n3A_133, %select_n3A_127 : vector<64x128xi1>, vector<64x128xf32>
    %select_n3A_139 = arith.select %gt3A_137, %select_n3A_134, %select_n3A_128 : vector<64x128xi1>, vector<64x128xi32>
    %slice3A_140 = vector.extract_strided_slice %select_n3A {offsets = [0, 1152], sizes = [64, 128], strides = [1, 1]} : vector<64x25000xf32> to vector<64x128xf32>
    %broadcast_in_dim3A_141 = arith.constant 9 : i32
    %broadcast_in_dim3A_142 = vector.broadcast %broadcast_in_dim3A_141 : i32 to vector<64x128xi32>
    %gt3A_143 = arith.cmpf ogt, %slice3A_140, %select_n3A_135 : vector<64x128xf32>
    %select_n3A_144 = arith.select %gt3A_143, %select_n3A_135, %slice3A_140 : vector<64x128xi1>, vector<64x128xf32>
    %select_n3A_145 = arith.select %gt3A_143, %select_n3A_136, %broadcast_in_dim3A_142 : vector<64x128xi1>, vector<64x128xi32>
    %select_n3A_146 = arith.select %gt3A_143, %slice3A_140, %select_n3A_135 : vector<64x128xi1>, vector<64x128xf32>
    %select_n3A_147 = arith.select %gt3A_143, %broadcast_in_dim3A_142, %select_n3A_136 : vector<64x128xi1>, vector<64x128xi32>
    %gt3A_148 = arith.cmpf ogt, %select_n3A_144, %select_n3A_138 : vector<64x128xf32>
    %select_n3A_149 = arith.select %gt3A_148, %select_n3A_144, %select_n3A_138 : vector<64x128xi1>, vector<64x128xf32>
    %select_n3A_150 = arith.select %gt3A_148, %select_n3A_145, %select_n3A_139 : vector<64x128xi1>, vector<64x128xi32>
    %slice3A_151 = vector.extract_strided_slice %select_n3A {offsets = [0, 1280], sizes = [64, 128], strides = [1, 1]} : vector<64x25000xf32> to vector<64x128xf32>
    %broadcast_in_dim3A_152 = arith.constant 10 : i32
    %broadcast_in_dim3A_153 = vector.broadcast %broadcast_in_dim3A_152 : i32 to vector<64x128xi32>
    %gt3A_154 = arith.cmpf ogt, %slice3A_151, %select_n3A_146 : vector<64x128xf32>
    %select_n3A_155 = arith.select %gt3A_154, %select_n3A_146, %slice3A_151 : vector<64x128xi1>, vector<64x128xf32>
    %select_n3A_156 = arith.select %gt3A_154, %select_n3A_147, %broadcast_in_dim3A_153 : vector<64x128xi1>, vector<64x128xi32>
    %select_n3A_157 = arith.select %gt3A_154, %slice3A_151, %select_n3A_146 : vector<64x128xi1>, vector<64x128xf32>
    %select_n3A_158 = arith.select %gt3A_154, %broadcast_in_dim3A_153, %select_n3A_147 : vector<64x128xi1>, vector<64x128xi32>
    %gt3A_159 = arith.cmpf ogt, %select_n3A_155, %select_n3A_149 : vector<64x128xf32>
    %select_n3A_160 = arith.select %gt3A_159, %select_n3A_155, %select_n3A_149 : vector<64x128xi1>, vector<64x128xf32>
    %select_n3A_161 = arith.select %gt3A_159, %select_n3A_156, %select_n3A_150 : vector<64x128xi1>, vector<64x128xi32>
    %slice3A_162 = vector.extract_strided_slice %select_n3A {offsets = [0, 1408], sizes = [64, 128], strides = [1, 1]} : vector<64x25000xf32> to vector<64x128xf32>
    %broadcast_in_dim3A_163 = arith.constant 11 : i32
    %broadcast_in_dim3A_164 = vector.broadcast %broadcast_in_dim3A_163 : i32 to vector<64x128xi32>
    %gt3A_165 = arith.cmpf ogt, %slice3A_162, %select_n3A_157 : vector<64x128xf32>
    %select_n3A_166 = arith.select %gt3A_165, %select_n3A_157, %slice3A_162 : vector<64x128xi1>, vector<64x128xf32>
    %select_n3A_167 = arith.select %gt3A_165, %select_n3A_158, %broadcast_in_dim3A_164 : vector<64x128xi1>, vector<64x128xi32>
    %select_n3A_168 = arith.select %gt3A_165, %slice3A_162, %select_n3A_157 : vector<64x128xi1>, vector<64x128xf32>
    %select_n3A_169 = arith.select %gt3A_165, %broadcast_in_dim3A_164, %select_n3A_158 : vector<64x128xi1>, vector<64x128xi32>
    %gt3A_170 = arith.cmpf ogt, %select_n3A_166, %select_n3A_160 : vector<64x128xf32>
    %select_n3A_171 = arith.select %gt3A_170, %select_n3A_166, %select_n3A_160 : vector<64x128xi1>, vector<64x128xf32>
    %select_n3A_172 = arith.select %gt3A_170, %select_n3A_167, %select_n3A_161 : vector<64x128xi1>, vector<64x128xi32>
    %slice3A_173 = vector.extract_strided_slice %select_n3A {offsets = [0, 1536], sizes = [64, 128], strides = [1, 1]} : vector<64x25000xf32> to vector<64x128xf32>
    %broadcast_in_dim3A_174 = arith.constant 12 : i32
    %broadcast_in_dim3A_175 = vector.broadcast %broadcast_in_dim3A_174 : i32 to vector<64x128xi32>
    %gt3A_176 = arith.cmpf ogt, %slice3A_173, %select_n3A_168 : vector<64x128xf32>
    %select_n3A_177 = arith.select %gt3A_176, %select_n3A_168, %slice3A_173 : vector<64x128xi1>, vector<64x128xf32>
    %select_n3A_178 = arith.select %gt3A_176, %select_n3A_169, %broadcast_in_dim3A_175 : vector<64x128xi1>, vector<64x128xi32>
    %select_n3A_179 = arith.select %gt3A_176, %slice3A_173, %select_n3A_168 : vector<64x128xi1>, vector<64x128xf32>
    %select_n3A_180 = arith.select %gt3A_176, %broadcast_in_dim3A_175, %select_n3A_169 : vector<64x128xi1>, vector<64x128xi32>
    %gt3A_181 = arith.cmpf ogt, %select_n3A_177, %select_n3A_171 : vector<64x128xf32>
    %select_n3A_182 = arith.select %gt3A_181, %select_n3A_177, %select_n3A_171 : vector<64x128xi1>, vector<64x128xf32>
    %select_n3A_183 = arith.select %gt3A_181, %select_n3A_178, %select_n3A_172 : vector<64x128xi1>, vector<64x128xi32>
    %slice3A_184 = vector.extract_strided_slice %select_n3A {offsets = [0, 1664], sizes = [64, 128], strides = [1, 1]} : vector<64x25000xf32> to vector<64x128xf32>
    %broadcast_in_dim3A_185 = arith.constant 13 : i32
    %broadcast_in_dim3A_186 = vector.broadcast %broadcast_in_dim3A_185 : i32 to vector<64x128xi32>
    %gt3A_187 = arith.cmpf ogt, %slice3A_184, %select_n3A_179 : vector<64x128xf32>
    %select_n3A_188 = arith.select %gt3A_187, %select_n3A_179, %slice3A_184 : vector<64x128xi1>, vector<64x128xf32>
    %select_n3A_189 = arith.select %gt3A_187, %select_n3A_180, %broadcast_in_dim3A_186 : vector<64x128xi1>, vector<64x128xi32>
    %select_n3A_190 = arith.select %gt3A_187, %slice3A_184, %select_n3A_179 : vector<64x128xi1>, vector<64x128xf32>
    %select_n3A_191 = arith.select %gt3A_187, %broadcast_in_dim3A_186, %select_n3A_180 : vector<64x128xi1>, vector<64x128xi32>
    %gt3A_192 = arith.cmpf ogt, %select_n3A_188, %select_n3A_182 : vector<64x128xf32>
    %select_n3A_193 = arith.select %gt3A_192, %select_n3A_188, %select_n3A_182 : vector<64x128xi1>, vector<64x128xf32>
    %select_n3A_194 = arith.select %gt3A_192, %select_n3A_189, %select_n3A_183 : vector<64x128xi1>, vector<64x128xi32>
    %slice3A_195 = vector.extract_strided_slice %select_n3A {offsets = [0, 1792], sizes = [64, 128], strides = [1, 1]} : vector<64x25000xf32> to vector<64x128xf32>
    %broadcast_in_dim3A_196 = arith.constant 14 : i32
    %broadcast_in_dim3A_197 = vector.broadcast %broadcast_in_dim3A_196 : i32 to vector<64x128xi32>
    %gt3A_198 = arith.cmpf ogt, %slice3A_195, %select_n3A_190 : vector<64x128xf32>
    %select_n3A_199 = arith.select %gt3A_198, %select_n3A_190, %slice3A_195 : vector<64x128xi1>, vector<64x128xf32>
    %select_n3A_200 = arith.select %gt3A_198, %select_n3A_191, %broadcast_in_dim3A_197 : vector<64x128xi1>, vector<64x128xi32>
    %select_n3A_201 = arith.select %gt3A_198, %slice3A_195, %select_n3A_190 : vector<64x128xi1>, vector<64x128xf32>
    %select_n3A_202 = arith.select %gt3A_198, %broadcast_in_dim3A_197, %select_n3A_191 : vector<64x128xi1>, vector<64x128xi32>
    %gt3A_203 = arith.cmpf ogt, %select_n3A_199, %select_n3A_193 : vector<64x128xf32>
    %select_n3A_204 = arith.select %gt3A_203, %select_n3A_199, %select_n3A_193 : vector<64x128xi1>, vector<64x128xf32>
    %select_n3A_205 = arith.select %gt3A_203, %select_n3A_200, %select_n3A_194 : vector<64x128xi1>, vector<64x128xi32>
    %slice3A_206 = vector.extract_strided_slice %select_n3A {offsets = [0, 1920], sizes = [64, 128], strides = [1, 1]} : vector<64x25000xf32> to vector<64x128xf32>
    %broadcast_in_dim3A_207 = arith.constant 15 : i32
    %broadcast_in_dim3A_208 = vector.broadcast %broadcast_in_dim3A_207 : i32 to vector<64x128xi32>
    %gt3A_209 = arith.cmpf ogt, %slice3A_206, %select_n3A_201 : vector<64x128xf32>
    %select_n3A_210 = arith.select %gt3A_209, %select_n3A_201, %slice3A_206 : vector<64x128xi1>, vector<64x128xf32>
    %select_n3A_211 = arith.select %gt3A_209, %select_n3A_202, %broadcast_in_dim3A_208 : vector<64x128xi1>, vector<64x128xi32>
    %select_n3A_212 = arith.select %gt3A_209, %slice3A_206, %select_n3A_201 : vector<64x128xi1>, vector<64x128xf32>
    %select_n3A_213 = arith.select %gt3A_209, %broadcast_in_dim3A_208, %select_n3A_202 : vector<64x128xi1>, vector<64x128xi32>
    %gt3A_214 = arith.cmpf ogt, %select_n3A_210, %select_n3A_204 : vector<64x128xf32>
    %select_n3A_215 = arith.select %gt3A_214, %select_n3A_210, %select_n3A_204 : vector<64x128xi1>, vector<64x128xf32>
    %select_n3A_216 = arith.select %gt3A_214, %select_n3A_211, %select_n3A_205 : vector<64x128xi1>, vector<64x128xi32>
    %slice3A_217 = vector.extract_strided_slice %select_n3A {offsets = [0, 2048], sizes = [64, 128], strides = [1, 1]} : vector<64x25000xf32> to vector<64x128xf32>
    %broadcast_in_dim3A_218 = arith.constant 16 : i32
    %broadcast_in_dim3A_219 = vector.broadcast %broadcast_in_dim3A_218 : i32 to vector<64x128xi32>
    %gt3A_220 = arith.cmpf ogt, %slice3A_217, %select_n3A_212 : vector<64x128xf32>
    %select_n3A_221 = arith.select %gt3A_220, %select_n3A_212, %slice3A_217 : vector<64x128xi1>, vector<64x128xf32>
    %select_n3A_222 = arith.select %gt3A_220, %select_n3A_213, %broadcast_in_dim3A_219 : vector<64x128xi1>, vector<64x128xi32>
    %select_n3A_223 = arith.select %gt3A_220, %slice3A_217, %select_n3A_212 : vector<64x128xi1>, vector<64x128xf32>
    %select_n3A_224 = arith.select %gt3A_220, %broadcast_in_dim3A_219, %select_n3A_213 : vector<64x128xi1>, vector<64x128xi32>
    %gt3A_225 = arith.cmpf ogt, %select_n3A_221, %select_n3A_215 : vector<64x128xf32>
    %select_n3A_226 = arith.select %gt3A_225, %select_n3A_221, %select_n3A_215 : vector<64x128xi1>, vector<64x128xf32>
    %select_n3A_227 = arith.select %gt3A_225, %select_n3A_222, %select_n3A_216 : vector<64x128xi1>, vector<64x128xi32>
    %slice3A_228 = vector.extract_strided_slice %select_n3A {offsets = [0, 2176], sizes = [64, 128], strides = [1, 1]} : vector<64x25000xf32> to vector<64x128xf32>
    %broadcast_in_dim3A_229 = arith.constant 17 : i32
    %broadcast_in_dim3A_230 = vector.broadcast %broadcast_in_dim3A_229 : i32 to vector<64x128xi32>
    %gt3A_231 = arith.cmpf ogt, %slice3A_228, %select_n3A_223 : vector<64x128xf32>
    %select_n3A_232 = arith.select %gt3A_231, %select_n3A_223, %slice3A_228 : vector<64x128xi1>, vector<64x128xf32>
    %select_n3A_233 = arith.select %gt3A_231, %select_n3A_224, %broadcast_in_dim3A_230 : vector<64x128xi1>, vector<64x128xi32>
    %select_n3A_234 = arith.select %gt3A_231, %slice3A_228, %select_n3A_223 : vector<64x128xi1>, vector<64x128xf32>
    %select_n3A_235 = arith.select %gt3A_231, %broadcast_in_dim3A_230, %select_n3A_224 : vector<64x128xi1>, vector<64x128xi32>
    %gt3A_236 = arith.cmpf ogt, %select_n3A_232, %select_n3A_226 : vector<64x128xf32>
    %select_n3A_237 = arith.select %gt3A_236, %select_n3A_232, %select_n3A_226 : vector<64x128xi1>, vector<64x128xf32>
    %select_n3A_238 = arith.select %gt3A_236, %select_n3A_233, %select_n3A_227 : vector<64x128xi1>, vector<64x128xi32>
    %slice3A_239 = vector.extract_strided_slice %select_n3A {offsets = [0, 2304], sizes = [64, 128], strides = [1, 1]} : vector<64x25000xf32> to vector<64x128xf32>
    %broadcast_in_dim3A_240 = arith.constant 18 : i32
    %broadcast_in_dim3A_241 = vector.broadcast %broadcast_in_dim3A_240 : i32 to vector<64x128xi32>
    %gt3A_242 = arith.cmpf ogt, %slice3A_239, %select_n3A_234 : vector<64x128xf32>
    %select_n3A_243 = arith.select %gt3A_242, %select_n3A_234, %slice3A_239 : vector<64x128xi1>, vector<64x128xf32>
    %select_n3A_244 = arith.select %gt3A_242, %select_n3A_235, %broadcast_in_dim3A_241 : vector<64x128xi1>, vector<64x128xi32>
    %select_n3A_245 = arith.select %gt3A_242, %slice3A_239, %select_n3A_234 : vector<64x128xi1>, vector<64x128xf32>
    %select_n3A_246 = arith.select %gt3A_242, %broadcast_in_dim3A_241, %select_n3A_235 : vector<64x128xi1>, vector<64x128xi32>
    %gt3A_247 = arith.cmpf ogt, %select_n3A_243, %select_n3A_237 : vector<64x128xf32>
    %select_n3A_248 = arith.select %gt3A_247, %select_n3A_243, %select_n3A_237 : vector<64x128xi1>, vector<64x128xf32>
    %select_n3A_249 = arith.select %gt3A_247, %select_n3A_244, %select_n3A_238 : vector<64x128xi1>, vector<64x128xi32>
    %slice3A_250 = vector.extract_strided_slice %select_n3A {offsets = [0, 2432], sizes = [64, 128], strides = [1, 1]} : vector<64x25000xf32> to vector<64x128xf32>
    %broadcast_in_dim3A_251 = arith.constant 19 : i32
    %broadcast_in_dim3A_252 = vector.broadcast %broadcast_in_dim3A_251 : i32 to vector<64x128xi32>
    %gt3A_253 = arith.cmpf ogt, %slice3A_250, %select_n3A_245 : vector<64x128xf32>
    %select_n3A_254 = arith.select %gt3A_253, %select_n3A_245, %slice3A_250 : vector<64x128xi1>, vector<64x128xf32>
    %select_n3A_255 = arith.select %gt3A_253, %select_n3A_246, %broadcast_in_dim3A_252 : vector<64x128xi1>, vector<64x128xi32>
    %select_n3A_256 = arith.select %gt3A_253, %slice3A_250, %select_n3A_245 : vector<64x128xi1>, vector<64x128xf32>
    %select_n3A_257 = arith.select %gt3A_253, %broadcast_in_dim3A_252, %select_n3A_246 : vector<64x128xi1>, vector<64x128xi32>
    %gt3A_258 = arith.cmpf ogt, %select_n3A_254, %select_n3A_248 : vector<64x128xf32>
    %select_n3A_259 = arith.select %gt3A_258, %select_n3A_254, %select_n3A_248 : vector<64x128xi1>, vector<64x128xf32>
    %select_n3A_260 = arith.select %gt3A_258, %select_n3A_255, %select_n3A_249 : vector<64x128xi1>, vector<64x128xi32>
    %slice3A_261 = vector.extract_strided_slice %select_n3A {offsets = [0, 2560], sizes = [64, 128], strides = [1, 1]} : vector<64x25000xf32> to vector<64x128xf32>
    %broadcast_in_dim3A_262 = arith.constant 20 : i32
    %broadcast_in_dim3A_263 = vector.broadcast %broadcast_in_dim3A_262 : i32 to vector<64x128xi32>
    %gt3A_264 = arith.cmpf ogt, %slice3A_261, %select_n3A_256 : vector<64x128xf32>
    %select_n3A_265 = arith.select %gt3A_264, %select_n3A_256, %slice3A_261 : vector<64x128xi1>, vector<64x128xf32>
    %select_n3A_266 = arith.select %gt3A_264, %select_n3A_257, %broadcast_in_dim3A_263 : vector<64x128xi1>, vector<64x128xi32>
    %select_n3A_267 = arith.select %gt3A_264, %slice3A_261, %select_n3A_256 : vector<64x128xi1>, vector<64x128xf32>
    %select_n3A_268 = arith.select %gt3A_264, %broadcast_in_dim3A_263, %select_n3A_257 : vector<64x128xi1>, vector<64x128xi32>
    %gt3A_269 = arith.cmpf ogt, %select_n3A_265, %select_n3A_259 : vector<64x128xf32>
    %select_n3A_270 = arith.select %gt3A_269, %select_n3A_265, %select_n3A_259 : vector<64x128xi1>, vector<64x128xf32>
    %select_n3A_271 = arith.select %gt3A_269, %select_n3A_266, %select_n3A_260 : vector<64x128xi1>, vector<64x128xi32>
    %slice3A_272 = vector.extract_strided_slice %select_n3A {offsets = [0, 2688], sizes = [64, 128], strides = [1, 1]} : vector<64x25000xf32> to vector<64x128xf32>
    %broadcast_in_dim3A_273 = arith.constant 21 : i32
    %broadcast_in_dim3A_274 = vector.broadcast %broadcast_in_dim3A_273 : i32 to vector<64x128xi32>
    %gt3A_275 = arith.cmpf ogt, %slice3A_272, %select_n3A_267 : vector<64x128xf32>
    %select_n3A_276 = arith.select %gt3A_275, %select_n3A_267, %slice3A_272 : vector<64x128xi1>, vector<64x128xf32>
    %select_n3A_277 = arith.select %gt3A_275, %select_n3A_268, %broadcast_in_dim3A_274 : vector<64x128xi1>, vector<64x128xi32>
    %select_n3A_278 = arith.select %gt3A_275, %slice3A_272, %select_n3A_267 : vector<64x128xi1>, vector<64x128xf32>
    %select_n3A_279 = arith.select %gt3A_275, %broadcast_in_dim3A_274, %select_n3A_268 : vector<64x128xi1>, vector<64x128xi32>
    %gt3A_280 = arith.cmpf ogt, %select_n3A_276, %select_n3A_270 : vector<64x128xf32>
    %select_n3A_281 = arith.select %gt3A_280, %select_n3A_276, %select_n3A_270 : vector<64x128xi1>, vector<64x128xf32>
    %select_n3A_282 = arith.select %gt3A_280, %select_n3A_277, %select_n3A_271 : vector<64x128xi1>, vector<64x128xi32>
    %slice3A_283 = vector.extract_strided_slice %select_n3A {offsets = [0, 2816], sizes = [64, 128], strides = [1, 1]} : vector<64x25000xf32> to vector<64x128xf32>
    %broadcast_in_dim3A_284 = arith.constant 22 : i32
    %broadcast_in_dim3A_285 = vector.broadcast %broadcast_in_dim3A_284 : i32 to vector<64x128xi32>
    %gt3A_286 = arith.cmpf ogt, %slice3A_283, %select_n3A_278 : vector<64x128xf32>
    %select_n3A_287 = arith.select %gt3A_286, %select_n3A_278, %slice3A_283 : vector<64x128xi1>, vector<64x128xf32>
    %select_n3A_288 = arith.select %gt3A_286, %select_n3A_279, %broadcast_in_dim3A_285 : vector<64x128xi1>, vector<64x128xi32>
    %select_n3A_289 = arith.select %gt3A_286, %slice3A_283, %select_n3A_278 : vector<64x128xi1>, vector<64x128xf32>
    %select_n3A_290 = arith.select %gt3A_286, %broadcast_in_dim3A_285, %select_n3A_279 : vector<64x128xi1>, vector<64x128xi32>
    %gt3A_291 = arith.cmpf ogt, %select_n3A_287, %select_n3A_281 : vector<64x128xf32>
    %select_n3A_292 = arith.select %gt3A_291, %select_n3A_287, %select_n3A_281 : vector<64x128xi1>, vector<64x128xf32>
    %select_n3A_293 = arith.select %gt3A_291, %select_n3A_288, %select_n3A_282 : vector<64x128xi1>, vector<64x128xi32>
    %slice3A_294 = vector.extract_strided_slice %select_n3A {offsets = [0, 2944], sizes = [64, 128], strides = [1, 1]} : vector<64x25000xf32> to vector<64x128xf32>
    %broadcast_in_dim3A_295 = arith.constant 23 : i32
    %broadcast_in_dim3A_296 = vector.broadcast %broadcast_in_dim3A_295 : i32 to vector<64x128xi32>
    %gt3A_297 = arith.cmpf ogt, %slice3A_294, %select_n3A_289 : vector<64x128xf32>
    %select_n3A_298 = arith.select %gt3A_297, %select_n3A_289, %slice3A_294 : vector<64x128xi1>, vector<64x128xf32>
    %select_n3A_299 = arith.select %gt3A_297, %select_n3A_290, %broadcast_in_dim3A_296 : vector<64x128xi1>, vector<64x128xi32>
    %select_n3A_300 = arith.select %gt3A_297, %slice3A_294, %select_n3A_289 : vector<64x128xi1>, vector<64x128xf32>
    %select_n3A_301 = arith.select %gt3A_297, %broadcast_in_dim3A_296, %select_n3A_290 : vector<64x128xi1>, vector<64x128xi32>
    %gt3A_302 = arith.cmpf ogt, %select_n3A_298, %select_n3A_292 : vector<64x128xf32>
    %select_n3A_303 = arith.select %gt3A_302, %select_n3A_298, %select_n3A_292 : vector<64x128xi1>, vector<64x128xf32>
    %select_n3A_304 = arith.select %gt3A_302, %select_n3A_299, %select_n3A_293 : vector<64x128xi1>, vector<64x128xi32>
    %slice3A_305 = vector.extract_strided_slice %select_n3A {offsets = [0, 3072], sizes = [64, 128], strides = [1, 1]} : vector<64x25000xf32> to vector<64x128xf32>
    %broadcast_in_dim3A_306 = arith.constant 24 : i32
    %broadcast_in_dim3A_307 = vector.broadcast %broadcast_in_dim3A_306 : i32 to vector<64x128xi32>
    %gt3A_308 = arith.cmpf ogt, %slice3A_305, %select_n3A_300 : vector<64x128xf32>
    %select_n3A_309 = arith.select %gt3A_308, %select_n3A_300, %slice3A_305 : vector<64x128xi1>, vector<64x128xf32>
    %select_n3A_310 = arith.select %gt3A_308, %select_n3A_301, %broadcast_in_dim3A_307 : vector<64x128xi1>, vector<64x128xi32>
    %select_n3A_311 = arith.select %gt3A_308, %slice3A_305, %select_n3A_300 : vector<64x128xi1>, vector<64x128xf32>
    %select_n3A_312 = arith.select %gt3A_308, %broadcast_in_dim3A_307, %select_n3A_301 : vector<64x128xi1>, vector<64x128xi32>
    %gt3A_313 = arith.cmpf ogt, %select_n3A_309, %select_n3A_303 : vector<64x128xf32>
    %select_n3A_314 = arith.select %gt3A_313, %select_n3A_309, %select_n3A_303 : vector<64x128xi1>, vector<64x128xf32>
    %select_n3A_315 = arith.select %gt3A_313, %select_n3A_310, %select_n3A_304 : vector<64x128xi1>, vector<64x128xi32>
    %slice3A_316 = vector.extract_strided_slice %select_n3A {offsets = [0, 3200], sizes = [64, 128], strides = [1, 1]} : vector<64x25000xf32> to vector<64x128xf32>
    %broadcast_in_dim3A_317 = arith.constant 25 : i32
    %broadcast_in_dim3A_318 = vector.broadcast %broadcast_in_dim3A_317 : i32 to vector<64x128xi32>
    %gt3A_319 = arith.cmpf ogt, %slice3A_316, %select_n3A_311 : vector<64x128xf32>
    %select_n3A_320 = arith.select %gt3A_319, %select_n3A_311, %slice3A_316 : vector<64x128xi1>, vector<64x128xf32>
    %select_n3A_321 = arith.select %gt3A_319, %select_n3A_312, %broadcast_in_dim3A_318 : vector<64x128xi1>, vector<64x128xi32>
    %select_n3A_322 = arith.select %gt3A_319, %slice3A_316, %select_n3A_311 : vector<64x128xi1>, vector<64x128xf32>
    %select_n3A_323 = arith.select %gt3A_319, %broadcast_in_dim3A_318, %select_n3A_312 : vector<64x128xi1>, vector<64x128xi32>
    %gt3A_324 = arith.cmpf ogt, %select_n3A_320, %select_n3A_314 : vector<64x128xf32>
    %select_n3A_325 = arith.select %gt3A_324, %select_n3A_320, %select_n3A_314 : vector<64x128xi1>, vector<64x128xf32>
    %select_n3A_326 = arith.select %gt3A_324, %select_n3A_321, %select_n3A_315 : vector<64x128xi1>, vector<64x128xi32>
    %slice3A_327 = vector.extract_strided_slice %select_n3A {offsets = [0, 3328], sizes = [64, 128], strides = [1, 1]} : vector<64x25000xf32> to vector<64x128xf32>
    %broadcast_in_dim3A_328 = arith.constant 26 : i32
    %broadcast_in_dim3A_329 = vector.broadcast %broadcast_in_dim3A_328 : i32 to vector<64x128xi32>
    %gt3A_330 = arith.cmpf ogt, %slice3A_327, %select_n3A_322 : vector<64x128xf32>
    %select_n3A_331 = arith.select %gt3A_330, %select_n3A_322, %slice3A_327 : vector<64x128xi1>, vector<64x128xf32>
    %select_n3A_332 = arith.select %gt3A_330, %select_n3A_323, %broadcast_in_dim3A_329 : vector<64x128xi1>, vector<64x128xi32>
    %select_n3A_333 = arith.select %gt3A_330, %slice3A_327, %select_n3A_322 : vector<64x128xi1>, vector<64x128xf32>
    %select_n3A_334 = arith.select %gt3A_330, %broadcast_in_dim3A_329, %select_n3A_323 : vector<64x128xi1>, vector<64x128xi32>
    %gt3A_335 = arith.cmpf ogt, %select_n3A_331, %select_n3A_325 : vector<64x128xf32>
    %select_n3A_336 = arith.select %gt3A_335, %select_n3A_331, %select_n3A_325 : vector<64x128xi1>, vector<64x128xf32>
    %select_n3A_337 = arith.select %gt3A_335, %select_n3A_332, %select_n3A_326 : vector<64x128xi1>, vector<64x128xi32>
    %slice3A_338 = vector.extract_strided_slice %select_n3A {offsets = [0, 3456], sizes = [64, 128], strides = [1, 1]} : vector<64x25000xf32> to vector<64x128xf32>
    %broadcast_in_dim3A_339 = arith.constant 27 : i32
    %broadcast_in_dim3A_340 = vector.broadcast %broadcast_in_dim3A_339 : i32 to vector<64x128xi32>
    %gt3A_341 = arith.cmpf ogt, %slice3A_338, %select_n3A_333 : vector<64x128xf32>
    %select_n3A_342 = arith.select %gt3A_341, %select_n3A_333, %slice3A_338 : vector<64x128xi1>, vector<64x128xf32>
    %select_n3A_343 = arith.select %gt3A_341, %select_n3A_334, %broadcast_in_dim3A_340 : vector<64x128xi1>, vector<64x128xi32>
    %select_n3A_344 = arith.select %gt3A_341, %slice3A_338, %select_n3A_333 : vector<64x128xi1>, vector<64x128xf32>
    %select_n3A_345 = arith.select %gt3A_341, %broadcast_in_dim3A_340, %select_n3A_334 : vector<64x128xi1>, vector<64x128xi32>
    %gt3A_346 = arith.cmpf ogt, %select_n3A_342, %select_n3A_336 : vector<64x128xf32>
    %select_n3A_347 = arith.select %gt3A_346, %select_n3A_342, %select_n3A_336 : vector<64x128xi1>, vector<64x128xf32>
    %select_n3A_348 = arith.select %gt3A_346, %select_n3A_343, %select_n3A_337 : vector<64x128xi1>, vector<64x128xi32>
    %slice3A_349 = vector.extract_strided_slice %select_n3A {offsets = [0, 3584], sizes = [64, 128], strides = [1, 1]} : vector<64x25000xf32> to vector<64x128xf32>
    %broadcast_in_dim3A_350 = arith.constant 28 : i32
    %broadcast_in_dim3A_351 = vector.broadcast %broadcast_in_dim3A_350 : i32 to vector<64x128xi32>
    %gt3A_352 = arith.cmpf ogt, %slice3A_349, %select_n3A_344 : vector<64x128xf32>
    %select_n3A_353 = arith.select %gt3A_352, %select_n3A_344, %slice3A_349 : vector<64x128xi1>, vector<64x128xf32>
    %select_n3A_354 = arith.select %gt3A_352, %select_n3A_345, %broadcast_in_dim3A_351 : vector<64x128xi1>, vector<64x128xi32>
    %select_n3A_355 = arith.select %gt3A_352, %slice3A_349, %select_n3A_344 : vector<64x128xi1>, vector<64x128xf32>
    %select_n3A_356 = arith.select %gt3A_352, %broadcast_in_dim3A_351, %select_n3A_345 : vector<64x128xi1>, vector<64x128xi32>
    %gt3A_357 = arith.cmpf ogt, %select_n3A_353, %select_n3A_347 : vector<64x128xf32>
    %select_n3A_358 = arith.select %gt3A_357, %select_n3A_353, %select_n3A_347 : vector<64x128xi1>, vector<64x128xf32>
    %select_n3A_359 = arith.select %gt3A_357, %select_n3A_354, %select_n3A_348 : vector<64x128xi1>, vector<64x128xi32>
    %slice3A_360 = vector.extract_strided_slice %select_n3A {offsets = [0, 3712], sizes = [64, 128], strides = [1, 1]} : vector<64x25000xf32> to vector<64x128xf32>
    %broadcast_in_dim3A_361 = arith.constant 29 : i32
    %broadcast_in_dim3A_362 = vector.broadcast %broadcast_in_dim3A_361 : i32 to vector<64x128xi32>
    %gt3A_363 = arith.cmpf ogt, %slice3A_360, %select_n3A_355 : vector<64x128xf32>
    %select_n3A_364 = arith.select %gt3A_363, %select_n3A_355, %slice3A_360 : vector<64x128xi1>, vector<64x128xf32>
    %select_n3A_365 = arith.select %gt3A_363, %select_n3A_356, %broadcast_in_dim3A_362 : vector<64x128xi1>, vector<64x128xi32>
    %select_n3A_366 = arith.select %gt3A_363, %slice3A_360, %select_n3A_355 : vector<64x128xi1>, vector<64x128xf32>
    %select_n3A_367 = arith.select %gt3A_363, %broadcast_in_dim3A_362, %select_n3A_356 : vector<64x128xi1>, vector<64x128xi32>
    %gt3A_368 = arith.cmpf ogt, %select_n3A_364, %select_n3A_358 : vector<64x128xf32>
    %select_n3A_369 = arith.select %gt3A_368, %select_n3A_364, %select_n3A_358 : vector<64x128xi1>, vector<64x128xf32>
    %select_n3A_370 = arith.select %gt3A_368, %select_n3A_365, %select_n3A_359 : vector<64x128xi1>, vector<64x128xi32>
    %slice3A_371 = vector.extract_strided_slice %select_n3A {offsets = [0, 3840], sizes = [64, 128], strides = [1, 1]} : vector<64x25000xf32> to vector<64x128xf32>
    %broadcast_in_dim3A_372 = arith.constant 30 : i32
    %broadcast_in_dim3A_373 = vector.broadcast %broadcast_in_dim3A_372 : i32 to vector<64x128xi32>
    %gt3A_374 = arith.cmpf ogt, %slice3A_371, %select_n3A_366 : vector<64x128xf32>
    %select_n3A_375 = arith.select %gt3A_374, %select_n3A_366, %slice3A_371 : vector<64x128xi1>, vector<64x128xf32>
    %select_n3A_376 = arith.select %gt3A_374, %select_n3A_367, %broadcast_in_dim3A_373 : vector<64x128xi1>, vector<64x128xi32>
    %select_n3A_377 = arith.select %gt3A_374, %slice3A_371, %select_n3A_366 : vector<64x128xi1>, vector<64x128xf32>
    %select_n3A_378 = arith.select %gt3A_374, %broadcast_in_dim3A_373, %select_n3A_367 : vector<64x128xi1>, vector<64x128xi32>
    %gt3A_379 = arith.cmpf ogt, %select_n3A_375, %select_n3A_369 : vector<64x128xf32>
    %select_n3A_380 = arith.select %gt3A_379, %select_n3A_375, %select_n3A_369 : vector<64x128xi1>, vector<64x128xf32>
    %select_n3A_381 = arith.select %gt3A_379, %select_n3A_376, %select_n3A_370 : vector<64x128xi1>, vector<64x128xi32>
    %slice3A_382 = vector.extract_strided_slice %select_n3A {offsets = [0, 3968], sizes = [64, 128], strides = [1, 1]} : vector<64x25000xf32> to vector<64x128xf32>
    %broadcast_in_dim3A_383 = arith.constant 31 : i32
    %broadcast_in_dim3A_384 = vector.broadcast %broadcast_in_dim3A_383 : i32 to vector<64x128xi32>
    %gt3A_385 = arith.cmpf ogt, %slice3A_382, %select_n3A_377 : vector<64x128xf32>
    %select_n3A_386 = arith.select %gt3A_385, %select_n3A_377, %slice3A_382 : vector<64x128xi1>, vector<64x128xf32>
    %select_n3A_387 = arith.select %gt3A_385, %select_n3A_378, %broadcast_in_dim3A_384 : vector<64x128xi1>, vector<64x128xi32>
    %select_n3A_388 = arith.select %gt3A_385, %slice3A_382, %select_n3A_377 : vector<64x128xi1>, vector<64x128xf32>
    %select_n3A_389 = arith.select %gt3A_385, %broadcast_in_dim3A_384, %select_n3A_378 : vector<64x128xi1>, vector<64x128xi32>
    %gt3A_390 = arith.cmpf ogt, %select_n3A_386, %select_n3A_380 : vector<64x128xf32>
    %select_n3A_391 = arith.select %gt3A_390, %select_n3A_386, %select_n3A_380 : vector<64x128xi1>, vector<64x128xf32>
    %select_n3A_392 = arith.select %gt3A_390, %select_n3A_387, %select_n3A_381 : vector<64x128xi1>, vector<64x128xi32>
    %slice3A_393 = vector.extract_strided_slice %select_n3A {offsets = [0, 4096], sizes = [64, 128], strides = [1, 1]} : vector<64x25000xf32> to vector<64x128xf32>
    %broadcast_in_dim3A_394 = arith.constant 32 : i32
    %broadcast_in_dim3A_395 = vector.broadcast %broadcast_in_dim3A_394 : i32 to vector<64x128xi32>
    %gt3A_396 = arith.cmpf ogt, %slice3A_393, %select_n3A_388 : vector<64x128xf32>
    %select_n3A_397 = arith.select %gt3A_396, %select_n3A_388, %slice3A_393 : vector<64x128xi1>, vector<64x128xf32>
    %select_n3A_398 = arith.select %gt3A_396, %select_n3A_389, %broadcast_in_dim3A_395 : vector<64x128xi1>, vector<64x128xi32>
    %select_n3A_399 = arith.select %gt3A_396, %slice3A_393, %select_n3A_388 : vector<64x128xi1>, vector<64x128xf32>
    %select_n3A_400 = arith.select %gt3A_396, %broadcast_in_dim3A_395, %select_n3A_389 : vector<64x128xi1>, vector<64x128xi32>
    %gt3A_401 = arith.cmpf ogt, %select_n3A_397, %select_n3A_391 : vector<64x128xf32>
    %select_n3A_402 = arith.select %gt3A_401, %select_n3A_397, %select_n3A_391 : vector<64x128xi1>, vector<64x128xf32>
    %select_n3A_403 = arith.select %gt3A_401, %select_n3A_398, %select_n3A_392 : vector<64x128xi1>, vector<64x128xi32>
    %slice3A_404 = vector.extract_strided_slice %select_n3A {offsets = [0, 4224], sizes = [64, 128], strides = [1, 1]} : vector<64x25000xf32> to vector<64x128xf32>
    %broadcast_in_dim3A_405 = arith.constant 33 : i32
    %broadcast_in_dim3A_406 = vector.broadcast %broadcast_in_dim3A_405 : i32 to vector<64x128xi32>
    %gt3A_407 = arith.cmpf ogt, %slice3A_404, %select_n3A_399 : vector<64x128xf32>
    %select_n3A_408 = arith.select %gt3A_407, %select_n3A_399, %slice3A_404 : vector<64x128xi1>, vector<64x128xf32>
    %select_n3A_409 = arith.select %gt3A_407, %select_n3A_400, %broadcast_in_dim3A_406 : vector<64x128xi1>, vector<64x128xi32>
    %select_n3A_410 = arith.select %gt3A_407, %slice3A_404, %select_n3A_399 : vector<64x128xi1>, vector<64x128xf32>
    %select_n3A_411 = arith.select %gt3A_407, %broadcast_in_dim3A_406, %select_n3A_400 : vector<64x128xi1>, vector<64x128xi32>
    %gt3A_412 = arith.cmpf ogt, %select_n3A_408, %select_n3A_402 : vector<64x128xf32>
    %select_n3A_413 = arith.select %gt3A_412, %select_n3A_408, %select_n3A_402 : vector<64x128xi1>, vector<64x128xf32>
    %select_n3A_414 = arith.select %gt3A_412, %select_n3A_409, %select_n3A_403 : vector<64x128xi1>, vector<64x128xi32>
    %slice3A_415 = vector.extract_strided_slice %select_n3A {offsets = [0, 4352], sizes = [64, 128], strides = [1, 1]} : vector<64x25000xf32> to vector<64x128xf32>
    %broadcast_in_dim3A_416 = arith.constant 34 : i32
    %broadcast_in_dim3A_417 = vector.broadcast %broadcast_in_dim3A_416 : i32 to vector<64x128xi32>
    %gt3A_418 = arith.cmpf ogt, %slice3A_415, %select_n3A_410 : vector<64x128xf32>
    %select_n3A_419 = arith.select %gt3A_418, %select_n3A_410, %slice3A_415 : vector<64x128xi1>, vector<64x128xf32>
    %select_n3A_420 = arith.select %gt3A_418, %select_n3A_411, %broadcast_in_dim3A_417 : vector<64x128xi1>, vector<64x128xi32>
    %select_n3A_421 = arith.select %gt3A_418, %slice3A_415, %select_n3A_410 : vector<64x128xi1>, vector<64x128xf32>
    %select_n3A_422 = arith.select %gt3A_418, %broadcast_in_dim3A_417, %select_n3A_411 : vector<64x128xi1>, vector<64x128xi32>
    %gt3A_423 = arith.cmpf ogt, %select_n3A_419, %select_n3A_413 : vector<64x128xf32>
    %select_n3A_424 = arith.select %gt3A_423, %select_n3A_419, %select_n3A_413 : vector<64x128xi1>, vector<64x128xf32>
    %select_n3A_425 = arith.select %gt3A_423, %select_n3A_420, %select_n3A_414 : vector<64x128xi1>, vector<64x128xi32>
    %slice3A_426 = vector.extract_strided_slice %select_n3A {offsets = [0, 4480], sizes = [64, 128], strides = [1, 1]} : vector<64x25000xf32> to vector<64x128xf32>
    %broadcast_in_dim3A_427 = arith.constant 35 : i32
    %broadcast_in_dim3A_428 = vector.broadcast %broadcast_in_dim3A_427 : i32 to vector<64x128xi32>
    %gt3A_429 = arith.cmpf ogt, %slice3A_426, %select_n3A_421 : vector<64x128xf32>
    %select_n3A_430 = arith.select %gt3A_429, %select_n3A_421, %slice3A_426 : vector<64x128xi1>, vector<64x128xf32>
    %select_n3A_431 = arith.select %gt3A_429, %select_n3A_422, %broadcast_in_dim3A_428 : vector<64x128xi1>, vector<64x128xi32>
    %select_n3A_432 = arith.select %gt3A_429, %slice3A_426, %select_n3A_421 : vector<64x128xi1>, vector<64x128xf32>
    %select_n3A_433 = arith.select %gt3A_429, %broadcast_in_dim3A_428, %select_n3A_422 : vector<64x128xi1>, vector<64x128xi32>
    %gt3A_434 = arith.cmpf ogt, %select_n3A_430, %select_n3A_424 : vector<64x128xf32>
    %select_n3A_435 = arith.select %gt3A_434, %select_n3A_430, %select_n3A_424 : vector<64x128xi1>, vector<64x128xf32>
    %select_n3A_436 = arith.select %gt3A_434, %select_n3A_431, %select_n3A_425 : vector<64x128xi1>, vector<64x128xi32>
    %slice3A_437 = vector.extract_strided_slice %select_n3A {offsets = [0, 4608], sizes = [64, 128], strides = [1, 1]} : vector<64x25000xf32> to vector<64x128xf32>
    %broadcast_in_dim3A_438 = arith.constant 36 : i32
    %broadcast_in_dim3A_439 = vector.broadcast %broadcast_in_dim3A_438 : i32 to vector<64x128xi32>
    %gt3A_440 = arith.cmpf ogt, %slice3A_437, %select_n3A_432 : vector<64x128xf32>
    %select_n3A_441 = arith.select %gt3A_440, %select_n3A_432, %slice3A_437 : vector<64x128xi1>, vector<64x128xf32>
    %select_n3A_442 = arith.select %gt3A_440, %select_n3A_433, %broadcast_in_dim3A_439 : vector<64x128xi1>, vector<64x128xi32>
    %select_n3A_443 = arith.select %gt3A_440, %slice3A_437, %select_n3A_432 : vector<64x128xi1>, vector<64x128xf32>
    %select_n3A_444 = arith.select %gt3A_440, %broadcast_in_dim3A_439, %select_n3A_433 : vector<64x128xi1>, vector<64x128xi32>
    %gt3A_445 = arith.cmpf ogt, %select_n3A_441, %select_n3A_435 : vector<64x128xf32>
    %select_n3A_446 = arith.select %gt3A_445, %select_n3A_441, %select_n3A_435 : vector<64x128xi1>, vector<64x128xf32>
    %select_n3A_447 = arith.select %gt3A_445, %select_n3A_442, %select_n3A_436 : vector<64x128xi1>, vector<64x128xi32>
    %slice3A_448 = vector.extract_strided_slice %select_n3A {offsets = [0, 4736], sizes = [64, 128], strides = [1, 1]} : vector<64x25000xf32> to vector<64x128xf32>
    %broadcast_in_dim3A_449 = arith.constant 37 : i32
    %broadcast_in_dim3A_450 = vector.broadcast %broadcast_in_dim3A_449 : i32 to vector<64x128xi32>
    %gt3A_451 = arith.cmpf ogt, %slice3A_448, %select_n3A_443 : vector<64x128xf32>
    %select_n3A_452 = arith.select %gt3A_451, %select_n3A_443, %slice3A_448 : vector<64x128xi1>, vector<64x128xf32>
    %select_n3A_453 = arith.select %gt3A_451, %select_n3A_444, %broadcast_in_dim3A_450 : vector<64x128xi1>, vector<64x128xi32>
    %select_n3A_454 = arith.select %gt3A_451, %slice3A_448, %select_n3A_443 : vector<64x128xi1>, vector<64x128xf32>
    %select_n3A_455 = arith.select %gt3A_451, %broadcast_in_dim3A_450, %select_n3A_444 : vector<64x128xi1>, vector<64x128xi32>
    %gt3A_456 = arith.cmpf ogt, %select_n3A_452, %select_n3A_446 : vector<64x128xf32>
    %select_n3A_457 = arith.select %gt3A_456, %select_n3A_452, %select_n3A_446 : vector<64x128xi1>, vector<64x128xf32>
    %select_n3A_458 = arith.select %gt3A_456, %select_n3A_453, %select_n3A_447 : vector<64x128xi1>, vector<64x128xi32>
    %slice3A_459 = vector.extract_strided_slice %select_n3A {offsets = [0, 4864], sizes = [64, 128], strides = [1, 1]} : vector<64x25000xf32> to vector<64x128xf32>
    %broadcast_in_dim3A_460 = arith.constant 38 : i32
    %broadcast_in_dim3A_461 = vector.broadcast %broadcast_in_dim3A_460 : i32 to vector<64x128xi32>
    %gt3A_462 = arith.cmpf ogt, %slice3A_459, %select_n3A_454 : vector<64x128xf32>
    %select_n3A_463 = arith.select %gt3A_462, %select_n3A_454, %slice3A_459 : vector<64x128xi1>, vector<64x128xf32>
    %select_n3A_464 = arith.select %gt3A_462, %select_n3A_455, %broadcast_in_dim3A_461 : vector<64x128xi1>, vector<64x128xi32>
    %select_n3A_465 = arith.select %gt3A_462, %slice3A_459, %select_n3A_454 : vector<64x128xi1>, vector<64x128xf32>
    %select_n3A_466 = arith.select %gt3A_462, %broadcast_in_dim3A_461, %select_n3A_455 : vector<64x128xi1>, vector<64x128xi32>
    %gt3A_467 = arith.cmpf ogt, %select_n3A_463, %select_n3A_457 : vector<64x128xf32>
    %select_n3A_468 = arith.select %gt3A_467, %select_n3A_463, %select_n3A_457 : vector<64x128xi1>, vector<64x128xf32>
    %select_n3A_469 = arith.select %gt3A_467, %select_n3A_464, %select_n3A_458 : vector<64x128xi1>, vector<64x128xi32>
    %slice3A_470 = vector.extract_strided_slice %select_n3A {offsets = [0, 4992], sizes = [64, 128], strides = [1, 1]} : vector<64x25000xf32> to vector<64x128xf32>
    %broadcast_in_dim3A_471 = arith.constant 39 : i32
    %broadcast_in_dim3A_472 = vector.broadcast %broadcast_in_dim3A_471 : i32 to vector<64x128xi32>
    %gt3A_473 = arith.cmpf ogt, %slice3A_470, %select_n3A_465 : vector<64x128xf32>
    %select_n3A_474 = arith.select %gt3A_473, %select_n3A_465, %slice3A_470 : vector<64x128xi1>, vector<64x128xf32>
    %select_n3A_475 = arith.select %gt3A_473, %select_n3A_466, %broadcast_in_dim3A_472 : vector<64x128xi1>, vector<64x128xi32>
    %select_n3A_476 = arith.select %gt3A_473, %slice3A_470, %select_n3A_465 : vector<64x128xi1>, vector<64x128xf32>
    %select_n3A_477 = arith.select %gt3A_473, %broadcast_in_dim3A_472, %select_n3A_466 : vector<64x128xi1>, vector<64x128xi32>
    %gt3A_478 = arith.cmpf ogt, %select_n3A_474, %select_n3A_468 : vector<64x128xf32>
    %select_n3A_479 = arith.select %gt3A_478, %select_n3A_474, %select_n3A_468 : vector<64x128xi1>, vector<64x128xf32>
    %select_n3A_480 = arith.select %gt3A_478, %select_n3A_475, %select_n3A_469 : vector<64x128xi1>, vector<64x128xi32>
    %slice3A_481 = vector.extract_strided_slice %select_n3A {offsets = [0, 5120], sizes = [64, 128], strides = [1, 1]} : vector<64x25000xf32> to vector<64x128xf32>
    %broadcast_in_dim3A_482 = arith.constant 40 : i32
    %broadcast_in_dim3A_483 = vector.broadcast %broadcast_in_dim3A_482 : i32 to vector<64x128xi32>
    %gt3A_484 = arith.cmpf ogt, %slice3A_481, %select_n3A_476 : vector<64x128xf32>
    %select_n3A_485 = arith.select %gt3A_484, %select_n3A_476, %slice3A_481 : vector<64x128xi1>, vector<64x128xf32>
    %select_n3A_486 = arith.select %gt3A_484, %select_n3A_477, %broadcast_in_dim3A_483 : vector<64x128xi1>, vector<64x128xi32>
    %select_n3A_487 = arith.select %gt3A_484, %slice3A_481, %select_n3A_476 : vector<64x128xi1>, vector<64x128xf32>
    %select_n3A_488 = arith.select %gt3A_484, %broadcast_in_dim3A_483, %select_n3A_477 : vector<64x128xi1>, vector<64x128xi32>
    %gt3A_489 = arith.cmpf ogt, %select_n3A_485, %select_n3A_479 : vector<64x128xf32>
    %select_n3A_490 = arith.select %gt3A_489, %select_n3A_485, %select_n3A_479 : vector<64x128xi1>, vector<64x128xf32>
    %select_n3A_491 = arith.select %gt3A_489, %select_n3A_486, %select_n3A_480 : vector<64x128xi1>, vector<64x128xi32>
    %slice3A_492 = vector.extract_strided_slice %select_n3A {offsets = [0, 5248], sizes = [64, 128], strides = [1, 1]} : vector<64x25000xf32> to vector<64x128xf32>
    %broadcast_in_dim3A_493 = arith.constant 41 : i32
    %broadcast_in_dim3A_494 = vector.broadcast %broadcast_in_dim3A_493 : i32 to vector<64x128xi32>
    %gt3A_495 = arith.cmpf ogt, %slice3A_492, %select_n3A_487 : vector<64x128xf32>
    %select_n3A_496 = arith.select %gt3A_495, %select_n3A_487, %slice3A_492 : vector<64x128xi1>, vector<64x128xf32>
    %select_n3A_497 = arith.select %gt3A_495, %select_n3A_488, %broadcast_in_dim3A_494 : vector<64x128xi1>, vector<64x128xi32>
    %select_n3A_498 = arith.select %gt3A_495, %slice3A_492, %select_n3A_487 : vector<64x128xi1>, vector<64x128xf32>
    %select_n3A_499 = arith.select %gt3A_495, %broadcast_in_dim3A_494, %select_n3A_488 : vector<64x128xi1>, vector<64x128xi32>
    %gt3A_500 = arith.cmpf ogt, %select_n3A_496, %select_n3A_490 : vector<64x128xf32>
    %select_n3A_501 = arith.select %gt3A_500, %select_n3A_496, %select_n3A_490 : vector<64x128xi1>, vector<64x128xf32>
    %select_n3A_502 = arith.select %gt3A_500, %select_n3A_497, %select_n3A_491 : vector<64x128xi1>, vector<64x128xi32>
    %slice3A_503 = vector.extract_strided_slice %select_n3A {offsets = [0, 5376], sizes = [64, 128], strides = [1, 1]} : vector<64x25000xf32> to vector<64x128xf32>
    %broadcast_in_dim3A_504 = arith.constant 42 : i32
    %broadcast_in_dim3A_505 = vector.broadcast %broadcast_in_dim3A_504 : i32 to vector<64x128xi32>
    %gt3A_506 = arith.cmpf ogt, %slice3A_503, %select_n3A_498 : vector<64x128xf32>
    %select_n3A_507 = arith.select %gt3A_506, %select_n3A_498, %slice3A_503 : vector<64x128xi1>, vector<64x128xf32>
    %select_n3A_508 = arith.select %gt3A_506, %select_n3A_499, %broadcast_in_dim3A_505 : vector<64x128xi1>, vector<64x128xi32>
    %select_n3A_509 = arith.select %gt3A_506, %slice3A_503, %select_n3A_498 : vector<64x128xi1>, vector<64x128xf32>
    %select_n3A_510 = arith.select %gt3A_506, %broadcast_in_dim3A_505, %select_n3A_499 : vector<64x128xi1>, vector<64x128xi32>
    %gt3A_511 = arith.cmpf ogt, %select_n3A_507, %select_n3A_501 : vector<64x128xf32>
    %select_n3A_512 = arith.select %gt3A_511, %select_n3A_507, %select_n3A_501 : vector<64x128xi1>, vector<64x128xf32>
    %select_n3A_513 = arith.select %gt3A_511, %select_n3A_508, %select_n3A_502 : vector<64x128xi1>, vector<64x128xi32>
    %slice3A_514 = vector.extract_strided_slice %select_n3A {offsets = [0, 5504], sizes = [64, 128], strides = [1, 1]} : vector<64x25000xf32> to vector<64x128xf32>
    %broadcast_in_dim3A_515 = arith.constant 43 : i32
    %broadcast_in_dim3A_516 = vector.broadcast %broadcast_in_dim3A_515 : i32 to vector<64x128xi32>
    %gt3A_517 = arith.cmpf ogt, %slice3A_514, %select_n3A_509 : vector<64x128xf32>
    %select_n3A_518 = arith.select %gt3A_517, %select_n3A_509, %slice3A_514 : vector<64x128xi1>, vector<64x128xf32>
    %select_n3A_519 = arith.select %gt3A_517, %select_n3A_510, %broadcast_in_dim3A_516 : vector<64x128xi1>, vector<64x128xi32>
    %select_n3A_520 = arith.select %gt3A_517, %slice3A_514, %select_n3A_509 : vector<64x128xi1>, vector<64x128xf32>
    %select_n3A_521 = arith.select %gt3A_517, %broadcast_in_dim3A_516, %select_n3A_510 : vector<64x128xi1>, vector<64x128xi32>
    %gt3A_522 = arith.cmpf ogt, %select_n3A_518, %select_n3A_512 : vector<64x128xf32>
    %select_n3A_523 = arith.select %gt3A_522, %select_n3A_518, %select_n3A_512 : vector<64x128xi1>, vector<64x128xf32>
    %select_n3A_524 = arith.select %gt3A_522, %select_n3A_519, %select_n3A_513 : vector<64x128xi1>, vector<64x128xi32>
    %slice3A_525 = vector.extract_strided_slice %select_n3A {offsets = [0, 5632], sizes = [64, 128], strides = [1, 1]} : vector<64x25000xf32> to vector<64x128xf32>
    %broadcast_in_dim3A_526 = arith.constant 44 : i32
    %broadcast_in_dim3A_527 = vector.broadcast %broadcast_in_dim3A_526 : i32 to vector<64x128xi32>
    %gt3A_528 = arith.cmpf ogt, %slice3A_525, %select_n3A_520 : vector<64x128xf32>
    %select_n3A_529 = arith.select %gt3A_528, %select_n3A_520, %slice3A_525 : vector<64x128xi1>, vector<64x128xf32>
    %select_n3A_530 = arith.select %gt3A_528, %select_n3A_521, %broadcast_in_dim3A_527 : vector<64x128xi1>, vector<64x128xi32>
    %select_n3A_531 = arith.select %gt3A_528, %slice3A_525, %select_n3A_520 : vector<64x128xi1>, vector<64x128xf32>
    %select_n3A_532 = arith.select %gt3A_528, %broadcast_in_dim3A_527, %select_n3A_521 : vector<64x128xi1>, vector<64x128xi32>
    %gt3A_533 = arith.cmpf ogt, %select_n3A_529, %select_n3A_523 : vector<64x128xf32>
    %select_n3A_534 = arith.select %gt3A_533, %select_n3A_529, %select_n3A_523 : vector<64x128xi1>, vector<64x128xf32>
    %select_n3A_535 = arith.select %gt3A_533, %select_n3A_530, %select_n3A_524 : vector<64x128xi1>, vector<64x128xi32>
    %slice3A_536 = vector.extract_strided_slice %select_n3A {offsets = [0, 5760], sizes = [64, 128], strides = [1, 1]} : vector<64x25000xf32> to vector<64x128xf32>
    %broadcast_in_dim3A_537 = arith.constant 45 : i32
    %broadcast_in_dim3A_538 = vector.broadcast %broadcast_in_dim3A_537 : i32 to vector<64x128xi32>
    %gt3A_539 = arith.cmpf ogt, %slice3A_536, %select_n3A_531 : vector<64x128xf32>
    %select_n3A_540 = arith.select %gt3A_539, %select_n3A_531, %slice3A_536 : vector<64x128xi1>, vector<64x128xf32>
    %select_n3A_541 = arith.select %gt3A_539, %select_n3A_532, %broadcast_in_dim3A_538 : vector<64x128xi1>, vector<64x128xi32>
    %select_n3A_542 = arith.select %gt3A_539, %slice3A_536, %select_n3A_531 : vector<64x128xi1>, vector<64x128xf32>
    %select_n3A_543 = arith.select %gt3A_539, %broadcast_in_dim3A_538, %select_n3A_532 : vector<64x128xi1>, vector<64x128xi32>
    %gt3A_544 = arith.cmpf ogt, %select_n3A_540, %select_n3A_534 : vector<64x128xf32>
    %select_n3A_545 = arith.select %gt3A_544, %select_n3A_540, %select_n3A_534 : vector<64x128xi1>, vector<64x128xf32>
    %select_n3A_546 = arith.select %gt3A_544, %select_n3A_541, %select_n3A_535 : vector<64x128xi1>, vector<64x128xi32>
    %slice3A_547 = vector.extract_strided_slice %select_n3A {offsets = [0, 5888], sizes = [64, 128], strides = [1, 1]} : vector<64x25000xf32> to vector<64x128xf32>
    %broadcast_in_dim3A_548 = arith.constant 46 : i32
    %broadcast_in_dim3A_549 = vector.broadcast %broadcast_in_dim3A_548 : i32 to vector<64x128xi32>
    %gt3A_550 = arith.cmpf ogt, %slice3A_547, %select_n3A_542 : vector<64x128xf32>
    %select_n3A_551 = arith.select %gt3A_550, %select_n3A_542, %slice3A_547 : vector<64x128xi1>, vector<64x128xf32>
    %select_n3A_552 = arith.select %gt3A_550, %select_n3A_543, %broadcast_in_dim3A_549 : vector<64x128xi1>, vector<64x128xi32>
    %select_n3A_553 = arith.select %gt3A_550, %slice3A_547, %select_n3A_542 : vector<64x128xi1>, vector<64x128xf32>
    %select_n3A_554 = arith.select %gt3A_550, %broadcast_in_dim3A_549, %select_n3A_543 : vector<64x128xi1>, vector<64x128xi32>
    %gt3A_555 = arith.cmpf ogt, %select_n3A_551, %select_n3A_545 : vector<64x128xf32>
    %select_n3A_556 = arith.select %gt3A_555, %select_n3A_551, %select_n3A_545 : vector<64x128xi1>, vector<64x128xf32>
    %select_n3A_557 = arith.select %gt3A_555, %select_n3A_552, %select_n3A_546 : vector<64x128xi1>, vector<64x128xi32>
    %slice3A_558 = vector.extract_strided_slice %select_n3A {offsets = [0, 6016], sizes = [64, 128], strides = [1, 1]} : vector<64x25000xf32> to vector<64x128xf32>
    %broadcast_in_dim3A_559 = arith.constant 47 : i32
    %broadcast_in_dim3A_560 = vector.broadcast %broadcast_in_dim3A_559 : i32 to vector<64x128xi32>
    %gt3A_561 = arith.cmpf ogt, %slice3A_558, %select_n3A_553 : vector<64x128xf32>
    %select_n3A_562 = arith.select %gt3A_561, %select_n3A_553, %slice3A_558 : vector<64x128xi1>, vector<64x128xf32>
    %select_n3A_563 = arith.select %gt3A_561, %select_n3A_554, %broadcast_in_dim3A_560 : vector<64x128xi1>, vector<64x128xi32>
    %select_n3A_564 = arith.select %gt3A_561, %slice3A_558, %select_n3A_553 : vector<64x128xi1>, vector<64x128xf32>
    %select_n3A_565 = arith.select %gt3A_561, %broadcast_in_dim3A_560, %select_n3A_554 : vector<64x128xi1>, vector<64x128xi32>
    %gt3A_566 = arith.cmpf ogt, %select_n3A_562, %select_n3A_556 : vector<64x128xf32>
    %select_n3A_567 = arith.select %gt3A_566, %select_n3A_562, %select_n3A_556 : vector<64x128xi1>, vector<64x128xf32>
    %select_n3A_568 = arith.select %gt3A_566, %select_n3A_563, %select_n3A_557 : vector<64x128xi1>, vector<64x128xi32>
    %slice3A_569 = vector.extract_strided_slice %select_n3A {offsets = [0, 6144], sizes = [64, 128], strides = [1, 1]} : vector<64x25000xf32> to vector<64x128xf32>
    %broadcast_in_dim3A_570 = arith.constant 48 : i32
    %broadcast_in_dim3A_571 = vector.broadcast %broadcast_in_dim3A_570 : i32 to vector<64x128xi32>
    %gt3A_572 = arith.cmpf ogt, %slice3A_569, %select_n3A_564 : vector<64x128xf32>
    %select_n3A_573 = arith.select %gt3A_572, %select_n3A_564, %slice3A_569 : vector<64x128xi1>, vector<64x128xf32>
    %select_n3A_574 = arith.select %gt3A_572, %select_n3A_565, %broadcast_in_dim3A_571 : vector<64x128xi1>, vector<64x128xi32>
    %select_n3A_575 = arith.select %gt3A_572, %slice3A_569, %select_n3A_564 : vector<64x128xi1>, vector<64x128xf32>
    %select_n3A_576 = arith.select %gt3A_572, %broadcast_in_dim3A_571, %select_n3A_565 : vector<64x128xi1>, vector<64x128xi32>
    %gt3A_577 = arith.cmpf ogt, %select_n3A_573, %select_n3A_567 : vector<64x128xf32>
    %select_n3A_578 = arith.select %gt3A_577, %select_n3A_573, %select_n3A_567 : vector<64x128xi1>, vector<64x128xf32>
    %select_n3A_579 = arith.select %gt3A_577, %select_n3A_574, %select_n3A_568 : vector<64x128xi1>, vector<64x128xi32>
    %slice3A_580 = vector.extract_strided_slice %select_n3A {offsets = [0, 6272], sizes = [64, 128], strides = [1, 1]} : vector<64x25000xf32> to vector<64x128xf32>
    %broadcast_in_dim3A_581 = arith.constant 49 : i32
    %broadcast_in_dim3A_582 = vector.broadcast %broadcast_in_dim3A_581 : i32 to vector<64x128xi32>
    %gt3A_583 = arith.cmpf ogt, %slice3A_580, %select_n3A_575 : vector<64x128xf32>
    %select_n3A_584 = arith.select %gt3A_583, %select_n3A_575, %slice3A_580 : vector<64x128xi1>, vector<64x128xf32>
    %select_n3A_585 = arith.select %gt3A_583, %select_n3A_576, %broadcast_in_dim3A_582 : vector<64x128xi1>, vector<64x128xi32>
    %select_n3A_586 = arith.select %gt3A_583, %slice3A_580, %select_n3A_575 : vector<64x128xi1>, vector<64x128xf32>
    %select_n3A_587 = arith.select %gt3A_583, %broadcast_in_dim3A_582, %select_n3A_576 : vector<64x128xi1>, vector<64x128xi32>
    %gt3A_588 = arith.cmpf ogt, %select_n3A_584, %select_n3A_578 : vector<64x128xf32>
    %select_n3A_589 = arith.select %gt3A_588, %select_n3A_584, %select_n3A_578 : vector<64x128xi1>, vector<64x128xf32>
    %select_n3A_590 = arith.select %gt3A_588, %select_n3A_585, %select_n3A_579 : vector<64x128xi1>, vector<64x128xi32>
    %slice3A_591 = vector.extract_strided_slice %select_n3A {offsets = [0, 6400], sizes = [64, 128], strides = [1, 1]} : vector<64x25000xf32> to vector<64x128xf32>
    %broadcast_in_dim3A_592 = arith.constant 50 : i32
    %broadcast_in_dim3A_593 = vector.broadcast %broadcast_in_dim3A_592 : i32 to vector<64x128xi32>
    %gt3A_594 = arith.cmpf ogt, %slice3A_591, %select_n3A_586 : vector<64x128xf32>
    %select_n3A_595 = arith.select %gt3A_594, %select_n3A_586, %slice3A_591 : vector<64x128xi1>, vector<64x128xf32>
    %select_n3A_596 = arith.select %gt3A_594, %select_n3A_587, %broadcast_in_dim3A_593 : vector<64x128xi1>, vector<64x128xi32>
    %select_n3A_597 = arith.select %gt3A_594, %slice3A_591, %select_n3A_586 : vector<64x128xi1>, vector<64x128xf32>
    %select_n3A_598 = arith.select %gt3A_594, %broadcast_in_dim3A_593, %select_n3A_587 : vector<64x128xi1>, vector<64x128xi32>
    %gt3A_599 = arith.cmpf ogt, %select_n3A_595, %select_n3A_589 : vector<64x128xf32>
    %select_n3A_600 = arith.select %gt3A_599, %select_n3A_595, %select_n3A_589 : vector<64x128xi1>, vector<64x128xf32>
    %select_n3A_601 = arith.select %gt3A_599, %select_n3A_596, %select_n3A_590 : vector<64x128xi1>, vector<64x128xi32>
    %slice3A_602 = vector.extract_strided_slice %select_n3A {offsets = [0, 6528], sizes = [64, 128], strides = [1, 1]} : vector<64x25000xf32> to vector<64x128xf32>
    %broadcast_in_dim3A_603 = arith.constant 51 : i32
    %broadcast_in_dim3A_604 = vector.broadcast %broadcast_in_dim3A_603 : i32 to vector<64x128xi32>
    %gt3A_605 = arith.cmpf ogt, %slice3A_602, %select_n3A_597 : vector<64x128xf32>
    %select_n3A_606 = arith.select %gt3A_605, %select_n3A_597, %slice3A_602 : vector<64x128xi1>, vector<64x128xf32>
    %select_n3A_607 = arith.select %gt3A_605, %select_n3A_598, %broadcast_in_dim3A_604 : vector<64x128xi1>, vector<64x128xi32>
    %select_n3A_608 = arith.select %gt3A_605, %slice3A_602, %select_n3A_597 : vector<64x128xi1>, vector<64x128xf32>
    %select_n3A_609 = arith.select %gt3A_605, %broadcast_in_dim3A_604, %select_n3A_598 : vector<64x128xi1>, vector<64x128xi32>
    %gt3A_610 = arith.cmpf ogt, %select_n3A_606, %select_n3A_600 : vector<64x128xf32>
    %select_n3A_611 = arith.select %gt3A_610, %select_n3A_606, %select_n3A_600 : vector<64x128xi1>, vector<64x128xf32>
    %select_n3A_612 = arith.select %gt3A_610, %select_n3A_607, %select_n3A_601 : vector<64x128xi1>, vector<64x128xi32>
    %slice3A_613 = vector.extract_strided_slice %select_n3A {offsets = [0, 6656], sizes = [64, 128], strides = [1, 1]} : vector<64x25000xf32> to vector<64x128xf32>
    %broadcast_in_dim3A_614 = arith.constant 52 : i32
    %broadcast_in_dim3A_615 = vector.broadcast %broadcast_in_dim3A_614 : i32 to vector<64x128xi32>
    %gt3A_616 = arith.cmpf ogt, %slice3A_613, %select_n3A_608 : vector<64x128xf32>
    %select_n3A_617 = arith.select %gt3A_616, %select_n3A_608, %slice3A_613 : vector<64x128xi1>, vector<64x128xf32>
    %select_n3A_618 = arith.select %gt3A_616, %select_n3A_609, %broadcast_in_dim3A_615 : vector<64x128xi1>, vector<64x128xi32>
    %select_n3A_619 = arith.select %gt3A_616, %slice3A_613, %select_n3A_608 : vector<64x128xi1>, vector<64x128xf32>
    %select_n3A_620 = arith.select %gt3A_616, %broadcast_in_dim3A_615, %select_n3A_609 : vector<64x128xi1>, vector<64x128xi32>
    %gt3A_621 = arith.cmpf ogt, %select_n3A_617, %select_n3A_611 : vector<64x128xf32>
    %select_n3A_622 = arith.select %gt3A_621, %select_n3A_617, %select_n3A_611 : vector<64x128xi1>, vector<64x128xf32>
    %select_n3A_623 = arith.select %gt3A_621, %select_n3A_618, %select_n3A_612 : vector<64x128xi1>, vector<64x128xi32>
    %slice3A_624 = vector.extract_strided_slice %select_n3A {offsets = [0, 6784], sizes = [64, 128], strides = [1, 1]} : vector<64x25000xf32> to vector<64x128xf32>
    %broadcast_in_dim3A_625 = arith.constant 53 : i32
    %broadcast_in_dim3A_626 = vector.broadcast %broadcast_in_dim3A_625 : i32 to vector<64x128xi32>
    %gt3A_627 = arith.cmpf ogt, %slice3A_624, %select_n3A_619 : vector<64x128xf32>
    %select_n3A_628 = arith.select %gt3A_627, %select_n3A_619, %slice3A_624 : vector<64x128xi1>, vector<64x128xf32>
    %select_n3A_629 = arith.select %gt3A_627, %select_n3A_620, %broadcast_in_dim3A_626 : vector<64x128xi1>, vector<64x128xi32>
    %select_n3A_630 = arith.select %gt3A_627, %slice3A_624, %select_n3A_619 : vector<64x128xi1>, vector<64x128xf32>
    %select_n3A_631 = arith.select %gt3A_627, %broadcast_in_dim3A_626, %select_n3A_620 : vector<64x128xi1>, vector<64x128xi32>
    %gt3A_632 = arith.cmpf ogt, %select_n3A_628, %select_n3A_622 : vector<64x128xf32>
    %select_n3A_633 = arith.select %gt3A_632, %select_n3A_628, %select_n3A_622 : vector<64x128xi1>, vector<64x128xf32>
    %select_n3A_634 = arith.select %gt3A_632, %select_n3A_629, %select_n3A_623 : vector<64x128xi1>, vector<64x128xi32>
    %slice3A_635 = vector.extract_strided_slice %select_n3A {offsets = [0, 6912], sizes = [64, 128], strides = [1, 1]} : vector<64x25000xf32> to vector<64x128xf32>
    %broadcast_in_dim3A_636 = arith.constant 54 : i32
    %broadcast_in_dim3A_637 = vector.broadcast %broadcast_in_dim3A_636 : i32 to vector<64x128xi32>
    %gt3A_638 = arith.cmpf ogt, %slice3A_635, %select_n3A_630 : vector<64x128xf32>
    %select_n3A_639 = arith.select %gt3A_638, %select_n3A_630, %slice3A_635 : vector<64x128xi1>, vector<64x128xf32>
    %select_n3A_640 = arith.select %gt3A_638, %select_n3A_631, %broadcast_in_dim3A_637 : vector<64x128xi1>, vector<64x128xi32>
    %select_n3A_641 = arith.select %gt3A_638, %slice3A_635, %select_n3A_630 : vector<64x128xi1>, vector<64x128xf32>
    %select_n3A_642 = arith.select %gt3A_638, %broadcast_in_dim3A_637, %select_n3A_631 : vector<64x128xi1>, vector<64x128xi32>
    %gt3A_643 = arith.cmpf ogt, %select_n3A_639, %select_n3A_633 : vector<64x128xf32>
    %select_n3A_644 = arith.select %gt3A_643, %select_n3A_639, %select_n3A_633 : vector<64x128xi1>, vector<64x128xf32>
    %select_n3A_645 = arith.select %gt3A_643, %select_n3A_640, %select_n3A_634 : vector<64x128xi1>, vector<64x128xi32>
    %slice3A_646 = vector.extract_strided_slice %select_n3A {offsets = [0, 7040], sizes = [64, 128], strides = [1, 1]} : vector<64x25000xf32> to vector<64x128xf32>
    %broadcast_in_dim3A_647 = arith.constant 55 : i32
    %broadcast_in_dim3A_648 = vector.broadcast %broadcast_in_dim3A_647 : i32 to vector<64x128xi32>
    %gt3A_649 = arith.cmpf ogt, %slice3A_646, %select_n3A_641 : vector<64x128xf32>
    %select_n3A_650 = arith.select %gt3A_649, %select_n3A_641, %slice3A_646 : vector<64x128xi1>, vector<64x128xf32>
    %select_n3A_651 = arith.select %gt3A_649, %select_n3A_642, %broadcast_in_dim3A_648 : vector<64x128xi1>, vector<64x128xi32>
    %select_n3A_652 = arith.select %gt3A_649, %slice3A_646, %select_n3A_641 : vector<64x128xi1>, vector<64x128xf32>
    %select_n3A_653 = arith.select %gt3A_649, %broadcast_in_dim3A_648, %select_n3A_642 : vector<64x128xi1>, vector<64x128xi32>
    %gt3A_654 = arith.cmpf ogt, %select_n3A_650, %select_n3A_644 : vector<64x128xf32>
    %select_n3A_655 = arith.select %gt3A_654, %select_n3A_650, %select_n3A_644 : vector<64x128xi1>, vector<64x128xf32>
    %select_n3A_656 = arith.select %gt3A_654, %select_n3A_651, %select_n3A_645 : vector<64x128xi1>, vector<64x128xi32>
    %slice3A_657 = vector.extract_strided_slice %select_n3A {offsets = [0, 7168], sizes = [64, 128], strides = [1, 1]} : vector<64x25000xf32> to vector<64x128xf32>
    %broadcast_in_dim3A_658 = arith.constant 56 : i32
    %broadcast_in_dim3A_659 = vector.broadcast %broadcast_in_dim3A_658 : i32 to vector<64x128xi32>
    %gt3A_660 = arith.cmpf ogt, %slice3A_657, %select_n3A_652 : vector<64x128xf32>
    %select_n3A_661 = arith.select %gt3A_660, %select_n3A_652, %slice3A_657 : vector<64x128xi1>, vector<64x128xf32>
    %select_n3A_662 = arith.select %gt3A_660, %select_n3A_653, %broadcast_in_dim3A_659 : vector<64x128xi1>, vector<64x128xi32>
    %select_n3A_663 = arith.select %gt3A_660, %slice3A_657, %select_n3A_652 : vector<64x128xi1>, vector<64x128xf32>
    %select_n3A_664 = arith.select %gt3A_660, %broadcast_in_dim3A_659, %select_n3A_653 : vector<64x128xi1>, vector<64x128xi32>
    %gt3A_665 = arith.cmpf ogt, %select_n3A_661, %select_n3A_655 : vector<64x128xf32>
    %select_n3A_666 = arith.select %gt3A_665, %select_n3A_661, %select_n3A_655 : vector<64x128xi1>, vector<64x128xf32>
    %select_n3A_667 = arith.select %gt3A_665, %select_n3A_662, %select_n3A_656 : vector<64x128xi1>, vector<64x128xi32>
    %slice3A_668 = vector.extract_strided_slice %select_n3A {offsets = [0, 7296], sizes = [64, 128], strides = [1, 1]} : vector<64x25000xf32> to vector<64x128xf32>
    %broadcast_in_dim3A_669 = arith.constant 57 : i32
    %broadcast_in_dim3A_670 = vector.broadcast %broadcast_in_dim3A_669 : i32 to vector<64x128xi32>
    %gt3A_671 = arith.cmpf ogt, %slice3A_668, %select_n3A_663 : vector<64x128xf32>
    %select_n3A_672 = arith.select %gt3A_671, %select_n3A_663, %slice3A_668 : vector<64x128xi1>, vector<64x128xf32>
    %select_n3A_673 = arith.select %gt3A_671, %select_n3A_664, %broadcast_in_dim3A_670 : vector<64x128xi1>, vector<64x128xi32>
    %select_n3A_674 = arith.select %gt3A_671, %slice3A_668, %select_n3A_663 : vector<64x128xi1>, vector<64x128xf32>
    %select_n3A_675 = arith.select %gt3A_671, %broadcast_in_dim3A_670, %select_n3A_664 : vector<64x128xi1>, vector<64x128xi32>
    %gt3A_676 = arith.cmpf ogt, %select_n3A_672, %select_n3A_666 : vector<64x128xf32>
    %select_n3A_677 = arith.select %gt3A_676, %select_n3A_672, %select_n3A_666 : vector<64x128xi1>, vector<64x128xf32>
    %select_n3A_678 = arith.select %gt3A_676, %select_n3A_673, %select_n3A_667 : vector<64x128xi1>, vector<64x128xi32>
    %slice3A_679 = vector.extract_strided_slice %select_n3A {offsets = [0, 7424], sizes = [64, 128], strides = [1, 1]} : vector<64x25000xf32> to vector<64x128xf32>
    %broadcast_in_dim3A_680 = arith.constant 58 : i32
    %broadcast_in_dim3A_681 = vector.broadcast %broadcast_in_dim3A_680 : i32 to vector<64x128xi32>
    %gt3A_682 = arith.cmpf ogt, %slice3A_679, %select_n3A_674 : vector<64x128xf32>
    %select_n3A_683 = arith.select %gt3A_682, %select_n3A_674, %slice3A_679 : vector<64x128xi1>, vector<64x128xf32>
    %select_n3A_684 = arith.select %gt3A_682, %select_n3A_675, %broadcast_in_dim3A_681 : vector<64x128xi1>, vector<64x128xi32>
    %select_n3A_685 = arith.select %gt3A_682, %slice3A_679, %select_n3A_674 : vector<64x128xi1>, vector<64x128xf32>
    %select_n3A_686 = arith.select %gt3A_682, %broadcast_in_dim3A_681, %select_n3A_675 : vector<64x128xi1>, vector<64x128xi32>
    %gt3A_687 = arith.cmpf ogt, %select_n3A_683, %select_n3A_677 : vector<64x128xf32>
    %select_n3A_688 = arith.select %gt3A_687, %select_n3A_683, %select_n3A_677 : vector<64x128xi1>, vector<64x128xf32>
    %select_n3A_689 = arith.select %gt3A_687, %select_n3A_684, %select_n3A_678 : vector<64x128xi1>, vector<64x128xi32>
    %slice3A_690 = vector.extract_strided_slice %select_n3A {offsets = [0, 7552], sizes = [64, 128], strides = [1, 1]} : vector<64x25000xf32> to vector<64x128xf32>
    %broadcast_in_dim3A_691 = arith.constant 59 : i32
    %broadcast_in_dim3A_692 = vector.broadcast %broadcast_in_dim3A_691 : i32 to vector<64x128xi32>
    %gt3A_693 = arith.cmpf ogt, %slice3A_690, %select_n3A_685 : vector<64x128xf32>
    %select_n3A_694 = arith.select %gt3A_693, %select_n3A_685, %slice3A_690 : vector<64x128xi1>, vector<64x128xf32>
    %select_n3A_695 = arith.select %gt3A_693, %select_n3A_686, %broadcast_in_dim3A_692 : vector<64x128xi1>, vector<64x128xi32>
    %select_n3A_696 = arith.select %gt3A_693, %slice3A_690, %select_n3A_685 : vector<64x128xi1>, vector<64x128xf32>
    %select_n3A_697 = arith.select %gt3A_693, %broadcast_in_dim3A_692, %select_n3A_686 : vector<64x128xi1>, vector<64x128xi32>
    %gt3A_698 = arith.cmpf ogt, %select_n3A_694, %select_n3A_688 : vector<64x128xf32>
    %select_n3A_699 = arith.select %gt3A_698, %select_n3A_694, %select_n3A_688 : vector<64x128xi1>, vector<64x128xf32>
    %select_n3A_700 = arith.select %gt3A_698, %select_n3A_695, %select_n3A_689 : vector<64x128xi1>, vector<64x128xi32>
    %slice3A_701 = vector.extract_strided_slice %select_n3A {offsets = [0, 7680], sizes = [64, 128], strides = [1, 1]} : vector<64x25000xf32> to vector<64x128xf32>
    %broadcast_in_dim3A_702 = arith.constant 60 : i32
    %broadcast_in_dim3A_703 = vector.broadcast %broadcast_in_dim3A_702 : i32 to vector<64x128xi32>
    %gt3A_704 = arith.cmpf ogt, %slice3A_701, %select_n3A_696 : vector<64x128xf32>
    %select_n3A_705 = arith.select %gt3A_704, %select_n3A_696, %slice3A_701 : vector<64x128xi1>, vector<64x128xf32>
    %select_n3A_706 = arith.select %gt3A_704, %select_n3A_697, %broadcast_in_dim3A_703 : vector<64x128xi1>, vector<64x128xi32>
    %select_n3A_707 = arith.select %gt3A_704, %slice3A_701, %select_n3A_696 : vector<64x128xi1>, vector<64x128xf32>
    %select_n3A_708 = arith.select %gt3A_704, %broadcast_in_dim3A_703, %select_n3A_697 : vector<64x128xi1>, vector<64x128xi32>
    %gt3A_709 = arith.cmpf ogt, %select_n3A_705, %select_n3A_699 : vector<64x128xf32>
    %select_n3A_710 = arith.select %gt3A_709, %select_n3A_705, %select_n3A_699 : vector<64x128xi1>, vector<64x128xf32>
    %select_n3A_711 = arith.select %gt3A_709, %select_n3A_706, %select_n3A_700 : vector<64x128xi1>, vector<64x128xi32>
    %slice3A_712 = vector.extract_strided_slice %select_n3A {offsets = [0, 7808], sizes = [64, 128], strides = [1, 1]} : vector<64x25000xf32> to vector<64x128xf32>
    %broadcast_in_dim3A_713 = arith.constant 61 : i32
    %broadcast_in_dim3A_714 = vector.broadcast %broadcast_in_dim3A_713 : i32 to vector<64x128xi32>
    %gt3A_715 = arith.cmpf ogt, %slice3A_712, %select_n3A_707 : vector<64x128xf32>
    %select_n3A_716 = arith.select %gt3A_715, %select_n3A_707, %slice3A_712 : vector<64x128xi1>, vector<64x128xf32>
    %select_n3A_717 = arith.select %gt3A_715, %select_n3A_708, %broadcast_in_dim3A_714 : vector<64x128xi1>, vector<64x128xi32>
    %select_n3A_718 = arith.select %gt3A_715, %slice3A_712, %select_n3A_707 : vector<64x128xi1>, vector<64x128xf32>
    %select_n3A_719 = arith.select %gt3A_715, %broadcast_in_dim3A_714, %select_n3A_708 : vector<64x128xi1>, vector<64x128xi32>
    %gt3A_720 = arith.cmpf ogt, %select_n3A_716, %select_n3A_710 : vector<64x128xf32>
    %select_n3A_721 = arith.select %gt3A_720, %select_n3A_716, %select_n3A_710 : vector<64x128xi1>, vector<64x128xf32>
    %select_n3A_722 = arith.select %gt3A_720, %select_n3A_717, %select_n3A_711 : vector<64x128xi1>, vector<64x128xi32>
    %slice3A_723 = vector.extract_strided_slice %select_n3A {offsets = [0, 7936], sizes = [64, 128], strides = [1, 1]} : vector<64x25000xf32> to vector<64x128xf32>
    %broadcast_in_dim3A_724 = arith.constant 62 : i32
    %broadcast_in_dim3A_725 = vector.broadcast %broadcast_in_dim3A_724 : i32 to vector<64x128xi32>
    %gt3A_726 = arith.cmpf ogt, %slice3A_723, %select_n3A_718 : vector<64x128xf32>
    %select_n3A_727 = arith.select %gt3A_726, %select_n3A_718, %slice3A_723 : vector<64x128xi1>, vector<64x128xf32>
    %select_n3A_728 = arith.select %gt3A_726, %select_n3A_719, %broadcast_in_dim3A_725 : vector<64x128xi1>, vector<64x128xi32>
    %select_n3A_729 = arith.select %gt3A_726, %slice3A_723, %select_n3A_718 : vector<64x128xi1>, vector<64x128xf32>
    %select_n3A_730 = arith.select %gt3A_726, %broadcast_in_dim3A_725, %select_n3A_719 : vector<64x128xi1>, vector<64x128xi32>
    %gt3A_731 = arith.cmpf ogt, %select_n3A_727, %select_n3A_721 : vector<64x128xf32>
    %select_n3A_732 = arith.select %gt3A_731, %select_n3A_727, %select_n3A_721 : vector<64x128xi1>, vector<64x128xf32>
    %select_n3A_733 = arith.select %gt3A_731, %select_n3A_728, %select_n3A_722 : vector<64x128xi1>, vector<64x128xi32>
    %slice3A_734 = vector.extract_strided_slice %select_n3A {offsets = [0, 8064], sizes = [64, 128], strides = [1, 1]} : vector<64x25000xf32> to vector<64x128xf32>
    %broadcast_in_dim3A_735 = arith.constant 63 : i32
    %broadcast_in_dim3A_736 = vector.broadcast %broadcast_in_dim3A_735 : i32 to vector<64x128xi32>
    %gt3A_737 = arith.cmpf ogt, %slice3A_734, %select_n3A_729 : vector<64x128xf32>
    %select_n3A_738 = arith.select %gt3A_737, %select_n3A_729, %slice3A_734 : vector<64x128xi1>, vector<64x128xf32>
    %select_n3A_739 = arith.select %gt3A_737, %select_n3A_730, %broadcast_in_dim3A_736 : vector<64x128xi1>, vector<64x128xi32>
    %select_n3A_740 = arith.select %gt3A_737, %slice3A_734, %select_n3A_729 : vector<64x128xi1>, vector<64x128xf32>
    %select_n3A_741 = arith.select %gt3A_737, %broadcast_in_dim3A_736, %select_n3A_730 : vector<64x128xi1>, vector<64x128xi32>
    %gt3A_742 = arith.cmpf ogt, %select_n3A_738, %select_n3A_732 : vector<64x128xf32>
    %select_n3A_743 = arith.select %gt3A_742, %select_n3A_738, %select_n3A_732 : vector<64x128xi1>, vector<64x128xf32>
    %select_n3A_744 = arith.select %gt3A_742, %select_n3A_739, %select_n3A_733 : vector<64x128xi1>, vector<64x128xi32>
    %slice3A_745 = vector.extract_strided_slice %select_n3A {offsets = [0, 8192], sizes = [64, 128], strides = [1, 1]} : vector<64x25000xf32> to vector<64x128xf32>
    %broadcast_in_dim3A_746 = arith.constant 64 : i32
    %broadcast_in_dim3A_747 = vector.broadcast %broadcast_in_dim3A_746 : i32 to vector<64x128xi32>
    %gt3A_748 = arith.cmpf ogt, %slice3A_745, %select_n3A_740 : vector<64x128xf32>
    %select_n3A_749 = arith.select %gt3A_748, %select_n3A_740, %slice3A_745 : vector<64x128xi1>, vector<64x128xf32>
    %select_n3A_750 = arith.select %gt3A_748, %select_n3A_741, %broadcast_in_dim3A_747 : vector<64x128xi1>, vector<64x128xi32>
    %select_n3A_751 = arith.select %gt3A_748, %slice3A_745, %select_n3A_740 : vector<64x128xi1>, vector<64x128xf32>
    %select_n3A_752 = arith.select %gt3A_748, %broadcast_in_dim3A_747, %select_n3A_741 : vector<64x128xi1>, vector<64x128xi32>
    %gt3A_753 = arith.cmpf ogt, %select_n3A_749, %select_n3A_743 : vector<64x128xf32>
    %select_n3A_754 = arith.select %gt3A_753, %select_n3A_749, %select_n3A_743 : vector<64x128xi1>, vector<64x128xf32>
    %select_n3A_755 = arith.select %gt3A_753, %select_n3A_750, %select_n3A_744 : vector<64x128xi1>, vector<64x128xi32>
    %slice3A_756 = vector.extract_strided_slice %select_n3A {offsets = [0, 8320], sizes = [64, 128], strides = [1, 1]} : vector<64x25000xf32> to vector<64x128xf32>
    %broadcast_in_dim3A_757 = arith.constant 65 : i32
    %broadcast_in_dim3A_758 = vector.broadcast %broadcast_in_dim3A_757 : i32 to vector<64x128xi32>
    %gt3A_759 = arith.cmpf ogt, %slice3A_756, %select_n3A_751 : vector<64x128xf32>
    %select_n3A_760 = arith.select %gt3A_759, %select_n3A_751, %slice3A_756 : vector<64x128xi1>, vector<64x128xf32>
    %select_n3A_761 = arith.select %gt3A_759, %select_n3A_752, %broadcast_in_dim3A_758 : vector<64x128xi1>, vector<64x128xi32>
    %select_n3A_762 = arith.select %gt3A_759, %slice3A_756, %select_n3A_751 : vector<64x128xi1>, vector<64x128xf32>
    %select_n3A_763 = arith.select %gt3A_759, %broadcast_in_dim3A_758, %select_n3A_752 : vector<64x128xi1>, vector<64x128xi32>
    %gt3A_764 = arith.cmpf ogt, %select_n3A_760, %select_n3A_754 : vector<64x128xf32>
    %select_n3A_765 = arith.select %gt3A_764, %select_n3A_760, %select_n3A_754 : vector<64x128xi1>, vector<64x128xf32>
    %select_n3A_766 = arith.select %gt3A_764, %select_n3A_761, %select_n3A_755 : vector<64x128xi1>, vector<64x128xi32>
    %slice3A_767 = vector.extract_strided_slice %select_n3A {offsets = [0, 8448], sizes = [64, 128], strides = [1, 1]} : vector<64x25000xf32> to vector<64x128xf32>
    %broadcast_in_dim3A_768 = arith.constant 66 : i32
    %broadcast_in_dim3A_769 = vector.broadcast %broadcast_in_dim3A_768 : i32 to vector<64x128xi32>
    %gt3A_770 = arith.cmpf ogt, %slice3A_767, %select_n3A_762 : vector<64x128xf32>
    %select_n3A_771 = arith.select %gt3A_770, %select_n3A_762, %slice3A_767 : vector<64x128xi1>, vector<64x128xf32>
    %select_n3A_772 = arith.select %gt3A_770, %select_n3A_763, %broadcast_in_dim3A_769 : vector<64x128xi1>, vector<64x128xi32>
    %select_n3A_773 = arith.select %gt3A_770, %slice3A_767, %select_n3A_762 : vector<64x128xi1>, vector<64x128xf32>
    %select_n3A_774 = arith.select %gt3A_770, %broadcast_in_dim3A_769, %select_n3A_763 : vector<64x128xi1>, vector<64x128xi32>
    %gt3A_775 = arith.cmpf ogt, %select_n3A_771, %select_n3A_765 : vector<64x128xf32>
    %select_n3A_776 = arith.select %gt3A_775, %select_n3A_771, %select_n3A_765 : vector<64x128xi1>, vector<64x128xf32>
    %select_n3A_777 = arith.select %gt3A_775, %select_n3A_772, %select_n3A_766 : vector<64x128xi1>, vector<64x128xi32>
    %slice3A_778 = vector.extract_strided_slice %select_n3A {offsets = [0, 8576], sizes = [64, 128], strides = [1, 1]} : vector<64x25000xf32> to vector<64x128xf32>
    %broadcast_in_dim3A_779 = arith.constant 67 : i32
    %broadcast_in_dim3A_780 = vector.broadcast %broadcast_in_dim3A_779 : i32 to vector<64x128xi32>
    %gt3A_781 = arith.cmpf ogt, %slice3A_778, %select_n3A_773 : vector<64x128xf32>
    %select_n3A_782 = arith.select %gt3A_781, %select_n3A_773, %slice3A_778 : vector<64x128xi1>, vector<64x128xf32>
    %select_n3A_783 = arith.select %gt3A_781, %select_n3A_774, %broadcast_in_dim3A_780 : vector<64x128xi1>, vector<64x128xi32>
    %select_n3A_784 = arith.select %gt3A_781, %slice3A_778, %select_n3A_773 : vector<64x128xi1>, vector<64x128xf32>
    %select_n3A_785 = arith.select %gt3A_781, %broadcast_in_dim3A_780, %select_n3A_774 : vector<64x128xi1>, vector<64x128xi32>
    %gt3A_786 = arith.cmpf ogt, %select_n3A_782, %select_n3A_776 : vector<64x128xf32>
    %select_n3A_787 = arith.select %gt3A_786, %select_n3A_782, %select_n3A_776 : vector<64x128xi1>, vector<64x128xf32>
    %select_n3A_788 = arith.select %gt3A_786, %select_n3A_783, %select_n3A_777 : vector<64x128xi1>, vector<64x128xi32>
    %slice3A_789 = vector.extract_strided_slice %select_n3A {offsets = [0, 8704], sizes = [64, 128], strides = [1, 1]} : vector<64x25000xf32> to vector<64x128xf32>
    %broadcast_in_dim3A_790 = arith.constant 68 : i32
    %broadcast_in_dim3A_791 = vector.broadcast %broadcast_in_dim3A_790 : i32 to vector<64x128xi32>
    %gt3A_792 = arith.cmpf ogt, %slice3A_789, %select_n3A_784 : vector<64x128xf32>
    %select_n3A_793 = arith.select %gt3A_792, %select_n3A_784, %slice3A_789 : vector<64x128xi1>, vector<64x128xf32>
    %select_n3A_794 = arith.select %gt3A_792, %select_n3A_785, %broadcast_in_dim3A_791 : vector<64x128xi1>, vector<64x128xi32>
    %select_n3A_795 = arith.select %gt3A_792, %slice3A_789, %select_n3A_784 : vector<64x128xi1>, vector<64x128xf32>
    %select_n3A_796 = arith.select %gt3A_792, %broadcast_in_dim3A_791, %select_n3A_785 : vector<64x128xi1>, vector<64x128xi32>
    %gt3A_797 = arith.cmpf ogt, %select_n3A_793, %select_n3A_787 : vector<64x128xf32>
    %select_n3A_798 = arith.select %gt3A_797, %select_n3A_793, %select_n3A_787 : vector<64x128xi1>, vector<64x128xf32>
    %select_n3A_799 = arith.select %gt3A_797, %select_n3A_794, %select_n3A_788 : vector<64x128xi1>, vector<64x128xi32>
    %slice3A_800 = vector.extract_strided_slice %select_n3A {offsets = [0, 8832], sizes = [64, 128], strides = [1, 1]} : vector<64x25000xf32> to vector<64x128xf32>
    %broadcast_in_dim3A_801 = arith.constant 69 : i32
    %broadcast_in_dim3A_802 = vector.broadcast %broadcast_in_dim3A_801 : i32 to vector<64x128xi32>
    %gt3A_803 = arith.cmpf ogt, %slice3A_800, %select_n3A_795 : vector<64x128xf32>
    %select_n3A_804 = arith.select %gt3A_803, %select_n3A_795, %slice3A_800 : vector<64x128xi1>, vector<64x128xf32>
    %select_n3A_805 = arith.select %gt3A_803, %select_n3A_796, %broadcast_in_dim3A_802 : vector<64x128xi1>, vector<64x128xi32>
    %select_n3A_806 = arith.select %gt3A_803, %slice3A_800, %select_n3A_795 : vector<64x128xi1>, vector<64x128xf32>
    %select_n3A_807 = arith.select %gt3A_803, %broadcast_in_dim3A_802, %select_n3A_796 : vector<64x128xi1>, vector<64x128xi32>
    %gt3A_808 = arith.cmpf ogt, %select_n3A_804, %select_n3A_798 : vector<64x128xf32>
    %select_n3A_809 = arith.select %gt3A_808, %select_n3A_804, %select_n3A_798 : vector<64x128xi1>, vector<64x128xf32>
    %select_n3A_810 = arith.select %gt3A_808, %select_n3A_805, %select_n3A_799 : vector<64x128xi1>, vector<64x128xi32>
    %slice3A_811 = vector.extract_strided_slice %select_n3A {offsets = [0, 8960], sizes = [64, 128], strides = [1, 1]} : vector<64x25000xf32> to vector<64x128xf32>
    %broadcast_in_dim3A_812 = arith.constant 70 : i32
    %broadcast_in_dim3A_813 = vector.broadcast %broadcast_in_dim3A_812 : i32 to vector<64x128xi32>
    %gt3A_814 = arith.cmpf ogt, %slice3A_811, %select_n3A_806 : vector<64x128xf32>
    %select_n3A_815 = arith.select %gt3A_814, %select_n3A_806, %slice3A_811 : vector<64x128xi1>, vector<64x128xf32>
    %select_n3A_816 = arith.select %gt3A_814, %select_n3A_807, %broadcast_in_dim3A_813 : vector<64x128xi1>, vector<64x128xi32>
    %select_n3A_817 = arith.select %gt3A_814, %slice3A_811, %select_n3A_806 : vector<64x128xi1>, vector<64x128xf32>
    %select_n3A_818 = arith.select %gt3A_814, %broadcast_in_dim3A_813, %select_n3A_807 : vector<64x128xi1>, vector<64x128xi32>
    %gt3A_819 = arith.cmpf ogt, %select_n3A_815, %select_n3A_809 : vector<64x128xf32>
    %select_n3A_820 = arith.select %gt3A_819, %select_n3A_815, %select_n3A_809 : vector<64x128xi1>, vector<64x128xf32>
    %select_n3A_821 = arith.select %gt3A_819, %select_n3A_816, %select_n3A_810 : vector<64x128xi1>, vector<64x128xi32>
    %slice3A_822 = vector.extract_strided_slice %select_n3A {offsets = [0, 9088], sizes = [64, 128], strides = [1, 1]} : vector<64x25000xf32> to vector<64x128xf32>
    %broadcast_in_dim3A_823 = arith.constant 71 : i32
    %broadcast_in_dim3A_824 = vector.broadcast %broadcast_in_dim3A_823 : i32 to vector<64x128xi32>
    %gt3A_825 = arith.cmpf ogt, %slice3A_822, %select_n3A_817 : vector<64x128xf32>
    %select_n3A_826 = arith.select %gt3A_825, %select_n3A_817, %slice3A_822 : vector<64x128xi1>, vector<64x128xf32>
    %select_n3A_827 = arith.select %gt3A_825, %select_n3A_818, %broadcast_in_dim3A_824 : vector<64x128xi1>, vector<64x128xi32>
    %select_n3A_828 = arith.select %gt3A_825, %slice3A_822, %select_n3A_817 : vector<64x128xi1>, vector<64x128xf32>
    %select_n3A_829 = arith.select %gt3A_825, %broadcast_in_dim3A_824, %select_n3A_818 : vector<64x128xi1>, vector<64x128xi32>
    %gt3A_830 = arith.cmpf ogt, %select_n3A_826, %select_n3A_820 : vector<64x128xf32>
    %select_n3A_831 = arith.select %gt3A_830, %select_n3A_826, %select_n3A_820 : vector<64x128xi1>, vector<64x128xf32>
    %select_n3A_832 = arith.select %gt3A_830, %select_n3A_827, %select_n3A_821 : vector<64x128xi1>, vector<64x128xi32>
    %slice3A_833 = vector.extract_strided_slice %select_n3A {offsets = [0, 9216], sizes = [64, 128], strides = [1, 1]} : vector<64x25000xf32> to vector<64x128xf32>
    %broadcast_in_dim3A_834 = arith.constant 72 : i32
    %broadcast_in_dim3A_835 = vector.broadcast %broadcast_in_dim3A_834 : i32 to vector<64x128xi32>
    %gt3A_836 = arith.cmpf ogt, %slice3A_833, %select_n3A_828 : vector<64x128xf32>
    %select_n3A_837 = arith.select %gt3A_836, %select_n3A_828, %slice3A_833 : vector<64x128xi1>, vector<64x128xf32>
    %select_n3A_838 = arith.select %gt3A_836, %select_n3A_829, %broadcast_in_dim3A_835 : vector<64x128xi1>, vector<64x128xi32>
    %select_n3A_839 = arith.select %gt3A_836, %slice3A_833, %select_n3A_828 : vector<64x128xi1>, vector<64x128xf32>
    %select_n3A_840 = arith.select %gt3A_836, %broadcast_in_dim3A_835, %select_n3A_829 : vector<64x128xi1>, vector<64x128xi32>
    %gt3A_841 = arith.cmpf ogt, %select_n3A_837, %select_n3A_831 : vector<64x128xf32>
    %select_n3A_842 = arith.select %gt3A_841, %select_n3A_837, %select_n3A_831 : vector<64x128xi1>, vector<64x128xf32>
    %select_n3A_843 = arith.select %gt3A_841, %select_n3A_838, %select_n3A_832 : vector<64x128xi1>, vector<64x128xi32>
    %slice3A_844 = vector.extract_strided_slice %select_n3A {offsets = [0, 9344], sizes = [64, 128], strides = [1, 1]} : vector<64x25000xf32> to vector<64x128xf32>
    %broadcast_in_dim3A_845 = arith.constant 73 : i32
    %broadcast_in_dim3A_846 = vector.broadcast %broadcast_in_dim3A_845 : i32 to vector<64x128xi32>
    %gt3A_847 = arith.cmpf ogt, %slice3A_844, %select_n3A_839 : vector<64x128xf32>
    %select_n3A_848 = arith.select %gt3A_847, %select_n3A_839, %slice3A_844 : vector<64x128xi1>, vector<64x128xf32>
    %select_n3A_849 = arith.select %gt3A_847, %select_n3A_840, %broadcast_in_dim3A_846 : vector<64x128xi1>, vector<64x128xi32>
    %select_n3A_850 = arith.select %gt3A_847, %slice3A_844, %select_n3A_839 : vector<64x128xi1>, vector<64x128xf32>
    %select_n3A_851 = arith.select %gt3A_847, %broadcast_in_dim3A_846, %select_n3A_840 : vector<64x128xi1>, vector<64x128xi32>
    %gt3A_852 = arith.cmpf ogt, %select_n3A_848, %select_n3A_842 : vector<64x128xf32>
    %select_n3A_853 = arith.select %gt3A_852, %select_n3A_848, %select_n3A_842 : vector<64x128xi1>, vector<64x128xf32>
    %select_n3A_854 = arith.select %gt3A_852, %select_n3A_849, %select_n3A_843 : vector<64x128xi1>, vector<64x128xi32>
    %slice3A_855 = vector.extract_strided_slice %select_n3A {offsets = [0, 9472], sizes = [64, 128], strides = [1, 1]} : vector<64x25000xf32> to vector<64x128xf32>
    %broadcast_in_dim3A_856 = arith.constant 74 : i32
    %broadcast_in_dim3A_857 = vector.broadcast %broadcast_in_dim3A_856 : i32 to vector<64x128xi32>
    %gt3A_858 = arith.cmpf ogt, %slice3A_855, %select_n3A_850 : vector<64x128xf32>
    %select_n3A_859 = arith.select %gt3A_858, %select_n3A_850, %slice3A_855 : vector<64x128xi1>, vector<64x128xf32>
    %select_n3A_860 = arith.select %gt3A_858, %select_n3A_851, %broadcast_in_dim3A_857 : vector<64x128xi1>, vector<64x128xi32>
    %select_n3A_861 = arith.select %gt3A_858, %slice3A_855, %select_n3A_850 : vector<64x128xi1>, vector<64x128xf32>
    %select_n3A_862 = arith.select %gt3A_858, %broadcast_in_dim3A_857, %select_n3A_851 : vector<64x128xi1>, vector<64x128xi32>
    %gt3A_863 = arith.cmpf ogt, %select_n3A_859, %select_n3A_853 : vector<64x128xf32>
    %select_n3A_864 = arith.select %gt3A_863, %select_n3A_859, %select_n3A_853 : vector<64x128xi1>, vector<64x128xf32>
    %select_n3A_865 = arith.select %gt3A_863, %select_n3A_860, %select_n3A_854 : vector<64x128xi1>, vector<64x128xi32>
    %slice3A_866 = vector.extract_strided_slice %select_n3A {offsets = [0, 9600], sizes = [64, 128], strides = [1, 1]} : vector<64x25000xf32> to vector<64x128xf32>
    %broadcast_in_dim3A_867 = arith.constant 75 : i32
    %broadcast_in_dim3A_868 = vector.broadcast %broadcast_in_dim3A_867 : i32 to vector<64x128xi32>
    %gt3A_869 = arith.cmpf ogt, %slice3A_866, %select_n3A_861 : vector<64x128xf32>
    %select_n3A_870 = arith.select %gt3A_869, %select_n3A_861, %slice3A_866 : vector<64x128xi1>, vector<64x128xf32>
    %select_n3A_871 = arith.select %gt3A_869, %select_n3A_862, %broadcast_in_dim3A_868 : vector<64x128xi1>, vector<64x128xi32>
    %select_n3A_872 = arith.select %gt3A_869, %slice3A_866, %select_n3A_861 : vector<64x128xi1>, vector<64x128xf32>
    %select_n3A_873 = arith.select %gt3A_869, %broadcast_in_dim3A_868, %select_n3A_862 : vector<64x128xi1>, vector<64x128xi32>
    %gt3A_874 = arith.cmpf ogt, %select_n3A_870, %select_n3A_864 : vector<64x128xf32>
    %select_n3A_875 = arith.select %gt3A_874, %select_n3A_870, %select_n3A_864 : vector<64x128xi1>, vector<64x128xf32>
    %select_n3A_876 = arith.select %gt3A_874, %select_n3A_871, %select_n3A_865 : vector<64x128xi1>, vector<64x128xi32>
    %slice3A_877 = vector.extract_strided_slice %select_n3A {offsets = [0, 9728], sizes = [64, 128], strides = [1, 1]} : vector<64x25000xf32> to vector<64x128xf32>
    %broadcast_in_dim3A_878 = arith.constant 76 : i32
    %broadcast_in_dim3A_879 = vector.broadcast %broadcast_in_dim3A_878 : i32 to vector<64x128xi32>
    %gt3A_880 = arith.cmpf ogt, %slice3A_877, %select_n3A_872 : vector<64x128xf32>
    %select_n3A_881 = arith.select %gt3A_880, %select_n3A_872, %slice3A_877 : vector<64x128xi1>, vector<64x128xf32>
    %select_n3A_882 = arith.select %gt3A_880, %select_n3A_873, %broadcast_in_dim3A_879 : vector<64x128xi1>, vector<64x128xi32>
    %select_n3A_883 = arith.select %gt3A_880, %slice3A_877, %select_n3A_872 : vector<64x128xi1>, vector<64x128xf32>
    %select_n3A_884 = arith.select %gt3A_880, %broadcast_in_dim3A_879, %select_n3A_873 : vector<64x128xi1>, vector<64x128xi32>
    %gt3A_885 = arith.cmpf ogt, %select_n3A_881, %select_n3A_875 : vector<64x128xf32>
    %select_n3A_886 = arith.select %gt3A_885, %select_n3A_881, %select_n3A_875 : vector<64x128xi1>, vector<64x128xf32>
    %select_n3A_887 = arith.select %gt3A_885, %select_n3A_882, %select_n3A_876 : vector<64x128xi1>, vector<64x128xi32>
    %slice3A_888 = vector.extract_strided_slice %select_n3A {offsets = [0, 9856], sizes = [64, 128], strides = [1, 1]} : vector<64x25000xf32> to vector<64x128xf32>
    %broadcast_in_dim3A_889 = arith.constant 77 : i32
    %broadcast_in_dim3A_890 = vector.broadcast %broadcast_in_dim3A_889 : i32 to vector<64x128xi32>
    %gt3A_891 = arith.cmpf ogt, %slice3A_888, %select_n3A_883 : vector<64x128xf32>
    %select_n3A_892 = arith.select %gt3A_891, %select_n3A_883, %slice3A_888 : vector<64x128xi1>, vector<64x128xf32>
    %select_n3A_893 = arith.select %gt3A_891, %select_n3A_884, %broadcast_in_dim3A_890 : vector<64x128xi1>, vector<64x128xi32>
    %select_n3A_894 = arith.select %gt3A_891, %slice3A_888, %select_n3A_883 : vector<64x128xi1>, vector<64x128xf32>
    %select_n3A_895 = arith.select %gt3A_891, %broadcast_in_dim3A_890, %select_n3A_884 : vector<64x128xi1>, vector<64x128xi32>
    %gt3A_896 = arith.cmpf ogt, %select_n3A_892, %select_n3A_886 : vector<64x128xf32>
    %select_n3A_897 = arith.select %gt3A_896, %select_n3A_892, %select_n3A_886 : vector<64x128xi1>, vector<64x128xf32>
    %select_n3A_898 = arith.select %gt3A_896, %select_n3A_893, %select_n3A_887 : vector<64x128xi1>, vector<64x128xi32>
    %slice3A_899 = vector.extract_strided_slice %select_n3A {offsets = [0, 9984], sizes = [64, 128], strides = [1, 1]} : vector<64x25000xf32> to vector<64x128xf32>
    %broadcast_in_dim3A_900 = arith.constant 78 : i32
    %broadcast_in_dim3A_901 = vector.broadcast %broadcast_in_dim3A_900 : i32 to vector<64x128xi32>
    %gt3A_902 = arith.cmpf ogt, %slice3A_899, %select_n3A_894 : vector<64x128xf32>
    %select_n3A_903 = arith.select %gt3A_902, %select_n3A_894, %slice3A_899 : vector<64x128xi1>, vector<64x128xf32>
    %select_n3A_904 = arith.select %gt3A_902, %select_n3A_895, %broadcast_in_dim3A_901 : vector<64x128xi1>, vector<64x128xi32>
    %select_n3A_905 = arith.select %gt3A_902, %slice3A_899, %select_n3A_894 : vector<64x128xi1>, vector<64x128xf32>
    %select_n3A_906 = arith.select %gt3A_902, %broadcast_in_dim3A_901, %select_n3A_895 : vector<64x128xi1>, vector<64x128xi32>
    %gt3A_907 = arith.cmpf ogt, %select_n3A_903, %select_n3A_897 : vector<64x128xf32>
    %select_n3A_908 = arith.select %gt3A_907, %select_n3A_903, %select_n3A_897 : vector<64x128xi1>, vector<64x128xf32>
    %select_n3A_909 = arith.select %gt3A_907, %select_n3A_904, %select_n3A_898 : vector<64x128xi1>, vector<64x128xi32>
    %slice3A_910 = vector.extract_strided_slice %select_n3A {offsets = [0, 10112], sizes = [64, 128], strides = [1, 1]} : vector<64x25000xf32> to vector<64x128xf32>
    %broadcast_in_dim3A_911 = arith.constant 79 : i32
    %broadcast_in_dim3A_912 = vector.broadcast %broadcast_in_dim3A_911 : i32 to vector<64x128xi32>
    %gt3A_913 = arith.cmpf ogt, %slice3A_910, %select_n3A_905 : vector<64x128xf32>
    %select_n3A_914 = arith.select %gt3A_913, %select_n3A_905, %slice3A_910 : vector<64x128xi1>, vector<64x128xf32>
    %select_n3A_915 = arith.select %gt3A_913, %select_n3A_906, %broadcast_in_dim3A_912 : vector<64x128xi1>, vector<64x128xi32>
    %select_n3A_916 = arith.select %gt3A_913, %slice3A_910, %select_n3A_905 : vector<64x128xi1>, vector<64x128xf32>
    %select_n3A_917 = arith.select %gt3A_913, %broadcast_in_dim3A_912, %select_n3A_906 : vector<64x128xi1>, vector<64x128xi32>
    %gt3A_918 = arith.cmpf ogt, %select_n3A_914, %select_n3A_908 : vector<64x128xf32>
    %select_n3A_919 = arith.select %gt3A_918, %select_n3A_914, %select_n3A_908 : vector<64x128xi1>, vector<64x128xf32>
    %select_n3A_920 = arith.select %gt3A_918, %select_n3A_915, %select_n3A_909 : vector<64x128xi1>, vector<64x128xi32>
    %slice3A_921 = vector.extract_strided_slice %select_n3A {offsets = [0, 10240], sizes = [64, 128], strides = [1, 1]} : vector<64x25000xf32> to vector<64x128xf32>
    %broadcast_in_dim3A_922 = arith.constant 80 : i32
    %broadcast_in_dim3A_923 = vector.broadcast %broadcast_in_dim3A_922 : i32 to vector<64x128xi32>
    %gt3A_924 = arith.cmpf ogt, %slice3A_921, %select_n3A_916 : vector<64x128xf32>
    %select_n3A_925 = arith.select %gt3A_924, %select_n3A_916, %slice3A_921 : vector<64x128xi1>, vector<64x128xf32>
    %select_n3A_926 = arith.select %gt3A_924, %select_n3A_917, %broadcast_in_dim3A_923 : vector<64x128xi1>, vector<64x128xi32>
    %select_n3A_927 = arith.select %gt3A_924, %slice3A_921, %select_n3A_916 : vector<64x128xi1>, vector<64x128xf32>
    %select_n3A_928 = arith.select %gt3A_924, %broadcast_in_dim3A_923, %select_n3A_917 : vector<64x128xi1>, vector<64x128xi32>
    %gt3A_929 = arith.cmpf ogt, %select_n3A_925, %select_n3A_919 : vector<64x128xf32>
    %select_n3A_930 = arith.select %gt3A_929, %select_n3A_925, %select_n3A_919 : vector<64x128xi1>, vector<64x128xf32>
    %select_n3A_931 = arith.select %gt3A_929, %select_n3A_926, %select_n3A_920 : vector<64x128xi1>, vector<64x128xi32>
    %slice3A_932 = vector.extract_strided_slice %select_n3A {offsets = [0, 10368], sizes = [64, 128], strides = [1, 1]} : vector<64x25000xf32> to vector<64x128xf32>
    %broadcast_in_dim3A_933 = arith.constant 81 : i32
    %broadcast_in_dim3A_934 = vector.broadcast %broadcast_in_dim3A_933 : i32 to vector<64x128xi32>
    %gt3A_935 = arith.cmpf ogt, %slice3A_932, %select_n3A_927 : vector<64x128xf32>
    %select_n3A_936 = arith.select %gt3A_935, %select_n3A_927, %slice3A_932 : vector<64x128xi1>, vector<64x128xf32>
    %select_n3A_937 = arith.select %gt3A_935, %select_n3A_928, %broadcast_in_dim3A_934 : vector<64x128xi1>, vector<64x128xi32>
    %select_n3A_938 = arith.select %gt3A_935, %slice3A_932, %select_n3A_927 : vector<64x128xi1>, vector<64x128xf32>
    %select_n3A_939 = arith.select %gt3A_935, %broadcast_in_dim3A_934, %select_n3A_928 : vector<64x128xi1>, vector<64x128xi32>
    %gt3A_940 = arith.cmpf ogt, %select_n3A_936, %select_n3A_930 : vector<64x128xf32>
    %select_n3A_941 = arith.select %gt3A_940, %select_n3A_936, %select_n3A_930 : vector<64x128xi1>, vector<64x128xf32>
    %select_n3A_942 = arith.select %gt3A_940, %select_n3A_937, %select_n3A_931 : vector<64x128xi1>, vector<64x128xi32>
    %slice3A_943 = vector.extract_strided_slice %select_n3A {offsets = [0, 10496], sizes = [64, 128], strides = [1, 1]} : vector<64x25000xf32> to vector<64x128xf32>
    %broadcast_in_dim3A_944 = arith.constant 82 : i32
    %broadcast_in_dim3A_945 = vector.broadcast %broadcast_in_dim3A_944 : i32 to vector<64x128xi32>
    %gt3A_946 = arith.cmpf ogt, %slice3A_943, %select_n3A_938 : vector<64x128xf32>
    %select_n3A_947 = arith.select %gt3A_946, %select_n3A_938, %slice3A_943 : vector<64x128xi1>, vector<64x128xf32>
    %select_n3A_948 = arith.select %gt3A_946, %select_n3A_939, %broadcast_in_dim3A_945 : vector<64x128xi1>, vector<64x128xi32>
    %select_n3A_949 = arith.select %gt3A_946, %slice3A_943, %select_n3A_938 : vector<64x128xi1>, vector<64x128xf32>
    %select_n3A_950 = arith.select %gt3A_946, %broadcast_in_dim3A_945, %select_n3A_939 : vector<64x128xi1>, vector<64x128xi32>
    %gt3A_951 = arith.cmpf ogt, %select_n3A_947, %select_n3A_941 : vector<64x128xf32>
    %select_n3A_952 = arith.select %gt3A_951, %select_n3A_947, %select_n3A_941 : vector<64x128xi1>, vector<64x128xf32>
    %select_n3A_953 = arith.select %gt3A_951, %select_n3A_948, %select_n3A_942 : vector<64x128xi1>, vector<64x128xi32>
    %slice3A_954 = vector.extract_strided_slice %select_n3A {offsets = [0, 10624], sizes = [64, 128], strides = [1, 1]} : vector<64x25000xf32> to vector<64x128xf32>
    %broadcast_in_dim3A_955 = arith.constant 83 : i32
    %broadcast_in_dim3A_956 = vector.broadcast %broadcast_in_dim3A_955 : i32 to vector<64x128xi32>
    %gt3A_957 = arith.cmpf ogt, %slice3A_954, %select_n3A_949 : vector<64x128xf32>
    %select_n3A_958 = arith.select %gt3A_957, %select_n3A_949, %slice3A_954 : vector<64x128xi1>, vector<64x128xf32>
    %select_n3A_959 = arith.select %gt3A_957, %select_n3A_950, %broadcast_in_dim3A_956 : vector<64x128xi1>, vector<64x128xi32>
    %select_n3A_960 = arith.select %gt3A_957, %slice3A_954, %select_n3A_949 : vector<64x128xi1>, vector<64x128xf32>
    %select_n3A_961 = arith.select %gt3A_957, %broadcast_in_dim3A_956, %select_n3A_950 : vector<64x128xi1>, vector<64x128xi32>
    %gt3A_962 = arith.cmpf ogt, %select_n3A_958, %select_n3A_952 : vector<64x128xf32>
    %select_n3A_963 = arith.select %gt3A_962, %select_n3A_958, %select_n3A_952 : vector<64x128xi1>, vector<64x128xf32>
    %select_n3A_964 = arith.select %gt3A_962, %select_n3A_959, %select_n3A_953 : vector<64x128xi1>, vector<64x128xi32>
    %slice3A_965 = vector.extract_strided_slice %select_n3A {offsets = [0, 10752], sizes = [64, 128], strides = [1, 1]} : vector<64x25000xf32> to vector<64x128xf32>
    %broadcast_in_dim3A_966 = arith.constant 84 : i32
    %broadcast_in_dim3A_967 = vector.broadcast %broadcast_in_dim3A_966 : i32 to vector<64x128xi32>
    %gt3A_968 = arith.cmpf ogt, %slice3A_965, %select_n3A_960 : vector<64x128xf32>
    %select_n3A_969 = arith.select %gt3A_968, %select_n3A_960, %slice3A_965 : vector<64x128xi1>, vector<64x128xf32>
    %select_n3A_970 = arith.select %gt3A_968, %select_n3A_961, %broadcast_in_dim3A_967 : vector<64x128xi1>, vector<64x128xi32>
    %select_n3A_971 = arith.select %gt3A_968, %slice3A_965, %select_n3A_960 : vector<64x128xi1>, vector<64x128xf32>
    %select_n3A_972 = arith.select %gt3A_968, %broadcast_in_dim3A_967, %select_n3A_961 : vector<64x128xi1>, vector<64x128xi32>
    %gt3A_973 = arith.cmpf ogt, %select_n3A_969, %select_n3A_963 : vector<64x128xf32>
    %select_n3A_974 = arith.select %gt3A_973, %select_n3A_969, %select_n3A_963 : vector<64x128xi1>, vector<64x128xf32>
    %select_n3A_975 = arith.select %gt3A_973, %select_n3A_970, %select_n3A_964 : vector<64x128xi1>, vector<64x128xi32>
    %slice3A_976 = vector.extract_strided_slice %select_n3A {offsets = [0, 10880], sizes = [64, 128], strides = [1, 1]} : vector<64x25000xf32> to vector<64x128xf32>
    %broadcast_in_dim3A_977 = arith.constant 85 : i32
    %broadcast_in_dim3A_978 = vector.broadcast %broadcast_in_dim3A_977 : i32 to vector<64x128xi32>
    %gt3A_979 = arith.cmpf ogt, %slice3A_976, %select_n3A_971 : vector<64x128xf32>
    %select_n3A_980 = arith.select %gt3A_979, %select_n3A_971, %slice3A_976 : vector<64x128xi1>, vector<64x128xf32>
    %select_n3A_981 = arith.select %gt3A_979, %select_n3A_972, %broadcast_in_dim3A_978 : vector<64x128xi1>, vector<64x128xi32>
    %select_n3A_982 = arith.select %gt3A_979, %slice3A_976, %select_n3A_971 : vector<64x128xi1>, vector<64x128xf32>
    %select_n3A_983 = arith.select %gt3A_979, %broadcast_in_dim3A_978, %select_n3A_972 : vector<64x128xi1>, vector<64x128xi32>
    %gt3A_984 = arith.cmpf ogt, %select_n3A_980, %select_n3A_974 : vector<64x128xf32>
    %select_n3A_985 = arith.select %gt3A_984, %select_n3A_980, %select_n3A_974 : vector<64x128xi1>, vector<64x128xf32>
    %select_n3A_986 = arith.select %gt3A_984, %select_n3A_981, %select_n3A_975 : vector<64x128xi1>, vector<64x128xi32>
    %slice3A_987 = vector.extract_strided_slice %select_n3A {offsets = [0, 11008], sizes = [64, 128], strides = [1, 1]} : vector<64x25000xf32> to vector<64x128xf32>
    %broadcast_in_dim3A_988 = arith.constant 86 : i32
    %broadcast_in_dim3A_989 = vector.broadcast %broadcast_in_dim3A_988 : i32 to vector<64x128xi32>
    %gt3A_990 = arith.cmpf ogt, %slice3A_987, %select_n3A_982 : vector<64x128xf32>
    %select_n3A_991 = arith.select %gt3A_990, %select_n3A_982, %slice3A_987 : vector<64x128xi1>, vector<64x128xf32>
    %select_n3A_992 = arith.select %gt3A_990, %select_n3A_983, %broadcast_in_dim3A_989 : vector<64x128xi1>, vector<64x128xi32>
    %select_n3A_993 = arith.select %gt3A_990, %slice3A_987, %select_n3A_982 : vector<64x128xi1>, vector<64x128xf32>
    %select_n3A_994 = arith.select %gt3A_990, %broadcast_in_dim3A_989, %select_n3A_983 : vector<64x128xi1>, vector<64x128xi32>
    %gt3A_995 = arith.cmpf ogt, %select_n3A_991, %select_n3A_985 : vector<64x128xf32>
    %select_n3A_996 = arith.select %gt3A_995, %select_n3A_991, %select_n3A_985 : vector<64x128xi1>, vector<64x128xf32>
    %select_n3A_997 = arith.select %gt3A_995, %select_n3A_992, %select_n3A_986 : vector<64x128xi1>, vector<64x128xi32>
    %slice3A_998 = vector.extract_strided_slice %select_n3A {offsets = [0, 11136], sizes = [64, 128], strides = [1, 1]} : vector<64x25000xf32> to vector<64x128xf32>
    %broadcast_in_dim3A_999 = arith.constant 87 : i32
    %broadcast_in_dim3A_1000 = vector.broadcast %broadcast_in_dim3A_999 : i32 to vector<64x128xi32>
    %gt3A_1001 = arith.cmpf ogt, %slice3A_998, %select_n3A_993 : vector<64x128xf32>
    %select_n3A_1002 = arith.select %gt3A_1001, %select_n3A_993, %slice3A_998 : vector<64x128xi1>, vector<64x128xf32>
    %select_n3A_1003 = arith.select %gt3A_1001, %select_n3A_994, %broadcast_in_dim3A_1000 : vector<64x128xi1>, vector<64x128xi32>
    %select_n3A_1004 = arith.select %gt3A_1001, %slice3A_998, %select_n3A_993 : vector<64x128xi1>, vector<64x128xf32>
    %select_n3A_1005 = arith.select %gt3A_1001, %broadcast_in_dim3A_1000, %select_n3A_994 : vector<64x128xi1>, vector<64x128xi32>
    %gt3A_1006 = arith.cmpf ogt, %select_n3A_1002, %select_n3A_996 : vector<64x128xf32>
    %select_n3A_1007 = arith.select %gt3A_1006, %select_n3A_1002, %select_n3A_996 : vector<64x128xi1>, vector<64x128xf32>
    %select_n3A_1008 = arith.select %gt3A_1006, %select_n3A_1003, %select_n3A_997 : vector<64x128xi1>, vector<64x128xi32>
    %slice3A_1009 = vector.extract_strided_slice %select_n3A {offsets = [0, 11264], sizes = [64, 128], strides = [1, 1]} : vector<64x25000xf32> to vector<64x128xf32>
    %broadcast_in_dim3A_1010 = arith.constant 88 : i32
    %broadcast_in_dim3A_1011 = vector.broadcast %broadcast_in_dim3A_1010 : i32 to vector<64x128xi32>
    %gt3A_1012 = arith.cmpf ogt, %slice3A_1009, %select_n3A_1004 : vector<64x128xf32>
    %select_n3A_1013 = arith.select %gt3A_1012, %select_n3A_1004, %slice3A_1009 : vector<64x128xi1>, vector<64x128xf32>
    %select_n3A_1014 = arith.select %gt3A_1012, %select_n3A_1005, %broadcast_in_dim3A_1011 : vector<64x128xi1>, vector<64x128xi32>
    %select_n3A_1015 = arith.select %gt3A_1012, %slice3A_1009, %select_n3A_1004 : vector<64x128xi1>, vector<64x128xf32>
    %select_n3A_1016 = arith.select %gt3A_1012, %broadcast_in_dim3A_1011, %select_n3A_1005 : vector<64x128xi1>, vector<64x128xi32>
    %gt3A_1017 = arith.cmpf ogt, %select_n3A_1013, %select_n3A_1007 : vector<64x128xf32>
    %select_n3A_1018 = arith.select %gt3A_1017, %select_n3A_1013, %select_n3A_1007 : vector<64x128xi1>, vector<64x128xf32>
    %select_n3A_1019 = arith.select %gt3A_1017, %select_n3A_1014, %select_n3A_1008 : vector<64x128xi1>, vector<64x128xi32>
    %slice3A_1020 = vector.extract_strided_slice %select_n3A {offsets = [0, 11392], sizes = [64, 128], strides = [1, 1]} : vector<64x25000xf32> to vector<64x128xf32>
    %broadcast_in_dim3A_1021 = arith.constant 89 : i32
    %broadcast_in_dim3A_1022 = vector.broadcast %broadcast_in_dim3A_1021 : i32 to vector<64x128xi32>
    %gt3A_1023 = arith.cmpf ogt, %slice3A_1020, %select_n3A_1015 : vector<64x128xf32>
    %select_n3A_1024 = arith.select %gt3A_1023, %select_n3A_1015, %slice3A_1020 : vector<64x128xi1>, vector<64x128xf32>
    %select_n3A_1025 = arith.select %gt3A_1023, %select_n3A_1016, %broadcast_in_dim3A_1022 : vector<64x128xi1>, vector<64x128xi32>
    %select_n3A_1026 = arith.select %gt3A_1023, %slice3A_1020, %select_n3A_1015 : vector<64x128xi1>, vector<64x128xf32>
    %select_n3A_1027 = arith.select %gt3A_1023, %broadcast_in_dim3A_1022, %select_n3A_1016 : vector<64x128xi1>, vector<64x128xi32>
    %gt3A_1028 = arith.cmpf ogt, %select_n3A_1024, %select_n3A_1018 : vector<64x128xf32>
    %select_n3A_1029 = arith.select %gt3A_1028, %select_n3A_1024, %select_n3A_1018 : vector<64x128xi1>, vector<64x128xf32>
    %select_n3A_1030 = arith.select %gt3A_1028, %select_n3A_1025, %select_n3A_1019 : vector<64x128xi1>, vector<64x128xi32>
    %slice3A_1031 = vector.extract_strided_slice %select_n3A {offsets = [0, 11520], sizes = [64, 128], strides = [1, 1]} : vector<64x25000xf32> to vector<64x128xf32>
    %broadcast_in_dim3A_1032 = arith.constant 90 : i32
    %broadcast_in_dim3A_1033 = vector.broadcast %broadcast_in_dim3A_1032 : i32 to vector<64x128xi32>
    %gt3A_1034 = arith.cmpf ogt, %slice3A_1031, %select_n3A_1026 : vector<64x128xf32>
    %select_n3A_1035 = arith.select %gt3A_1034, %select_n3A_1026, %slice3A_1031 : vector<64x128xi1>, vector<64x128xf32>
    %select_n3A_1036 = arith.select %gt3A_1034, %select_n3A_1027, %broadcast_in_dim3A_1033 : vector<64x128xi1>, vector<64x128xi32>
    %select_n3A_1037 = arith.select %gt3A_1034, %slice3A_1031, %select_n3A_1026 : vector<64x128xi1>, vector<64x128xf32>
    %select_n3A_1038 = arith.select %gt3A_1034, %broadcast_in_dim3A_1033, %select_n3A_1027 : vector<64x128xi1>, vector<64x128xi32>
    %gt3A_1039 = arith.cmpf ogt, %select_n3A_1035, %select_n3A_1029 : vector<64x128xf32>
    %select_n3A_1040 = arith.select %gt3A_1039, %select_n3A_1035, %select_n3A_1029 : vector<64x128xi1>, vector<64x128xf32>
    %select_n3A_1041 = arith.select %gt3A_1039, %select_n3A_1036, %select_n3A_1030 : vector<64x128xi1>, vector<64x128xi32>
    %slice3A_1042 = vector.extract_strided_slice %select_n3A {offsets = [0, 11648], sizes = [64, 128], strides = [1, 1]} : vector<64x25000xf32> to vector<64x128xf32>
    %broadcast_in_dim3A_1043 = arith.constant 91 : i32
    %broadcast_in_dim3A_1044 = vector.broadcast %broadcast_in_dim3A_1043 : i32 to vector<64x128xi32>
    %gt3A_1045 = arith.cmpf ogt, %slice3A_1042, %select_n3A_1037 : vector<64x128xf32>
    %select_n3A_1046 = arith.select %gt3A_1045, %select_n3A_1037, %slice3A_1042 : vector<64x128xi1>, vector<64x128xf32>
    %select_n3A_1047 = arith.select %gt3A_1045, %select_n3A_1038, %broadcast_in_dim3A_1044 : vector<64x128xi1>, vector<64x128xi32>
    %select_n3A_1048 = arith.select %gt3A_1045, %slice3A_1042, %select_n3A_1037 : vector<64x128xi1>, vector<64x128xf32>
    %select_n3A_1049 = arith.select %gt3A_1045, %broadcast_in_dim3A_1044, %select_n3A_1038 : vector<64x128xi1>, vector<64x128xi32>
    %gt3A_1050 = arith.cmpf ogt, %select_n3A_1046, %select_n3A_1040 : vector<64x128xf32>
    %select_n3A_1051 = arith.select %gt3A_1050, %select_n3A_1046, %select_n3A_1040 : vector<64x128xi1>, vector<64x128xf32>
    %select_n3A_1052 = arith.select %gt3A_1050, %select_n3A_1047, %select_n3A_1041 : vector<64x128xi1>, vector<64x128xi32>
    %slice3A_1053 = vector.extract_strided_slice %select_n3A {offsets = [0, 11776], sizes = [64, 128], strides = [1, 1]} : vector<64x25000xf32> to vector<64x128xf32>
    %broadcast_in_dim3A_1054 = arith.constant 92 : i32
    %broadcast_in_dim3A_1055 = vector.broadcast %broadcast_in_dim3A_1054 : i32 to vector<64x128xi32>
    %gt3A_1056 = arith.cmpf ogt, %slice3A_1053, %select_n3A_1048 : vector<64x128xf32>
    %select_n3A_1057 = arith.select %gt3A_1056, %select_n3A_1048, %slice3A_1053 : vector<64x128xi1>, vector<64x128xf32>
    %select_n3A_1058 = arith.select %gt3A_1056, %select_n3A_1049, %broadcast_in_dim3A_1055 : vector<64x128xi1>, vector<64x128xi32>
    %select_n3A_1059 = arith.select %gt3A_1056, %slice3A_1053, %select_n3A_1048 : vector<64x128xi1>, vector<64x128xf32>
    %select_n3A_1060 = arith.select %gt3A_1056, %broadcast_in_dim3A_1055, %select_n3A_1049 : vector<64x128xi1>, vector<64x128xi32>
    %gt3A_1061 = arith.cmpf ogt, %select_n3A_1057, %select_n3A_1051 : vector<64x128xf32>
    %select_n3A_1062 = arith.select %gt3A_1061, %select_n3A_1057, %select_n3A_1051 : vector<64x128xi1>, vector<64x128xf32>
    %select_n3A_1063 = arith.select %gt3A_1061, %select_n3A_1058, %select_n3A_1052 : vector<64x128xi1>, vector<64x128xi32>
    %slice3A_1064 = vector.extract_strided_slice %select_n3A {offsets = [0, 11904], sizes = [64, 128], strides = [1, 1]} : vector<64x25000xf32> to vector<64x128xf32>
    %broadcast_in_dim3A_1065 = arith.constant 93 : i32
    %broadcast_in_dim3A_1066 = vector.broadcast %broadcast_in_dim3A_1065 : i32 to vector<64x128xi32>
    %gt3A_1067 = arith.cmpf ogt, %slice3A_1064, %select_n3A_1059 : vector<64x128xf32>
    %select_n3A_1068 = arith.select %gt3A_1067, %select_n3A_1059, %slice3A_1064 : vector<64x128xi1>, vector<64x128xf32>
    %select_n3A_1069 = arith.select %gt3A_1067, %select_n3A_1060, %broadcast_in_dim3A_1066 : vector<64x128xi1>, vector<64x128xi32>
    %select_n3A_1070 = arith.select %gt3A_1067, %slice3A_1064, %select_n3A_1059 : vector<64x128xi1>, vector<64x128xf32>
    %select_n3A_1071 = arith.select %gt3A_1067, %broadcast_in_dim3A_1066, %select_n3A_1060 : vector<64x128xi1>, vector<64x128xi32>
    %gt3A_1072 = arith.cmpf ogt, %select_n3A_1068, %select_n3A_1062 : vector<64x128xf32>
    %select_n3A_1073 = arith.select %gt3A_1072, %select_n3A_1068, %select_n3A_1062 : vector<64x128xi1>, vector<64x128xf32>
    %select_n3A_1074 = arith.select %gt3A_1072, %select_n3A_1069, %select_n3A_1063 : vector<64x128xi1>, vector<64x128xi32>
    %slice3A_1075 = vector.extract_strided_slice %select_n3A {offsets = [0, 12032], sizes = [64, 128], strides = [1, 1]} : vector<64x25000xf32> to vector<64x128xf32>
    %broadcast_in_dim3A_1076 = arith.constant 94 : i32
    %broadcast_in_dim3A_1077 = vector.broadcast %broadcast_in_dim3A_1076 : i32 to vector<64x128xi32>
    %gt3A_1078 = arith.cmpf ogt, %slice3A_1075, %select_n3A_1070 : vector<64x128xf32>
    %select_n3A_1079 = arith.select %gt3A_1078, %select_n3A_1070, %slice3A_1075 : vector<64x128xi1>, vector<64x128xf32>
    %select_n3A_1080 = arith.select %gt3A_1078, %select_n3A_1071, %broadcast_in_dim3A_1077 : vector<64x128xi1>, vector<64x128xi32>
    %select_n3A_1081 = arith.select %gt3A_1078, %slice3A_1075, %select_n3A_1070 : vector<64x128xi1>, vector<64x128xf32>
    %select_n3A_1082 = arith.select %gt3A_1078, %broadcast_in_dim3A_1077, %select_n3A_1071 : vector<64x128xi1>, vector<64x128xi32>
    %gt3A_1083 = arith.cmpf ogt, %select_n3A_1079, %select_n3A_1073 : vector<64x128xf32>
    %select_n3A_1084 = arith.select %gt3A_1083, %select_n3A_1079, %select_n3A_1073 : vector<64x128xi1>, vector<64x128xf32>
    %select_n3A_1085 = arith.select %gt3A_1083, %select_n3A_1080, %select_n3A_1074 : vector<64x128xi1>, vector<64x128xi32>
    %slice3A_1086 = vector.extract_strided_slice %select_n3A {offsets = [0, 12160], sizes = [64, 128], strides = [1, 1]} : vector<64x25000xf32> to vector<64x128xf32>
    %broadcast_in_dim3A_1087 = arith.constant 95 : i32
    %broadcast_in_dim3A_1088 = vector.broadcast %broadcast_in_dim3A_1087 : i32 to vector<64x128xi32>
    %gt3A_1089 = arith.cmpf ogt, %slice3A_1086, %select_n3A_1081 : vector<64x128xf32>
    %select_n3A_1090 = arith.select %gt3A_1089, %select_n3A_1081, %slice3A_1086 : vector<64x128xi1>, vector<64x128xf32>
    %select_n3A_1091 = arith.select %gt3A_1089, %select_n3A_1082, %broadcast_in_dim3A_1088 : vector<64x128xi1>, vector<64x128xi32>
    %select_n3A_1092 = arith.select %gt3A_1089, %slice3A_1086, %select_n3A_1081 : vector<64x128xi1>, vector<64x128xf32>
    %select_n3A_1093 = arith.select %gt3A_1089, %broadcast_in_dim3A_1088, %select_n3A_1082 : vector<64x128xi1>, vector<64x128xi32>
    %gt3A_1094 = arith.cmpf ogt, %select_n3A_1090, %select_n3A_1084 : vector<64x128xf32>
    %select_n3A_1095 = arith.select %gt3A_1094, %select_n3A_1090, %select_n3A_1084 : vector<64x128xi1>, vector<64x128xf32>
    %select_n3A_1096 = arith.select %gt3A_1094, %select_n3A_1091, %select_n3A_1085 : vector<64x128xi1>, vector<64x128xi32>
    %slice3A_1097 = vector.extract_strided_slice %select_n3A {offsets = [0, 12288], sizes = [64, 128], strides = [1, 1]} : vector<64x25000xf32> to vector<64x128xf32>
    %broadcast_in_dim3A_1098 = arith.constant 96 : i32
    %broadcast_in_dim3A_1099 = vector.broadcast %broadcast_in_dim3A_1098 : i32 to vector<64x128xi32>
    %gt3A_1100 = arith.cmpf ogt, %slice3A_1097, %select_n3A_1092 : vector<64x128xf32>
    %select_n3A_1101 = arith.select %gt3A_1100, %select_n3A_1092, %slice3A_1097 : vector<64x128xi1>, vector<64x128xf32>
    %select_n3A_1102 = arith.select %gt3A_1100, %select_n3A_1093, %broadcast_in_dim3A_1099 : vector<64x128xi1>, vector<64x128xi32>
    %select_n3A_1103 = arith.select %gt3A_1100, %slice3A_1097, %select_n3A_1092 : vector<64x128xi1>, vector<64x128xf32>
    %select_n3A_1104 = arith.select %gt3A_1100, %broadcast_in_dim3A_1099, %select_n3A_1093 : vector<64x128xi1>, vector<64x128xi32>
    %gt3A_1105 = arith.cmpf ogt, %select_n3A_1101, %select_n3A_1095 : vector<64x128xf32>
    %select_n3A_1106 = arith.select %gt3A_1105, %select_n3A_1101, %select_n3A_1095 : vector<64x128xi1>, vector<64x128xf32>
    %select_n3A_1107 = arith.select %gt3A_1105, %select_n3A_1102, %select_n3A_1096 : vector<64x128xi1>, vector<64x128xi32>
    %slice3A_1108 = vector.extract_strided_slice %select_n3A {offsets = [0, 12416], sizes = [64, 128], strides = [1, 1]} : vector<64x25000xf32> to vector<64x128xf32>
    %broadcast_in_dim3A_1109 = arith.constant 97 : i32
    %broadcast_in_dim3A_1110 = vector.broadcast %broadcast_in_dim3A_1109 : i32 to vector<64x128xi32>
    %gt3A_1111 = arith.cmpf ogt, %slice3A_1108, %select_n3A_1103 : vector<64x128xf32>
    %select_n3A_1112 = arith.select %gt3A_1111, %select_n3A_1103, %slice3A_1108 : vector<64x128xi1>, vector<64x128xf32>
    %select_n3A_1113 = arith.select %gt3A_1111, %select_n3A_1104, %broadcast_in_dim3A_1110 : vector<64x128xi1>, vector<64x128xi32>
    %select_n3A_1114 = arith.select %gt3A_1111, %slice3A_1108, %select_n3A_1103 : vector<64x128xi1>, vector<64x128xf32>
    %select_n3A_1115 = arith.select %gt3A_1111, %broadcast_in_dim3A_1110, %select_n3A_1104 : vector<64x128xi1>, vector<64x128xi32>
    %gt3A_1116 = arith.cmpf ogt, %select_n3A_1112, %select_n3A_1106 : vector<64x128xf32>
    %select_n3A_1117 = arith.select %gt3A_1116, %select_n3A_1112, %select_n3A_1106 : vector<64x128xi1>, vector<64x128xf32>
    %select_n3A_1118 = arith.select %gt3A_1116, %select_n3A_1113, %select_n3A_1107 : vector<64x128xi1>, vector<64x128xi32>
    %slice3A_1119 = vector.extract_strided_slice %select_n3A {offsets = [0, 12544], sizes = [64, 128], strides = [1, 1]} : vector<64x25000xf32> to vector<64x128xf32>
    %broadcast_in_dim3A_1120 = arith.constant 98 : i32
    %broadcast_in_dim3A_1121 = vector.broadcast %broadcast_in_dim3A_1120 : i32 to vector<64x128xi32>
    %gt3A_1122 = arith.cmpf ogt, %slice3A_1119, %select_n3A_1114 : vector<64x128xf32>
    %select_n3A_1123 = arith.select %gt3A_1122, %select_n3A_1114, %slice3A_1119 : vector<64x128xi1>, vector<64x128xf32>
    %select_n3A_1124 = arith.select %gt3A_1122, %select_n3A_1115, %broadcast_in_dim3A_1121 : vector<64x128xi1>, vector<64x128xi32>
    %select_n3A_1125 = arith.select %gt3A_1122, %slice3A_1119, %select_n3A_1114 : vector<64x128xi1>, vector<64x128xf32>
    %select_n3A_1126 = arith.select %gt3A_1122, %broadcast_in_dim3A_1121, %select_n3A_1115 : vector<64x128xi1>, vector<64x128xi32>
    %gt3A_1127 = arith.cmpf ogt, %select_n3A_1123, %select_n3A_1117 : vector<64x128xf32>
    %select_n3A_1128 = arith.select %gt3A_1127, %select_n3A_1123, %select_n3A_1117 : vector<64x128xi1>, vector<64x128xf32>
    %select_n3A_1129 = arith.select %gt3A_1127, %select_n3A_1124, %select_n3A_1118 : vector<64x128xi1>, vector<64x128xi32>
    %slice3A_1130 = vector.extract_strided_slice %select_n3A {offsets = [0, 12672], sizes = [64, 128], strides = [1, 1]} : vector<64x25000xf32> to vector<64x128xf32>
    %broadcast_in_dim3A_1131 = arith.constant 99 : i32
    %broadcast_in_dim3A_1132 = vector.broadcast %broadcast_in_dim3A_1131 : i32 to vector<64x128xi32>
    %gt3A_1133 = arith.cmpf ogt, %slice3A_1130, %select_n3A_1125 : vector<64x128xf32>
    %select_n3A_1134 = arith.select %gt3A_1133, %select_n3A_1125, %slice3A_1130 : vector<64x128xi1>, vector<64x128xf32>
    %select_n3A_1135 = arith.select %gt3A_1133, %select_n3A_1126, %broadcast_in_dim3A_1132 : vector<64x128xi1>, vector<64x128xi32>
    %select_n3A_1136 = arith.select %gt3A_1133, %slice3A_1130, %select_n3A_1125 : vector<64x128xi1>, vector<64x128xf32>
    %select_n3A_1137 = arith.select %gt3A_1133, %broadcast_in_dim3A_1132, %select_n3A_1126 : vector<64x128xi1>, vector<64x128xi32>
    %gt3A_1138 = arith.cmpf ogt, %select_n3A_1134, %select_n3A_1128 : vector<64x128xf32>
    %select_n3A_1139 = arith.select %gt3A_1138, %select_n3A_1134, %select_n3A_1128 : vector<64x128xi1>, vector<64x128xf32>
    %select_n3A_1140 = arith.select %gt3A_1138, %select_n3A_1135, %select_n3A_1129 : vector<64x128xi1>, vector<64x128xi32>
    %slice3A_1141 = vector.extract_strided_slice %select_n3A {offsets = [0, 12800], sizes = [64, 128], strides = [1, 1]} : vector<64x25000xf32> to vector<64x128xf32>
    %broadcast_in_dim3A_1142 = arith.constant 100 : i32
    %broadcast_in_dim3A_1143 = vector.broadcast %broadcast_in_dim3A_1142 : i32 to vector<64x128xi32>
    %gt3A_1144 = arith.cmpf ogt, %slice3A_1141, %select_n3A_1136 : vector<64x128xf32>
    %select_n3A_1145 = arith.select %gt3A_1144, %select_n3A_1136, %slice3A_1141 : vector<64x128xi1>, vector<64x128xf32>
    %select_n3A_1146 = arith.select %gt3A_1144, %select_n3A_1137, %broadcast_in_dim3A_1143 : vector<64x128xi1>, vector<64x128xi32>
    %select_n3A_1147 = arith.select %gt3A_1144, %slice3A_1141, %select_n3A_1136 : vector<64x128xi1>, vector<64x128xf32>
    %select_n3A_1148 = arith.select %gt3A_1144, %broadcast_in_dim3A_1143, %select_n3A_1137 : vector<64x128xi1>, vector<64x128xi32>
    %gt3A_1149 = arith.cmpf ogt, %select_n3A_1145, %select_n3A_1139 : vector<64x128xf32>
    %select_n3A_1150 = arith.select %gt3A_1149, %select_n3A_1145, %select_n3A_1139 : vector<64x128xi1>, vector<64x128xf32>
    %select_n3A_1151 = arith.select %gt3A_1149, %select_n3A_1146, %select_n3A_1140 : vector<64x128xi1>, vector<64x128xi32>
    %slice3A_1152 = vector.extract_strided_slice %select_n3A {offsets = [0, 12928], sizes = [64, 128], strides = [1, 1]} : vector<64x25000xf32> to vector<64x128xf32>
    %broadcast_in_dim3A_1153 = arith.constant 101 : i32
    %broadcast_in_dim3A_1154 = vector.broadcast %broadcast_in_dim3A_1153 : i32 to vector<64x128xi32>
    %gt3A_1155 = arith.cmpf ogt, %slice3A_1152, %select_n3A_1147 : vector<64x128xf32>
    %select_n3A_1156 = arith.select %gt3A_1155, %select_n3A_1147, %slice3A_1152 : vector<64x128xi1>, vector<64x128xf32>
    %select_n3A_1157 = arith.select %gt3A_1155, %select_n3A_1148, %broadcast_in_dim3A_1154 : vector<64x128xi1>, vector<64x128xi32>
    %select_n3A_1158 = arith.select %gt3A_1155, %slice3A_1152, %select_n3A_1147 : vector<64x128xi1>, vector<64x128xf32>
    %select_n3A_1159 = arith.select %gt3A_1155, %broadcast_in_dim3A_1154, %select_n3A_1148 : vector<64x128xi1>, vector<64x128xi32>
    %gt3A_1160 = arith.cmpf ogt, %select_n3A_1156, %select_n3A_1150 : vector<64x128xf32>
    %select_n3A_1161 = arith.select %gt3A_1160, %select_n3A_1156, %select_n3A_1150 : vector<64x128xi1>, vector<64x128xf32>
    %select_n3A_1162 = arith.select %gt3A_1160, %select_n3A_1157, %select_n3A_1151 : vector<64x128xi1>, vector<64x128xi32>
    %slice3A_1163 = vector.extract_strided_slice %select_n3A {offsets = [0, 13056], sizes = [64, 128], strides = [1, 1]} : vector<64x25000xf32> to vector<64x128xf32>
    %broadcast_in_dim3A_1164 = arith.constant 102 : i32
    %broadcast_in_dim3A_1165 = vector.broadcast %broadcast_in_dim3A_1164 : i32 to vector<64x128xi32>
    %gt3A_1166 = arith.cmpf ogt, %slice3A_1163, %select_n3A_1158 : vector<64x128xf32>
    %select_n3A_1167 = arith.select %gt3A_1166, %select_n3A_1158, %slice3A_1163 : vector<64x128xi1>, vector<64x128xf32>
    %select_n3A_1168 = arith.select %gt3A_1166, %select_n3A_1159, %broadcast_in_dim3A_1165 : vector<64x128xi1>, vector<64x128xi32>
    %select_n3A_1169 = arith.select %gt3A_1166, %slice3A_1163, %select_n3A_1158 : vector<64x128xi1>, vector<64x128xf32>
    %select_n3A_1170 = arith.select %gt3A_1166, %broadcast_in_dim3A_1165, %select_n3A_1159 : vector<64x128xi1>, vector<64x128xi32>
    %gt3A_1171 = arith.cmpf ogt, %select_n3A_1167, %select_n3A_1161 : vector<64x128xf32>
    %select_n3A_1172 = arith.select %gt3A_1171, %select_n3A_1167, %select_n3A_1161 : vector<64x128xi1>, vector<64x128xf32>
    %select_n3A_1173 = arith.select %gt3A_1171, %select_n3A_1168, %select_n3A_1162 : vector<64x128xi1>, vector<64x128xi32>
    %slice3A_1174 = vector.extract_strided_slice %select_n3A {offsets = [0, 13184], sizes = [64, 128], strides = [1, 1]} : vector<64x25000xf32> to vector<64x128xf32>
    %broadcast_in_dim3A_1175 = arith.constant 103 : i32
    %broadcast_in_dim3A_1176 = vector.broadcast %broadcast_in_dim3A_1175 : i32 to vector<64x128xi32>
    %gt3A_1177 = arith.cmpf ogt, %slice3A_1174, %select_n3A_1169 : vector<64x128xf32>
    %select_n3A_1178 = arith.select %gt3A_1177, %select_n3A_1169, %slice3A_1174 : vector<64x128xi1>, vector<64x128xf32>
    %select_n3A_1179 = arith.select %gt3A_1177, %select_n3A_1170, %broadcast_in_dim3A_1176 : vector<64x128xi1>, vector<64x128xi32>
    %select_n3A_1180 = arith.select %gt3A_1177, %slice3A_1174, %select_n3A_1169 : vector<64x128xi1>, vector<64x128xf32>
    %select_n3A_1181 = arith.select %gt3A_1177, %broadcast_in_dim3A_1176, %select_n3A_1170 : vector<64x128xi1>, vector<64x128xi32>
    %gt3A_1182 = arith.cmpf ogt, %select_n3A_1178, %select_n3A_1172 : vector<64x128xf32>
    %select_n3A_1183 = arith.select %gt3A_1182, %select_n3A_1178, %select_n3A_1172 : vector<64x128xi1>, vector<64x128xf32>
    %select_n3A_1184 = arith.select %gt3A_1182, %select_n3A_1179, %select_n3A_1173 : vector<64x128xi1>, vector<64x128xi32>
    %slice3A_1185 = vector.extract_strided_slice %select_n3A {offsets = [0, 13312], sizes = [64, 128], strides = [1, 1]} : vector<64x25000xf32> to vector<64x128xf32>
    %broadcast_in_dim3A_1186 = arith.constant 104 : i32
    %broadcast_in_dim3A_1187 = vector.broadcast %broadcast_in_dim3A_1186 : i32 to vector<64x128xi32>
    %gt3A_1188 = arith.cmpf ogt, %slice3A_1185, %select_n3A_1180 : vector<64x128xf32>
    %select_n3A_1189 = arith.select %gt3A_1188, %select_n3A_1180, %slice3A_1185 : vector<64x128xi1>, vector<64x128xf32>
    %select_n3A_1190 = arith.select %gt3A_1188, %select_n3A_1181, %broadcast_in_dim3A_1187 : vector<64x128xi1>, vector<64x128xi32>
    %select_n3A_1191 = arith.select %gt3A_1188, %slice3A_1185, %select_n3A_1180 : vector<64x128xi1>, vector<64x128xf32>
    %select_n3A_1192 = arith.select %gt3A_1188, %broadcast_in_dim3A_1187, %select_n3A_1181 : vector<64x128xi1>, vector<64x128xi32>
    %gt3A_1193 = arith.cmpf ogt, %select_n3A_1189, %select_n3A_1183 : vector<64x128xf32>
    %select_n3A_1194 = arith.select %gt3A_1193, %select_n3A_1189, %select_n3A_1183 : vector<64x128xi1>, vector<64x128xf32>
    %select_n3A_1195 = arith.select %gt3A_1193, %select_n3A_1190, %select_n3A_1184 : vector<64x128xi1>, vector<64x128xi32>
    %slice3A_1196 = vector.extract_strided_slice %select_n3A {offsets = [0, 13440], sizes = [64, 128], strides = [1, 1]} : vector<64x25000xf32> to vector<64x128xf32>
    %broadcast_in_dim3A_1197 = arith.constant 105 : i32
    %broadcast_in_dim3A_1198 = vector.broadcast %broadcast_in_dim3A_1197 : i32 to vector<64x128xi32>
    %gt3A_1199 = arith.cmpf ogt, %slice3A_1196, %select_n3A_1191 : vector<64x128xf32>
    %select_n3A_1200 = arith.select %gt3A_1199, %select_n3A_1191, %slice3A_1196 : vector<64x128xi1>, vector<64x128xf32>
    %select_n3A_1201 = arith.select %gt3A_1199, %select_n3A_1192, %broadcast_in_dim3A_1198 : vector<64x128xi1>, vector<64x128xi32>
    %select_n3A_1202 = arith.select %gt3A_1199, %slice3A_1196, %select_n3A_1191 : vector<64x128xi1>, vector<64x128xf32>
    %select_n3A_1203 = arith.select %gt3A_1199, %broadcast_in_dim3A_1198, %select_n3A_1192 : vector<64x128xi1>, vector<64x128xi32>
    %gt3A_1204 = arith.cmpf ogt, %select_n3A_1200, %select_n3A_1194 : vector<64x128xf32>
    %select_n3A_1205 = arith.select %gt3A_1204, %select_n3A_1200, %select_n3A_1194 : vector<64x128xi1>, vector<64x128xf32>
    %select_n3A_1206 = arith.select %gt3A_1204, %select_n3A_1201, %select_n3A_1195 : vector<64x128xi1>, vector<64x128xi32>
    %slice3A_1207 = vector.extract_strided_slice %select_n3A {offsets = [0, 13568], sizes = [64, 128], strides = [1, 1]} : vector<64x25000xf32> to vector<64x128xf32>
    %broadcast_in_dim3A_1208 = arith.constant 106 : i32
    %broadcast_in_dim3A_1209 = vector.broadcast %broadcast_in_dim3A_1208 : i32 to vector<64x128xi32>
    %gt3A_1210 = arith.cmpf ogt, %slice3A_1207, %select_n3A_1202 : vector<64x128xf32>
    %select_n3A_1211 = arith.select %gt3A_1210, %select_n3A_1202, %slice3A_1207 : vector<64x128xi1>, vector<64x128xf32>
    %select_n3A_1212 = arith.select %gt3A_1210, %select_n3A_1203, %broadcast_in_dim3A_1209 : vector<64x128xi1>, vector<64x128xi32>
    %select_n3A_1213 = arith.select %gt3A_1210, %slice3A_1207, %select_n3A_1202 : vector<64x128xi1>, vector<64x128xf32>
    %select_n3A_1214 = arith.select %gt3A_1210, %broadcast_in_dim3A_1209, %select_n3A_1203 : vector<64x128xi1>, vector<64x128xi32>
    %gt3A_1215 = arith.cmpf ogt, %select_n3A_1211, %select_n3A_1205 : vector<64x128xf32>
    %select_n3A_1216 = arith.select %gt3A_1215, %select_n3A_1211, %select_n3A_1205 : vector<64x128xi1>, vector<64x128xf32>
    %select_n3A_1217 = arith.select %gt3A_1215, %select_n3A_1212, %select_n3A_1206 : vector<64x128xi1>, vector<64x128xi32>
    %slice3A_1218 = vector.extract_strided_slice %select_n3A {offsets = [0, 13696], sizes = [64, 128], strides = [1, 1]} : vector<64x25000xf32> to vector<64x128xf32>
    %broadcast_in_dim3A_1219 = arith.constant 107 : i32
    %broadcast_in_dim3A_1220 = vector.broadcast %broadcast_in_dim3A_1219 : i32 to vector<64x128xi32>
    %gt3A_1221 = arith.cmpf ogt, %slice3A_1218, %select_n3A_1213 : vector<64x128xf32>
    %select_n3A_1222 = arith.select %gt3A_1221, %select_n3A_1213, %slice3A_1218 : vector<64x128xi1>, vector<64x128xf32>
    %select_n3A_1223 = arith.select %gt3A_1221, %select_n3A_1214, %broadcast_in_dim3A_1220 : vector<64x128xi1>, vector<64x128xi32>
    %select_n3A_1224 = arith.select %gt3A_1221, %slice3A_1218, %select_n3A_1213 : vector<64x128xi1>, vector<64x128xf32>
    %select_n3A_1225 = arith.select %gt3A_1221, %broadcast_in_dim3A_1220, %select_n3A_1214 : vector<64x128xi1>, vector<64x128xi32>
    %gt3A_1226 = arith.cmpf ogt, %select_n3A_1222, %select_n3A_1216 : vector<64x128xf32>
    %select_n3A_1227 = arith.select %gt3A_1226, %select_n3A_1222, %select_n3A_1216 : vector<64x128xi1>, vector<64x128xf32>
    %select_n3A_1228 = arith.select %gt3A_1226, %select_n3A_1223, %select_n3A_1217 : vector<64x128xi1>, vector<64x128xi32>
    %slice3A_1229 = vector.extract_strided_slice %select_n3A {offsets = [0, 13824], sizes = [64, 128], strides = [1, 1]} : vector<64x25000xf32> to vector<64x128xf32>
    %broadcast_in_dim3A_1230 = arith.constant 108 : i32
    %broadcast_in_dim3A_1231 = vector.broadcast %broadcast_in_dim3A_1230 : i32 to vector<64x128xi32>
    %gt3A_1232 = arith.cmpf ogt, %slice3A_1229, %select_n3A_1224 : vector<64x128xf32>
    %select_n3A_1233 = arith.select %gt3A_1232, %select_n3A_1224, %slice3A_1229 : vector<64x128xi1>, vector<64x128xf32>
    %select_n3A_1234 = arith.select %gt3A_1232, %select_n3A_1225, %broadcast_in_dim3A_1231 : vector<64x128xi1>, vector<64x128xi32>
    %select_n3A_1235 = arith.select %gt3A_1232, %slice3A_1229, %select_n3A_1224 : vector<64x128xi1>, vector<64x128xf32>
    %select_n3A_1236 = arith.select %gt3A_1232, %broadcast_in_dim3A_1231, %select_n3A_1225 : vector<64x128xi1>, vector<64x128xi32>
    %gt3A_1237 = arith.cmpf ogt, %select_n3A_1233, %select_n3A_1227 : vector<64x128xf32>
    %select_n3A_1238 = arith.select %gt3A_1237, %select_n3A_1233, %select_n3A_1227 : vector<64x128xi1>, vector<64x128xf32>
    %select_n3A_1239 = arith.select %gt3A_1237, %select_n3A_1234, %select_n3A_1228 : vector<64x128xi1>, vector<64x128xi32>
    %slice3A_1240 = vector.extract_strided_slice %select_n3A {offsets = [0, 13952], sizes = [64, 128], strides = [1, 1]} : vector<64x25000xf32> to vector<64x128xf32>
    %broadcast_in_dim3A_1241 = arith.constant 109 : i32
    %broadcast_in_dim3A_1242 = vector.broadcast %broadcast_in_dim3A_1241 : i32 to vector<64x128xi32>
    %gt3A_1243 = arith.cmpf ogt, %slice3A_1240, %select_n3A_1235 : vector<64x128xf32>
    %select_n3A_1244 = arith.select %gt3A_1243, %select_n3A_1235, %slice3A_1240 : vector<64x128xi1>, vector<64x128xf32>
    %select_n3A_1245 = arith.select %gt3A_1243, %select_n3A_1236, %broadcast_in_dim3A_1242 : vector<64x128xi1>, vector<64x128xi32>
    %select_n3A_1246 = arith.select %gt3A_1243, %slice3A_1240, %select_n3A_1235 : vector<64x128xi1>, vector<64x128xf32>
    %select_n3A_1247 = arith.select %gt3A_1243, %broadcast_in_dim3A_1242, %select_n3A_1236 : vector<64x128xi1>, vector<64x128xi32>
    %gt3A_1248 = arith.cmpf ogt, %select_n3A_1244, %select_n3A_1238 : vector<64x128xf32>
    %select_n3A_1249 = arith.select %gt3A_1248, %select_n3A_1244, %select_n3A_1238 : vector<64x128xi1>, vector<64x128xf32>
    %select_n3A_1250 = arith.select %gt3A_1248, %select_n3A_1245, %select_n3A_1239 : vector<64x128xi1>, vector<64x128xi32>
    %slice3A_1251 = vector.extract_strided_slice %select_n3A {offsets = [0, 14080], sizes = [64, 128], strides = [1, 1]} : vector<64x25000xf32> to vector<64x128xf32>
    %broadcast_in_dim3A_1252 = arith.constant 110 : i32
    %broadcast_in_dim3A_1253 = vector.broadcast %broadcast_in_dim3A_1252 : i32 to vector<64x128xi32>
    %gt3A_1254 = arith.cmpf ogt, %slice3A_1251, %select_n3A_1246 : vector<64x128xf32>
    %select_n3A_1255 = arith.select %gt3A_1254, %select_n3A_1246, %slice3A_1251 : vector<64x128xi1>, vector<64x128xf32>
    %select_n3A_1256 = arith.select %gt3A_1254, %select_n3A_1247, %broadcast_in_dim3A_1253 : vector<64x128xi1>, vector<64x128xi32>
    %select_n3A_1257 = arith.select %gt3A_1254, %slice3A_1251, %select_n3A_1246 : vector<64x128xi1>, vector<64x128xf32>
    %select_n3A_1258 = arith.select %gt3A_1254, %broadcast_in_dim3A_1253, %select_n3A_1247 : vector<64x128xi1>, vector<64x128xi32>
    %gt3A_1259 = arith.cmpf ogt, %select_n3A_1255, %select_n3A_1249 : vector<64x128xf32>
    %select_n3A_1260 = arith.select %gt3A_1259, %select_n3A_1255, %select_n3A_1249 : vector<64x128xi1>, vector<64x128xf32>
    %select_n3A_1261 = arith.select %gt3A_1259, %select_n3A_1256, %select_n3A_1250 : vector<64x128xi1>, vector<64x128xi32>
    %slice3A_1262 = vector.extract_strided_slice %select_n3A {offsets = [0, 14208], sizes = [64, 128], strides = [1, 1]} : vector<64x25000xf32> to vector<64x128xf32>
    %broadcast_in_dim3A_1263 = arith.constant 111 : i32
    %broadcast_in_dim3A_1264 = vector.broadcast %broadcast_in_dim3A_1263 : i32 to vector<64x128xi32>
    %gt3A_1265 = arith.cmpf ogt, %slice3A_1262, %select_n3A_1257 : vector<64x128xf32>
    %select_n3A_1266 = arith.select %gt3A_1265, %select_n3A_1257, %slice3A_1262 : vector<64x128xi1>, vector<64x128xf32>
    %select_n3A_1267 = arith.select %gt3A_1265, %select_n3A_1258, %broadcast_in_dim3A_1264 : vector<64x128xi1>, vector<64x128xi32>
    %select_n3A_1268 = arith.select %gt3A_1265, %slice3A_1262, %select_n3A_1257 : vector<64x128xi1>, vector<64x128xf32>
    %select_n3A_1269 = arith.select %gt3A_1265, %broadcast_in_dim3A_1264, %select_n3A_1258 : vector<64x128xi1>, vector<64x128xi32>
    %gt3A_1270 = arith.cmpf ogt, %select_n3A_1266, %select_n3A_1260 : vector<64x128xf32>
    %select_n3A_1271 = arith.select %gt3A_1270, %select_n3A_1266, %select_n3A_1260 : vector<64x128xi1>, vector<64x128xf32>
    %select_n3A_1272 = arith.select %gt3A_1270, %select_n3A_1267, %select_n3A_1261 : vector<64x128xi1>, vector<64x128xi32>
    %slice3A_1273 = vector.extract_strided_slice %select_n3A {offsets = [0, 14336], sizes = [64, 128], strides = [1, 1]} : vector<64x25000xf32> to vector<64x128xf32>
    %broadcast_in_dim3A_1274 = arith.constant 112 : i32
    %broadcast_in_dim3A_1275 = vector.broadcast %broadcast_in_dim3A_1274 : i32 to vector<64x128xi32>
    %gt3A_1276 = arith.cmpf ogt, %slice3A_1273, %select_n3A_1268 : vector<64x128xf32>
    %select_n3A_1277 = arith.select %gt3A_1276, %select_n3A_1268, %slice3A_1273 : vector<64x128xi1>, vector<64x128xf32>
    %select_n3A_1278 = arith.select %gt3A_1276, %select_n3A_1269, %broadcast_in_dim3A_1275 : vector<64x128xi1>, vector<64x128xi32>
    %select_n3A_1279 = arith.select %gt3A_1276, %slice3A_1273, %select_n3A_1268 : vector<64x128xi1>, vector<64x128xf32>
    %select_n3A_1280 = arith.select %gt3A_1276, %broadcast_in_dim3A_1275, %select_n3A_1269 : vector<64x128xi1>, vector<64x128xi32>
    %gt3A_1281 = arith.cmpf ogt, %select_n3A_1277, %select_n3A_1271 : vector<64x128xf32>
    %select_n3A_1282 = arith.select %gt3A_1281, %select_n3A_1277, %select_n3A_1271 : vector<64x128xi1>, vector<64x128xf32>
    %select_n3A_1283 = arith.select %gt3A_1281, %select_n3A_1278, %select_n3A_1272 : vector<64x128xi1>, vector<64x128xi32>
    %slice3A_1284 = vector.extract_strided_slice %select_n3A {offsets = [0, 14464], sizes = [64, 128], strides = [1, 1]} : vector<64x25000xf32> to vector<64x128xf32>
    %broadcast_in_dim3A_1285 = arith.constant 113 : i32
    %broadcast_in_dim3A_1286 = vector.broadcast %broadcast_in_dim3A_1285 : i32 to vector<64x128xi32>
    %gt3A_1287 = arith.cmpf ogt, %slice3A_1284, %select_n3A_1279 : vector<64x128xf32>
    %select_n3A_1288 = arith.select %gt3A_1287, %select_n3A_1279, %slice3A_1284 : vector<64x128xi1>, vector<64x128xf32>
    %select_n3A_1289 = arith.select %gt3A_1287, %select_n3A_1280, %broadcast_in_dim3A_1286 : vector<64x128xi1>, vector<64x128xi32>
    %select_n3A_1290 = arith.select %gt3A_1287, %slice3A_1284, %select_n3A_1279 : vector<64x128xi1>, vector<64x128xf32>
    %select_n3A_1291 = arith.select %gt3A_1287, %broadcast_in_dim3A_1286, %select_n3A_1280 : vector<64x128xi1>, vector<64x128xi32>
    %gt3A_1292 = arith.cmpf ogt, %select_n3A_1288, %select_n3A_1282 : vector<64x128xf32>
    %select_n3A_1293 = arith.select %gt3A_1292, %select_n3A_1288, %select_n3A_1282 : vector<64x128xi1>, vector<64x128xf32>
    %select_n3A_1294 = arith.select %gt3A_1292, %select_n3A_1289, %select_n3A_1283 : vector<64x128xi1>, vector<64x128xi32>
    %slice3A_1295 = vector.extract_strided_slice %select_n3A {offsets = [0, 14592], sizes = [64, 128], strides = [1, 1]} : vector<64x25000xf32> to vector<64x128xf32>
    %broadcast_in_dim3A_1296 = arith.constant 114 : i32
    %broadcast_in_dim3A_1297 = vector.broadcast %broadcast_in_dim3A_1296 : i32 to vector<64x128xi32>
    %gt3A_1298 = arith.cmpf ogt, %slice3A_1295, %select_n3A_1290 : vector<64x128xf32>
    %select_n3A_1299 = arith.select %gt3A_1298, %select_n3A_1290, %slice3A_1295 : vector<64x128xi1>, vector<64x128xf32>
    %select_n3A_1300 = arith.select %gt3A_1298, %select_n3A_1291, %broadcast_in_dim3A_1297 : vector<64x128xi1>, vector<64x128xi32>
    %select_n3A_1301 = arith.select %gt3A_1298, %slice3A_1295, %select_n3A_1290 : vector<64x128xi1>, vector<64x128xf32>
    %select_n3A_1302 = arith.select %gt3A_1298, %broadcast_in_dim3A_1297, %select_n3A_1291 : vector<64x128xi1>, vector<64x128xi32>
    %gt3A_1303 = arith.cmpf ogt, %select_n3A_1299, %select_n3A_1293 : vector<64x128xf32>
    %select_n3A_1304 = arith.select %gt3A_1303, %select_n3A_1299, %select_n3A_1293 : vector<64x128xi1>, vector<64x128xf32>
    %select_n3A_1305 = arith.select %gt3A_1303, %select_n3A_1300, %select_n3A_1294 : vector<64x128xi1>, vector<64x128xi32>
    %slice3A_1306 = vector.extract_strided_slice %select_n3A {offsets = [0, 14720], sizes = [64, 128], strides = [1, 1]} : vector<64x25000xf32> to vector<64x128xf32>
    %broadcast_in_dim3A_1307 = arith.constant 115 : i32
    %broadcast_in_dim3A_1308 = vector.broadcast %broadcast_in_dim3A_1307 : i32 to vector<64x128xi32>
    %gt3A_1309 = arith.cmpf ogt, %slice3A_1306, %select_n3A_1301 : vector<64x128xf32>
    %select_n3A_1310 = arith.select %gt3A_1309, %select_n3A_1301, %slice3A_1306 : vector<64x128xi1>, vector<64x128xf32>
    %select_n3A_1311 = arith.select %gt3A_1309, %select_n3A_1302, %broadcast_in_dim3A_1308 : vector<64x128xi1>, vector<64x128xi32>
    %select_n3A_1312 = arith.select %gt3A_1309, %slice3A_1306, %select_n3A_1301 : vector<64x128xi1>, vector<64x128xf32>
    %select_n3A_1313 = arith.select %gt3A_1309, %broadcast_in_dim3A_1308, %select_n3A_1302 : vector<64x128xi1>, vector<64x128xi32>
    %gt3A_1314 = arith.cmpf ogt, %select_n3A_1310, %select_n3A_1304 : vector<64x128xf32>
    %select_n3A_1315 = arith.select %gt3A_1314, %select_n3A_1310, %select_n3A_1304 : vector<64x128xi1>, vector<64x128xf32>
    %select_n3A_1316 = arith.select %gt3A_1314, %select_n3A_1311, %select_n3A_1305 : vector<64x128xi1>, vector<64x128xi32>
    %slice3A_1317 = vector.extract_strided_slice %select_n3A {offsets = [0, 14848], sizes = [64, 128], strides = [1, 1]} : vector<64x25000xf32> to vector<64x128xf32>
    %broadcast_in_dim3A_1318 = arith.constant 116 : i32
    %broadcast_in_dim3A_1319 = vector.broadcast %broadcast_in_dim3A_1318 : i32 to vector<64x128xi32>
    %gt3A_1320 = arith.cmpf ogt, %slice3A_1317, %select_n3A_1312 : vector<64x128xf32>
    %select_n3A_1321 = arith.select %gt3A_1320, %select_n3A_1312, %slice3A_1317 : vector<64x128xi1>, vector<64x128xf32>
    %select_n3A_1322 = arith.select %gt3A_1320, %select_n3A_1313, %broadcast_in_dim3A_1319 : vector<64x128xi1>, vector<64x128xi32>
    %select_n3A_1323 = arith.select %gt3A_1320, %slice3A_1317, %select_n3A_1312 : vector<64x128xi1>, vector<64x128xf32>
    %select_n3A_1324 = arith.select %gt3A_1320, %broadcast_in_dim3A_1319, %select_n3A_1313 : vector<64x128xi1>, vector<64x128xi32>
    %gt3A_1325 = arith.cmpf ogt, %select_n3A_1321, %select_n3A_1315 : vector<64x128xf32>
    %select_n3A_1326 = arith.select %gt3A_1325, %select_n3A_1321, %select_n3A_1315 : vector<64x128xi1>, vector<64x128xf32>
    %select_n3A_1327 = arith.select %gt3A_1325, %select_n3A_1322, %select_n3A_1316 : vector<64x128xi1>, vector<64x128xi32>
    %slice3A_1328 = vector.extract_strided_slice %select_n3A {offsets = [0, 14976], sizes = [64, 128], strides = [1, 1]} : vector<64x25000xf32> to vector<64x128xf32>
    %broadcast_in_dim3A_1329 = arith.constant 117 : i32
    %broadcast_in_dim3A_1330 = vector.broadcast %broadcast_in_dim3A_1329 : i32 to vector<64x128xi32>
    %gt3A_1331 = arith.cmpf ogt, %slice3A_1328, %select_n3A_1323 : vector<64x128xf32>
    %select_n3A_1332 = arith.select %gt3A_1331, %select_n3A_1323, %slice3A_1328 : vector<64x128xi1>, vector<64x128xf32>
    %select_n3A_1333 = arith.select %gt3A_1331, %select_n3A_1324, %broadcast_in_dim3A_1330 : vector<64x128xi1>, vector<64x128xi32>
    %select_n3A_1334 = arith.select %gt3A_1331, %slice3A_1328, %select_n3A_1323 : vector<64x128xi1>, vector<64x128xf32>
    %select_n3A_1335 = arith.select %gt3A_1331, %broadcast_in_dim3A_1330, %select_n3A_1324 : vector<64x128xi1>, vector<64x128xi32>
    %gt3A_1336 = arith.cmpf ogt, %select_n3A_1332, %select_n3A_1326 : vector<64x128xf32>
    %select_n3A_1337 = arith.select %gt3A_1336, %select_n3A_1332, %select_n3A_1326 : vector<64x128xi1>, vector<64x128xf32>
    %select_n3A_1338 = arith.select %gt3A_1336, %select_n3A_1333, %select_n3A_1327 : vector<64x128xi1>, vector<64x128xi32>
    %slice3A_1339 = vector.extract_strided_slice %select_n3A {offsets = [0, 15104], sizes = [64, 128], strides = [1, 1]} : vector<64x25000xf32> to vector<64x128xf32>
    %broadcast_in_dim3A_1340 = arith.constant 118 : i32
    %broadcast_in_dim3A_1341 = vector.broadcast %broadcast_in_dim3A_1340 : i32 to vector<64x128xi32>
    %gt3A_1342 = arith.cmpf ogt, %slice3A_1339, %select_n3A_1334 : vector<64x128xf32>
    %select_n3A_1343 = arith.select %gt3A_1342, %select_n3A_1334, %slice3A_1339 : vector<64x128xi1>, vector<64x128xf32>
    %select_n3A_1344 = arith.select %gt3A_1342, %select_n3A_1335, %broadcast_in_dim3A_1341 : vector<64x128xi1>, vector<64x128xi32>
    %select_n3A_1345 = arith.select %gt3A_1342, %slice3A_1339, %select_n3A_1334 : vector<64x128xi1>, vector<64x128xf32>
    %select_n3A_1346 = arith.select %gt3A_1342, %broadcast_in_dim3A_1341, %select_n3A_1335 : vector<64x128xi1>, vector<64x128xi32>
    %gt3A_1347 = arith.cmpf ogt, %select_n3A_1343, %select_n3A_1337 : vector<64x128xf32>
    %select_n3A_1348 = arith.select %gt3A_1347, %select_n3A_1343, %select_n3A_1337 : vector<64x128xi1>, vector<64x128xf32>
    %select_n3A_1349 = arith.select %gt3A_1347, %select_n3A_1344, %select_n3A_1338 : vector<64x128xi1>, vector<64x128xi32>
    %slice3A_1350 = vector.extract_strided_slice %select_n3A {offsets = [0, 15232], sizes = [64, 128], strides = [1, 1]} : vector<64x25000xf32> to vector<64x128xf32>
    %broadcast_in_dim3A_1351 = arith.constant 119 : i32
    %broadcast_in_dim3A_1352 = vector.broadcast %broadcast_in_dim3A_1351 : i32 to vector<64x128xi32>
    %gt3A_1353 = arith.cmpf ogt, %slice3A_1350, %select_n3A_1345 : vector<64x128xf32>
    %select_n3A_1354 = arith.select %gt3A_1353, %select_n3A_1345, %slice3A_1350 : vector<64x128xi1>, vector<64x128xf32>
    %select_n3A_1355 = arith.select %gt3A_1353, %select_n3A_1346, %broadcast_in_dim3A_1352 : vector<64x128xi1>, vector<64x128xi32>
    %select_n3A_1356 = arith.select %gt3A_1353, %slice3A_1350, %select_n3A_1345 : vector<64x128xi1>, vector<64x128xf32>
    %select_n3A_1357 = arith.select %gt3A_1353, %broadcast_in_dim3A_1352, %select_n3A_1346 : vector<64x128xi1>, vector<64x128xi32>
    %gt3A_1358 = arith.cmpf ogt, %select_n3A_1354, %select_n3A_1348 : vector<64x128xf32>
    %select_n3A_1359 = arith.select %gt3A_1358, %select_n3A_1354, %select_n3A_1348 : vector<64x128xi1>, vector<64x128xf32>
    %select_n3A_1360 = arith.select %gt3A_1358, %select_n3A_1355, %select_n3A_1349 : vector<64x128xi1>, vector<64x128xi32>
    %slice3A_1361 = vector.extract_strided_slice %select_n3A {offsets = [0, 15360], sizes = [64, 128], strides = [1, 1]} : vector<64x25000xf32> to vector<64x128xf32>
    %broadcast_in_dim3A_1362 = arith.constant 120 : i32
    %broadcast_in_dim3A_1363 = vector.broadcast %broadcast_in_dim3A_1362 : i32 to vector<64x128xi32>
    %gt3A_1364 = arith.cmpf ogt, %slice3A_1361, %select_n3A_1356 : vector<64x128xf32>
    %select_n3A_1365 = arith.select %gt3A_1364, %select_n3A_1356, %slice3A_1361 : vector<64x128xi1>, vector<64x128xf32>
    %select_n3A_1366 = arith.select %gt3A_1364, %select_n3A_1357, %broadcast_in_dim3A_1363 : vector<64x128xi1>, vector<64x128xi32>
    %select_n3A_1367 = arith.select %gt3A_1364, %slice3A_1361, %select_n3A_1356 : vector<64x128xi1>, vector<64x128xf32>
    %select_n3A_1368 = arith.select %gt3A_1364, %broadcast_in_dim3A_1363, %select_n3A_1357 : vector<64x128xi1>, vector<64x128xi32>
    %gt3A_1369 = arith.cmpf ogt, %select_n3A_1365, %select_n3A_1359 : vector<64x128xf32>
    %select_n3A_1370 = arith.select %gt3A_1369, %select_n3A_1365, %select_n3A_1359 : vector<64x128xi1>, vector<64x128xf32>
    %select_n3A_1371 = arith.select %gt3A_1369, %select_n3A_1366, %select_n3A_1360 : vector<64x128xi1>, vector<64x128xi32>
    %slice3A_1372 = vector.extract_strided_slice %select_n3A {offsets = [0, 15488], sizes = [64, 128], strides = [1, 1]} : vector<64x25000xf32> to vector<64x128xf32>
    %broadcast_in_dim3A_1373 = arith.constant 121 : i32
    %broadcast_in_dim3A_1374 = vector.broadcast %broadcast_in_dim3A_1373 : i32 to vector<64x128xi32>
    %gt3A_1375 = arith.cmpf ogt, %slice3A_1372, %select_n3A_1367 : vector<64x128xf32>
    %select_n3A_1376 = arith.select %gt3A_1375, %select_n3A_1367, %slice3A_1372 : vector<64x128xi1>, vector<64x128xf32>
    %select_n3A_1377 = arith.select %gt3A_1375, %select_n3A_1368, %broadcast_in_dim3A_1374 : vector<64x128xi1>, vector<64x128xi32>
    %select_n3A_1378 = arith.select %gt3A_1375, %slice3A_1372, %select_n3A_1367 : vector<64x128xi1>, vector<64x128xf32>
    %select_n3A_1379 = arith.select %gt3A_1375, %broadcast_in_dim3A_1374, %select_n3A_1368 : vector<64x128xi1>, vector<64x128xi32>
    %gt3A_1380 = arith.cmpf ogt, %select_n3A_1376, %select_n3A_1370 : vector<64x128xf32>
    %select_n3A_1381 = arith.select %gt3A_1380, %select_n3A_1376, %select_n3A_1370 : vector<64x128xi1>, vector<64x128xf32>
    %select_n3A_1382 = arith.select %gt3A_1380, %select_n3A_1377, %select_n3A_1371 : vector<64x128xi1>, vector<64x128xi32>
    %slice3A_1383 = vector.extract_strided_slice %select_n3A {offsets = [0, 15616], sizes = [64, 128], strides = [1, 1]} : vector<64x25000xf32> to vector<64x128xf32>
    %broadcast_in_dim3A_1384 = arith.constant 122 : i32
    %broadcast_in_dim3A_1385 = vector.broadcast %broadcast_in_dim3A_1384 : i32 to vector<64x128xi32>
    %gt3A_1386 = arith.cmpf ogt, %slice3A_1383, %select_n3A_1378 : vector<64x128xf32>
    %select_n3A_1387 = arith.select %gt3A_1386, %select_n3A_1378, %slice3A_1383 : vector<64x128xi1>, vector<64x128xf32>
    %select_n3A_1388 = arith.select %gt3A_1386, %select_n3A_1379, %broadcast_in_dim3A_1385 : vector<64x128xi1>, vector<64x128xi32>
    %select_n3A_1389 = arith.select %gt3A_1386, %slice3A_1383, %select_n3A_1378 : vector<64x128xi1>, vector<64x128xf32>
    %select_n3A_1390 = arith.select %gt3A_1386, %broadcast_in_dim3A_1385, %select_n3A_1379 : vector<64x128xi1>, vector<64x128xi32>
    %gt3A_1391 = arith.cmpf ogt, %select_n3A_1387, %select_n3A_1381 : vector<64x128xf32>
    %select_n3A_1392 = arith.select %gt3A_1391, %select_n3A_1387, %select_n3A_1381 : vector<64x128xi1>, vector<64x128xf32>
    %select_n3A_1393 = arith.select %gt3A_1391, %select_n3A_1388, %select_n3A_1382 : vector<64x128xi1>, vector<64x128xi32>
    %slice3A_1394 = vector.extract_strided_slice %select_n3A {offsets = [0, 15744], sizes = [64, 128], strides = [1, 1]} : vector<64x25000xf32> to vector<64x128xf32>
    %broadcast_in_dim3A_1395 = arith.constant 123 : i32
    %broadcast_in_dim3A_1396 = vector.broadcast %broadcast_in_dim3A_1395 : i32 to vector<64x128xi32>
    %gt3A_1397 = arith.cmpf ogt, %slice3A_1394, %select_n3A_1389 : vector<64x128xf32>
    %select_n3A_1398 = arith.select %gt3A_1397, %select_n3A_1389, %slice3A_1394 : vector<64x128xi1>, vector<64x128xf32>
    %select_n3A_1399 = arith.select %gt3A_1397, %select_n3A_1390, %broadcast_in_dim3A_1396 : vector<64x128xi1>, vector<64x128xi32>
    %select_n3A_1400 = arith.select %gt3A_1397, %slice3A_1394, %select_n3A_1389 : vector<64x128xi1>, vector<64x128xf32>
    %select_n3A_1401 = arith.select %gt3A_1397, %broadcast_in_dim3A_1396, %select_n3A_1390 : vector<64x128xi1>, vector<64x128xi32>
    %gt3A_1402 = arith.cmpf ogt, %select_n3A_1398, %select_n3A_1392 : vector<64x128xf32>
    %select_n3A_1403 = arith.select %gt3A_1402, %select_n3A_1398, %select_n3A_1392 : vector<64x128xi1>, vector<64x128xf32>
    %select_n3A_1404 = arith.select %gt3A_1402, %select_n3A_1399, %select_n3A_1393 : vector<64x128xi1>, vector<64x128xi32>
    %slice3A_1405 = vector.extract_strided_slice %select_n3A {offsets = [0, 15872], sizes = [64, 128], strides = [1, 1]} : vector<64x25000xf32> to vector<64x128xf32>
    %broadcast_in_dim3A_1406 = arith.constant 124 : i32
    %broadcast_in_dim3A_1407 = vector.broadcast %broadcast_in_dim3A_1406 : i32 to vector<64x128xi32>
    %gt3A_1408 = arith.cmpf ogt, %slice3A_1405, %select_n3A_1400 : vector<64x128xf32>
    %select_n3A_1409 = arith.select %gt3A_1408, %select_n3A_1400, %slice3A_1405 : vector<64x128xi1>, vector<64x128xf32>
    %select_n3A_1410 = arith.select %gt3A_1408, %select_n3A_1401, %broadcast_in_dim3A_1407 : vector<64x128xi1>, vector<64x128xi32>
    %select_n3A_1411 = arith.select %gt3A_1408, %slice3A_1405, %select_n3A_1400 : vector<64x128xi1>, vector<64x128xf32>
    %select_n3A_1412 = arith.select %gt3A_1408, %broadcast_in_dim3A_1407, %select_n3A_1401 : vector<64x128xi1>, vector<64x128xi32>
    %gt3A_1413 = arith.cmpf ogt, %select_n3A_1409, %select_n3A_1403 : vector<64x128xf32>
    %select_n3A_1414 = arith.select %gt3A_1413, %select_n3A_1409, %select_n3A_1403 : vector<64x128xi1>, vector<64x128xf32>
    %select_n3A_1415 = arith.select %gt3A_1413, %select_n3A_1410, %select_n3A_1404 : vector<64x128xi1>, vector<64x128xi32>
    %slice3A_1416 = vector.extract_strided_slice %select_n3A {offsets = [0, 16000], sizes = [64, 128], strides = [1, 1]} : vector<64x25000xf32> to vector<64x128xf32>
    %broadcast_in_dim3A_1417 = arith.constant 125 : i32
    %broadcast_in_dim3A_1418 = vector.broadcast %broadcast_in_dim3A_1417 : i32 to vector<64x128xi32>
    %gt3A_1419 = arith.cmpf ogt, %slice3A_1416, %select_n3A_1411 : vector<64x128xf32>
    %select_n3A_1420 = arith.select %gt3A_1419, %select_n3A_1411, %slice3A_1416 : vector<64x128xi1>, vector<64x128xf32>
    %select_n3A_1421 = arith.select %gt3A_1419, %select_n3A_1412, %broadcast_in_dim3A_1418 : vector<64x128xi1>, vector<64x128xi32>
    %select_n3A_1422 = arith.select %gt3A_1419, %slice3A_1416, %select_n3A_1411 : vector<64x128xi1>, vector<64x128xf32>
    %select_n3A_1423 = arith.select %gt3A_1419, %broadcast_in_dim3A_1418, %select_n3A_1412 : vector<64x128xi1>, vector<64x128xi32>
    %gt3A_1424 = arith.cmpf ogt, %select_n3A_1420, %select_n3A_1414 : vector<64x128xf32>
    %select_n3A_1425 = arith.select %gt3A_1424, %select_n3A_1420, %select_n3A_1414 : vector<64x128xi1>, vector<64x128xf32>
    %select_n3A_1426 = arith.select %gt3A_1424, %select_n3A_1421, %select_n3A_1415 : vector<64x128xi1>, vector<64x128xi32>
    %slice3A_1427 = vector.extract_strided_slice %select_n3A {offsets = [0, 16128], sizes = [64, 128], strides = [1, 1]} : vector<64x25000xf32> to vector<64x128xf32>
    %broadcast_in_dim3A_1428 = arith.constant 126 : i32
    %broadcast_in_dim3A_1429 = vector.broadcast %broadcast_in_dim3A_1428 : i32 to vector<64x128xi32>
    %gt3A_1430 = arith.cmpf ogt, %slice3A_1427, %select_n3A_1422 : vector<64x128xf32>
    %select_n3A_1431 = arith.select %gt3A_1430, %select_n3A_1422, %slice3A_1427 : vector<64x128xi1>, vector<64x128xf32>
    %select_n3A_1432 = arith.select %gt3A_1430, %select_n3A_1423, %broadcast_in_dim3A_1429 : vector<64x128xi1>, vector<64x128xi32>
    %select_n3A_1433 = arith.select %gt3A_1430, %slice3A_1427, %select_n3A_1422 : vector<64x128xi1>, vector<64x128xf32>
    %select_n3A_1434 = arith.select %gt3A_1430, %broadcast_in_dim3A_1429, %select_n3A_1423 : vector<64x128xi1>, vector<64x128xi32>
    %gt3A_1435 = arith.cmpf ogt, %select_n3A_1431, %select_n3A_1425 : vector<64x128xf32>
    %select_n3A_1436 = arith.select %gt3A_1435, %select_n3A_1431, %select_n3A_1425 : vector<64x128xi1>, vector<64x128xf32>
    %select_n3A_1437 = arith.select %gt3A_1435, %select_n3A_1432, %select_n3A_1426 : vector<64x128xi1>, vector<64x128xi32>
    %slice3A_1438 = vector.extract_strided_slice %select_n3A {offsets = [0, 16256], sizes = [64, 128], strides = [1, 1]} : vector<64x25000xf32> to vector<64x128xf32>
    %broadcast_in_dim3A_1439 = arith.constant 127 : i32
    %broadcast_in_dim3A_1440 = vector.broadcast %broadcast_in_dim3A_1439 : i32 to vector<64x128xi32>
    %gt3A_1441 = arith.cmpf ogt, %slice3A_1438, %select_n3A_1433 : vector<64x128xf32>
    %select_n3A_1442 = arith.select %gt3A_1441, %select_n3A_1433, %slice3A_1438 : vector<64x128xi1>, vector<64x128xf32>
    %select_n3A_1443 = arith.select %gt3A_1441, %select_n3A_1434, %broadcast_in_dim3A_1440 : vector<64x128xi1>, vector<64x128xi32>
    %select_n3A_1444 = arith.select %gt3A_1441, %slice3A_1438, %select_n3A_1433 : vector<64x128xi1>, vector<64x128xf32>
    %select_n3A_1445 = arith.select %gt3A_1441, %broadcast_in_dim3A_1440, %select_n3A_1434 : vector<64x128xi1>, vector<64x128xi32>
    %gt3A_1446 = arith.cmpf ogt, %select_n3A_1442, %select_n3A_1436 : vector<64x128xf32>
    %select_n3A_1447 = arith.select %gt3A_1446, %select_n3A_1442, %select_n3A_1436 : vector<64x128xi1>, vector<64x128xf32>
    %select_n3A_1448 = arith.select %gt3A_1446, %select_n3A_1443, %select_n3A_1437 : vector<64x128xi1>, vector<64x128xi32>
    %slice3A_1449 = vector.extract_strided_slice %select_n3A {offsets = [0, 16384], sizes = [64, 128], strides = [1, 1]} : vector<64x25000xf32> to vector<64x128xf32>
    %broadcast_in_dim3A_1450 = arith.constant 128 : i32
    %broadcast_in_dim3A_1451 = vector.broadcast %broadcast_in_dim3A_1450 : i32 to vector<64x128xi32>
    %gt3A_1452 = arith.cmpf ogt, %slice3A_1449, %select_n3A_1444 : vector<64x128xf32>
    %select_n3A_1453 = arith.select %gt3A_1452, %select_n3A_1444, %slice3A_1449 : vector<64x128xi1>, vector<64x128xf32>
    %select_n3A_1454 = arith.select %gt3A_1452, %select_n3A_1445, %broadcast_in_dim3A_1451 : vector<64x128xi1>, vector<64x128xi32>
    %select_n3A_1455 = arith.select %gt3A_1452, %slice3A_1449, %select_n3A_1444 : vector<64x128xi1>, vector<64x128xf32>
    %select_n3A_1456 = arith.select %gt3A_1452, %broadcast_in_dim3A_1451, %select_n3A_1445 : vector<64x128xi1>, vector<64x128xi32>
    %gt3A_1457 = arith.cmpf ogt, %select_n3A_1453, %select_n3A_1447 : vector<64x128xf32>
    %select_n3A_1458 = arith.select %gt3A_1457, %select_n3A_1453, %select_n3A_1447 : vector<64x128xi1>, vector<64x128xf32>
    %select_n3A_1459 = arith.select %gt3A_1457, %select_n3A_1454, %select_n3A_1448 : vector<64x128xi1>, vector<64x128xi32>
    %slice3A_1460 = vector.extract_strided_slice %select_n3A {offsets = [0, 16512], sizes = [64, 128], strides = [1, 1]} : vector<64x25000xf32> to vector<64x128xf32>
    %broadcast_in_dim3A_1461 = arith.constant 129 : i32
    %broadcast_in_dim3A_1462 = vector.broadcast %broadcast_in_dim3A_1461 : i32 to vector<64x128xi32>
    %gt3A_1463 = arith.cmpf ogt, %slice3A_1460, %select_n3A_1455 : vector<64x128xf32>
    %select_n3A_1464 = arith.select %gt3A_1463, %select_n3A_1455, %slice3A_1460 : vector<64x128xi1>, vector<64x128xf32>
    %select_n3A_1465 = arith.select %gt3A_1463, %select_n3A_1456, %broadcast_in_dim3A_1462 : vector<64x128xi1>, vector<64x128xi32>
    %select_n3A_1466 = arith.select %gt3A_1463, %slice3A_1460, %select_n3A_1455 : vector<64x128xi1>, vector<64x128xf32>
    %select_n3A_1467 = arith.select %gt3A_1463, %broadcast_in_dim3A_1462, %select_n3A_1456 : vector<64x128xi1>, vector<64x128xi32>
    %gt3A_1468 = arith.cmpf ogt, %select_n3A_1464, %select_n3A_1458 : vector<64x128xf32>
    %select_n3A_1469 = arith.select %gt3A_1468, %select_n3A_1464, %select_n3A_1458 : vector<64x128xi1>, vector<64x128xf32>
    %select_n3A_1470 = arith.select %gt3A_1468, %select_n3A_1465, %select_n3A_1459 : vector<64x128xi1>, vector<64x128xi32>
    %slice3A_1471 = vector.extract_strided_slice %select_n3A {offsets = [0, 16640], sizes = [64, 128], strides = [1, 1]} : vector<64x25000xf32> to vector<64x128xf32>
    %broadcast_in_dim3A_1472 = arith.constant 130 : i32
    %broadcast_in_dim3A_1473 = vector.broadcast %broadcast_in_dim3A_1472 : i32 to vector<64x128xi32>
    %gt3A_1474 = arith.cmpf ogt, %slice3A_1471, %select_n3A_1466 : vector<64x128xf32>
    %select_n3A_1475 = arith.select %gt3A_1474, %select_n3A_1466, %slice3A_1471 : vector<64x128xi1>, vector<64x128xf32>
    %select_n3A_1476 = arith.select %gt3A_1474, %select_n3A_1467, %broadcast_in_dim3A_1473 : vector<64x128xi1>, vector<64x128xi32>
    %select_n3A_1477 = arith.select %gt3A_1474, %slice3A_1471, %select_n3A_1466 : vector<64x128xi1>, vector<64x128xf32>
    %select_n3A_1478 = arith.select %gt3A_1474, %broadcast_in_dim3A_1473, %select_n3A_1467 : vector<64x128xi1>, vector<64x128xi32>
    %gt3A_1479 = arith.cmpf ogt, %select_n3A_1475, %select_n3A_1469 : vector<64x128xf32>
    %select_n3A_1480 = arith.select %gt3A_1479, %select_n3A_1475, %select_n3A_1469 : vector<64x128xi1>, vector<64x128xf32>
    %select_n3A_1481 = arith.select %gt3A_1479, %select_n3A_1476, %select_n3A_1470 : vector<64x128xi1>, vector<64x128xi32>
    %slice3A_1482 = vector.extract_strided_slice %select_n3A {offsets = [0, 16768], sizes = [64, 128], strides = [1, 1]} : vector<64x25000xf32> to vector<64x128xf32>
    %broadcast_in_dim3A_1483 = arith.constant 131 : i32
    %broadcast_in_dim3A_1484 = vector.broadcast %broadcast_in_dim3A_1483 : i32 to vector<64x128xi32>
    %gt3A_1485 = arith.cmpf ogt, %slice3A_1482, %select_n3A_1477 : vector<64x128xf32>
    %select_n3A_1486 = arith.select %gt3A_1485, %select_n3A_1477, %slice3A_1482 : vector<64x128xi1>, vector<64x128xf32>
    %select_n3A_1487 = arith.select %gt3A_1485, %select_n3A_1478, %broadcast_in_dim3A_1484 : vector<64x128xi1>, vector<64x128xi32>
    %select_n3A_1488 = arith.select %gt3A_1485, %slice3A_1482, %select_n3A_1477 : vector<64x128xi1>, vector<64x128xf32>
    %select_n3A_1489 = arith.select %gt3A_1485, %broadcast_in_dim3A_1484, %select_n3A_1478 : vector<64x128xi1>, vector<64x128xi32>
    %gt3A_1490 = arith.cmpf ogt, %select_n3A_1486, %select_n3A_1480 : vector<64x128xf32>
    %select_n3A_1491 = arith.select %gt3A_1490, %select_n3A_1486, %select_n3A_1480 : vector<64x128xi1>, vector<64x128xf32>
    %select_n3A_1492 = arith.select %gt3A_1490, %select_n3A_1487, %select_n3A_1481 : vector<64x128xi1>, vector<64x128xi32>
    %slice3A_1493 = vector.extract_strided_slice %select_n3A {offsets = [0, 16896], sizes = [64, 128], strides = [1, 1]} : vector<64x25000xf32> to vector<64x128xf32>
    %broadcast_in_dim3A_1494 = arith.constant 132 : i32
    %broadcast_in_dim3A_1495 = vector.broadcast %broadcast_in_dim3A_1494 : i32 to vector<64x128xi32>
    %gt3A_1496 = arith.cmpf ogt, %slice3A_1493, %select_n3A_1488 : vector<64x128xf32>
    %select_n3A_1497 = arith.select %gt3A_1496, %select_n3A_1488, %slice3A_1493 : vector<64x128xi1>, vector<64x128xf32>
    %select_n3A_1498 = arith.select %gt3A_1496, %select_n3A_1489, %broadcast_in_dim3A_1495 : vector<64x128xi1>, vector<64x128xi32>
    %select_n3A_1499 = arith.select %gt3A_1496, %slice3A_1493, %select_n3A_1488 : vector<64x128xi1>, vector<64x128xf32>
    %select_n3A_1500 = arith.select %gt3A_1496, %broadcast_in_dim3A_1495, %select_n3A_1489 : vector<64x128xi1>, vector<64x128xi32>
    %gt3A_1501 = arith.cmpf ogt, %select_n3A_1497, %select_n3A_1491 : vector<64x128xf32>
    %select_n3A_1502 = arith.select %gt3A_1501, %select_n3A_1497, %select_n3A_1491 : vector<64x128xi1>, vector<64x128xf32>
    %select_n3A_1503 = arith.select %gt3A_1501, %select_n3A_1498, %select_n3A_1492 : vector<64x128xi1>, vector<64x128xi32>
    %slice3A_1504 = vector.extract_strided_slice %select_n3A {offsets = [0, 17024], sizes = [64, 128], strides = [1, 1]} : vector<64x25000xf32> to vector<64x128xf32>
    %broadcast_in_dim3A_1505 = arith.constant 133 : i32
    %broadcast_in_dim3A_1506 = vector.broadcast %broadcast_in_dim3A_1505 : i32 to vector<64x128xi32>
    %gt3A_1507 = arith.cmpf ogt, %slice3A_1504, %select_n3A_1499 : vector<64x128xf32>
    %select_n3A_1508 = arith.select %gt3A_1507, %select_n3A_1499, %slice3A_1504 : vector<64x128xi1>, vector<64x128xf32>
    %select_n3A_1509 = arith.select %gt3A_1507, %select_n3A_1500, %broadcast_in_dim3A_1506 : vector<64x128xi1>, vector<64x128xi32>
    %select_n3A_1510 = arith.select %gt3A_1507, %slice3A_1504, %select_n3A_1499 : vector<64x128xi1>, vector<64x128xf32>
    %select_n3A_1511 = arith.select %gt3A_1507, %broadcast_in_dim3A_1506, %select_n3A_1500 : vector<64x128xi1>, vector<64x128xi32>
    %gt3A_1512 = arith.cmpf ogt, %select_n3A_1508, %select_n3A_1502 : vector<64x128xf32>
    %select_n3A_1513 = arith.select %gt3A_1512, %select_n3A_1508, %select_n3A_1502 : vector<64x128xi1>, vector<64x128xf32>
    %select_n3A_1514 = arith.select %gt3A_1512, %select_n3A_1509, %select_n3A_1503 : vector<64x128xi1>, vector<64x128xi32>
    %slice3A_1515 = vector.extract_strided_slice %select_n3A {offsets = [0, 17152], sizes = [64, 128], strides = [1, 1]} : vector<64x25000xf32> to vector<64x128xf32>
    %broadcast_in_dim3A_1516 = arith.constant 134 : i32
    %broadcast_in_dim3A_1517 = vector.broadcast %broadcast_in_dim3A_1516 : i32 to vector<64x128xi32>
    %gt3A_1518 = arith.cmpf ogt, %slice3A_1515, %select_n3A_1510 : vector<64x128xf32>
    %select_n3A_1519 = arith.select %gt3A_1518, %select_n3A_1510, %slice3A_1515 : vector<64x128xi1>, vector<64x128xf32>
    %select_n3A_1520 = arith.select %gt3A_1518, %select_n3A_1511, %broadcast_in_dim3A_1517 : vector<64x128xi1>, vector<64x128xi32>
    %select_n3A_1521 = arith.select %gt3A_1518, %slice3A_1515, %select_n3A_1510 : vector<64x128xi1>, vector<64x128xf32>
    %select_n3A_1522 = arith.select %gt3A_1518, %broadcast_in_dim3A_1517, %select_n3A_1511 : vector<64x128xi1>, vector<64x128xi32>
    %gt3A_1523 = arith.cmpf ogt, %select_n3A_1519, %select_n3A_1513 : vector<64x128xf32>
    %select_n3A_1524 = arith.select %gt3A_1523, %select_n3A_1519, %select_n3A_1513 : vector<64x128xi1>, vector<64x128xf32>
    %select_n3A_1525 = arith.select %gt3A_1523, %select_n3A_1520, %select_n3A_1514 : vector<64x128xi1>, vector<64x128xi32>
    %slice3A_1526 = vector.extract_strided_slice %select_n3A {offsets = [0, 17280], sizes = [64, 128], strides = [1, 1]} : vector<64x25000xf32> to vector<64x128xf32>
    %broadcast_in_dim3A_1527 = arith.constant 135 : i32
    %broadcast_in_dim3A_1528 = vector.broadcast %broadcast_in_dim3A_1527 : i32 to vector<64x128xi32>
    %gt3A_1529 = arith.cmpf ogt, %slice3A_1526, %select_n3A_1521 : vector<64x128xf32>
    %select_n3A_1530 = arith.select %gt3A_1529, %select_n3A_1521, %slice3A_1526 : vector<64x128xi1>, vector<64x128xf32>
    %select_n3A_1531 = arith.select %gt3A_1529, %select_n3A_1522, %broadcast_in_dim3A_1528 : vector<64x128xi1>, vector<64x128xi32>
    %select_n3A_1532 = arith.select %gt3A_1529, %slice3A_1526, %select_n3A_1521 : vector<64x128xi1>, vector<64x128xf32>
    %select_n3A_1533 = arith.select %gt3A_1529, %broadcast_in_dim3A_1528, %select_n3A_1522 : vector<64x128xi1>, vector<64x128xi32>
    %gt3A_1534 = arith.cmpf ogt, %select_n3A_1530, %select_n3A_1524 : vector<64x128xf32>
    %select_n3A_1535 = arith.select %gt3A_1534, %select_n3A_1530, %select_n3A_1524 : vector<64x128xi1>, vector<64x128xf32>
    %select_n3A_1536 = arith.select %gt3A_1534, %select_n3A_1531, %select_n3A_1525 : vector<64x128xi1>, vector<64x128xi32>
    %slice3A_1537 = vector.extract_strided_slice %select_n3A {offsets = [0, 17408], sizes = [64, 128], strides = [1, 1]} : vector<64x25000xf32> to vector<64x128xf32>
    %broadcast_in_dim3A_1538 = arith.constant 136 : i32
    %broadcast_in_dim3A_1539 = vector.broadcast %broadcast_in_dim3A_1538 : i32 to vector<64x128xi32>
    %gt3A_1540 = arith.cmpf ogt, %slice3A_1537, %select_n3A_1532 : vector<64x128xf32>
    %select_n3A_1541 = arith.select %gt3A_1540, %select_n3A_1532, %slice3A_1537 : vector<64x128xi1>, vector<64x128xf32>
    %select_n3A_1542 = arith.select %gt3A_1540, %select_n3A_1533, %broadcast_in_dim3A_1539 : vector<64x128xi1>, vector<64x128xi32>
    %select_n3A_1543 = arith.select %gt3A_1540, %slice3A_1537, %select_n3A_1532 : vector<64x128xi1>, vector<64x128xf32>
    %select_n3A_1544 = arith.select %gt3A_1540, %broadcast_in_dim3A_1539, %select_n3A_1533 : vector<64x128xi1>, vector<64x128xi32>
    %gt3A_1545 = arith.cmpf ogt, %select_n3A_1541, %select_n3A_1535 : vector<64x128xf32>
    %select_n3A_1546 = arith.select %gt3A_1545, %select_n3A_1541, %select_n3A_1535 : vector<64x128xi1>, vector<64x128xf32>
    %select_n3A_1547 = arith.select %gt3A_1545, %select_n3A_1542, %select_n3A_1536 : vector<64x128xi1>, vector<64x128xi32>
    %slice3A_1548 = vector.extract_strided_slice %select_n3A {offsets = [0, 17536], sizes = [64, 128], strides = [1, 1]} : vector<64x25000xf32> to vector<64x128xf32>
    %broadcast_in_dim3A_1549 = arith.constant 137 : i32
    %broadcast_in_dim3A_1550 = vector.broadcast %broadcast_in_dim3A_1549 : i32 to vector<64x128xi32>
    %gt3A_1551 = arith.cmpf ogt, %slice3A_1548, %select_n3A_1543 : vector<64x128xf32>
    %select_n3A_1552 = arith.select %gt3A_1551, %select_n3A_1543, %slice3A_1548 : vector<64x128xi1>, vector<64x128xf32>
    %select_n3A_1553 = arith.select %gt3A_1551, %select_n3A_1544, %broadcast_in_dim3A_1550 : vector<64x128xi1>, vector<64x128xi32>
    %select_n3A_1554 = arith.select %gt3A_1551, %slice3A_1548, %select_n3A_1543 : vector<64x128xi1>, vector<64x128xf32>
    %select_n3A_1555 = arith.select %gt3A_1551, %broadcast_in_dim3A_1550, %select_n3A_1544 : vector<64x128xi1>, vector<64x128xi32>
    %gt3A_1556 = arith.cmpf ogt, %select_n3A_1552, %select_n3A_1546 : vector<64x128xf32>
    %select_n3A_1557 = arith.select %gt3A_1556, %select_n3A_1552, %select_n3A_1546 : vector<64x128xi1>, vector<64x128xf32>
    %select_n3A_1558 = arith.select %gt3A_1556, %select_n3A_1553, %select_n3A_1547 : vector<64x128xi1>, vector<64x128xi32>
    %slice3A_1559 = vector.extract_strided_slice %select_n3A {offsets = [0, 17664], sizes = [64, 128], strides = [1, 1]} : vector<64x25000xf32> to vector<64x128xf32>
    %broadcast_in_dim3A_1560 = arith.constant 138 : i32
    %broadcast_in_dim3A_1561 = vector.broadcast %broadcast_in_dim3A_1560 : i32 to vector<64x128xi32>
    %gt3A_1562 = arith.cmpf ogt, %slice3A_1559, %select_n3A_1554 : vector<64x128xf32>
    %select_n3A_1563 = arith.select %gt3A_1562, %select_n3A_1554, %slice3A_1559 : vector<64x128xi1>, vector<64x128xf32>
    %select_n3A_1564 = arith.select %gt3A_1562, %select_n3A_1555, %broadcast_in_dim3A_1561 : vector<64x128xi1>, vector<64x128xi32>
    %select_n3A_1565 = arith.select %gt3A_1562, %slice3A_1559, %select_n3A_1554 : vector<64x128xi1>, vector<64x128xf32>
    %select_n3A_1566 = arith.select %gt3A_1562, %broadcast_in_dim3A_1561, %select_n3A_1555 : vector<64x128xi1>, vector<64x128xi32>
    %gt3A_1567 = arith.cmpf ogt, %select_n3A_1563, %select_n3A_1557 : vector<64x128xf32>
    %select_n3A_1568 = arith.select %gt3A_1567, %select_n3A_1563, %select_n3A_1557 : vector<64x128xi1>, vector<64x128xf32>
    %select_n3A_1569 = arith.select %gt3A_1567, %select_n3A_1564, %select_n3A_1558 : vector<64x128xi1>, vector<64x128xi32>
    %slice3A_1570 = vector.extract_strided_slice %select_n3A {offsets = [0, 17792], sizes = [64, 128], strides = [1, 1]} : vector<64x25000xf32> to vector<64x128xf32>
    %broadcast_in_dim3A_1571 = arith.constant 139 : i32
    %broadcast_in_dim3A_1572 = vector.broadcast %broadcast_in_dim3A_1571 : i32 to vector<64x128xi32>
    %gt3A_1573 = arith.cmpf ogt, %slice3A_1570, %select_n3A_1565 : vector<64x128xf32>
    %select_n3A_1574 = arith.select %gt3A_1573, %select_n3A_1565, %slice3A_1570 : vector<64x128xi1>, vector<64x128xf32>
    %select_n3A_1575 = arith.select %gt3A_1573, %select_n3A_1566, %broadcast_in_dim3A_1572 : vector<64x128xi1>, vector<64x128xi32>
    %select_n3A_1576 = arith.select %gt3A_1573, %slice3A_1570, %select_n3A_1565 : vector<64x128xi1>, vector<64x128xf32>
    %select_n3A_1577 = arith.select %gt3A_1573, %broadcast_in_dim3A_1572, %select_n3A_1566 : vector<64x128xi1>, vector<64x128xi32>
    %gt3A_1578 = arith.cmpf ogt, %select_n3A_1574, %select_n3A_1568 : vector<64x128xf32>
    %select_n3A_1579 = arith.select %gt3A_1578, %select_n3A_1574, %select_n3A_1568 : vector<64x128xi1>, vector<64x128xf32>
    %select_n3A_1580 = arith.select %gt3A_1578, %select_n3A_1575, %select_n3A_1569 : vector<64x128xi1>, vector<64x128xi32>
    %slice3A_1581 = vector.extract_strided_slice %select_n3A {offsets = [0, 17920], sizes = [64, 128], strides = [1, 1]} : vector<64x25000xf32> to vector<64x128xf32>
    %broadcast_in_dim3A_1582 = arith.constant 140 : i32
    %broadcast_in_dim3A_1583 = vector.broadcast %broadcast_in_dim3A_1582 : i32 to vector<64x128xi32>
    %gt3A_1584 = arith.cmpf ogt, %slice3A_1581, %select_n3A_1576 : vector<64x128xf32>
    %select_n3A_1585 = arith.select %gt3A_1584, %select_n3A_1576, %slice3A_1581 : vector<64x128xi1>, vector<64x128xf32>
    %select_n3A_1586 = arith.select %gt3A_1584, %select_n3A_1577, %broadcast_in_dim3A_1583 : vector<64x128xi1>, vector<64x128xi32>
    %select_n3A_1587 = arith.select %gt3A_1584, %slice3A_1581, %select_n3A_1576 : vector<64x128xi1>, vector<64x128xf32>
    %select_n3A_1588 = arith.select %gt3A_1584, %broadcast_in_dim3A_1583, %select_n3A_1577 : vector<64x128xi1>, vector<64x128xi32>
    %gt3A_1589 = arith.cmpf ogt, %select_n3A_1585, %select_n3A_1579 : vector<64x128xf32>
    %select_n3A_1590 = arith.select %gt3A_1589, %select_n3A_1585, %select_n3A_1579 : vector<64x128xi1>, vector<64x128xf32>
    %select_n3A_1591 = arith.select %gt3A_1589, %select_n3A_1586, %select_n3A_1580 : vector<64x128xi1>, vector<64x128xi32>
    %slice3A_1592 = vector.extract_strided_slice %select_n3A {offsets = [0, 18048], sizes = [64, 128], strides = [1, 1]} : vector<64x25000xf32> to vector<64x128xf32>
    %broadcast_in_dim3A_1593 = arith.constant 141 : i32
    %broadcast_in_dim3A_1594 = vector.broadcast %broadcast_in_dim3A_1593 : i32 to vector<64x128xi32>
    %gt3A_1595 = arith.cmpf ogt, %slice3A_1592, %select_n3A_1587 : vector<64x128xf32>
    %select_n3A_1596 = arith.select %gt3A_1595, %select_n3A_1587, %slice3A_1592 : vector<64x128xi1>, vector<64x128xf32>
    %select_n3A_1597 = arith.select %gt3A_1595, %select_n3A_1588, %broadcast_in_dim3A_1594 : vector<64x128xi1>, vector<64x128xi32>
    %select_n3A_1598 = arith.select %gt3A_1595, %slice3A_1592, %select_n3A_1587 : vector<64x128xi1>, vector<64x128xf32>
    %select_n3A_1599 = arith.select %gt3A_1595, %broadcast_in_dim3A_1594, %select_n3A_1588 : vector<64x128xi1>, vector<64x128xi32>
    %gt3A_1600 = arith.cmpf ogt, %select_n3A_1596, %select_n3A_1590 : vector<64x128xf32>
    %select_n3A_1601 = arith.select %gt3A_1600, %select_n3A_1596, %select_n3A_1590 : vector<64x128xi1>, vector<64x128xf32>
    %select_n3A_1602 = arith.select %gt3A_1600, %select_n3A_1597, %select_n3A_1591 : vector<64x128xi1>, vector<64x128xi32>
    %slice3A_1603 = vector.extract_strided_slice %select_n3A {offsets = [0, 18176], sizes = [64, 128], strides = [1, 1]} : vector<64x25000xf32> to vector<64x128xf32>
    %broadcast_in_dim3A_1604 = arith.constant 142 : i32
    %broadcast_in_dim3A_1605 = vector.broadcast %broadcast_in_dim3A_1604 : i32 to vector<64x128xi32>
    %gt3A_1606 = arith.cmpf ogt, %slice3A_1603, %select_n3A_1598 : vector<64x128xf32>
    %select_n3A_1607 = arith.select %gt3A_1606, %select_n3A_1598, %slice3A_1603 : vector<64x128xi1>, vector<64x128xf32>
    %select_n3A_1608 = arith.select %gt3A_1606, %select_n3A_1599, %broadcast_in_dim3A_1605 : vector<64x128xi1>, vector<64x128xi32>
    %select_n3A_1609 = arith.select %gt3A_1606, %slice3A_1603, %select_n3A_1598 : vector<64x128xi1>, vector<64x128xf32>
    %select_n3A_1610 = arith.select %gt3A_1606, %broadcast_in_dim3A_1605, %select_n3A_1599 : vector<64x128xi1>, vector<64x128xi32>
    %gt3A_1611 = arith.cmpf ogt, %select_n3A_1607, %select_n3A_1601 : vector<64x128xf32>
    %select_n3A_1612 = arith.select %gt3A_1611, %select_n3A_1607, %select_n3A_1601 : vector<64x128xi1>, vector<64x128xf32>
    %select_n3A_1613 = arith.select %gt3A_1611, %select_n3A_1608, %select_n3A_1602 : vector<64x128xi1>, vector<64x128xi32>
    %slice3A_1614 = vector.extract_strided_slice %select_n3A {offsets = [0, 18304], sizes = [64, 128], strides = [1, 1]} : vector<64x25000xf32> to vector<64x128xf32>
    %broadcast_in_dim3A_1615 = arith.constant 143 : i32
    %broadcast_in_dim3A_1616 = vector.broadcast %broadcast_in_dim3A_1615 : i32 to vector<64x128xi32>
    %gt3A_1617 = arith.cmpf ogt, %slice3A_1614, %select_n3A_1609 : vector<64x128xf32>
    %select_n3A_1618 = arith.select %gt3A_1617, %select_n3A_1609, %slice3A_1614 : vector<64x128xi1>, vector<64x128xf32>
    %select_n3A_1619 = arith.select %gt3A_1617, %select_n3A_1610, %broadcast_in_dim3A_1616 : vector<64x128xi1>, vector<64x128xi32>
    %select_n3A_1620 = arith.select %gt3A_1617, %slice3A_1614, %select_n3A_1609 : vector<64x128xi1>, vector<64x128xf32>
    %select_n3A_1621 = arith.select %gt3A_1617, %broadcast_in_dim3A_1616, %select_n3A_1610 : vector<64x128xi1>, vector<64x128xi32>
    %gt3A_1622 = arith.cmpf ogt, %select_n3A_1618, %select_n3A_1612 : vector<64x128xf32>
    %select_n3A_1623 = arith.select %gt3A_1622, %select_n3A_1618, %select_n3A_1612 : vector<64x128xi1>, vector<64x128xf32>
    %select_n3A_1624 = arith.select %gt3A_1622, %select_n3A_1619, %select_n3A_1613 : vector<64x128xi1>, vector<64x128xi32>
    %slice3A_1625 = vector.extract_strided_slice %select_n3A {offsets = [0, 18432], sizes = [64, 128], strides = [1, 1]} : vector<64x25000xf32> to vector<64x128xf32>
    %broadcast_in_dim3A_1626 = arith.constant 144 : i32
    %broadcast_in_dim3A_1627 = vector.broadcast %broadcast_in_dim3A_1626 : i32 to vector<64x128xi32>
    %gt3A_1628 = arith.cmpf ogt, %slice3A_1625, %select_n3A_1620 : vector<64x128xf32>
    %select_n3A_1629 = arith.select %gt3A_1628, %select_n3A_1620, %slice3A_1625 : vector<64x128xi1>, vector<64x128xf32>
    %select_n3A_1630 = arith.select %gt3A_1628, %select_n3A_1621, %broadcast_in_dim3A_1627 : vector<64x128xi1>, vector<64x128xi32>
    %select_n3A_1631 = arith.select %gt3A_1628, %slice3A_1625, %select_n3A_1620 : vector<64x128xi1>, vector<64x128xf32>
    %select_n3A_1632 = arith.select %gt3A_1628, %broadcast_in_dim3A_1627, %select_n3A_1621 : vector<64x128xi1>, vector<64x128xi32>
    %gt3A_1633 = arith.cmpf ogt, %select_n3A_1629, %select_n3A_1623 : vector<64x128xf32>
    %select_n3A_1634 = arith.select %gt3A_1633, %select_n3A_1629, %select_n3A_1623 : vector<64x128xi1>, vector<64x128xf32>
    %select_n3A_1635 = arith.select %gt3A_1633, %select_n3A_1630, %select_n3A_1624 : vector<64x128xi1>, vector<64x128xi32>
    %slice3A_1636 = vector.extract_strided_slice %select_n3A {offsets = [0, 18560], sizes = [64, 128], strides = [1, 1]} : vector<64x25000xf32> to vector<64x128xf32>
    %broadcast_in_dim3A_1637 = arith.constant 145 : i32
    %broadcast_in_dim3A_1638 = vector.broadcast %broadcast_in_dim3A_1637 : i32 to vector<64x128xi32>
    %gt3A_1639 = arith.cmpf ogt, %slice3A_1636, %select_n3A_1631 : vector<64x128xf32>
    %select_n3A_1640 = arith.select %gt3A_1639, %select_n3A_1631, %slice3A_1636 : vector<64x128xi1>, vector<64x128xf32>
    %select_n3A_1641 = arith.select %gt3A_1639, %select_n3A_1632, %broadcast_in_dim3A_1638 : vector<64x128xi1>, vector<64x128xi32>
    %select_n3A_1642 = arith.select %gt3A_1639, %slice3A_1636, %select_n3A_1631 : vector<64x128xi1>, vector<64x128xf32>
    %select_n3A_1643 = arith.select %gt3A_1639, %broadcast_in_dim3A_1638, %select_n3A_1632 : vector<64x128xi1>, vector<64x128xi32>
    %gt3A_1644 = arith.cmpf ogt, %select_n3A_1640, %select_n3A_1634 : vector<64x128xf32>
    %select_n3A_1645 = arith.select %gt3A_1644, %select_n3A_1640, %select_n3A_1634 : vector<64x128xi1>, vector<64x128xf32>
    %select_n3A_1646 = arith.select %gt3A_1644, %select_n3A_1641, %select_n3A_1635 : vector<64x128xi1>, vector<64x128xi32>
    %slice3A_1647 = vector.extract_strided_slice %select_n3A {offsets = [0, 18688], sizes = [64, 128], strides = [1, 1]} : vector<64x25000xf32> to vector<64x128xf32>
    %broadcast_in_dim3A_1648 = arith.constant 146 : i32
    %broadcast_in_dim3A_1649 = vector.broadcast %broadcast_in_dim3A_1648 : i32 to vector<64x128xi32>
    %gt3A_1650 = arith.cmpf ogt, %slice3A_1647, %select_n3A_1642 : vector<64x128xf32>
    %select_n3A_1651 = arith.select %gt3A_1650, %select_n3A_1642, %slice3A_1647 : vector<64x128xi1>, vector<64x128xf32>
    %select_n3A_1652 = arith.select %gt3A_1650, %select_n3A_1643, %broadcast_in_dim3A_1649 : vector<64x128xi1>, vector<64x128xi32>
    %select_n3A_1653 = arith.select %gt3A_1650, %slice3A_1647, %select_n3A_1642 : vector<64x128xi1>, vector<64x128xf32>
    %select_n3A_1654 = arith.select %gt3A_1650, %broadcast_in_dim3A_1649, %select_n3A_1643 : vector<64x128xi1>, vector<64x128xi32>
    %gt3A_1655 = arith.cmpf ogt, %select_n3A_1651, %select_n3A_1645 : vector<64x128xf32>
    %select_n3A_1656 = arith.select %gt3A_1655, %select_n3A_1651, %select_n3A_1645 : vector<64x128xi1>, vector<64x128xf32>
    %select_n3A_1657 = arith.select %gt3A_1655, %select_n3A_1652, %select_n3A_1646 : vector<64x128xi1>, vector<64x128xi32>
    %slice3A_1658 = vector.extract_strided_slice %select_n3A {offsets = [0, 18816], sizes = [64, 128], strides = [1, 1]} : vector<64x25000xf32> to vector<64x128xf32>
    %broadcast_in_dim3A_1659 = arith.constant 147 : i32
    %broadcast_in_dim3A_1660 = vector.broadcast %broadcast_in_dim3A_1659 : i32 to vector<64x128xi32>
    %gt3A_1661 = arith.cmpf ogt, %slice3A_1658, %select_n3A_1653 : vector<64x128xf32>
    %select_n3A_1662 = arith.select %gt3A_1661, %select_n3A_1653, %slice3A_1658 : vector<64x128xi1>, vector<64x128xf32>
    %select_n3A_1663 = arith.select %gt3A_1661, %select_n3A_1654, %broadcast_in_dim3A_1660 : vector<64x128xi1>, vector<64x128xi32>
    %select_n3A_1664 = arith.select %gt3A_1661, %slice3A_1658, %select_n3A_1653 : vector<64x128xi1>, vector<64x128xf32>
    %select_n3A_1665 = arith.select %gt3A_1661, %broadcast_in_dim3A_1660, %select_n3A_1654 : vector<64x128xi1>, vector<64x128xi32>
    %gt3A_1666 = arith.cmpf ogt, %select_n3A_1662, %select_n3A_1656 : vector<64x128xf32>
    %select_n3A_1667 = arith.select %gt3A_1666, %select_n3A_1662, %select_n3A_1656 : vector<64x128xi1>, vector<64x128xf32>
    %select_n3A_1668 = arith.select %gt3A_1666, %select_n3A_1663, %select_n3A_1657 : vector<64x128xi1>, vector<64x128xi32>
    %slice3A_1669 = vector.extract_strided_slice %select_n3A {offsets = [0, 18944], sizes = [64, 128], strides = [1, 1]} : vector<64x25000xf32> to vector<64x128xf32>
    %broadcast_in_dim3A_1670 = arith.constant 148 : i32
    %broadcast_in_dim3A_1671 = vector.broadcast %broadcast_in_dim3A_1670 : i32 to vector<64x128xi32>
    %gt3A_1672 = arith.cmpf ogt, %slice3A_1669, %select_n3A_1664 : vector<64x128xf32>
    %select_n3A_1673 = arith.select %gt3A_1672, %select_n3A_1664, %slice3A_1669 : vector<64x128xi1>, vector<64x128xf32>
    %select_n3A_1674 = arith.select %gt3A_1672, %select_n3A_1665, %broadcast_in_dim3A_1671 : vector<64x128xi1>, vector<64x128xi32>
    %select_n3A_1675 = arith.select %gt3A_1672, %slice3A_1669, %select_n3A_1664 : vector<64x128xi1>, vector<64x128xf32>
    %select_n3A_1676 = arith.select %gt3A_1672, %broadcast_in_dim3A_1671, %select_n3A_1665 : vector<64x128xi1>, vector<64x128xi32>
    %gt3A_1677 = arith.cmpf ogt, %select_n3A_1673, %select_n3A_1667 : vector<64x128xf32>
    %select_n3A_1678 = arith.select %gt3A_1677, %select_n3A_1673, %select_n3A_1667 : vector<64x128xi1>, vector<64x128xf32>
    %select_n3A_1679 = arith.select %gt3A_1677, %select_n3A_1674, %select_n3A_1668 : vector<64x128xi1>, vector<64x128xi32>
    %slice3A_1680 = vector.extract_strided_slice %select_n3A {offsets = [0, 19072], sizes = [64, 128], strides = [1, 1]} : vector<64x25000xf32> to vector<64x128xf32>
    %broadcast_in_dim3A_1681 = arith.constant 149 : i32
    %broadcast_in_dim3A_1682 = vector.broadcast %broadcast_in_dim3A_1681 : i32 to vector<64x128xi32>
    %gt3A_1683 = arith.cmpf ogt, %slice3A_1680, %select_n3A_1675 : vector<64x128xf32>
    %select_n3A_1684 = arith.select %gt3A_1683, %select_n3A_1675, %slice3A_1680 : vector<64x128xi1>, vector<64x128xf32>
    %select_n3A_1685 = arith.select %gt3A_1683, %select_n3A_1676, %broadcast_in_dim3A_1682 : vector<64x128xi1>, vector<64x128xi32>
    %select_n3A_1686 = arith.select %gt3A_1683, %slice3A_1680, %select_n3A_1675 : vector<64x128xi1>, vector<64x128xf32>
    %select_n3A_1687 = arith.select %gt3A_1683, %broadcast_in_dim3A_1682, %select_n3A_1676 : vector<64x128xi1>, vector<64x128xi32>
    %gt3A_1688 = arith.cmpf ogt, %select_n3A_1684, %select_n3A_1678 : vector<64x128xf32>
    %select_n3A_1689 = arith.select %gt3A_1688, %select_n3A_1684, %select_n3A_1678 : vector<64x128xi1>, vector<64x128xf32>
    %select_n3A_1690 = arith.select %gt3A_1688, %select_n3A_1685, %select_n3A_1679 : vector<64x128xi1>, vector<64x128xi32>
    %slice3A_1691 = vector.extract_strided_slice %select_n3A {offsets = [0, 19200], sizes = [64, 128], strides = [1, 1]} : vector<64x25000xf32> to vector<64x128xf32>
    %broadcast_in_dim3A_1692 = arith.constant 150 : i32
    %broadcast_in_dim3A_1693 = vector.broadcast %broadcast_in_dim3A_1692 : i32 to vector<64x128xi32>
    %gt3A_1694 = arith.cmpf ogt, %slice3A_1691, %select_n3A_1686 : vector<64x128xf32>
    %select_n3A_1695 = arith.select %gt3A_1694, %select_n3A_1686, %slice3A_1691 : vector<64x128xi1>, vector<64x128xf32>
    %select_n3A_1696 = arith.select %gt3A_1694, %select_n3A_1687, %broadcast_in_dim3A_1693 : vector<64x128xi1>, vector<64x128xi32>
    %select_n3A_1697 = arith.select %gt3A_1694, %slice3A_1691, %select_n3A_1686 : vector<64x128xi1>, vector<64x128xf32>
    %select_n3A_1698 = arith.select %gt3A_1694, %broadcast_in_dim3A_1693, %select_n3A_1687 : vector<64x128xi1>, vector<64x128xi32>
    %gt3A_1699 = arith.cmpf ogt, %select_n3A_1695, %select_n3A_1689 : vector<64x128xf32>
    %select_n3A_1700 = arith.select %gt3A_1699, %select_n3A_1695, %select_n3A_1689 : vector<64x128xi1>, vector<64x128xf32>
    %select_n3A_1701 = arith.select %gt3A_1699, %select_n3A_1696, %select_n3A_1690 : vector<64x128xi1>, vector<64x128xi32>
    %slice3A_1702 = vector.extract_strided_slice %select_n3A {offsets = [0, 19328], sizes = [64, 128], strides = [1, 1]} : vector<64x25000xf32> to vector<64x128xf32>
    %broadcast_in_dim3A_1703 = arith.constant 151 : i32
    %broadcast_in_dim3A_1704 = vector.broadcast %broadcast_in_dim3A_1703 : i32 to vector<64x128xi32>
    %gt3A_1705 = arith.cmpf ogt, %slice3A_1702, %select_n3A_1697 : vector<64x128xf32>
    %select_n3A_1706 = arith.select %gt3A_1705, %select_n3A_1697, %slice3A_1702 : vector<64x128xi1>, vector<64x128xf32>
    %select_n3A_1707 = arith.select %gt3A_1705, %select_n3A_1698, %broadcast_in_dim3A_1704 : vector<64x128xi1>, vector<64x128xi32>
    %select_n3A_1708 = arith.select %gt3A_1705, %slice3A_1702, %select_n3A_1697 : vector<64x128xi1>, vector<64x128xf32>
    %select_n3A_1709 = arith.select %gt3A_1705, %broadcast_in_dim3A_1704, %select_n3A_1698 : vector<64x128xi1>, vector<64x128xi32>
    %gt3A_1710 = arith.cmpf ogt, %select_n3A_1706, %select_n3A_1700 : vector<64x128xf32>
    %select_n3A_1711 = arith.select %gt3A_1710, %select_n3A_1706, %select_n3A_1700 : vector<64x128xi1>, vector<64x128xf32>
    %select_n3A_1712 = arith.select %gt3A_1710, %select_n3A_1707, %select_n3A_1701 : vector<64x128xi1>, vector<64x128xi32>
    %slice3A_1713 = vector.extract_strided_slice %select_n3A {offsets = [0, 19456], sizes = [64, 128], strides = [1, 1]} : vector<64x25000xf32> to vector<64x128xf32>
    %broadcast_in_dim3A_1714 = arith.constant 152 : i32
    %broadcast_in_dim3A_1715 = vector.broadcast %broadcast_in_dim3A_1714 : i32 to vector<64x128xi32>
    %gt3A_1716 = arith.cmpf ogt, %slice3A_1713, %select_n3A_1708 : vector<64x128xf32>
    %select_n3A_1717 = arith.select %gt3A_1716, %select_n3A_1708, %slice3A_1713 : vector<64x128xi1>, vector<64x128xf32>
    %select_n3A_1718 = arith.select %gt3A_1716, %select_n3A_1709, %broadcast_in_dim3A_1715 : vector<64x128xi1>, vector<64x128xi32>
    %select_n3A_1719 = arith.select %gt3A_1716, %slice3A_1713, %select_n3A_1708 : vector<64x128xi1>, vector<64x128xf32>
    %select_n3A_1720 = arith.select %gt3A_1716, %broadcast_in_dim3A_1715, %select_n3A_1709 : vector<64x128xi1>, vector<64x128xi32>
    %gt3A_1721 = arith.cmpf ogt, %select_n3A_1717, %select_n3A_1711 : vector<64x128xf32>
    %select_n3A_1722 = arith.select %gt3A_1721, %select_n3A_1717, %select_n3A_1711 : vector<64x128xi1>, vector<64x128xf32>
    %select_n3A_1723 = arith.select %gt3A_1721, %select_n3A_1718, %select_n3A_1712 : vector<64x128xi1>, vector<64x128xi32>
    %slice3A_1724 = vector.extract_strided_slice %select_n3A {offsets = [0, 19584], sizes = [64, 128], strides = [1, 1]} : vector<64x25000xf32> to vector<64x128xf32>
    %broadcast_in_dim3A_1725 = arith.constant 153 : i32
    %broadcast_in_dim3A_1726 = vector.broadcast %broadcast_in_dim3A_1725 : i32 to vector<64x128xi32>
    %gt3A_1727 = arith.cmpf ogt, %slice3A_1724, %select_n3A_1719 : vector<64x128xf32>
    %select_n3A_1728 = arith.select %gt3A_1727, %select_n3A_1719, %slice3A_1724 : vector<64x128xi1>, vector<64x128xf32>
    %select_n3A_1729 = arith.select %gt3A_1727, %select_n3A_1720, %broadcast_in_dim3A_1726 : vector<64x128xi1>, vector<64x128xi32>
    %select_n3A_1730 = arith.select %gt3A_1727, %slice3A_1724, %select_n3A_1719 : vector<64x128xi1>, vector<64x128xf32>
    %select_n3A_1731 = arith.select %gt3A_1727, %broadcast_in_dim3A_1726, %select_n3A_1720 : vector<64x128xi1>, vector<64x128xi32>
    %gt3A_1732 = arith.cmpf ogt, %select_n3A_1728, %select_n3A_1722 : vector<64x128xf32>
    %select_n3A_1733 = arith.select %gt3A_1732, %select_n3A_1728, %select_n3A_1722 : vector<64x128xi1>, vector<64x128xf32>
    %select_n3A_1734 = arith.select %gt3A_1732, %select_n3A_1729, %select_n3A_1723 : vector<64x128xi1>, vector<64x128xi32>
    %slice3A_1735 = vector.extract_strided_slice %select_n3A {offsets = [0, 19712], sizes = [64, 128], strides = [1, 1]} : vector<64x25000xf32> to vector<64x128xf32>
    %broadcast_in_dim3A_1736 = arith.constant 154 : i32
    %broadcast_in_dim3A_1737 = vector.broadcast %broadcast_in_dim3A_1736 : i32 to vector<64x128xi32>
    %gt3A_1738 = arith.cmpf ogt, %slice3A_1735, %select_n3A_1730 : vector<64x128xf32>
    %select_n3A_1739 = arith.select %gt3A_1738, %select_n3A_1730, %slice3A_1735 : vector<64x128xi1>, vector<64x128xf32>
    %select_n3A_1740 = arith.select %gt3A_1738, %select_n3A_1731, %broadcast_in_dim3A_1737 : vector<64x128xi1>, vector<64x128xi32>
    %select_n3A_1741 = arith.select %gt3A_1738, %slice3A_1735, %select_n3A_1730 : vector<64x128xi1>, vector<64x128xf32>
    %select_n3A_1742 = arith.select %gt3A_1738, %broadcast_in_dim3A_1737, %select_n3A_1731 : vector<64x128xi1>, vector<64x128xi32>
    %gt3A_1743 = arith.cmpf ogt, %select_n3A_1739, %select_n3A_1733 : vector<64x128xf32>
    %select_n3A_1744 = arith.select %gt3A_1743, %select_n3A_1739, %select_n3A_1733 : vector<64x128xi1>, vector<64x128xf32>
    %select_n3A_1745 = arith.select %gt3A_1743, %select_n3A_1740, %select_n3A_1734 : vector<64x128xi1>, vector<64x128xi32>
    %slice3A_1746 = vector.extract_strided_slice %select_n3A {offsets = [0, 19840], sizes = [64, 128], strides = [1, 1]} : vector<64x25000xf32> to vector<64x128xf32>
    %broadcast_in_dim3A_1747 = arith.constant 155 : i32
    %broadcast_in_dim3A_1748 = vector.broadcast %broadcast_in_dim3A_1747 : i32 to vector<64x128xi32>
    %gt3A_1749 = arith.cmpf ogt, %slice3A_1746, %select_n3A_1741 : vector<64x128xf32>
    %select_n3A_1750 = arith.select %gt3A_1749, %select_n3A_1741, %slice3A_1746 : vector<64x128xi1>, vector<64x128xf32>
    %select_n3A_1751 = arith.select %gt3A_1749, %select_n3A_1742, %broadcast_in_dim3A_1748 : vector<64x128xi1>, vector<64x128xi32>
    %select_n3A_1752 = arith.select %gt3A_1749, %slice3A_1746, %select_n3A_1741 : vector<64x128xi1>, vector<64x128xf32>
    %select_n3A_1753 = arith.select %gt3A_1749, %broadcast_in_dim3A_1748, %select_n3A_1742 : vector<64x128xi1>, vector<64x128xi32>
    %gt3A_1754 = arith.cmpf ogt, %select_n3A_1750, %select_n3A_1744 : vector<64x128xf32>
    %select_n3A_1755 = arith.select %gt3A_1754, %select_n3A_1750, %select_n3A_1744 : vector<64x128xi1>, vector<64x128xf32>
    %select_n3A_1756 = arith.select %gt3A_1754, %select_n3A_1751, %select_n3A_1745 : vector<64x128xi1>, vector<64x128xi32>
    %slice3A_1757 = vector.extract_strided_slice %select_n3A {offsets = [0, 19968], sizes = [64, 128], strides = [1, 1]} : vector<64x25000xf32> to vector<64x128xf32>
    %broadcast_in_dim3A_1758 = arith.constant 156 : i32
    %broadcast_in_dim3A_1759 = vector.broadcast %broadcast_in_dim3A_1758 : i32 to vector<64x128xi32>
    %gt3A_1760 = arith.cmpf ogt, %slice3A_1757, %select_n3A_1752 : vector<64x128xf32>
    %select_n3A_1761 = arith.select %gt3A_1760, %select_n3A_1752, %slice3A_1757 : vector<64x128xi1>, vector<64x128xf32>
    %select_n3A_1762 = arith.select %gt3A_1760, %select_n3A_1753, %broadcast_in_dim3A_1759 : vector<64x128xi1>, vector<64x128xi32>
    %select_n3A_1763 = arith.select %gt3A_1760, %slice3A_1757, %select_n3A_1752 : vector<64x128xi1>, vector<64x128xf32>
    %select_n3A_1764 = arith.select %gt3A_1760, %broadcast_in_dim3A_1759, %select_n3A_1753 : vector<64x128xi1>, vector<64x128xi32>
    %gt3A_1765 = arith.cmpf ogt, %select_n3A_1761, %select_n3A_1755 : vector<64x128xf32>
    %select_n3A_1766 = arith.select %gt3A_1765, %select_n3A_1761, %select_n3A_1755 : vector<64x128xi1>, vector<64x128xf32>
    %select_n3A_1767 = arith.select %gt3A_1765, %select_n3A_1762, %select_n3A_1756 : vector<64x128xi1>, vector<64x128xi32>
    %slice3A_1768 = vector.extract_strided_slice %select_n3A {offsets = [0, 20096], sizes = [64, 128], strides = [1, 1]} : vector<64x25000xf32> to vector<64x128xf32>
    %broadcast_in_dim3A_1769 = arith.constant 157 : i32
    %broadcast_in_dim3A_1770 = vector.broadcast %broadcast_in_dim3A_1769 : i32 to vector<64x128xi32>
    %gt3A_1771 = arith.cmpf ogt, %slice3A_1768, %select_n3A_1763 : vector<64x128xf32>
    %select_n3A_1772 = arith.select %gt3A_1771, %select_n3A_1763, %slice3A_1768 : vector<64x128xi1>, vector<64x128xf32>
    %select_n3A_1773 = arith.select %gt3A_1771, %select_n3A_1764, %broadcast_in_dim3A_1770 : vector<64x128xi1>, vector<64x128xi32>
    %select_n3A_1774 = arith.select %gt3A_1771, %slice3A_1768, %select_n3A_1763 : vector<64x128xi1>, vector<64x128xf32>
    %select_n3A_1775 = arith.select %gt3A_1771, %broadcast_in_dim3A_1770, %select_n3A_1764 : vector<64x128xi1>, vector<64x128xi32>
    %gt3A_1776 = arith.cmpf ogt, %select_n3A_1772, %select_n3A_1766 : vector<64x128xf32>
    %select_n3A_1777 = arith.select %gt3A_1776, %select_n3A_1772, %select_n3A_1766 : vector<64x128xi1>, vector<64x128xf32>
    %select_n3A_1778 = arith.select %gt3A_1776, %select_n3A_1773, %select_n3A_1767 : vector<64x128xi1>, vector<64x128xi32>
    %slice3A_1779 = vector.extract_strided_slice %select_n3A {offsets = [0, 20224], sizes = [64, 128], strides = [1, 1]} : vector<64x25000xf32> to vector<64x128xf32>
    %broadcast_in_dim3A_1780 = arith.constant 158 : i32
    %broadcast_in_dim3A_1781 = vector.broadcast %broadcast_in_dim3A_1780 : i32 to vector<64x128xi32>
    %gt3A_1782 = arith.cmpf ogt, %slice3A_1779, %select_n3A_1774 : vector<64x128xf32>
    %select_n3A_1783 = arith.select %gt3A_1782, %select_n3A_1774, %slice3A_1779 : vector<64x128xi1>, vector<64x128xf32>
    %select_n3A_1784 = arith.select %gt3A_1782, %select_n3A_1775, %broadcast_in_dim3A_1781 : vector<64x128xi1>, vector<64x128xi32>
    %select_n3A_1785 = arith.select %gt3A_1782, %slice3A_1779, %select_n3A_1774 : vector<64x128xi1>, vector<64x128xf32>
    %select_n3A_1786 = arith.select %gt3A_1782, %broadcast_in_dim3A_1781, %select_n3A_1775 : vector<64x128xi1>, vector<64x128xi32>
    %gt3A_1787 = arith.cmpf ogt, %select_n3A_1783, %select_n3A_1777 : vector<64x128xf32>
    %select_n3A_1788 = arith.select %gt3A_1787, %select_n3A_1783, %select_n3A_1777 : vector<64x128xi1>, vector<64x128xf32>
    %select_n3A_1789 = arith.select %gt3A_1787, %select_n3A_1784, %select_n3A_1778 : vector<64x128xi1>, vector<64x128xi32>
    %slice3A_1790 = vector.extract_strided_slice %select_n3A {offsets = [0, 20352], sizes = [64, 128], strides = [1, 1]} : vector<64x25000xf32> to vector<64x128xf32>
    %broadcast_in_dim3A_1791 = arith.constant 159 : i32
    %broadcast_in_dim3A_1792 = vector.broadcast %broadcast_in_dim3A_1791 : i32 to vector<64x128xi32>
    %gt3A_1793 = arith.cmpf ogt, %slice3A_1790, %select_n3A_1785 : vector<64x128xf32>
    %select_n3A_1794 = arith.select %gt3A_1793, %select_n3A_1785, %slice3A_1790 : vector<64x128xi1>, vector<64x128xf32>
    %select_n3A_1795 = arith.select %gt3A_1793, %select_n3A_1786, %broadcast_in_dim3A_1792 : vector<64x128xi1>, vector<64x128xi32>
    %select_n3A_1796 = arith.select %gt3A_1793, %slice3A_1790, %select_n3A_1785 : vector<64x128xi1>, vector<64x128xf32>
    %select_n3A_1797 = arith.select %gt3A_1793, %broadcast_in_dim3A_1792, %select_n3A_1786 : vector<64x128xi1>, vector<64x128xi32>
    %gt3A_1798 = arith.cmpf ogt, %select_n3A_1794, %select_n3A_1788 : vector<64x128xf32>
    %select_n3A_1799 = arith.select %gt3A_1798, %select_n3A_1794, %select_n3A_1788 : vector<64x128xi1>, vector<64x128xf32>
    %select_n3A_1800 = arith.select %gt3A_1798, %select_n3A_1795, %select_n3A_1789 : vector<64x128xi1>, vector<64x128xi32>
    %slice3A_1801 = vector.extract_strided_slice %select_n3A {offsets = [0, 20480], sizes = [64, 128], strides = [1, 1]} : vector<64x25000xf32> to vector<64x128xf32>
    %broadcast_in_dim3A_1802 = arith.constant 160 : i32
    %broadcast_in_dim3A_1803 = vector.broadcast %broadcast_in_dim3A_1802 : i32 to vector<64x128xi32>
    %gt3A_1804 = arith.cmpf ogt, %slice3A_1801, %select_n3A_1796 : vector<64x128xf32>
    %select_n3A_1805 = arith.select %gt3A_1804, %select_n3A_1796, %slice3A_1801 : vector<64x128xi1>, vector<64x128xf32>
    %select_n3A_1806 = arith.select %gt3A_1804, %select_n3A_1797, %broadcast_in_dim3A_1803 : vector<64x128xi1>, vector<64x128xi32>
    %select_n3A_1807 = arith.select %gt3A_1804, %slice3A_1801, %select_n3A_1796 : vector<64x128xi1>, vector<64x128xf32>
    %select_n3A_1808 = arith.select %gt3A_1804, %broadcast_in_dim3A_1803, %select_n3A_1797 : vector<64x128xi1>, vector<64x128xi32>
    %gt3A_1809 = arith.cmpf ogt, %select_n3A_1805, %select_n3A_1799 : vector<64x128xf32>
    %select_n3A_1810 = arith.select %gt3A_1809, %select_n3A_1805, %select_n3A_1799 : vector<64x128xi1>, vector<64x128xf32>
    %select_n3A_1811 = arith.select %gt3A_1809, %select_n3A_1806, %select_n3A_1800 : vector<64x128xi1>, vector<64x128xi32>
    %slice3A_1812 = vector.extract_strided_slice %select_n3A {offsets = [0, 20608], sizes = [64, 128], strides = [1, 1]} : vector<64x25000xf32> to vector<64x128xf32>
    %broadcast_in_dim3A_1813 = arith.constant 161 : i32
    %broadcast_in_dim3A_1814 = vector.broadcast %broadcast_in_dim3A_1813 : i32 to vector<64x128xi32>
    %gt3A_1815 = arith.cmpf ogt, %slice3A_1812, %select_n3A_1807 : vector<64x128xf32>
    %select_n3A_1816 = arith.select %gt3A_1815, %select_n3A_1807, %slice3A_1812 : vector<64x128xi1>, vector<64x128xf32>
    %select_n3A_1817 = arith.select %gt3A_1815, %select_n3A_1808, %broadcast_in_dim3A_1814 : vector<64x128xi1>, vector<64x128xi32>
    %select_n3A_1818 = arith.select %gt3A_1815, %slice3A_1812, %select_n3A_1807 : vector<64x128xi1>, vector<64x128xf32>
    %select_n3A_1819 = arith.select %gt3A_1815, %broadcast_in_dim3A_1814, %select_n3A_1808 : vector<64x128xi1>, vector<64x128xi32>
    %gt3A_1820 = arith.cmpf ogt, %select_n3A_1816, %select_n3A_1810 : vector<64x128xf32>
    %select_n3A_1821 = arith.select %gt3A_1820, %select_n3A_1816, %select_n3A_1810 : vector<64x128xi1>, vector<64x128xf32>
    %select_n3A_1822 = arith.select %gt3A_1820, %select_n3A_1817, %select_n3A_1811 : vector<64x128xi1>, vector<64x128xi32>
    %slice3A_1823 = vector.extract_strided_slice %select_n3A {offsets = [0, 20736], sizes = [64, 128], strides = [1, 1]} : vector<64x25000xf32> to vector<64x128xf32>
    %broadcast_in_dim3A_1824 = arith.constant 162 : i32
    %broadcast_in_dim3A_1825 = vector.broadcast %broadcast_in_dim3A_1824 : i32 to vector<64x128xi32>
    %gt3A_1826 = arith.cmpf ogt, %slice3A_1823, %select_n3A_1818 : vector<64x128xf32>
    %select_n3A_1827 = arith.select %gt3A_1826, %select_n3A_1818, %slice3A_1823 : vector<64x128xi1>, vector<64x128xf32>
    %select_n3A_1828 = arith.select %gt3A_1826, %select_n3A_1819, %broadcast_in_dim3A_1825 : vector<64x128xi1>, vector<64x128xi32>
    %select_n3A_1829 = arith.select %gt3A_1826, %slice3A_1823, %select_n3A_1818 : vector<64x128xi1>, vector<64x128xf32>
    %select_n3A_1830 = arith.select %gt3A_1826, %broadcast_in_dim3A_1825, %select_n3A_1819 : vector<64x128xi1>, vector<64x128xi32>
    %gt3A_1831 = arith.cmpf ogt, %select_n3A_1827, %select_n3A_1821 : vector<64x128xf32>
    %select_n3A_1832 = arith.select %gt3A_1831, %select_n3A_1827, %select_n3A_1821 : vector<64x128xi1>, vector<64x128xf32>
    %select_n3A_1833 = arith.select %gt3A_1831, %select_n3A_1828, %select_n3A_1822 : vector<64x128xi1>, vector<64x128xi32>
    %slice3A_1834 = vector.extract_strided_slice %select_n3A {offsets = [0, 20864], sizes = [64, 128], strides = [1, 1]} : vector<64x25000xf32> to vector<64x128xf32>
    %broadcast_in_dim3A_1835 = arith.constant 163 : i32
    %broadcast_in_dim3A_1836 = vector.broadcast %broadcast_in_dim3A_1835 : i32 to vector<64x128xi32>
    %gt3A_1837 = arith.cmpf ogt, %slice3A_1834, %select_n3A_1829 : vector<64x128xf32>
    %select_n3A_1838 = arith.select %gt3A_1837, %select_n3A_1829, %slice3A_1834 : vector<64x128xi1>, vector<64x128xf32>
    %select_n3A_1839 = arith.select %gt3A_1837, %select_n3A_1830, %broadcast_in_dim3A_1836 : vector<64x128xi1>, vector<64x128xi32>
    %select_n3A_1840 = arith.select %gt3A_1837, %slice3A_1834, %select_n3A_1829 : vector<64x128xi1>, vector<64x128xf32>
    %select_n3A_1841 = arith.select %gt3A_1837, %broadcast_in_dim3A_1836, %select_n3A_1830 : vector<64x128xi1>, vector<64x128xi32>
    %gt3A_1842 = arith.cmpf ogt, %select_n3A_1838, %select_n3A_1832 : vector<64x128xf32>
    %select_n3A_1843 = arith.select %gt3A_1842, %select_n3A_1838, %select_n3A_1832 : vector<64x128xi1>, vector<64x128xf32>
    %select_n3A_1844 = arith.select %gt3A_1842, %select_n3A_1839, %select_n3A_1833 : vector<64x128xi1>, vector<64x128xi32>
    %slice3A_1845 = vector.extract_strided_slice %select_n3A {offsets = [0, 20992], sizes = [64, 128], strides = [1, 1]} : vector<64x25000xf32> to vector<64x128xf32>
    %broadcast_in_dim3A_1846 = arith.constant 164 : i32
    %broadcast_in_dim3A_1847 = vector.broadcast %broadcast_in_dim3A_1846 : i32 to vector<64x128xi32>
    %gt3A_1848 = arith.cmpf ogt, %slice3A_1845, %select_n3A_1840 : vector<64x128xf32>
    %select_n3A_1849 = arith.select %gt3A_1848, %select_n3A_1840, %slice3A_1845 : vector<64x128xi1>, vector<64x128xf32>
    %select_n3A_1850 = arith.select %gt3A_1848, %select_n3A_1841, %broadcast_in_dim3A_1847 : vector<64x128xi1>, vector<64x128xi32>
    %select_n3A_1851 = arith.select %gt3A_1848, %slice3A_1845, %select_n3A_1840 : vector<64x128xi1>, vector<64x128xf32>
    %select_n3A_1852 = arith.select %gt3A_1848, %broadcast_in_dim3A_1847, %select_n3A_1841 : vector<64x128xi1>, vector<64x128xi32>
    %gt3A_1853 = arith.cmpf ogt, %select_n3A_1849, %select_n3A_1843 : vector<64x128xf32>
    %select_n3A_1854 = arith.select %gt3A_1853, %select_n3A_1849, %select_n3A_1843 : vector<64x128xi1>, vector<64x128xf32>
    %select_n3A_1855 = arith.select %gt3A_1853, %select_n3A_1850, %select_n3A_1844 : vector<64x128xi1>, vector<64x128xi32>
    %slice3A_1856 = vector.extract_strided_slice %select_n3A {offsets = [0, 21120], sizes = [64, 128], strides = [1, 1]} : vector<64x25000xf32> to vector<64x128xf32>
    %broadcast_in_dim3A_1857 = arith.constant 165 : i32
    %broadcast_in_dim3A_1858 = vector.broadcast %broadcast_in_dim3A_1857 : i32 to vector<64x128xi32>
    %gt3A_1859 = arith.cmpf ogt, %slice3A_1856, %select_n3A_1851 : vector<64x128xf32>
    %select_n3A_1860 = arith.select %gt3A_1859, %select_n3A_1851, %slice3A_1856 : vector<64x128xi1>, vector<64x128xf32>
    %select_n3A_1861 = arith.select %gt3A_1859, %select_n3A_1852, %broadcast_in_dim3A_1858 : vector<64x128xi1>, vector<64x128xi32>
    %select_n3A_1862 = arith.select %gt3A_1859, %slice3A_1856, %select_n3A_1851 : vector<64x128xi1>, vector<64x128xf32>
    %select_n3A_1863 = arith.select %gt3A_1859, %broadcast_in_dim3A_1858, %select_n3A_1852 : vector<64x128xi1>, vector<64x128xi32>
    %gt3A_1864 = arith.cmpf ogt, %select_n3A_1860, %select_n3A_1854 : vector<64x128xf32>
    %select_n3A_1865 = arith.select %gt3A_1864, %select_n3A_1860, %select_n3A_1854 : vector<64x128xi1>, vector<64x128xf32>
    %select_n3A_1866 = arith.select %gt3A_1864, %select_n3A_1861, %select_n3A_1855 : vector<64x128xi1>, vector<64x128xi32>
    %slice3A_1867 = vector.extract_strided_slice %select_n3A {offsets = [0, 21248], sizes = [64, 128], strides = [1, 1]} : vector<64x25000xf32> to vector<64x128xf32>
    %broadcast_in_dim3A_1868 = arith.constant 166 : i32
    %broadcast_in_dim3A_1869 = vector.broadcast %broadcast_in_dim3A_1868 : i32 to vector<64x128xi32>
    %gt3A_1870 = arith.cmpf ogt, %slice3A_1867, %select_n3A_1862 : vector<64x128xf32>
    %select_n3A_1871 = arith.select %gt3A_1870, %select_n3A_1862, %slice3A_1867 : vector<64x128xi1>, vector<64x128xf32>
    %select_n3A_1872 = arith.select %gt3A_1870, %select_n3A_1863, %broadcast_in_dim3A_1869 : vector<64x128xi1>, vector<64x128xi32>
    %select_n3A_1873 = arith.select %gt3A_1870, %slice3A_1867, %select_n3A_1862 : vector<64x128xi1>, vector<64x128xf32>
    %select_n3A_1874 = arith.select %gt3A_1870, %broadcast_in_dim3A_1869, %select_n3A_1863 : vector<64x128xi1>, vector<64x128xi32>
    %gt3A_1875 = arith.cmpf ogt, %select_n3A_1871, %select_n3A_1865 : vector<64x128xf32>
    %select_n3A_1876 = arith.select %gt3A_1875, %select_n3A_1871, %select_n3A_1865 : vector<64x128xi1>, vector<64x128xf32>
    %select_n3A_1877 = arith.select %gt3A_1875, %select_n3A_1872, %select_n3A_1866 : vector<64x128xi1>, vector<64x128xi32>
    %slice3A_1878 = vector.extract_strided_slice %select_n3A {offsets = [0, 21376], sizes = [64, 128], strides = [1, 1]} : vector<64x25000xf32> to vector<64x128xf32>
    %broadcast_in_dim3A_1879 = arith.constant 167 : i32
    %broadcast_in_dim3A_1880 = vector.broadcast %broadcast_in_dim3A_1879 : i32 to vector<64x128xi32>
    %gt3A_1881 = arith.cmpf ogt, %slice3A_1878, %select_n3A_1873 : vector<64x128xf32>
    %select_n3A_1882 = arith.select %gt3A_1881, %select_n3A_1873, %slice3A_1878 : vector<64x128xi1>, vector<64x128xf32>
    %select_n3A_1883 = arith.select %gt3A_1881, %select_n3A_1874, %broadcast_in_dim3A_1880 : vector<64x128xi1>, vector<64x128xi32>
    %select_n3A_1884 = arith.select %gt3A_1881, %slice3A_1878, %select_n3A_1873 : vector<64x128xi1>, vector<64x128xf32>
    %select_n3A_1885 = arith.select %gt3A_1881, %broadcast_in_dim3A_1880, %select_n3A_1874 : vector<64x128xi1>, vector<64x128xi32>
    %gt3A_1886 = arith.cmpf ogt, %select_n3A_1882, %select_n3A_1876 : vector<64x128xf32>
    %select_n3A_1887 = arith.select %gt3A_1886, %select_n3A_1882, %select_n3A_1876 : vector<64x128xi1>, vector<64x128xf32>
    %select_n3A_1888 = arith.select %gt3A_1886, %select_n3A_1883, %select_n3A_1877 : vector<64x128xi1>, vector<64x128xi32>
    %slice3A_1889 = vector.extract_strided_slice %select_n3A {offsets = [0, 21504], sizes = [64, 128], strides = [1, 1]} : vector<64x25000xf32> to vector<64x128xf32>
    %broadcast_in_dim3A_1890 = arith.constant 168 : i32
    %broadcast_in_dim3A_1891 = vector.broadcast %broadcast_in_dim3A_1890 : i32 to vector<64x128xi32>
    %gt3A_1892 = arith.cmpf ogt, %slice3A_1889, %select_n3A_1884 : vector<64x128xf32>
    %select_n3A_1893 = arith.select %gt3A_1892, %select_n3A_1884, %slice3A_1889 : vector<64x128xi1>, vector<64x128xf32>
    %select_n3A_1894 = arith.select %gt3A_1892, %select_n3A_1885, %broadcast_in_dim3A_1891 : vector<64x128xi1>, vector<64x128xi32>
    %select_n3A_1895 = arith.select %gt3A_1892, %slice3A_1889, %select_n3A_1884 : vector<64x128xi1>, vector<64x128xf32>
    %select_n3A_1896 = arith.select %gt3A_1892, %broadcast_in_dim3A_1891, %select_n3A_1885 : vector<64x128xi1>, vector<64x128xi32>
    %gt3A_1897 = arith.cmpf ogt, %select_n3A_1893, %select_n3A_1887 : vector<64x128xf32>
    %select_n3A_1898 = arith.select %gt3A_1897, %select_n3A_1893, %select_n3A_1887 : vector<64x128xi1>, vector<64x128xf32>
    %select_n3A_1899 = arith.select %gt3A_1897, %select_n3A_1894, %select_n3A_1888 : vector<64x128xi1>, vector<64x128xi32>
    %slice3A_1900 = vector.extract_strided_slice %select_n3A {offsets = [0, 21632], sizes = [64, 128], strides = [1, 1]} : vector<64x25000xf32> to vector<64x128xf32>
    %broadcast_in_dim3A_1901 = arith.constant 169 : i32
    %broadcast_in_dim3A_1902 = vector.broadcast %broadcast_in_dim3A_1901 : i32 to vector<64x128xi32>
    %gt3A_1903 = arith.cmpf ogt, %slice3A_1900, %select_n3A_1895 : vector<64x128xf32>
    %select_n3A_1904 = arith.select %gt3A_1903, %select_n3A_1895, %slice3A_1900 : vector<64x128xi1>, vector<64x128xf32>
    %select_n3A_1905 = arith.select %gt3A_1903, %select_n3A_1896, %broadcast_in_dim3A_1902 : vector<64x128xi1>, vector<64x128xi32>
    %select_n3A_1906 = arith.select %gt3A_1903, %slice3A_1900, %select_n3A_1895 : vector<64x128xi1>, vector<64x128xf32>
    %select_n3A_1907 = arith.select %gt3A_1903, %broadcast_in_dim3A_1902, %select_n3A_1896 : vector<64x128xi1>, vector<64x128xi32>
    %gt3A_1908 = arith.cmpf ogt, %select_n3A_1904, %select_n3A_1898 : vector<64x128xf32>
    %select_n3A_1909 = arith.select %gt3A_1908, %select_n3A_1904, %select_n3A_1898 : vector<64x128xi1>, vector<64x128xf32>
    %select_n3A_1910 = arith.select %gt3A_1908, %select_n3A_1905, %select_n3A_1899 : vector<64x128xi1>, vector<64x128xi32>
    %slice3A_1911 = vector.extract_strided_slice %select_n3A {offsets = [0, 21760], sizes = [64, 128], strides = [1, 1]} : vector<64x25000xf32> to vector<64x128xf32>
    %broadcast_in_dim3A_1912 = arith.constant 170 : i32
    %broadcast_in_dim3A_1913 = vector.broadcast %broadcast_in_dim3A_1912 : i32 to vector<64x128xi32>
    %gt3A_1914 = arith.cmpf ogt, %slice3A_1911, %select_n3A_1906 : vector<64x128xf32>
    %select_n3A_1915 = arith.select %gt3A_1914, %select_n3A_1906, %slice3A_1911 : vector<64x128xi1>, vector<64x128xf32>
    %select_n3A_1916 = arith.select %gt3A_1914, %select_n3A_1907, %broadcast_in_dim3A_1913 : vector<64x128xi1>, vector<64x128xi32>
    %select_n3A_1917 = arith.select %gt3A_1914, %slice3A_1911, %select_n3A_1906 : vector<64x128xi1>, vector<64x128xf32>
    %select_n3A_1918 = arith.select %gt3A_1914, %broadcast_in_dim3A_1913, %select_n3A_1907 : vector<64x128xi1>, vector<64x128xi32>
    %gt3A_1919 = arith.cmpf ogt, %select_n3A_1915, %select_n3A_1909 : vector<64x128xf32>
    %select_n3A_1920 = arith.select %gt3A_1919, %select_n3A_1915, %select_n3A_1909 : vector<64x128xi1>, vector<64x128xf32>
    %select_n3A_1921 = arith.select %gt3A_1919, %select_n3A_1916, %select_n3A_1910 : vector<64x128xi1>, vector<64x128xi32>
    %slice3A_1922 = vector.extract_strided_slice %select_n3A {offsets = [0, 21888], sizes = [64, 128], strides = [1, 1]} : vector<64x25000xf32> to vector<64x128xf32>
    %broadcast_in_dim3A_1923 = arith.constant 171 : i32
    %broadcast_in_dim3A_1924 = vector.broadcast %broadcast_in_dim3A_1923 : i32 to vector<64x128xi32>
    %gt3A_1925 = arith.cmpf ogt, %slice3A_1922, %select_n3A_1917 : vector<64x128xf32>
    %select_n3A_1926 = arith.select %gt3A_1925, %select_n3A_1917, %slice3A_1922 : vector<64x128xi1>, vector<64x128xf32>
    %select_n3A_1927 = arith.select %gt3A_1925, %select_n3A_1918, %broadcast_in_dim3A_1924 : vector<64x128xi1>, vector<64x128xi32>
    %select_n3A_1928 = arith.select %gt3A_1925, %slice3A_1922, %select_n3A_1917 : vector<64x128xi1>, vector<64x128xf32>
    %select_n3A_1929 = arith.select %gt3A_1925, %broadcast_in_dim3A_1924, %select_n3A_1918 : vector<64x128xi1>, vector<64x128xi32>
    %gt3A_1930 = arith.cmpf ogt, %select_n3A_1926, %select_n3A_1920 : vector<64x128xf32>
    %select_n3A_1931 = arith.select %gt3A_1930, %select_n3A_1926, %select_n3A_1920 : vector<64x128xi1>, vector<64x128xf32>
    %select_n3A_1932 = arith.select %gt3A_1930, %select_n3A_1927, %select_n3A_1921 : vector<64x128xi1>, vector<64x128xi32>
    %slice3A_1933 = vector.extract_strided_slice %select_n3A {offsets = [0, 22016], sizes = [64, 128], strides = [1, 1]} : vector<64x25000xf32> to vector<64x128xf32>
    %broadcast_in_dim3A_1934 = arith.constant 172 : i32
    %broadcast_in_dim3A_1935 = vector.broadcast %broadcast_in_dim3A_1934 : i32 to vector<64x128xi32>
    %gt3A_1936 = arith.cmpf ogt, %slice3A_1933, %select_n3A_1928 : vector<64x128xf32>
    %select_n3A_1937 = arith.select %gt3A_1936, %select_n3A_1928, %slice3A_1933 : vector<64x128xi1>, vector<64x128xf32>
    %select_n3A_1938 = arith.select %gt3A_1936, %select_n3A_1929, %broadcast_in_dim3A_1935 : vector<64x128xi1>, vector<64x128xi32>
    %select_n3A_1939 = arith.select %gt3A_1936, %slice3A_1933, %select_n3A_1928 : vector<64x128xi1>, vector<64x128xf32>
    %select_n3A_1940 = arith.select %gt3A_1936, %broadcast_in_dim3A_1935, %select_n3A_1929 : vector<64x128xi1>, vector<64x128xi32>
    %gt3A_1941 = arith.cmpf ogt, %select_n3A_1937, %select_n3A_1931 : vector<64x128xf32>
    %select_n3A_1942 = arith.select %gt3A_1941, %select_n3A_1937, %select_n3A_1931 : vector<64x128xi1>, vector<64x128xf32>
    %select_n3A_1943 = arith.select %gt3A_1941, %select_n3A_1938, %select_n3A_1932 : vector<64x128xi1>, vector<64x128xi32>
    %slice3A_1944 = vector.extract_strided_slice %select_n3A {offsets = [0, 22144], sizes = [64, 128], strides = [1, 1]} : vector<64x25000xf32> to vector<64x128xf32>
    %broadcast_in_dim3A_1945 = arith.constant 173 : i32
    %broadcast_in_dim3A_1946 = vector.broadcast %broadcast_in_dim3A_1945 : i32 to vector<64x128xi32>
    %gt3A_1947 = arith.cmpf ogt, %slice3A_1944, %select_n3A_1939 : vector<64x128xf32>
    %select_n3A_1948 = arith.select %gt3A_1947, %select_n3A_1939, %slice3A_1944 : vector<64x128xi1>, vector<64x128xf32>
    %select_n3A_1949 = arith.select %gt3A_1947, %select_n3A_1940, %broadcast_in_dim3A_1946 : vector<64x128xi1>, vector<64x128xi32>
    %select_n3A_1950 = arith.select %gt3A_1947, %slice3A_1944, %select_n3A_1939 : vector<64x128xi1>, vector<64x128xf32>
    %select_n3A_1951 = arith.select %gt3A_1947, %broadcast_in_dim3A_1946, %select_n3A_1940 : vector<64x128xi1>, vector<64x128xi32>
    %gt3A_1952 = arith.cmpf ogt, %select_n3A_1948, %select_n3A_1942 : vector<64x128xf32>
    %select_n3A_1953 = arith.select %gt3A_1952, %select_n3A_1948, %select_n3A_1942 : vector<64x128xi1>, vector<64x128xf32>
    %select_n3A_1954 = arith.select %gt3A_1952, %select_n3A_1949, %select_n3A_1943 : vector<64x128xi1>, vector<64x128xi32>
    %slice3A_1955 = vector.extract_strided_slice %select_n3A {offsets = [0, 22272], sizes = [64, 128], strides = [1, 1]} : vector<64x25000xf32> to vector<64x128xf32>
    %broadcast_in_dim3A_1956 = arith.constant 174 : i32
    %broadcast_in_dim3A_1957 = vector.broadcast %broadcast_in_dim3A_1956 : i32 to vector<64x128xi32>
    %gt3A_1958 = arith.cmpf ogt, %slice3A_1955, %select_n3A_1950 : vector<64x128xf32>
    %select_n3A_1959 = arith.select %gt3A_1958, %select_n3A_1950, %slice3A_1955 : vector<64x128xi1>, vector<64x128xf32>
    %select_n3A_1960 = arith.select %gt3A_1958, %select_n3A_1951, %broadcast_in_dim3A_1957 : vector<64x128xi1>, vector<64x128xi32>
    %select_n3A_1961 = arith.select %gt3A_1958, %slice3A_1955, %select_n3A_1950 : vector<64x128xi1>, vector<64x128xf32>
    %select_n3A_1962 = arith.select %gt3A_1958, %broadcast_in_dim3A_1957, %select_n3A_1951 : vector<64x128xi1>, vector<64x128xi32>
    %gt3A_1963 = arith.cmpf ogt, %select_n3A_1959, %select_n3A_1953 : vector<64x128xf32>
    %select_n3A_1964 = arith.select %gt3A_1963, %select_n3A_1959, %select_n3A_1953 : vector<64x128xi1>, vector<64x128xf32>
    %select_n3A_1965 = arith.select %gt3A_1963, %select_n3A_1960, %select_n3A_1954 : vector<64x128xi1>, vector<64x128xi32>
    %slice3A_1966 = vector.extract_strided_slice %select_n3A {offsets = [0, 22400], sizes = [64, 128], strides = [1, 1]} : vector<64x25000xf32> to vector<64x128xf32>
    %broadcast_in_dim3A_1967 = arith.constant 175 : i32
    %broadcast_in_dim3A_1968 = vector.broadcast %broadcast_in_dim3A_1967 : i32 to vector<64x128xi32>
    %gt3A_1969 = arith.cmpf ogt, %slice3A_1966, %select_n3A_1961 : vector<64x128xf32>
    %select_n3A_1970 = arith.select %gt3A_1969, %select_n3A_1961, %slice3A_1966 : vector<64x128xi1>, vector<64x128xf32>
    %select_n3A_1971 = arith.select %gt3A_1969, %select_n3A_1962, %broadcast_in_dim3A_1968 : vector<64x128xi1>, vector<64x128xi32>
    %select_n3A_1972 = arith.select %gt3A_1969, %slice3A_1966, %select_n3A_1961 : vector<64x128xi1>, vector<64x128xf32>
    %select_n3A_1973 = arith.select %gt3A_1969, %broadcast_in_dim3A_1968, %select_n3A_1962 : vector<64x128xi1>, vector<64x128xi32>
    %gt3A_1974 = arith.cmpf ogt, %select_n3A_1970, %select_n3A_1964 : vector<64x128xf32>
    %select_n3A_1975 = arith.select %gt3A_1974, %select_n3A_1970, %select_n3A_1964 : vector<64x128xi1>, vector<64x128xf32>
    %select_n3A_1976 = arith.select %gt3A_1974, %select_n3A_1971, %select_n3A_1965 : vector<64x128xi1>, vector<64x128xi32>
    %slice3A_1977 = vector.extract_strided_slice %select_n3A {offsets = [0, 22528], sizes = [64, 128], strides = [1, 1]} : vector<64x25000xf32> to vector<64x128xf32>
    %broadcast_in_dim3A_1978 = arith.constant 176 : i32
    %broadcast_in_dim3A_1979 = vector.broadcast %broadcast_in_dim3A_1978 : i32 to vector<64x128xi32>
    %gt3A_1980 = arith.cmpf ogt, %slice3A_1977, %select_n3A_1972 : vector<64x128xf32>
    %select_n3A_1981 = arith.select %gt3A_1980, %select_n3A_1972, %slice3A_1977 : vector<64x128xi1>, vector<64x128xf32>
    %select_n3A_1982 = arith.select %gt3A_1980, %select_n3A_1973, %broadcast_in_dim3A_1979 : vector<64x128xi1>, vector<64x128xi32>
    %select_n3A_1983 = arith.select %gt3A_1980, %slice3A_1977, %select_n3A_1972 : vector<64x128xi1>, vector<64x128xf32>
    %select_n3A_1984 = arith.select %gt3A_1980, %broadcast_in_dim3A_1979, %select_n3A_1973 : vector<64x128xi1>, vector<64x128xi32>
    %gt3A_1985 = arith.cmpf ogt, %select_n3A_1981, %select_n3A_1975 : vector<64x128xf32>
    %select_n3A_1986 = arith.select %gt3A_1985, %select_n3A_1981, %select_n3A_1975 : vector<64x128xi1>, vector<64x128xf32>
    %select_n3A_1987 = arith.select %gt3A_1985, %select_n3A_1982, %select_n3A_1976 : vector<64x128xi1>, vector<64x128xi32>
    %slice3A_1988 = vector.extract_strided_slice %select_n3A {offsets = [0, 22656], sizes = [64, 128], strides = [1, 1]} : vector<64x25000xf32> to vector<64x128xf32>
    %broadcast_in_dim3A_1989 = arith.constant 177 : i32
    %broadcast_in_dim3A_1990 = vector.broadcast %broadcast_in_dim3A_1989 : i32 to vector<64x128xi32>
    %gt3A_1991 = arith.cmpf ogt, %slice3A_1988, %select_n3A_1983 : vector<64x128xf32>
    %select_n3A_1992 = arith.select %gt3A_1991, %select_n3A_1983, %slice3A_1988 : vector<64x128xi1>, vector<64x128xf32>
    %select_n3A_1993 = arith.select %gt3A_1991, %select_n3A_1984, %broadcast_in_dim3A_1990 : vector<64x128xi1>, vector<64x128xi32>
    %select_n3A_1994 = arith.select %gt3A_1991, %slice3A_1988, %select_n3A_1983 : vector<64x128xi1>, vector<64x128xf32>
    %select_n3A_1995 = arith.select %gt3A_1991, %broadcast_in_dim3A_1990, %select_n3A_1984 : vector<64x128xi1>, vector<64x128xi32>
    %gt3A_1996 = arith.cmpf ogt, %select_n3A_1992, %select_n3A_1986 : vector<64x128xf32>
    %select_n3A_1997 = arith.select %gt3A_1996, %select_n3A_1992, %select_n3A_1986 : vector<64x128xi1>, vector<64x128xf32>
    %select_n3A_1998 = arith.select %gt3A_1996, %select_n3A_1993, %select_n3A_1987 : vector<64x128xi1>, vector<64x128xi32>
    %slice3A_1999 = vector.extract_strided_slice %select_n3A {offsets = [0, 22784], sizes = [64, 128], strides = [1, 1]} : vector<64x25000xf32> to vector<64x128xf32>
    %broadcast_in_dim3A_2000 = arith.constant 178 : i32
    %broadcast_in_dim3A_2001 = vector.broadcast %broadcast_in_dim3A_2000 : i32 to vector<64x128xi32>
    %gt3A_2002 = arith.cmpf ogt, %slice3A_1999, %select_n3A_1994 : vector<64x128xf32>
    %select_n3A_2003 = arith.select %gt3A_2002, %select_n3A_1994, %slice3A_1999 : vector<64x128xi1>, vector<64x128xf32>
    %select_n3A_2004 = arith.select %gt3A_2002, %select_n3A_1995, %broadcast_in_dim3A_2001 : vector<64x128xi1>, vector<64x128xi32>
    %select_n3A_2005 = arith.select %gt3A_2002, %slice3A_1999, %select_n3A_1994 : vector<64x128xi1>, vector<64x128xf32>
    %select_n3A_2006 = arith.select %gt3A_2002, %broadcast_in_dim3A_2001, %select_n3A_1995 : vector<64x128xi1>, vector<64x128xi32>
    %gt3A_2007 = arith.cmpf ogt, %select_n3A_2003, %select_n3A_1997 : vector<64x128xf32>
    %select_n3A_2008 = arith.select %gt3A_2007, %select_n3A_2003, %select_n3A_1997 : vector<64x128xi1>, vector<64x128xf32>
    %select_n3A_2009 = arith.select %gt3A_2007, %select_n3A_2004, %select_n3A_1998 : vector<64x128xi1>, vector<64x128xi32>
    %slice3A_2010 = vector.extract_strided_slice %select_n3A {offsets = [0, 22912], sizes = [64, 128], strides = [1, 1]} : vector<64x25000xf32> to vector<64x128xf32>
    %broadcast_in_dim3A_2011 = arith.constant 179 : i32
    %broadcast_in_dim3A_2012 = vector.broadcast %broadcast_in_dim3A_2011 : i32 to vector<64x128xi32>
    %gt3A_2013 = arith.cmpf ogt, %slice3A_2010, %select_n3A_2005 : vector<64x128xf32>
    %select_n3A_2014 = arith.select %gt3A_2013, %select_n3A_2005, %slice3A_2010 : vector<64x128xi1>, vector<64x128xf32>
    %select_n3A_2015 = arith.select %gt3A_2013, %select_n3A_2006, %broadcast_in_dim3A_2012 : vector<64x128xi1>, vector<64x128xi32>
    %select_n3A_2016 = arith.select %gt3A_2013, %slice3A_2010, %select_n3A_2005 : vector<64x128xi1>, vector<64x128xf32>
    %select_n3A_2017 = arith.select %gt3A_2013, %broadcast_in_dim3A_2012, %select_n3A_2006 : vector<64x128xi1>, vector<64x128xi32>
    %gt3A_2018 = arith.cmpf ogt, %select_n3A_2014, %select_n3A_2008 : vector<64x128xf32>
    %select_n3A_2019 = arith.select %gt3A_2018, %select_n3A_2014, %select_n3A_2008 : vector<64x128xi1>, vector<64x128xf32>
    %select_n3A_2020 = arith.select %gt3A_2018, %select_n3A_2015, %select_n3A_2009 : vector<64x128xi1>, vector<64x128xi32>
    %slice3A_2021 = vector.extract_strided_slice %select_n3A {offsets = [0, 23040], sizes = [64, 128], strides = [1, 1]} : vector<64x25000xf32> to vector<64x128xf32>
    %broadcast_in_dim3A_2022 = arith.constant 180 : i32
    %broadcast_in_dim3A_2023 = vector.broadcast %broadcast_in_dim3A_2022 : i32 to vector<64x128xi32>
    %gt3A_2024 = arith.cmpf ogt, %slice3A_2021, %select_n3A_2016 : vector<64x128xf32>
    %select_n3A_2025 = arith.select %gt3A_2024, %select_n3A_2016, %slice3A_2021 : vector<64x128xi1>, vector<64x128xf32>
    %select_n3A_2026 = arith.select %gt3A_2024, %select_n3A_2017, %broadcast_in_dim3A_2023 : vector<64x128xi1>, vector<64x128xi32>
    %select_n3A_2027 = arith.select %gt3A_2024, %slice3A_2021, %select_n3A_2016 : vector<64x128xi1>, vector<64x128xf32>
    %select_n3A_2028 = arith.select %gt3A_2024, %broadcast_in_dim3A_2023, %select_n3A_2017 : vector<64x128xi1>, vector<64x128xi32>
    %gt3A_2029 = arith.cmpf ogt, %select_n3A_2025, %select_n3A_2019 : vector<64x128xf32>
    %select_n3A_2030 = arith.select %gt3A_2029, %select_n3A_2025, %select_n3A_2019 : vector<64x128xi1>, vector<64x128xf32>
    %select_n3A_2031 = arith.select %gt3A_2029, %select_n3A_2026, %select_n3A_2020 : vector<64x128xi1>, vector<64x128xi32>
    %slice3A_2032 = vector.extract_strided_slice %select_n3A {offsets = [0, 23168], sizes = [64, 128], strides = [1, 1]} : vector<64x25000xf32> to vector<64x128xf32>
    %broadcast_in_dim3A_2033 = arith.constant 181 : i32
    %broadcast_in_dim3A_2034 = vector.broadcast %broadcast_in_dim3A_2033 : i32 to vector<64x128xi32>
    %gt3A_2035 = arith.cmpf ogt, %slice3A_2032, %select_n3A_2027 : vector<64x128xf32>
    %select_n3A_2036 = arith.select %gt3A_2035, %select_n3A_2027, %slice3A_2032 : vector<64x128xi1>, vector<64x128xf32>
    %select_n3A_2037 = arith.select %gt3A_2035, %select_n3A_2028, %broadcast_in_dim3A_2034 : vector<64x128xi1>, vector<64x128xi32>
    %select_n3A_2038 = arith.select %gt3A_2035, %slice3A_2032, %select_n3A_2027 : vector<64x128xi1>, vector<64x128xf32>
    %select_n3A_2039 = arith.select %gt3A_2035, %broadcast_in_dim3A_2034, %select_n3A_2028 : vector<64x128xi1>, vector<64x128xi32>
    %gt3A_2040 = arith.cmpf ogt, %select_n3A_2036, %select_n3A_2030 : vector<64x128xf32>
    %select_n3A_2041 = arith.select %gt3A_2040, %select_n3A_2036, %select_n3A_2030 : vector<64x128xi1>, vector<64x128xf32>
    %select_n3A_2042 = arith.select %gt3A_2040, %select_n3A_2037, %select_n3A_2031 : vector<64x128xi1>, vector<64x128xi32>
    %slice3A_2043 = vector.extract_strided_slice %select_n3A {offsets = [0, 23296], sizes = [64, 128], strides = [1, 1]} : vector<64x25000xf32> to vector<64x128xf32>
    %broadcast_in_dim3A_2044 = arith.constant 182 : i32
    %broadcast_in_dim3A_2045 = vector.broadcast %broadcast_in_dim3A_2044 : i32 to vector<64x128xi32>
    %gt3A_2046 = arith.cmpf ogt, %slice3A_2043, %select_n3A_2038 : vector<64x128xf32>
    %select_n3A_2047 = arith.select %gt3A_2046, %select_n3A_2038, %slice3A_2043 : vector<64x128xi1>, vector<64x128xf32>
    %select_n3A_2048 = arith.select %gt3A_2046, %select_n3A_2039, %broadcast_in_dim3A_2045 : vector<64x128xi1>, vector<64x128xi32>
    %select_n3A_2049 = arith.select %gt3A_2046, %slice3A_2043, %select_n3A_2038 : vector<64x128xi1>, vector<64x128xf32>
    %select_n3A_2050 = arith.select %gt3A_2046, %broadcast_in_dim3A_2045, %select_n3A_2039 : vector<64x128xi1>, vector<64x128xi32>
    %gt3A_2051 = arith.cmpf ogt, %select_n3A_2047, %select_n3A_2041 : vector<64x128xf32>
    %select_n3A_2052 = arith.select %gt3A_2051, %select_n3A_2047, %select_n3A_2041 : vector<64x128xi1>, vector<64x128xf32>
    %select_n3A_2053 = arith.select %gt3A_2051, %select_n3A_2048, %select_n3A_2042 : vector<64x128xi1>, vector<64x128xi32>
    %slice3A_2054 = vector.extract_strided_slice %select_n3A {offsets = [0, 23424], sizes = [64, 128], strides = [1, 1]} : vector<64x25000xf32> to vector<64x128xf32>
    %broadcast_in_dim3A_2055 = arith.constant 183 : i32
    %broadcast_in_dim3A_2056 = vector.broadcast %broadcast_in_dim3A_2055 : i32 to vector<64x128xi32>
    %gt3A_2057 = arith.cmpf ogt, %slice3A_2054, %select_n3A_2049 : vector<64x128xf32>
    %select_n3A_2058 = arith.select %gt3A_2057, %select_n3A_2049, %slice3A_2054 : vector<64x128xi1>, vector<64x128xf32>
    %select_n3A_2059 = arith.select %gt3A_2057, %select_n3A_2050, %broadcast_in_dim3A_2056 : vector<64x128xi1>, vector<64x128xi32>
    %select_n3A_2060 = arith.select %gt3A_2057, %slice3A_2054, %select_n3A_2049 : vector<64x128xi1>, vector<64x128xf32>
    %select_n3A_2061 = arith.select %gt3A_2057, %broadcast_in_dim3A_2056, %select_n3A_2050 : vector<64x128xi1>, vector<64x128xi32>
    %gt3A_2062 = arith.cmpf ogt, %select_n3A_2058, %select_n3A_2052 : vector<64x128xf32>
    %select_n3A_2063 = arith.select %gt3A_2062, %select_n3A_2058, %select_n3A_2052 : vector<64x128xi1>, vector<64x128xf32>
    %select_n3A_2064 = arith.select %gt3A_2062, %select_n3A_2059, %select_n3A_2053 : vector<64x128xi1>, vector<64x128xi32>
    %slice3A_2065 = vector.extract_strided_slice %select_n3A {offsets = [0, 23552], sizes = [64, 128], strides = [1, 1]} : vector<64x25000xf32> to vector<64x128xf32>
    %broadcast_in_dim3A_2066 = arith.constant 184 : i32
    %broadcast_in_dim3A_2067 = vector.broadcast %broadcast_in_dim3A_2066 : i32 to vector<64x128xi32>
    %gt3A_2068 = arith.cmpf ogt, %slice3A_2065, %select_n3A_2060 : vector<64x128xf32>
    %select_n3A_2069 = arith.select %gt3A_2068, %select_n3A_2060, %slice3A_2065 : vector<64x128xi1>, vector<64x128xf32>
    %select_n3A_2070 = arith.select %gt3A_2068, %select_n3A_2061, %broadcast_in_dim3A_2067 : vector<64x128xi1>, vector<64x128xi32>
    %select_n3A_2071 = arith.select %gt3A_2068, %slice3A_2065, %select_n3A_2060 : vector<64x128xi1>, vector<64x128xf32>
    %select_n3A_2072 = arith.select %gt3A_2068, %broadcast_in_dim3A_2067, %select_n3A_2061 : vector<64x128xi1>, vector<64x128xi32>
    %gt3A_2073 = arith.cmpf ogt, %select_n3A_2069, %select_n3A_2063 : vector<64x128xf32>
    %select_n3A_2074 = arith.select %gt3A_2073, %select_n3A_2069, %select_n3A_2063 : vector<64x128xi1>, vector<64x128xf32>
    %select_n3A_2075 = arith.select %gt3A_2073, %select_n3A_2070, %select_n3A_2064 : vector<64x128xi1>, vector<64x128xi32>
    %slice3A_2076 = vector.extract_strided_slice %select_n3A {offsets = [0, 23680], sizes = [64, 128], strides = [1, 1]} : vector<64x25000xf32> to vector<64x128xf32>
    %broadcast_in_dim3A_2077 = arith.constant 185 : i32
    %broadcast_in_dim3A_2078 = vector.broadcast %broadcast_in_dim3A_2077 : i32 to vector<64x128xi32>
    %gt3A_2079 = arith.cmpf ogt, %slice3A_2076, %select_n3A_2071 : vector<64x128xf32>
    %select_n3A_2080 = arith.select %gt3A_2079, %select_n3A_2071, %slice3A_2076 : vector<64x128xi1>, vector<64x128xf32>
    %select_n3A_2081 = arith.select %gt3A_2079, %select_n3A_2072, %broadcast_in_dim3A_2078 : vector<64x128xi1>, vector<64x128xi32>
    %select_n3A_2082 = arith.select %gt3A_2079, %slice3A_2076, %select_n3A_2071 : vector<64x128xi1>, vector<64x128xf32>
    %select_n3A_2083 = arith.select %gt3A_2079, %broadcast_in_dim3A_2078, %select_n3A_2072 : vector<64x128xi1>, vector<64x128xi32>
    %gt3A_2084 = arith.cmpf ogt, %select_n3A_2080, %select_n3A_2074 : vector<64x128xf32>
    %select_n3A_2085 = arith.select %gt3A_2084, %select_n3A_2080, %select_n3A_2074 : vector<64x128xi1>, vector<64x128xf32>
    %select_n3A_2086 = arith.select %gt3A_2084, %select_n3A_2081, %select_n3A_2075 : vector<64x128xi1>, vector<64x128xi32>
    %slice3A_2087 = vector.extract_strided_slice %select_n3A {offsets = [0, 23808], sizes = [64, 128], strides = [1, 1]} : vector<64x25000xf32> to vector<64x128xf32>
    %broadcast_in_dim3A_2088 = arith.constant 186 : i32
    %broadcast_in_dim3A_2089 = vector.broadcast %broadcast_in_dim3A_2088 : i32 to vector<64x128xi32>
    %gt3A_2090 = arith.cmpf ogt, %slice3A_2087, %select_n3A_2082 : vector<64x128xf32>
    %select_n3A_2091 = arith.select %gt3A_2090, %select_n3A_2082, %slice3A_2087 : vector<64x128xi1>, vector<64x128xf32>
    %select_n3A_2092 = arith.select %gt3A_2090, %select_n3A_2083, %broadcast_in_dim3A_2089 : vector<64x128xi1>, vector<64x128xi32>
    %select_n3A_2093 = arith.select %gt3A_2090, %slice3A_2087, %select_n3A_2082 : vector<64x128xi1>, vector<64x128xf32>
    %select_n3A_2094 = arith.select %gt3A_2090, %broadcast_in_dim3A_2089, %select_n3A_2083 : vector<64x128xi1>, vector<64x128xi32>
    %gt3A_2095 = arith.cmpf ogt, %select_n3A_2091, %select_n3A_2085 : vector<64x128xf32>
    %select_n3A_2096 = arith.select %gt3A_2095, %select_n3A_2091, %select_n3A_2085 : vector<64x128xi1>, vector<64x128xf32>
    %select_n3A_2097 = arith.select %gt3A_2095, %select_n3A_2092, %select_n3A_2086 : vector<64x128xi1>, vector<64x128xi32>
    %slice3A_2098 = vector.extract_strided_slice %select_n3A {offsets = [0, 23936], sizes = [64, 128], strides = [1, 1]} : vector<64x25000xf32> to vector<64x128xf32>
    %broadcast_in_dim3A_2099 = arith.constant 187 : i32
    %broadcast_in_dim3A_2100 = vector.broadcast %broadcast_in_dim3A_2099 : i32 to vector<64x128xi32>
    %gt3A_2101 = arith.cmpf ogt, %slice3A_2098, %select_n3A_2093 : vector<64x128xf32>
    %select_n3A_2102 = arith.select %gt3A_2101, %select_n3A_2093, %slice3A_2098 : vector<64x128xi1>, vector<64x128xf32>
    %select_n3A_2103 = arith.select %gt3A_2101, %select_n3A_2094, %broadcast_in_dim3A_2100 : vector<64x128xi1>, vector<64x128xi32>
    %select_n3A_2104 = arith.select %gt3A_2101, %slice3A_2098, %select_n3A_2093 : vector<64x128xi1>, vector<64x128xf32>
    %select_n3A_2105 = arith.select %gt3A_2101, %broadcast_in_dim3A_2100, %select_n3A_2094 : vector<64x128xi1>, vector<64x128xi32>
    %gt3A_2106 = arith.cmpf ogt, %select_n3A_2102, %select_n3A_2096 : vector<64x128xf32>
    %select_n3A_2107 = arith.select %gt3A_2106, %select_n3A_2102, %select_n3A_2096 : vector<64x128xi1>, vector<64x128xf32>
    %select_n3A_2108 = arith.select %gt3A_2106, %select_n3A_2103, %select_n3A_2097 : vector<64x128xi1>, vector<64x128xi32>
    %slice3A_2109 = vector.extract_strided_slice %select_n3A {offsets = [0, 24064], sizes = [64, 128], strides = [1, 1]} : vector<64x25000xf32> to vector<64x128xf32>
    %broadcast_in_dim3A_2110 = arith.constant 188 : i32
    %broadcast_in_dim3A_2111 = vector.broadcast %broadcast_in_dim3A_2110 : i32 to vector<64x128xi32>
    %gt3A_2112 = arith.cmpf ogt, %slice3A_2109, %select_n3A_2104 : vector<64x128xf32>
    %select_n3A_2113 = arith.select %gt3A_2112, %select_n3A_2104, %slice3A_2109 : vector<64x128xi1>, vector<64x128xf32>
    %select_n3A_2114 = arith.select %gt3A_2112, %select_n3A_2105, %broadcast_in_dim3A_2111 : vector<64x128xi1>, vector<64x128xi32>
    %select_n3A_2115 = arith.select %gt3A_2112, %slice3A_2109, %select_n3A_2104 : vector<64x128xi1>, vector<64x128xf32>
    %select_n3A_2116 = arith.select %gt3A_2112, %broadcast_in_dim3A_2111, %select_n3A_2105 : vector<64x128xi1>, vector<64x128xi32>
    %gt3A_2117 = arith.cmpf ogt, %select_n3A_2113, %select_n3A_2107 : vector<64x128xf32>
    %select_n3A_2118 = arith.select %gt3A_2117, %select_n3A_2113, %select_n3A_2107 : vector<64x128xi1>, vector<64x128xf32>
    %select_n3A_2119 = arith.select %gt3A_2117, %select_n3A_2114, %select_n3A_2108 : vector<64x128xi1>, vector<64x128xi32>
    %slice3A_2120 = vector.extract_strided_slice %select_n3A {offsets = [0, 24192], sizes = [64, 128], strides = [1, 1]} : vector<64x25000xf32> to vector<64x128xf32>
    %broadcast_in_dim3A_2121 = arith.constant 189 : i32
    %broadcast_in_dim3A_2122 = vector.broadcast %broadcast_in_dim3A_2121 : i32 to vector<64x128xi32>
    %gt3A_2123 = arith.cmpf ogt, %slice3A_2120, %select_n3A_2115 : vector<64x128xf32>
    %select_n3A_2124 = arith.select %gt3A_2123, %select_n3A_2115, %slice3A_2120 : vector<64x128xi1>, vector<64x128xf32>
    %select_n3A_2125 = arith.select %gt3A_2123, %select_n3A_2116, %broadcast_in_dim3A_2122 : vector<64x128xi1>, vector<64x128xi32>
    %select_n3A_2126 = arith.select %gt3A_2123, %slice3A_2120, %select_n3A_2115 : vector<64x128xi1>, vector<64x128xf32>
    %select_n3A_2127 = arith.select %gt3A_2123, %broadcast_in_dim3A_2122, %select_n3A_2116 : vector<64x128xi1>, vector<64x128xi32>
    %gt3A_2128 = arith.cmpf ogt, %select_n3A_2124, %select_n3A_2118 : vector<64x128xf32>
    %select_n3A_2129 = arith.select %gt3A_2128, %select_n3A_2124, %select_n3A_2118 : vector<64x128xi1>, vector<64x128xf32>
    %select_n3A_2130 = arith.select %gt3A_2128, %select_n3A_2125, %select_n3A_2119 : vector<64x128xi1>, vector<64x128xi32>
    %slice3A_2131 = vector.extract_strided_slice %select_n3A {offsets = [0, 24320], sizes = [64, 128], strides = [1, 1]} : vector<64x25000xf32> to vector<64x128xf32>
    %broadcast_in_dim3A_2132 = arith.constant 190 : i32
    %broadcast_in_dim3A_2133 = vector.broadcast %broadcast_in_dim3A_2132 : i32 to vector<64x128xi32>
    %gt3A_2134 = arith.cmpf ogt, %slice3A_2131, %select_n3A_2126 : vector<64x128xf32>
    %select_n3A_2135 = arith.select %gt3A_2134, %select_n3A_2126, %slice3A_2131 : vector<64x128xi1>, vector<64x128xf32>
    %select_n3A_2136 = arith.select %gt3A_2134, %select_n3A_2127, %broadcast_in_dim3A_2133 : vector<64x128xi1>, vector<64x128xi32>
    %select_n3A_2137 = arith.select %gt3A_2134, %slice3A_2131, %select_n3A_2126 : vector<64x128xi1>, vector<64x128xf32>
    %select_n3A_2138 = arith.select %gt3A_2134, %broadcast_in_dim3A_2133, %select_n3A_2127 : vector<64x128xi1>, vector<64x128xi32>
    %gt3A_2139 = arith.cmpf ogt, %select_n3A_2135, %select_n3A_2129 : vector<64x128xf32>
    %select_n3A_2140 = arith.select %gt3A_2139, %select_n3A_2135, %select_n3A_2129 : vector<64x128xi1>, vector<64x128xf32>
    %select_n3A_2141 = arith.select %gt3A_2139, %select_n3A_2136, %select_n3A_2130 : vector<64x128xi1>, vector<64x128xi32>
    %slice3A_2142 = vector.extract_strided_slice %select_n3A {offsets = [0, 24448], sizes = [64, 128], strides = [1, 1]} : vector<64x25000xf32> to vector<64x128xf32>
    %broadcast_in_dim3A_2143 = arith.constant 191 : i32
    %broadcast_in_dim3A_2144 = vector.broadcast %broadcast_in_dim3A_2143 : i32 to vector<64x128xi32>
    %gt3A_2145 = arith.cmpf ogt, %slice3A_2142, %select_n3A_2137 : vector<64x128xf32>
    %select_n3A_2146 = arith.select %gt3A_2145, %select_n3A_2137, %slice3A_2142 : vector<64x128xi1>, vector<64x128xf32>
    %select_n3A_2147 = arith.select %gt3A_2145, %select_n3A_2138, %broadcast_in_dim3A_2144 : vector<64x128xi1>, vector<64x128xi32>
    %select_n3A_2148 = arith.select %gt3A_2145, %slice3A_2142, %select_n3A_2137 : vector<64x128xi1>, vector<64x128xf32>
    %select_n3A_2149 = arith.select %gt3A_2145, %broadcast_in_dim3A_2144, %select_n3A_2138 : vector<64x128xi1>, vector<64x128xi32>
    %gt3A_2150 = arith.cmpf ogt, %select_n3A_2146, %select_n3A_2140 : vector<64x128xf32>
    %select_n3A_2151 = arith.select %gt3A_2150, %select_n3A_2146, %select_n3A_2140 : vector<64x128xi1>, vector<64x128xf32>
    %select_n3A_2152 = arith.select %gt3A_2150, %select_n3A_2147, %select_n3A_2141 : vector<64x128xi1>, vector<64x128xi32>
    %slice3A_2153 = vector.extract_strided_slice %select_n3A {offsets = [0, 24576], sizes = [64, 128], strides = [1, 1]} : vector<64x25000xf32> to vector<64x128xf32>
    %broadcast_in_dim3A_2154 = arith.constant 192 : i32
    %broadcast_in_dim3A_2155 = vector.broadcast %broadcast_in_dim3A_2154 : i32 to vector<64x128xi32>
    %gt3A_2156 = arith.cmpf ogt, %slice3A_2153, %select_n3A_2148 : vector<64x128xf32>
    %select_n3A_2157 = arith.select %gt3A_2156, %select_n3A_2148, %slice3A_2153 : vector<64x128xi1>, vector<64x128xf32>
    %select_n3A_2158 = arith.select %gt3A_2156, %select_n3A_2149, %broadcast_in_dim3A_2155 : vector<64x128xi1>, vector<64x128xi32>
    %select_n3A_2159 = arith.select %gt3A_2156, %slice3A_2153, %select_n3A_2148 : vector<64x128xi1>, vector<64x128xf32>
    %select_n3A_2160 = arith.select %gt3A_2156, %broadcast_in_dim3A_2155, %select_n3A_2149 : vector<64x128xi1>, vector<64x128xi32>
    %gt3A_2161 = arith.cmpf ogt, %select_n3A_2157, %select_n3A_2151 : vector<64x128xf32>
    %select_n3A_2162 = arith.select %gt3A_2161, %select_n3A_2157, %select_n3A_2151 : vector<64x128xi1>, vector<64x128xf32>
    %select_n3A_2163 = arith.select %gt3A_2161, %select_n3A_2158, %select_n3A_2152 : vector<64x128xi1>, vector<64x128xi32>
    %slice3A_2164 = vector.extract_strided_slice %select_n3A {offsets = [0, 24704], sizes = [64, 128], strides = [1, 1]} : vector<64x25000xf32> to vector<64x128xf32>
    %broadcast_in_dim3A_2165 = arith.constant 193 : i32
    %broadcast_in_dim3A_2166 = vector.broadcast %broadcast_in_dim3A_2165 : i32 to vector<64x128xi32>
    %gt3A_2167 = arith.cmpf ogt, %slice3A_2164, %select_n3A_2159 : vector<64x128xf32>
    %select_n3A_2168 = arith.select %gt3A_2167, %select_n3A_2159, %slice3A_2164 : vector<64x128xi1>, vector<64x128xf32>
    %select_n3A_2169 = arith.select %gt3A_2167, %select_n3A_2160, %broadcast_in_dim3A_2166 : vector<64x128xi1>, vector<64x128xi32>
    %select_n3A_2170 = arith.select %gt3A_2167, %slice3A_2164, %select_n3A_2159 : vector<64x128xi1>, vector<64x128xf32>
    %select_n3A_2171 = arith.select %gt3A_2167, %broadcast_in_dim3A_2166, %select_n3A_2160 : vector<64x128xi1>, vector<64x128xi32>
    %gt3A_2172 = arith.cmpf ogt, %select_n3A_2168, %select_n3A_2162 : vector<64x128xf32>
    %select_n3A_2173 = arith.select %gt3A_2172, %select_n3A_2168, %select_n3A_2162 : vector<64x128xi1>, vector<64x128xf32>
    %select_n3A_2174 = arith.select %gt3A_2172, %select_n3A_2169, %select_n3A_2163 : vector<64x128xi1>, vector<64x128xi32>
    %slice3A_2175 = vector.extract_strided_slice %select_n3A {offsets = [0, 24832], sizes = [64, 128], strides = [1, 1]} : vector<64x25000xf32> to vector<64x128xf32>
    %broadcast_in_dim3A_2176 = arith.constant 194 : i32
    %broadcast_in_dim3A_2177 = vector.broadcast %broadcast_in_dim3A_2176 : i32 to vector<64x128xi32>
    %gt3A_2178 = arith.cmpf ogt, %slice3A_2175, %select_n3A_2170 : vector<64x128xf32>
    %select_n3A_2179 = arith.select %gt3A_2178, %select_n3A_2170, %slice3A_2175 : vector<64x128xi1>, vector<64x128xf32>
    %select_n3A_2180 = arith.select %gt3A_2178, %select_n3A_2171, %broadcast_in_dim3A_2177 : vector<64x128xi1>, vector<64x128xi32>
    %select_n3A_2181 = arith.select %gt3A_2178, %slice3A_2175, %select_n3A_2170 : vector<64x128xi1>, vector<64x128xf32>
    %select_n3A_2182 = arith.select %gt3A_2178, %broadcast_in_dim3A_2177, %select_n3A_2171 : vector<64x128xi1>, vector<64x128xi32>
    %gt3A_2183 = arith.cmpf ogt, %select_n3A_2179, %select_n3A_2173 : vector<64x128xf32>
    %select_n3A_2184 = arith.select %gt3A_2183, %select_n3A_2179, %select_n3A_2173 : vector<64x128xi1>, vector<64x128xf32>
    %select_n3A_2185 = arith.select %gt3A_2183, %select_n3A_2180, %select_n3A_2174 : vector<64x128xi1>, vector<64x128xi32>
    %slice3A_2186 = vector.extract_strided_slice %select_n3A {offsets = [0, 24960], sizes = [64, 40], strides = [1, 1]} : vector<64x25000xf32> to vector<64x40xf32>
    %broadcast_in_dim3A_2187 = arith.constant 0xFF800000 : f32
    %broadcast_in_dim3A_2188 = vector.broadcast %broadcast_in_dim3A_2187 : f32 to vector<64x88xf32>
    %concatenate3A = tpu.concatenate %slice3A_2186, %broadcast_in_dim3A_2188 in 1 : vector<64x40xf32>, vector<64x88xf32> -> vector<64x128xf32>
    %broadcast_in_dim3A_2189 = arith.constant 195 : i32
    %broadcast_in_dim3A_2190 = vector.broadcast %broadcast_in_dim3A_2189 : i32 to vector<64x128xi32>
    %gt3A_2191 = arith.cmpf ogt, %concatenate3A, %select_n3A_2181 : vector<64x128xf32>
    %select_n3A_2192 = arith.select %gt3A_2191, %select_n3A_2181, %concatenate3A : vector<64x128xi1>, vector<64x128xf32>
    %select_n3A_2193 = arith.select %gt3A_2191, %select_n3A_2182, %broadcast_in_dim3A_2190 : vector<64x128xi1>, vector<64x128xi32>
    %select_n3A_2194 = arith.select %gt3A_2191, %concatenate3A, %select_n3A_2181 : vector<64x128xi1>, vector<64x128xf32>
    %select_n3A_2195 = arith.select %gt3A_2191, %broadcast_in_dim3A_2190, %select_n3A_2182 : vector<64x128xi1>, vector<64x128xi32>
    %gt3A_2196 = arith.cmpf ogt, %select_n3A_2192, %select_n3A_2184 : vector<64x128xf32>
    %select_n3A_2197 = arith.select %gt3A_2196, %select_n3A_2192, %select_n3A_2184 : vector<64x128xi1>, vector<64x128xf32>
    %select_n3A_2198 = arith.select %gt3A_2196, %select_n3A_2193, %select_n3A_2185 : vector<64x128xi1>, vector<64x128xi32>
    %iota3A = tpu.iota {dimensions = array<i32: 1>} : vector<64x128xi32>
    %concatenate3A_2199 = tpu.concatenate %select_n3A_2194, %select_n3A_2197 in 1 : vector<64x128xf32>, vector<64x128xf32> -> vector<64x256xf32>
    %mul3A_2200 = arith.constant 128 : i32
    %mul3A_2201 = vector.broadcast %mul3A_2200 : i32 to vector<64x128xi32>
    %mul3A_2202 = arith.muli %select_n3A_2195, %mul3A_2201 : vector<64x128xi32>
    %add3A_2203 = arith.addi %mul3A_2202, %iota3A : vector<64x128xi32>
    %mul3A_2204 = arith.constant 128 : i32
    %mul3A_2205 = vector.broadcast %mul3A_2204 : i32 to vector<64x128xi32>
    %mul3A_2206 = arith.muli %select_n3A_2198, %mul3A_2205 : vector<64x128xi32>
    %add3A_2207 = arith.addi %mul3A_2206, %iota3A : vector<64x128xi32>
    %concatenate3A_2208 = tpu.concatenate %add3A_2203, %add3A_2207 in 1 : vector<64x128xi32>, vector<64x128xi32> -> vector<64x256xi32>
    %eq3A_2209 = arith.constant 0xFF800000 : f32
    %eq3A_2210 = vector.broadcast %eq3A_2209 : f32 to vector<64x256xf32>
    %eq3A_2211 = arith.cmpf oeq, %concatenate3A_2199, %eq3A_2210 : vector<64x256xf32>
    %mul3A_2212 = arith.constant 25000 : i32
    %mul3A_2213 = arith.muli %arg0, %mul3A_2212 : i32
    %add3A_2214 = vector.broadcast %mul3A_2213 : i32 to vector<64x256xi32>
    %add3A_2215 = arith.addi %concatenate3A_2208, %add3A_2214 : vector<64x256xi32>
    %jit3A_2216 = arith.constant 2147483647 : i32
    %broadcast_in_dim3A_2217 = vector.broadcast %jit3A_2216 : i32 to vector<64x256xi32>
    %select_n3A_2218 = arith.select %eq3A_2211, %broadcast_in_dim3A_2217, %add3A_2215 : vector<64x256xi1>, vector<64x256xi32>
    %reduce_max3A = arith.constant dense<0xFF800000> : vector<64xf32>
    %reduce_max3A_2219 = vector.multi_reduction <maximumf>, %concatenate3A_2199, %reduce_max3A [1] : vector<64x256xf32> to vector<64xf32>
    %broadcast_in_dim3A_2220 = vector.shape_cast %reduce_max3A_2219 : vector<64xf32> to vector<64x1xf32>
    %eq3A_2221 = vector.broadcast %broadcast_in_dim3A_2220 : vector<64x1xf32> to vector<64x256xf32>
    %eq3A_2222 = arith.cmpf oeq, %concatenate3A_2199, %eq3A_2221 : vector<64x256xf32>
    %jit3A_2223 = arith.constant 2147483647 : i32
    %broadcast_in_dim3A_2224 = vector.broadcast %jit3A_2223 : i32 to vector<64x256xi32>
    %select_n3A_2225 = arith.select %eq3A_2222, %select_n3A_2218, %broadcast_in_dim3A_2224 : vector<64x256xi1>, vector<64x256xi32>
    %reduce_min3A = arith.constant dense<2147483647> : vector<64xi32>
    %reduce_min3A_2226 = vector.multi_reduction <minsi>, %select_n3A_2225, %reduce_min3A [1] : vector<64x256xi32> to vector<64xi32>
    %broadcast_in_dim3A_2227 = vector.shape_cast %reduce_max3A_2219 : vector<64xf32> to vector<64x1xf32>
    %eq3A_2228 = vector.broadcast %broadcast_in_dim3A_2227 : vector<64x1xf32> to vector<64x256xf32>
    %eq3A_2229 = arith.cmpf oeq, %concatenate3A_2199, %eq3A_2228 : vector<64x256xf32>
    %broadcast_in_dim3A_2230 = vector.shape_cast %reduce_min3A_2226 : vector<64xi32> to vector<64x1xi32>
    %eq3A_2231 = vector.broadcast %broadcast_in_dim3A_2230 : vector<64x1xi32> to vector<64x256xi32>
    %eq3A_2232 = arith.cmpi eq, %select_n3A_2218, %eq3A_2231 : vector<64x256xi32>
    %and3A = arith.andi %eq3A_2229, %eq3A_2232 : vector<64x256xi1>
    %jit3A_2233 = arith.constant 0xFF800000 : f32
    %broadcast_in_dim3A_2234 = vector.broadcast %jit3A_2233 : f32 to vector<64x256xf32>
    %select_n3A_2235 = arith.select %and3A, %broadcast_in_dim3A_2234, %concatenate3A_2199 : vector<64x256xi1>, vector<64x256xf32>
    %reduce_max3A_2236 = arith.constant dense<0xFF800000> : vector<64xf32>
    %reduce_max3A_2237 = vector.multi_reduction <maximumf>, %select_n3A_2235, %reduce_max3A_2236 [1] : vector<64x256xf32> to vector<64xf32>
    %broadcast_in_dim3A_2238 = vector.shape_cast %reduce_max3A_2237 : vector<64xf32> to vector<64x1xf32>
    %eq3A_2239 = vector.broadcast %broadcast_in_dim3A_2238 : vector<64x1xf32> to vector<64x256xf32>
    %eq3A_2240 = arith.cmpf oeq, %select_n3A_2235, %eq3A_2239 : vector<64x256xf32>
    %jit3A_2241 = arith.constant 2147483647 : i32
    %broadcast_in_dim3A_2242 = vector.broadcast %jit3A_2241 : i32 to vector<64x256xi32>
    %select_n3A_2243 = arith.select %eq3A_2240, %select_n3A_2218, %broadcast_in_dim3A_2242 : vector<64x256xi1>, vector<64x256xi32>
    %reduce_min3A_2244 = arith.constant dense<2147483647> : vector<64xi32>
    %reduce_min3A_2245 = vector.multi_reduction <minsi>, %select_n3A_2243, %reduce_min3A_2244 [1] : vector<64x256xi32> to vector<64xi32>
    %broadcast_in_dim3A_2246 = vector.shape_cast %reduce_max3A_2237 : vector<64xf32> to vector<64x1xf32>
    %eq3A_2247 = vector.broadcast %broadcast_in_dim3A_2246 : vector<64x1xf32> to vector<64x256xf32>
    %eq3A_2248 = arith.cmpf oeq, %select_n3A_2235, %eq3A_2247 : vector<64x256xf32>
    %broadcast_in_dim3A_2249 = vector.shape_cast %reduce_min3A_2245 : vector<64xi32> to vector<64x1xi32>
    %eq3A_2250 = vector.broadcast %broadcast_in_dim3A_2249 : vector<64x1xi32> to vector<64x256xi32>
    %eq3A_2251 = arith.cmpi eq, %select_n3A_2218, %eq3A_2250 : vector<64x256xi32>
    %and3A_2252 = arith.andi %eq3A_2248, %eq3A_2251 : vector<64x256xi1>
    %jit3A_2253 = arith.constant 0xFF800000 : f32
    %broadcast_in_dim3A_2254 = vector.broadcast %jit3A_2253 : f32 to vector<64x256xf32>
    %select_n3A_2255 = arith.select %and3A_2252, %broadcast_in_dim3A_2254, %select_n3A_2235 : vector<64x256xi1>, vector<64x256xf32>
    %reduce_max3A_2256 = arith.constant dense<0xFF800000> : vector<64xf32>
    %reduce_max3A_2257 = vector.multi_reduction <maximumf>, %select_n3A_2255, %reduce_max3A_2256 [1] : vector<64x256xf32> to vector<64xf32>
    %broadcast_in_dim3A_2258 = vector.shape_cast %reduce_max3A_2257 : vector<64xf32> to vector<64x1xf32>
    %eq3A_2259 = vector.broadcast %broadcast_in_dim3A_2258 : vector<64x1xf32> to vector<64x256xf32>
    %eq3A_2260 = arith.cmpf oeq, %select_n3A_2255, %eq3A_2259 : vector<64x256xf32>
    %jit3A_2261 = arith.constant 2147483647 : i32
    %broadcast_in_dim3A_2262 = vector.broadcast %jit3A_2261 : i32 to vector<64x256xi32>
    %select_n3A_2263 = arith.select %eq3A_2260, %select_n3A_2218, %broadcast_in_dim3A_2262 : vector<64x256xi1>, vector<64x256xi32>
    %reduce_min3A_2264 = arith.constant dense<2147483647> : vector<64xi32>
    %reduce_min3A_2265 = vector.multi_reduction <minsi>, %select_n3A_2263, %reduce_min3A_2264 [1] : vector<64x256xi32> to vector<64xi32>
    %stack3A = vector.shape_cast %reduce_max3A_2219 : vector<64xf32> to vector<64x1xf32>
    %stack3A_2266 = vector.shape_cast %reduce_max3A_2237 : vector<64xf32> to vector<64x1xf32>
    %stack3A_2267 = vector.shape_cast %reduce_max3A_2257 : vector<64xf32> to vector<64x1xf32>
    %stack3A_2268 = tpu.concatenate %stack3A, %stack3A_2266, %stack3A_2267 in 1 : vector<64x1xf32>, vector<64x1xf32>, vector<64x1xf32> -> vector<64x3xf32>
    %stack3A_2269 = vector.shape_cast %reduce_min3A_2226 : vector<64xi32> to vector<64x1xi32>
    %stack3A_2270 = vector.shape_cast %reduce_min3A_2245 : vector<64xi32> to vector<64x1xi32>
    %stack3A_2271 = vector.shape_cast %reduce_min3A_2265 : vector<64xi32> to vector<64x1xi32>
    %stack3A_2272 = tpu.concatenate %stack3A_2269, %stack3A_2270, %stack3A_2271 in 1 : vector<64x1xi32>, vector<64x1xi32>, vector<64x1xi32> -> vector<64x3xi32>
    %get3A_2273 = arith.constant 0 : index
    %get3A_2274 = arith.constant 0 : index
    %get3A_2275 = vector.load %arg7[%get3A_2273, %get3A_2274] : memref<64x3xf32, #tpu.memory_space<vmem>>, vector<64x3xf32>
    %get3A_2276 = arith.constant 0 : index
    %get3A_2277 = arith.constant 0 : index
    %get3A_2278 = vector.load %arg8[%get3A_2276, %get3A_2277] : memref<64x3xi32, #tpu.memory_space<vmem>>, vector<64x3xi32>
    %concatenate3A_2279 = tpu.concatenate %stack3A_2268, %get3A_2275 in 1 : vector<64x3xf32>, vector<64x3xf32> -> vector<64x6xf32>
    %concatenate3A_2280 = tpu.concatenate %stack3A_2272, %get3A_2278 in 1 : vector<64x3xi32>, vector<64x3xi32> -> vector<64x6xi32>
    %iota3A_2281 = tpu.iota {dimensions = array<i32: 1>} : vector<64x6xi32>
    %reduce_max3A_2282 = arith.constant dense<0xFF800000> : vector<64xf32>
    %reduce_max3A_2283 = vector.multi_reduction <maximumf>, %concatenate3A_2279, %reduce_max3A_2282 [1] : vector<64x6xf32> to vector<64xf32>
    %broadcast_in_dim3A_2284 = vector.shape_cast %reduce_max3A_2283 : vector<64xf32> to vector<64x1xf32>
    %eq3A_2285 = vector.broadcast %broadcast_in_dim3A_2284 : vector<64x1xf32> to vector<64x6xf32>
    %eq3A_2286 = arith.cmpf oeq, %concatenate3A_2279, %eq3A_2285 : vector<64x6xf32>
    %jit3A_2287 = arith.constant 2147483647 : i32
    %broadcast_in_dim3A_2288 = vector.broadcast %jit3A_2287 : i32 to vector<64x6xi32>
    %select_n3A_2289 = arith.select %eq3A_2286, %concatenate3A_2280, %broadcast_in_dim3A_2288 : vector<64x6xi1>, vector<64x6xi32>
    %reduce_min3A_2290 = arith.constant dense<2147483647> : vector<64xi32>
    %reduce_min3A_2291 = vector.multi_reduction <minsi>, %select_n3A_2289, %reduce_min3A_2290 [1] : vector<64x6xi32> to vector<64xi32>
    %broadcast_in_dim3A_2292 = vector.shape_cast %reduce_min3A_2291 : vector<64xi32> to vector<64x1xi32>
    %eq3A_2293 = vector.broadcast %broadcast_in_dim3A_2292 : vector<64x1xi32> to vector<64x6xi32>
    %eq3A_2294 = arith.cmpi eq, %select_n3A_2289, %eq3A_2293 : vector<64x6xi32>
    %jit3A_2295 = arith.constant 6 : i32
    %broadcast_in_dim3A_2296 = vector.broadcast %jit3A_2295 : i32 to vector<64x6xi32>
    %select_n3A_2297 = arith.select %eq3A_2294, %iota3A_2281, %broadcast_in_dim3A_2296 : vector<64x6xi1>, vector<64x6xi32>
    %reduce_min3A_2298 = arith.constant dense<2147483647> : vector<64xi32>
    %reduce_min3A_2299 = vector.multi_reduction <minsi>, %select_n3A_2297, %reduce_min3A_2298 [1] : vector<64x6xi32> to vector<64xi32>
    %broadcast_in_dim3A_2300 = vector.shape_cast %reduce_min3A_2299 : vector<64xi32> to vector<64x1xi32>
    %eq3A_2301 = vector.broadcast %broadcast_in_dim3A_2300 : vector<64x1xi32> to vector<64x6xi32>
    %eq3A_2302 = arith.cmpi eq, %iota3A_2281, %eq3A_2301 : vector<64x6xi32>
    %jit3A_2303 = arith.constant 0xFF800000 : f32
    %broadcast_in_dim3A_2304 = vector.broadcast %jit3A_2303 : f32 to vector<64x6xf32>
    %select_n3A_2305 = arith.select %eq3A_2302, %broadcast_in_dim3A_2304, %concatenate3A_2279 : vector<64x6xi1>, vector<64x6xf32>
    %reduce_max3A_2306 = arith.constant dense<0xFF800000> : vector<64xf32>
    %reduce_max3A_2307 = vector.multi_reduction <maximumf>, %select_n3A_2305, %reduce_max3A_2306 [1] : vector<64x6xf32> to vector<64xf32>
    %broadcast_in_dim3A_2308 = vector.shape_cast %reduce_max3A_2307 : vector<64xf32> to vector<64x1xf32>
    %eq3A_2309 = vector.broadcast %broadcast_in_dim3A_2308 : vector<64x1xf32> to vector<64x6xf32>
    %eq3A_2310 = arith.cmpf oeq, %select_n3A_2305, %eq3A_2309 : vector<64x6xf32>
    %jit3A_2311 = arith.constant 2147483647 : i32
    %broadcast_in_dim3A_2312 = vector.broadcast %jit3A_2311 : i32 to vector<64x6xi32>
    %select_n3A_2313 = arith.select %eq3A_2310, %concatenate3A_2280, %broadcast_in_dim3A_2312 : vector<64x6xi1>, vector<64x6xi32>
    %reduce_min3A_2314 = arith.constant dense<2147483647> : vector<64xi32>
    %reduce_min3A_2315 = vector.multi_reduction <minsi>, %select_n3A_2313, %reduce_min3A_2314 [1] : vector<64x6xi32> to vector<64xi32>
    %broadcast_in_dim3A_2316 = vector.shape_cast %reduce_min3A_2315 : vector<64xi32> to vector<64x1xi32>
    %eq3A_2317 = vector.broadcast %broadcast_in_dim3A_2316 : vector<64x1xi32> to vector<64x6xi32>
    %eq3A_2318 = arith.cmpi eq, %select_n3A_2313, %eq3A_2317 : vector<64x6xi32>
    %jit3A_2319 = arith.constant 6 : i32
    %broadcast_in_dim3A_2320 = vector.broadcast %jit3A_2319 : i32 to vector<64x6xi32>
    %select_n3A_2321 = arith.select %eq3A_2318, %iota3A_2281, %broadcast_in_dim3A_2320 : vector<64x6xi1>, vector<64x6xi32>
    %reduce_min3A_2322 = arith.constant dense<2147483647> : vector<64xi32>
    %reduce_min3A_2323 = vector.multi_reduction <minsi>, %select_n3A_2321, %reduce_min3A_2322 [1] : vector<64x6xi32> to vector<64xi32>
    %broadcast_in_dim3A_2324 = vector.shape_cast %reduce_min3A_2323 : vector<64xi32> to vector<64x1xi32>
    %eq3A_2325 = vector.broadcast %broadcast_in_dim3A_2324 : vector<64x1xi32> to vector<64x6xi32>
    %eq3A_2326 = arith.cmpi eq, %iota3A_2281, %eq3A_2325 : vector<64x6xi32>
    %jit3A_2327 = arith.constant 0xFF800000 : f32
    %broadcast_in_dim3A_2328 = vector.broadcast %jit3A_2327 : f32 to vector<64x6xf32>
    %select_n3A_2329 = arith.select %eq3A_2326, %broadcast_in_dim3A_2328, %select_n3A_2305 : vector<64x6xi1>, vector<64x6xf32>
    %reduce_max3A_2330 = arith.constant dense<0xFF800000> : vector<64xf32>
    %reduce_max3A_2331 = vector.multi_reduction <maximumf>, %select_n3A_2329, %reduce_max3A_2330 [1] : vector<64x6xf32> to vector<64xf32>
    %broadcast_in_dim3A_2332 = vector.shape_cast %reduce_max3A_2331 : vector<64xf32> to vector<64x1xf32>
    %eq3A_2333 = vector.broadcast %broadcast_in_dim3A_2332 : vector<64x1xf32> to vector<64x6xf32>
    %eq3A_2334 = arith.cmpf oeq, %select_n3A_2329, %eq3A_2333 : vector<64x6xf32>
    %jit3A_2335 = arith.constant 2147483647 : i32
    %broadcast_in_dim3A_2336 = vector.broadcast %jit3A_2335 : i32 to vector<64x6xi32>
    %select_n3A_2337 = arith.select %eq3A_2334, %concatenate3A_2280, %broadcast_in_dim3A_2336 : vector<64x6xi1>, vector<64x6xi32>
    %reduce_min3A_2338 = arith.constant dense<2147483647> : vector<64xi32>
    %reduce_min3A_2339 = vector.multi_reduction <minsi>, %select_n3A_2337, %reduce_min3A_2338 [1] : vector<64x6xi32> to vector<64xi32>
    %stack3A_2340 = vector.shape_cast %reduce_max3A_2283 : vector<64xf32> to vector<64x1xf32>
    %stack3A_2341 = vector.shape_cast %reduce_max3A_2307 : vector<64xf32> to vector<64x1xf32>
    %stack3A_2342 = vector.shape_cast %reduce_max3A_2331 : vector<64xf32> to vector<64x1xf32>
    %stack3A_2343 = tpu.concatenate %stack3A_2340, %stack3A_2341, %stack3A_2342 in 1 : vector<64x1xf32>, vector<64x1xf32>, vector<64x1xf32> -> vector<64x3xf32>
    %swap3A = arith.constant 0 : index
    %swap3A_2344 = arith.constant 0 : index
    %swap3A_2345 = vector.load %arg7[%swap3A, %swap3A_2344] : memref<64x3xf32, #tpu.memory_space<vmem>>, vector<64x3xf32>
    tpu.vector_store %arg7[%swap3A, %swap3A_2344], %stack3A_2343 {strides = array<i32>} : memref<64x3xf32, #tpu.memory_space<vmem>>, vector<64x3xf32>,
    %stack3A_2346 = vector.shape_cast %reduce_min3A_2291 : vector<64xi32> to vector<64x1xi32>
    %stack3A_2347 = vector.shape_cast %reduce_min3A_2315 : vector<64xi32> to vector<64x1xi32>
    %stack3A_2348 = vector.shape_cast %reduce_min3A_2339 : vector<64xi32> to vector<64x1xi32>
    %stack3A_2349 = tpu.concatenate %stack3A_2346, %stack3A_2347, %stack3A_2348 in 1 : vector<64x1xi32>, vector<64x1xi32>, vector<64x1xi32> -> vector<64x3xi32>
    %swap3A_2350 = arith.constant 0 : index
    %swap3A_2351 = arith.constant 0 : index
    %swap3A_2352 = vector.load %arg8[%swap3A_2350, %swap3A_2351] : memref<64x3xi32, #tpu.memory_space<vmem>>, vector<64x3xi32>
    tpu.vector_store %arg8[%swap3A_2350, %swap3A_2351], %stack3A_2349 {strides = array<i32>} : memref<64x3xi32, #tpu.memory_space<vmem>>, vector<64x3xi32>,
    return
  }
  func.func @transform_0(%arg0: i32) -> (i32, i32, i32) {
    %c0_i32 = arith.constant 0 : i32
    %c0_i32_0 = arith.constant 0 : i32
    %c0_i32_1 = arith.constant 0 : i32
    return %arg0, %c0_i32, %c0_i32_0 : i32, i32, i32
  }
  func.func @transform_1(%arg0: i32) -> (i32, i32) {
    %c0_i32 = arith.constant 0 : i32
    %c0_i32_0 = arith.constant 0 : i32
    return %arg0, %c0_i32 : i32, i32
  }
  func.func @transform_2(%arg0: i32) -> (i32, i32) {
    %c0_i32 = arith.constant 0 : i32
    %c0_i32_0 = arith.constant 0 : i32
    %c0_i32_1 = arith.constant 0 : i32
    return %c0_i32, %c0_i32_0 : i32, i32
  }
  func.func @transform_3(%arg0: i32) -> (i32, i32) {
    %c0_i32 = arith.constant 0 : i32
    %c0_i32_0 = arith.constant 0 : i32
    %c0_i32_1 = arith.constant 0 : i32
    return %c0_i32, %c0_i32_0 : i32, i32
  }
  func.func @transform_4(%arg0: i32) -> (i32, i32) {
    %c0_i32 = arith.constant 0 : i32
    %c0_i32_0 = arith.constant 0 : i32
    %c0_i32_1 = arith.constant 0 : i32
    return %c0_i32, %c0_i32_0 : i32, i32
  }
  func.func @transform_5(%arg0: i32) -> (i32, i32) {
    %c0_i32 = arith.constant 0 : i32
    %c0_i32_0 = arith.constant 0 : i32
    %c0_i32_1 = arith.constant 0 : i32
    return %c0_i32, %c0_i32_0 : i32, i32
  }
  func.func @transform_6(%arg0: i32) -> (i32, i32) {
    %c0_i32 = arith.constant 0 : i32
    %c0_i32_0 = arith.constant 0 : i32
    %c0_i32_1 = arith.constant 0 : i32
    return %c0_i32, %c0_i32_0 : i32, i32
  }
  func.func @transform_7(%arg0: i32) -> (i32, i32) {
    %c0_i32 = arith.constant 0 : i32
    %c0_i32_0 = arith.constant 0 : i32
    %c0_i32_1 = arith.constant 0 : i32
    return %c0_i32, %c0_i32_0 : i32, i32
  }
}

</mosaic_0001>

<sc_bundles>
// kernel: kernel.6.cloned.1.call-start
scs
__scs_entry_jumppad:
0x0: {  	(pc) =	sbr.rel $0x88, $3  }
0x1: {  	(tag) =	ssettag $0x0;
	lr =	simm.s32 $0x1  }
0x2: {  	[smem:$0x3F9C] =	sst lr;
	_ =	strace $0xD0000000  }
0x3: {  	_ = 	snop  }
0x4: {  	_ = 	snop  }
0x5: {  	_ = 	snop  }
0x6: {  	_ = 	snop  }
0x7: {  	_ = 	snop  }
__scs_overlays_trampoline_lowered:
0x8: {  	[smem:$0x3FAB] =	sst s0  }
0x9: {  	[smem:$0x3FAC] =	sst s1  }
0xa: {  	[smem:$0x3FAD] =	sst s2  }
0xb: {  	[smem:$0x3FAE] =	sst s3  }
0xc: {  	[smem:$0x3FAF] =	sst s4  }
0xd: {  	[smem:$0x3FB0] =	sst s5  }
0xe: {  	[smem:$0x3FB1] =	sst s6  }
0xf: {  	[smem:$0x3FB2] =	sst s7  }
0x10: {  	[smem:$0x3FB3] =	sst s8  }
0x11: {  	[smem:$0x3FB4] =	sst s9;
	s0 =	simm.s32 @!p0 $0x0  }
0x12: {  	s1 =	sld [smem:$0x3F9A];
	s0 =	simm.s32 @p0 $0x1  }
0x13: {  	[smem:$0x3FB5] =	sst s0;
	s0 =	simm.s32 @!p1 $0x0  }
0x14: {  	s2 =	sld [smem:$0x3F99];
	s0 =	simm.s32 @p1 $0x1  }
0x15: {  	[smem:$0x3FB6] =	sst s0;
	s0 =	simm.s32 @!p2 $0x0  }
0x16: {  	s3 =	sld [smem:$0x3FDB];
	s0 =	simm.s32 @p2 $0x1  }
0x17: {  	s4 =	simm.s32 $0x1BF5;
	[smem:$0x3FB8] =	sst s0  }
0x18: {  	s0 =	sld [smem:$0x3F9B];
	_ =	swait.ge [sflag:s4], $0x0  }
0x19: {  	s7 =	sld [smem:$0x3F9C]  }
0x1a: {  	s8 =	sadd.s32 $0xFFFFE003, lr  }
0x1b: {  	s9 =	sadd.s32 $0xFFFFFEF7, lr;
	s5 =	simm.s32 $0xFFFFFFFF;
	p2 =	slt.u32 s8, $0xFFFFF086  }
0x1c: {  	p1 =	slt.u32 s9, $0xF7A;
	s5 =	simm.s32 @!p2 $0x0  }
0x1d: {  	s5 =	simm.s32 @p1 $0x1;
	p0 =	seq.s32 s7, s2  }
0x1e: {  	s7 =	smul.u32 @!p0 $0xF7A, s2;
	p2 =	seq.s32 @!p0 s5, $0x0  }
0x1f: {  	s9 =	smul.u32 $0xF7A, s1;
	s8 =	simm.s32 @!p0 $0x1BF5;
	p2 =	por !p2, p0  }
0x20: {  	[sflag:s8] =	ssyncset.s32 @!p0 $0xFFFFF086;
	s6 =	sadd.s32 @!p0 s3, s7;
	s7 =	simm.s32 @!p0 $0x108  }
0x21: {  	s3 =	sadd.s32 s3, s9;
	s6 =	sadd.s32 @!p0 $0x88, s6;
	s7 =	simm.s32 @p2 $0x1082  }
0x22: {  	[simem:s7], [sflag:s8] =	dma.local @!p0 [hbm:s6], $0xF7A  }
0x23: {  	s9 =	sor.u32 $0xD0000000, s2;
	s6 =	simm.s32 $0x108;
	_ =	swait.ge @!p0 [sflag:s8], $0x0  }
0x24: {  	s3 =	sadd.s32 $0x88, s3;
	s6 =	simm.s32 @!p1 $0x1082;
	[sflag:s4] =	ssyncset.s32 $0xFFFFF086  }
0x25: {  	[simem:s6], [sflag:s4] =	dma.local [hbm:s3], $0xF7A  }
0x26: {  	[smem:$0x3F9C] =	sst s1;
	(tag) =	ssettag s2;
	_ =	strace s9  }
0x27: {  	s1 =	sld [smem:$0x3FAC]  }
0x28: {  	s2 =	sld [smem:$0x3FAD]  }
0x29: {  	s4 =	sld [smem:$0x3FAF]  }
0x2a: {  	p0 =	seq.s32 s5, $0x0;
	s5 =	sld [smem:$0x3FB0]  }
0x2b: {  	s6 =	sld [smem:$0x3FB1]  }
0x2c: {  	s7 =	sld [smem:$0x3FB2]  }
0x2d: {  	s3 =	simm.s32 $0x108;
	s8 =	sld [smem:$0x3FB3]  }
0x2e: {  	s3 =	simm.s32 @!p0 $0x1082;
	s9 =	sld [smem:$0x3FB4]  }
0x2f: {  	lr =	sadd.s32 s0, s3;
	s0 =	sld [smem:$0x3FAB]  }
0x30: {  	s3 =	sld [smem:$0x3FAE]  }
0x31: {  	[smem:$0x3FB7] =	sst s10  }
0x32: {  	s10 =	sld [smem:$0x3FB5];
	_ =	sdelay $0x3  }
0x33: {  	p0 =	seq.s32 s10, $0x1;
	s10 =	sld [smem:$0x3FB7];
	_ =	sdelay $0x3  }
0x34: {  	[smem:$0x3FB7] =	sst s10  }
0x35: {  	s10 =	sld [smem:$0x3FB6];
	_ =	sdelay $0x3  }
0x36: {  	p1 =	seq.s32 s10, $0x1;
	s10 =	sld [smem:$0x3FB7];
	_ =	sdelay $0x3  }
0x37: {  	[smem:$0x3FB7] =	sst s10  }
0x38: {  	s10 =	sld [smem:$0x3FB8]  }
0x39: {  	_ = 	snop;
	(pc) =	sbr.ind lr, $3  }
0x3a: {  	_ = 	snop  }
0x3b: {  	_ = 	snop  }
0x3c: {  	p2 =	seq.s32 s10, $0x1;
	s10 =	sld [smem:$0x3FB7]  }
0x3d: {  	_ =	shalt  }
0x3e: {  	_ =	shalt  }
0x3f: {  	_ =	shalt  }
0x40: {  	_ =	shalt  }
0x41: {  	_ =	shalt  }
0x42: {  	_ =	shalt  }
0x43: {  	_ =	shalt  }
0x44: {  	_ =	shalt  }
0x45: {  	_ =	shalt  }
0x46: {  	_ =	shalt  }
0x47: {  	_ =	shalt  }
0x48: {  	_ =	shalt  }
0x49: {  	_ =	shalt  }
0x4a: {  	_ =	shalt  }
0x4b: {  	_ =	shalt  }
0x4c: {  	_ =	shalt  }
0x4d: {  	_ =	shalt  }
0x4e: {  	_ =	shalt  }
0x4f: {  	_ =	shalt  }
0x50: {  	_ =	shalt  }
0x51: {  	_ =	shalt  }
0x52: {  	_ =	shalt  }
0x53: {  	_ =	shalt  }
0x54: {  	_ =	shalt  }
0x55: {  	_ =	shalt  }
0x56: {  	_ =	shalt  }
0x57: {  	_ =	shalt  }
0x58: {  	_ =	shalt  }
0x59: {  	_ =	shalt  }
0x5a: {  	_ =	shalt  }
0x5b: {  	_ =	shalt  }
0x5c: {  	_ =	shalt  }
0x5d: {  	_ =	shalt  }
0x5e: {  	_ =	shalt  }
0x5f: {  	_ =	shalt  }
0x60: {  	_ =	shalt  }
0x61: {  	_ =	shalt  }
0x62: {  	_ =	shalt  }
0x63: {  	_ =	shalt  }
0x64: {  	_ =	shalt  }
0x65: {  	_ =	shalt  }
0x66: {  	_ =	shalt  }
0x67: {  	_ =	shalt  }
0x68: {  	_ =	shalt  }
0x69: {  	_ =	shalt  }
0x6a: {  	_ =	shalt  }
0x6b: {  	_ =	shalt  }
0x6c: {  	_ =	shalt  }
0x6d: {  	_ =	shalt  }
0x6e: {  	_ =	shalt  }
0x6f: {  	_ =	shalt  }
0x70: {  	_ =	shalt  }
0x71: {  	_ =	shalt  }
0x72: {  	_ =	shalt  }
0x73: {  	_ =	shalt  }
0x74: {  	_ =	shalt  }
0x75: {  	_ =	shalt  }
0x76: {  	_ =	shalt  }
0x77: {  	_ =	shalt  }
0x78: {  	_ =	shalt  }
0x79: {  	_ =	shalt  }
0x7a: {  	_ =	shalt  }
0x7b: {  	_ =	shalt  }
0x7c: {  	_ =	shalt  }
0x7d: {  	_ =	shalt  }
0x7e: {  	_ =	shalt  }
0x7f: {  	_ =	shalt  }
0x80: {  	_ =	shalt  }
0x81: {  	_ =	shalt  }
0x82: {  	_ =	shalt  }
0x83: {  	_ =	shalt  }
0x84: {  	_ =	shalt  }
0x85: {  	_ =	shalt  }
0x86: {  	_ =	shalt  }
0x87: {  	_ =	shalt  }
.Lfunc_end0:
.L_simem_size_0:
called_computation.1_lowered:
.L_overlay_start_0:
0x88: {  	s2 =	sld [smem:$0x3FD9]  }
0x89: {  	s3 =	sld [smem:$0x3FFE];
	_ =	sdelay $0x1  }
0x8a: {  	s1 =	srdreg.scid  }
0x8b: {  	s0 =	sand.u32 $0x1, s1  }
0x8c: {  	s15 =	sshll.u32 s0, $0xA;
	s2 =	sadd.s32 s3, s2  }
0x8d: {  	s2 =	sadd.s32 s2, s15  }
0x8e: {  	[smem:$0x3FC3] =	sst s2  }
0x8f: {  	_ = 	snop  }
0x90: {  	s4 =	sld [smem:$0x3FD0];
	_ =	sdelay $0x1  }
0x91: {  	s2 =	sld [smem:$0x3FC8]  }
0x92: {  	s5 =	simm.s32 $0xB;
	s6 =	simm.s32 $0x10;
	s16 =	sld [smem:$0x3FC5]  }
0x93: {  	[smem:s6], [sflag:s5] =	dma.local [hbm:s4], $0x1  }
0x94: {  	_ =	swait.eq [sflag:s5], $0x1  }
0x95: {  	[sflag:s5] =	ssyncset.done $0x0  }
0x96: {  	[sflag:s5] =	ssyncadd.s32 $0xFFFFFFFF  }
0x97: {  	s17 =	sld [smem:$0x13];
	(tm) =	ssettm $0x1  }
0x98: {  	s18 =	sld [smem:$0x3FFB];
	_ =	sdelay $0x3  }
0x99: {  	_ =	strace s18  }
0x9a: {  	s4 =	sld [smem:$0x3FFC];
	_ =	sdelay $0x3  }
0x9b: {  	_ =	strace s4  }
0x9c: {  	s4 =	sld [smem:$0x3FFD];
	_ =	sdelay $0x3  }
0x9d: {  	_ =	strace s4  }
0x9e: {  	_ =	strace $0x8FFFFFFF  }
0x9f: {  	s19 =	sld [smem:$0x3FDB];
	_ =	sdelay $0x1  }
0xa0: {  	s20 =	simm.s32 $_scs_section_size  }
0xa1: {  	s7 =	simm.s32 $_size__tile_overlayer_lowered;
	s8 =	simm.s32 $_tile_overlayer_lowered  }
0xa2: {  	s9 =	simm.s32 $0x1BFF;
	s21 =	sshll.u32 s8, $0x1;
	s6 =	sadd.s32 s20, s19  }
0xa3: {  	s22 =	simm.s32 $0x0;
	s7 =	sshll.u32 s7, $0x1;
	s8 =	sadd.s32 s21, s6  }
0xa4: {  	[timem:s22], [sflag:s9] =	dma.local [hbm:s8], s7  }
0xa5: {  	_ =	swait.ge [sflag:s9], s7  }
0xa6: {  	s7 =	ssub.s32 $0x0, s7;
	[sflag:s9] =	ssyncset.done $0x0  }
0xa7: {  	[sflag:s9] =	ssyncadd.s32 s7;
	_ =	sdelay $0x1  }
0xa8: {  	s23 =	simm.s32 $0x1B8B  }
0xa9: {  	_ =	swait.ge [sflag:s23], $0x1  }
0xaa: {  	[sflag:s23] =	ssyncset.done $0x0  }
0xab: {  	[sflag:s23] =	ssyncadd.s32 $0xFFFFFFFF  }
0xac: {  	s7 =	sld [smem:$0x0]  }
0xad: {  	s8 =	sand.u32 $0xFFFFFFFE, s1  }
0xae: {  	p0 =	sne.s32 s1, s8  }
0xaf: {  	s8 =	sshll.u32 @p0 s8, $0xE  }
0xb0: {  	s8 =	sadd.s32 @p0 $0x11B8D, s8;
	s9 =	sshll.u32 @p0 s7, $0x11  }
0xb1: {  	s8 =	sor.u32 @p0 s9, s8  }
0xb2: {  	[sflag:s8] =	ssyncadd.remote.s32 @p0 $0x1;
	_ =	sdelay $0x1  }
0xb3: {  	s8 =	simm.s32 @p0 $0x1B8D  }
0xb4: {  	_ =	swait.eq @p0 [sflag:s8], $0x1  }
0xb5: {  	[sflag:s8] =	ssyncadd.s32 @p0 $0xFFFFFFFF  }
0xb6: {  	s9 =	sshll.u32 @!p0 s1, $0xE  }
0xb7: {  	s9 =	sor.u32 @!p0 $0x4000, s9;
	s8 =	simm.s32 @!p0 $0x1B8D  }
0xb8: {  	s7 =	sshll.u32 @!p0 s7, $0x11;
	s9 =	sadd.s32 @!p0 $0x11B8D, s9;
	_ =	swait.eq @!p0 [sflag:s8], $0x1  }
0xb9: {  	s7 =	sor.u32 @!p0 s7, s9;
	[sflag:s8] =	ssyncadd.s32 @!p0 $0xFFFFFFFF  }
0xba: {  	s25 =	simm.s32 $0x1B8E;
	s24 =	sld [smem:$0x3FFE];
	[sflag:s7] =	ssyncadd.remote.s32 @!p0 $0x1  }
0xbb: {  	s26 =	simm.s32 $execute0_lowered;
	[smem:$0x3FD2] =	sst s25  }
0xbc: {  	s8 =	sshll.u32 s26, $0x1;
	_ =	strace $0x80000049;
	[dreg:$0x1] =	wrdreg $0xFFFFFFFF  }
0xbd: {  	s28 =	simm.s32 $_size_execute0_lowered;
	s6 =	sadd.s32 s6, s8;
	[dreg:$0x0] =	wrdreg $0x0  }
0xbe: {  	s8 =	sshll.u32 s28, $0x1;
	[dreg:$0x2] =	wrdreg s6  }
0xbf: {  	[dreg:$0x3] =	wrdreg s8  }
0xc0: {  	[dreg:$0x4] =	wrdreg $0xC0  }
0xc1: {  	_ =	task [dreg:s22], $0x5FFFF  }
0xc2: {  	[dreg:$0x1] =	wrdreg $0xFFFFFFFF  }
0xc3: {  	[dreg:$0x0] =	wrdreg $0x60  }
0xc4: {  	[dreg:$0x2] =	wrdreg s2  }
0xc5: {  	[dreg:$0x3] =	wrdreg s16  }
0xc6: {  	[dreg:$0x4] =	wrdreg s17  }
0xc7: {  	[dreg:$0x5] =	wrdreg s24  }
0xc8: {  	[dreg:$0x6] =	wrdreg $0x9  }
0xc9: {  	_ =	task.clear_ibuf [dreg:s22], $0x7FFFF;
	_ =	strace $0x90000049  }
0xca: {  	s29 =	simm.s32 $0x9;
	_ =	strace $0x8000004B  }
0xcb: {  	_ =	swait.ge [sflag:s29], $0x1  }
0xcc: {  	[sflag:s29] =	ssyncadd.s32 $0xFFFFFFFF  }
0xcd: {  	_ =	strace $0x9000004B  }
0xce: {  	_ =	sfence  }
0xcf: {  	s30 =	sld [smem:$0x0];
	_ =	sdelay $0x2  }
0xd0: {  	s31 =	sshll.u32 s1, $0xD;
	s1 =	sshrl.u32 s1, $0x2  }
0xd1: {  	s3 =	sand.u32 $0x4000, s31;
	s1 =	sadd.s32 s1, s30  }
0xd2: {  	s0 =	sor.u32 s3, s0;
	s1 =	sshll.u32 s1, $0x11  }
0xd3: {  	s0 =	sor.u32 s1, s0  }
0xd4: {  	s0 =	sadd.s32 $0x8F2B, s0  }
0xd5: {  	[sflag:s0] =	ssyncadd.remote.s32 $0x1  }
0xd6: {  	_ =	sfence.sel $0xFFFF  }
0xd7: {  	[dreg:$0x0] =	wrdreg $0xFFFFFFFF;
	(pc) =	sbr.abs _section_cstart, $3  }
0xd8: {  	[dreg:$0x1] =	wrdreg $0xFFFFFFFF  }
0xd9: {  	_ =	task.clear_ibuf [dreg:s22], $0x2FFFF;
	_ =	strace $0x9FFFFFFF  }
0xda: {  	(tm) =	ssettm $0x7FFFFFFF  }
0xdb: {  	_ =	shalt  }
tec
execute0_lowered:
.L_overlay_start_1:
0x0: {  	(tag) =	ssettag $0x1  }
0x1: {  	s4 =	rddreg [dreg:$0x0];
	s2 =	srdreg.scid  }
0x2: {  	s0 =	stileid.u32;
	s1 =	rddreg [dreg:$0x1]  }
0x3: {  	s6 =	rddreg [dreg:$0x2];
	s5 =	sand.u32 $0x1, s2;
	s31 =	sshll.u32 s0, $0x1  }
0x4: {  	s7 =	rddreg [dreg:$0x3];
	s3 =	simm.s32 $0x0;
	s2 =	sor.u32 s5, s31  }
0x5: {  	[smem:$0x7FF] =	sst s3;
	s5 =	ssub.s32 $0x2, s5;
	s8 =	smul.u32 $0x7A12, s2  }
0x6: {  	s2 =	rddreg [dreg:$0x4];
	s10 =	sshrl.u32 s5, $0x1;
	_ =	strace $0x8000004A  }
0x7: {  	s10 =	ssub.s32 s5, s10;
	s9 =	sshrl.u32 s8, $0x3;
	s11 =	sand.u32 $0xFFFF8, s8  }
0x8: {  	s8 =	simm.s32 $0xF500;
	s7 =	sadd.s32 s9, s7;
	s4 =	sadd.s32 s4, s9  }
0x9: {  	s5 =	sadd.s32 s6, s9;
	v0 =	vmov s11;
	s9 =	simm.s32 $0x1;
	s11 =	simm.s32 $0x0  }
0xa: {  	v1 =	vimm.f32 $0.0e+00;
	v2 =	vimm.f32 $1.000000000e+00;
	s6 =	sadd.s32 $0x16FD800, s7;
	s7 =	smax.u32 s10, $0x1;
	s10 =	simm.s32 $0x7A80  }
.LBB2_1:
0xb: {  	[tilespmem:s8], [sflag:$0x1] =	stream.linear.gather [hbm4b:s1+s3], $0x1000, $0x38;
	[tilespmem:$0x10500] =	vst v63  }
0xc: {  	_ =	swait.ge [sflag:s9], $0x1000  }
0xd: {  	[sflag:s9] =	ssyncset.done $0x0  }
0xe: {  	[sflag:s9] =	ssyncadd.s32 $0xFFFFF000  }
0xf: {  	[tilespmem:s3], [sflag:$0x1] =	stream.linear.gather [hbm4b:s4+s3], $0x7A18, $0x38;
	[tilespmem:$0x10500] =	vst v63  }
0x10: {  	_ =	swait.ge [sflag:s9], $0x7A18  }
0x11: {  	[sflag:s9] =	ssyncset.done $0x0  }
0x12: {  	s12 =	simm.s32 $0x0;
	s13 =	simm.s32 $0x40;
	[sflag:s9] =	ssyncadd.s32 $0xFFFF85E8  }
.LBB2_2:
0x13: {  	p0 =	sne.s32 s13, $0x1E840;
	v3 =	vld [tilespmem:s12+$0x0];
	[tilespmem:s12+$0x7A80] =	vst v1;
	_ =	sdelay $0x2  }
.Ltmp0:
0x14: {  	(pc) =	sbr.rel @p0 .LBB2_2-.Ltmp0, $3  }
0x15: {  	_ = 	snop  }
0x16: {  	v3 =	vmul.f32 $8.999999760e-01, v3;
	_ =	sdelay $0x1  }
0x17: {  	[tilespmem:s12+$0x0] =	vst v3;
	s12 =	sshra.s32 s13, $0x2;
	s13 =	sadd.s32 $0x40, s13  }
0x18: {  	v3 =	vld [tilespmem:s12+$0x0];
	_ =	sdelay $0x4  }
0x19: {  	v3 =	vmul.f32 $8.999999760e-01, v3  }
0x1a: {  	[tilespmem:s12+$0x7A80] =	vst v1  }
0x1b: {  	s31 =	simm.s32 $0x0;
	[tilespmem:s12+$0x0] =	vst v3  }
0x1c: {  	s12 =	simm.s32 $0x40;
	v3 =	vld [tilespmem:s31+$0xF500]  }
.LBB2_4:
0x1d: {  	p0 =	sne.s32 s12, $0x3FC0;
	_ =	sdelay $0x3  }
0x1e: {  	v4 =	vsub.s32 v3, v0  }
0x1f: {  	vm0 =	vge.s32 v3, v0;
	vm1 =	vlt.s32 v4, $0x7A18  }
0x20: {  	vm0 =	vmand vm0, vm1  }
0x21: {  	v3 =	vnsel vm0, $0x0, v4;
	_ =	sdelay $0x2  }
.Ltmp1:
0x22: {  	(pc) =	sbr.rel @p0 .LBB2_4-.Ltmp1, $4  }
0x23: {  	_ = 	snop  }
0x24: {  	[tilespmem:v3+s3+$0x0] =	vst.idx.msk vm0, v2  }
0x25: {  	s13 =	sshra.s32 s12, $0x2;
	[tilespmem:v3+s10+$0x0] =	vst.idx.msk vm0, v2  }
0x26: {  	s12 =	sadd.s32 $0x40, s12;
	v3 =	vld [tilespmem:s13+$0xF500]  }
0x27: {  	_ =	sdelay $0x3  }
0x28: {  	v4 =	vsub.s32 v3, v0  }
0x29: {  	vm0 =	vge.s32 v3, v0;
	vm1 =	vlt.s32 v4, $0x7A18  }
0x2a: {  	vm0 =	vmand vm0, vm1  }
0x2b: {  	v3 =	vnsel vm0, $0x0, v4;
	_ =	sdelay $0x4  }
0x2c: {  	[tilespmem:v3+s3+$0x0] =	vst.idx.msk vm0, v2  }
0x2d: {  	[tilespmem:v3+s10+$0x0] =	vst.idx.msk vm0, v2  }
0x2e: {  	[hbm4b:s5+s3] =	stream.linear.scatter [tilespmem:s3], [sflag:$0x1], $0x7A18, $0x38;
	[tilespmem:$0x10500] =	vst v63  }
0x2f: {  	s11 =	sadd.s32 $0x1, s11;
	_ =	swait.ge [sflag:s9], $0x7A18  }
0x30: {  	p0 =	sne.s32 s11, s7;
	[sflag:s9] =	ssyncset.done $0x0  }
.Ltmp2:
0x31: {  	[sflag:s9] =	ssyncadd.s32 $0xFFFF85E8;
	(pc) =	sbr.rel @p0 .LBB2_1-.Ltmp2, $4  }
0x32: {  	[hbm4b:s6+s3] =	stream.linear.scatter [tilespmem:s10], [sflag:$0x1], $0x7A18, $0x38;
	[tilespmem:$0x10500] =	vst v63  }
0x33: {  	_ =	swait.ge [sflag:s9], $0x7A18  }
0x34: {  	[sflag:s9] =	ssyncset.done $0x0  }
0x35: {  	[sflag:s9] =	ssyncadd.s32 $0xFFFF85E8  }
0x36: {  	_ =	sfence.sel $0x180000  }
0x37: {  	[bflag:$0x0] =	sbarrier.arrive $0xFFFF  }
0x38: {  	p0 =	sne.s32 s0, $0x0;
	_ =	strace $0x9000004A  }
0x39: {  	s0 =	sadd.s32 @!p0 $0x100000, s2;
	[bflag:$0x2] =	sbarrier.arrive $0xFFFF  }
0x3a: {  	[sflag:s0] =	ssyncadd.tile.s32 @!p0 $0x1;
	_ =	shalt  }
.Lfunc_end2:
_tile_overlayer_lowered:
.L_overlay_start_2:
0x3b: {  	(tag) =	ssettag $0x2  }
0x3c: {  	s0 =	rddreg [dreg:$0x0];
	s2 =	stileid.u32  }
0x3d: {  	s1 =	rddreg [dreg:$0x1];
	p0 =	sne.s32 s2, $0x0  }
0x3e: {  	s3 =	rddreg [dreg:$0x2];
	[bflag:$0x3] =	sbarrier.arrive $0xFFFF;
	s2 =	simm.s32 @!p0 $0x1C01  }
0x3f: {  	[timem:s3], [sflag:s2] =	dma.local @!p0 [hbm:s0], s1  }
0x40: {  	s0 =	simm.s32 @!p0 $0x1  }
0x41: {  	_ =	swait.ge @!p0 [sflag:s0], s1  }
0x42: {  	s1 =	ssub.s32 @!p0 $0x0, s1;
	[sflag:s0] =	ssyncset.done @!p0 $0x0  }
0x43: {  	[sflag:s0] =	ssyncadd.s32 @!p0 s1  }
0x44: {  	[bflag:$0x3] =	sbarrier.arrive $0xFFFF  }
0x45: {  	_ =	shalt  }

// kernel: kernel.9.cloned.1.call-start
scs
__scs_entry_jumppad:
0x0: {  	(pc) =	sbr.rel $0x88, $3  }
0x1: {  	(tag) =	ssettag $0x0;
	lr =	simm.s32 $0x1  }
0x2: {  	[smem:$0x3F9C] =	sst lr;
	_ =	strace $0xD0000000  }
0x3: {  	_ = 	snop  }
0x4: {  	_ = 	snop  }
0x5: {  	_ = 	snop  }
0x6: {  	_ = 	snop  }
0x7: {  	_ = 	snop  }
__scs_overlays_trampoline_lowered:
0x8: {  	[smem:$0x3FAB] =	sst s0  }
0x9: {  	[smem:$0x3FAC] =	sst s1  }
0xa: {  	[smem:$0x3FAD] =	sst s2  }
0xb: {  	[smem:$0x3FAE] =	sst s3  }
0xc: {  	[smem:$0x3FAF] =	sst s4  }
0xd: {  	[smem:$0x3FB0] =	sst s5  }
0xe: {  	[smem:$0x3FB1] =	sst s6  }
0xf: {  	[smem:$0x3FB2] =	sst s7  }
0x10: {  	[smem:$0x3FB3] =	sst s8  }
0x11: {  	[smem:$0x3FB4] =	sst s9;
	s0 =	simm.s32 @!p0 $0x0  }
0x12: {  	s1 =	sld [smem:$0x3F9A];
	s0 =	simm.s32 @p0 $0x1  }
0x13: {  	[smem:$0x3FB5] =	sst s0;
	s0 =	simm.s32 @!p1 $0x0  }
0x14: {  	s2 =	sld [smem:$0x3F99];
	s0 =	simm.s32 @p1 $0x1  }
0x15: {  	[smem:$0x3FB6] =	sst s0;
	s0 =	simm.s32 @!p2 $0x0  }
0x16: {  	s3 =	sld [smem:$0x3FDB];
	s0 =	simm.s32 @p2 $0x1  }
0x17: {  	s4 =	simm.s32 $0x1BF5;
	[smem:$0x3FB8] =	sst s0  }
0x18: {  	s0 =	sld [smem:$0x3F9B];
	_ =	swait.ge [sflag:s4], $0x0  }
0x19: {  	s7 =	sld [smem:$0x3F9C]  }
0x1a: {  	s8 =	sadd.s32 $0xFFFFE003, lr  }
0x1b: {  	s9 =	sadd.s32 $0xFFFFFEF7, lr;
	s5 =	simm.s32 $0xFFFFFFFF;
	p2 =	slt.u32 s8, $0xFFFFF086  }
0x1c: {  	p1 =	slt.u32 s9, $0xF7A;
	s5 =	simm.s32 @!p2 $0x0  }
0x1d: {  	s5 =	simm.s32 @p1 $0x1;
	p0 =	seq.s32 s7, s2  }
0x1e: {  	s7 =	smul.u32 @!p0 $0xF7A, s2;
	p2 =	seq.s32 @!p0 s5, $0x0  }
0x1f: {  	s9 =	smul.u32 $0xF7A, s1;
	s8 =	simm.s32 @!p0 $0x1BF5;
	p2 =	por !p2, p0  }
0x20: {  	[sflag:s8] =	ssyncset.s32 @!p0 $0xFFFFF086;
	s6 =	sadd.s32 @!p0 s3, s7;
	s7 =	simm.s32 @!p0 $0x108  }
0x21: {  	s3 =	sadd.s32 s3, s9;
	s6 =	sadd.s32 @!p0 $0x88, s6;
	s7 =	simm.s32 @p2 $0x1082  }
0x22: {  	[simem:s7], [sflag:s8] =	dma.local @!p0 [hbm:s6], $0xF7A  }
0x23: {  	s9 =	sor.u32 $0xD0000000, s2;
	s6 =	simm.s32 $0x108;
	_ =	swait.ge @!p0 [sflag:s8], $0x0  }
0x24: {  	s3 =	sadd.s32 $0x88, s3;
	s6 =	simm.s32 @!p1 $0x1082;
	[sflag:s4] =	ssyncset.s32 $0xFFFFF086  }
0x25: {  	[simem:s6], [sflag:s4] =	dma.local [hbm:s3], $0xF7A  }
0x26: {  	[smem:$0x3F9C] =	sst s1;
	(tag) =	ssettag s2;
	_ =	strace s9  }
0x27: {  	s1 =	sld [smem:$0x3FAC]  }
0x28: {  	s2 =	sld [smem:$0x3FAD]  }
0x29: {  	s4 =	sld [smem:$0x3FAF]  }
0x2a: {  	p0 =	seq.s32 s5, $0x0;
	s5 =	sld [smem:$0x3FB0]  }
0x2b: {  	s6 =	sld [smem:$0x3FB1]  }
0x2c: {  	s7 =	sld [smem:$0x3FB2]  }
0x2d: {  	s3 =	simm.s32 $0x108;
	s8 =	sld [smem:$0x3FB3]  }
0x2e: {  	s3 =	simm.s32 @!p0 $0x1082;
	s9 =	sld [smem:$0x3FB4]  }
0x2f: {  	lr =	sadd.s32 s0, s3;
	s0 =	sld [smem:$0x3FAB]  }
0x30: {  	s3 =	sld [smem:$0x3FAE]  }
0x31: {  	[smem:$0x3FB7] =	sst s10  }
0x32: {  	s10 =	sld [smem:$0x3FB5];
	_ =	sdelay $0x3  }
0x33: {  	p0 =	seq.s32 s10, $0x1;
	s10 =	sld [smem:$0x3FB7];
	_ =	sdelay $0x3  }
0x34: {  	[smem:$0x3FB7] =	sst s10  }
0x35: {  	s10 =	sld [smem:$0x3FB6];
	_ =	sdelay $0x3  }
0x36: {  	p1 =	seq.s32 s10, $0x1;
	s10 =	sld [smem:$0x3FB7];
	_ =	sdelay $0x3  }
0x37: {  	[smem:$0x3FB7] =	sst s10  }
0x38: {  	s10 =	sld [smem:$0x3FB8]  }
0x39: {  	_ = 	snop;
	(pc) =	sbr.ind lr, $3  }
0x3a: {  	_ = 	snop  }
0x3b: {  	_ = 	snop  }
0x3c: {  	p2 =	seq.s32 s10, $0x1;
	s10 =	sld [smem:$0x3FB7]  }
0x3d: {  	_ =	shalt  }
0x3e: {  	_ =	shalt  }
0x3f: {  	_ =	shalt  }
0x40: {  	_ =	shalt  }
0x41: {  	_ =	shalt  }
0x42: {  	_ =	shalt  }
0x43: {  	_ =	shalt  }
0x44: {  	_ =	shalt  }
0x45: {  	_ =	shalt  }
0x46: {  	_ =	shalt  }
0x47: {  	_ =	shalt  }
0x48: {  	_ =	shalt  }
0x49: {  	_ =	shalt  }
0x4a: {  	_ =	shalt  }
0x4b: {  	_ =	shalt  }
0x4c: {  	_ =	shalt  }
0x4d: {  	_ =	shalt  }
0x4e: {  	_ =	shalt  }
0x4f: {  	_ =	shalt  }
0x50: {  	_ =	shalt  }
0x51: {  	_ =	shalt  }
0x52: {  	_ =	shalt  }
0x53: {  	_ =	shalt  }
0x54: {  	_ =	shalt  }
0x55: {  	_ =	shalt  }
0x56: {  	_ =	shalt  }
0x57: {  	_ =	shalt  }
0x58: {  	_ =	shalt  }
0x59: {  	_ =	shalt  }
0x5a: {  	_ =	shalt  }
0x5b: {  	_ =	shalt  }
0x5c: {  	_ =	shalt  }
0x5d: {  	_ =	shalt  }
0x5e: {  	_ =	shalt  }
0x5f: {  	_ =	shalt  }
0x60: {  	_ =	shalt  }
0x61: {  	_ =	shalt  }
0x62: {  	_ =	shalt  }
0x63: {  	_ =	shalt  }
0x64: {  	_ =	shalt  }
0x65: {  	_ =	shalt  }
0x66: {  	_ =	shalt  }
0x67: {  	_ =	shalt  }
0x68: {  	_ =	shalt  }
0x69: {  	_ =	shalt  }
0x6a: {  	_ =	shalt  }
0x6b: {  	_ =	shalt  }
0x6c: {  	_ =	shalt  }
0x6d: {  	_ =	shalt  }
0x6e: {  	_ =	shalt  }
0x6f: {  	_ =	shalt  }
0x70: {  	_ =	shalt  }
0x71: {  	_ =	shalt  }
0x72: {  	_ =	shalt  }
0x73: {  	_ =	shalt  }
0x74: {  	_ =	shalt  }
0x75: {  	_ =	shalt  }
0x76: {  	_ =	shalt  }
0x77: {  	_ =	shalt  }
0x78: {  	_ =	shalt  }
0x79: {  	_ =	shalt  }
0x7a: {  	_ =	shalt  }
0x7b: {  	_ =	shalt  }
0x7c: {  	_ =	shalt  }
0x7d: {  	_ =	shalt  }
0x7e: {  	_ =	shalt  }
0x7f: {  	_ =	shalt  }
0x80: {  	_ =	shalt  }
0x81: {  	_ =	shalt  }
0x82: {  	_ =	shalt  }
0x83: {  	_ =	shalt  }
0x84: {  	_ =	shalt  }
0x85: {  	_ =	shalt  }
0x86: {  	_ =	shalt  }
0x87: {  	_ =	shalt  }
.Lfunc_end0:
.L_simem_size_0:
called_computation.2_lowered:
.L_overlay_start_0:
0x88: {  	s2 =	sld [smem:$0x3FD9]  }
0x89: {  	s3 =	sld [smem:$0x3FFE];
	_ =	sdelay $0x1  }
0x8a: {  	s1 =	srdreg.scid  }
0x8b: {  	s0 =	sand.u32 $0x1, s1  }
0x8c: {  	s14 =	sshll.u32 s0, $0xA;
	s2 =	sadd.s32 s3, s2  }
0x8d: {  	s2 =	sadd.s32 s2, s14  }
0x8e: {  	[smem:$0x3FC3] =	sst s2  }
0x8f: {  	_ = 	snop  }
0x90: {  	s2 =	sld [smem:$0x3FD0];
	_ =	sdelay $0x2  }
0x91: {  	s4 =	simm.s32 $0xB;
	s5 =	simm.s32 $0x10;
	s15 =	sld [smem:$0x3FC5]  }
0x92: {  	[smem:s5], [sflag:s4] =	dma.local [hbm:s2], $0x1  }
0x93: {  	_ =	swait.eq [sflag:s4], $0x1  }
0x94: {  	[sflag:s4] =	ssyncset.done $0x0  }
0x95: {  	[sflag:s4] =	ssyncadd.s32 $0xFFFFFFFF  }
0x96: {  	s16 =	sld [smem:$0x12];
	(tm) =	ssettm $0x1  }
0x97: {  	s17 =	sld [smem:$0x3FFB];
	_ =	sdelay $0x3  }
0x98: {  	_ =	strace s17  }
0x99: {  	s4 =	sld [smem:$0x3FFC];
	_ =	sdelay $0x3  }
0x9a: {  	_ =	strace s4  }
0x9b: {  	s4 =	sld [smem:$0x3FFD];
	_ =	sdelay $0x3  }
0x9c: {  	_ =	strace s4  }
0x9d: {  	_ =	strace $0x8FFFFFFF  }
0x9e: {  	s18 =	sld [smem:$0x3FDB];
	_ =	sdelay $0x1  }
0x9f: {  	s19 =	simm.s32 $_scs_section_size  }
0xa0: {  	s6 =	simm.s32 $_size__tile_overlayer_lowered;
	s7 =	simm.s32 $_tile_overlayer_lowered  }
0xa1: {  	s22 =	simm.s32 $0x1BFF;
	s21 =	sshll.u32 s7, $0x1;
	s4 =	sadd.s32 s19, s18  }
0xa2: {  	s8 =	simm.s32 $0x0;
	s20 =	sshll.u32 s6, $0x1;
	s6 =	sadd.s32 s21, s4  }
0xa3: {  	[timem:s8], [sflag:s22] =	dma.local [hbm:s6], s20  }
0xa4: {  	_ =	swait.ge [sflag:s22], s20  }
0xa5: {  	s5 =	ssub.s32 $0x0, s20;
	[sflag:s22] =	ssyncset.done $0x0  }
0xa6: {  	[sflag:s22] =	ssyncadd.s32 s5;
	_ =	sdelay $0x1  }
0xa7: {  	s23 =	simm.s32 $0x1B8B  }
0xa8: {  	_ =	swait.ge [sflag:s23], $0x1  }
0xa9: {  	[sflag:s23] =	ssyncset.done $0x0  }
0xaa: {  	s25 =	simm.s32 $0x1B8E;
	s24 =	sld [smem:$0x3FFE];
	[sflag:s23] =	ssyncadd.s32 $0xFFFFFFFF  }
0xab: {  	s26 =	simm.s32 $execute0_lowered;
	[smem:$0x3FD2] =	sst s25  }
0xac: {  	s6 =	sshll.u32 s26, $0x1;
	_ =	strace $0x80000046;
	[dreg:$0x1] =	wrdreg $0xFFFFFFFF  }
0xad: {  	s28 =	simm.s32 $_size_execute0_lowered;
	s4 =	sadd.s32 s4, s6;
	[dreg:$0x0] =	wrdreg $0x0  }
0xae: {  	s6 =	sshll.u32 s28, $0x1;
	[dreg:$0x2] =	wrdreg s4  }
0xaf: {  	[dreg:$0x3] =	wrdreg s6  }
0xb0: {  	[dreg:$0x4] =	wrdreg $0xC0  }
0xb1: {  	_ =	task [dreg:s8], $0x5FFFF  }
0xb2: {  	[dreg:$0x1] =	wrdreg $0xFFFFFFFF  }
0xb3: {  	[dreg:$0x0] =	wrdreg $0x60  }
0xb4: {  	[dreg:$0x2] =	wrdreg s16  }
0xb5: {  	[dreg:$0x3] =	wrdreg s24  }
0xb6: {  	[dreg:$0x4] =	wrdreg s15  }
0xb7: {  	[dreg:$0x5] =	wrdreg $0xA  }
0xb8: {  	_ =	task.clear_ibuf [dreg:s8], $0x6FFFF;
	_ =	strace $0x90000046  }
0xb9: {  	s29 =	simm.s32 $0xA;
	_ =	strace $0x80000048  }
0xba: {  	_ =	swait.ge [sflag:s29], $0x1  }
0xbb: {  	[sflag:s29] =	ssyncadd.s32 $0xFFFFFFFF  }
0xbc: {  	_ =	strace $0x90000048  }
0xbd: {  	_ =	sfence  }
0xbe: {  	s30 =	sld [smem:$0x0];
	_ =	sdelay $0x2  }
0xbf: {  	s31 =	sshll.u32 s1, $0xD;
	s1 =	sshrl.u32 s1, $0x2  }
0xc0: {  	s3 =	sand.u32 $0x4000, s31;
	s1 =	sadd.s32 s1, s30  }
0xc1: {  	s0 =	sor.u32 s3, s0;
	s1 =	sshll.u32 s1, $0x11  }
0xc2: {  	s0 =	sor.u32 s1, s0  }
0xc3: {  	s0 =	sadd.s32 $0x8F2B, s0  }
0xc4: {  	[sflag:s0] =	ssyncadd.remote.s32 $0x1  }
0xc5: {  	_ =	sfence.sel $0xFFFF  }
0xc6: {  	[dreg:$0x0] =	wrdreg $0xFFFFFFFF;
	(pc) =	sbr.abs _section_cstart, $3  }
0xc7: {  	[dreg:$0x1] =	wrdreg $0xFFFFFFFF  }
0xc8: {  	_ =	task.clear_ibuf [dreg:s8], $0x2FFFF;
	_ =	strace $0x9FFFFFFF  }
0xc9: {  	(tm) =	ssettm $0x7FFFFFFF  }
tec
execute0_lowered:
.L_overlay_start_1:
0x0: {  	(tag) =	ssettag $0x1  }
0x1: {  	s0 =	rddreg [dreg:$0x0]  }
0x2: {  	s1 =	rddreg [dreg:$0x1];
	s2 =	simm.s32 $0x0  }
0x3: {  	[smem:$0x7FF] =	sst s2;
	s4 =	sadd.s32 $0x12200, s1  }
0x4: {  	s24 =	sadd.s32 $0x2000, s1;
	_ =	strace $0x80000047;
	[dreg:$0x4] =	wrdreg s4  }
0x5: {  	s29 =	sadd.s32 $0x12208, s1;
	[dreg:$0x5] =	wrdreg s24  }
0x6: {  	s30 =	sadd.s32 $0x12210, s1;
	[dreg:$0x6] =	wrdreg s29  }
0x7: {  	s31 =	sadd.s32 $0x12218, s1;
	[dreg:$0x7] =	wrdreg s30  }
0x8: {  	s9 =	sadd.s32 $0x12220, s1;
	[dreg:$0x8] =	wrdreg s31  }
0x9: {  	s10 =	sadd.s32 $0x12228, s1;
	[dreg:$0x9] =	wrdreg s9  }
0xa: {  	s3 =	srdreg.scid;
	s11 =	sadd.s32 $0x12230, s1;
	[dreg:$0xa] =	wrdreg s10  }
0xb: {  	s8 =	stileid.u32;
	s12 =	sadd.s32 $0x12238, s1;
	[dreg:$0xb] =	wrdreg s11  }
0xc: {  	s28 =	simm.s32 $0x1;
	s13 =	sadd.s32 $0x12240, s1;
	[dreg:$0xc] =	wrdreg s12  }
0xd: {  	s3 =	sand.u32 $0x1, s3;
	s14 =	sadd.s32 $0x12248, s1;
	[dreg:$0xd] =	wrdreg s13  }
0xe: {  	s6 =	sadd.s32 $0xF5C600, s1;
	s16 =	sadd.s32 $0x12250, s1;
	[dreg:$0xe] =	wrdreg s14  }
0xf: {  	s7 =	sshll.u32 s8, $0x1;
	s17 =	sadd.s32 $0x12258, s1;
	[dreg:$0xf] =	wrdreg s16  }
0x10: {  	s15 =	smul.u32 $0x1900, s8;
	s18 =	sadd.s32 $0x12260, s1;
	[dreg:$0x10] =	wrdreg s17  }
0x11: {  	s21 =	sadd.s32 $0x12268, s1;
	s22 =	sadd.s32 $0x12270, s1;
	[dreg:$0x11] =	wrdreg s18  }
0x12: {  	s1 =	sadd.s32 $0x12278, s1;
	s25 =	ssub.s32 $0x2, s3;
	[dreg:$0x14] =	wrdreg s21  }
0x13: {  	s26 =	sor.u32 s3, s7;
	s3 =	smul.u32 $0xC80, s3;
	[dreg:$0x15] =	wrdreg s22  }
0x14: {  	[dreg:$0x16] =	wrdreg s1;
	s11 =	simm.s32 $0x6100;
	s12 =	simm.s32 $0xC500  }
0x15: {  	s1 =	simm.s32 $0x0;
	s5 =	sshrl.u32 s25, $0x1;
	s19 =	sadd.s32 s15, s0  }
0x16: {  	s7 =	sadd.s32 s15, s6;
	s20 =	smul.u32 $0xC80, s26;
	s9 =	sadd.s32 s3, s19  }
0x17: {  	v0 =	vimm.s32 $0xECA86420;
	vm0 =	vcmask $0xB08;
	s4 =	ssub.s32 s25, s5;
	s10 =	sadd.s32 s3, s7;
	[dreg:$0x12] =	wrdreg s9  }
0x18: {  	vm1 =	vcmask $0x1310;
	vm2 =	vcmask $0x1B18;
	v2 =	vlaneseq.u32;
	s5 =	sor.u32 $0x9C0, s26;
	s23 =	smax.u32 s4, $0x1;
	[dreg:$0x13] =	wrdreg s10  }
0x19: {  	vm3 =	vmmov $0xff;
	v4 =	vimm.s32 $0x0;
	v5 =	vimm.s32 $0x0;
	s24 =	smul.u32 $0xC80, s5;
	s25 =	sadd.s32 s0, s20;
	[dreg:$0x17] =	wrdreg s23  }
0x1a: {  	vm11 =	vcmask $0x704;
	v1 =	vunpack.c.l.s4.s8 v0;
	v0 =	vmov s26;
	s26 =	sadd.s32 $0x19000, s20;
	s3 =	sadd.s32 s6, s20;
	[dreg:$0x18] =	wrdreg s25  }
.Ltmp0:
0x1b: {  	vm12 =	vcmask $0xF0C;
	vm13 =	vcmask $0x1714;
	vm5 =	vcmask $0x2320;
	[dreg:$0x19] =	wrdreg s3;
	s29 =	sadd.s32 s0, s26;
	(pc) =	sbr.rel .LBB2_1-.Ltmp0, $4  }
0x1c: {  	vm6 =	vcmask $0x2B28;
	vm14 =	vcmask $0x1F1C;
	vm7 =	vcmask $0x3330;
	p0 =	sgt.u32 s5, $0x9C3;
	s30 =	sadd.s32 s6, s26;
	[dreg:$0x1a] =	wrdreg s29  }
0x1d: {  	vm15 =	vcmask $0x2724;
	v4 =	vsel vm3, $0xFFFFFFFF, v4;
	vm3 =	vmmov $0x1;
	s5 =	simm.s32 $0x2;
	[dreg:$0x1b] =	wrdreg s30;
	s0 =	sadd.s32 s0, s24  }
0x1e: {  	vm8 =	vcmask $0x3B38;
	vm4 =	vcmask $0x3734;
	[tilespmem:$0x1FFE0] =	vst v4;
	v5 =	vsel vm3, $0xFFFFFFFF, v5;
	s25 =	simm.s32 $0x4;
	s31 =	sadd.s32 s6, s24;
	[dreg:$0x1c] =	wrdreg s0  }
0x1f: {  	v3 =	vmul.u32 $0x2, v2;
	v4 =	vimm.s32 $0x0;
	v1 =	vunpack.c.0.s8.s32 v1;
	[tilespmem:$0x1FFF0] =	vst v5;
	s26 =	simm.s32 $0x5;
	s24 =	simm.s32 $0x3;
	[dreg:$0x1d] =	wrdreg s31  }
.LBB2_26:
0x20: {  	[sflag:s28] =	ssyncadd.s32 $0xFFFFFFC0  }
.LBB2_27:
0x21: {  	s1 =	rddreg [dreg:$0x1e]  }
0x22: {  	s0 =	rddreg [dreg:$0x17];
	s1 =	sadd.s32 $0x1, s1  }
0x23: {  	p1 =	sne.s32 s1, s0  }
.Ltmp1:
0x24: {  	_ = 	snop;
	(pc) =	sbr.rel @!p1 .LBB2_28-.Ltmp1, $3  }
0x25: {  	_ =	sdelay $0x1  }
0x26: {  	s9 =	rddreg [dreg:$0x12]  }
0x27: {  	s10 =	rddreg [dreg:$0x13];
	s11 =	simm.s32 $0x6100;
	s12 =	simm.s32 $0xC500  }
.LBB2_1:
0x28: {  	[dreg:$0x1e] =	wrdreg s1  }
0x29: {  	s0 =	rddreg [dreg:$0x2];
	s18 =	simm.s32 $0x6  }
0x2a: {  	[tilespmem:s2], [sflag:$0x6] =	stream.linear.gather [hbm4b:s0+s2], $0x1000, $0x38;
	[tilespmem:$0x12900] =	vst v63  }
0x2b: {  	_ =	swait.ge [sflag:s18], $0x1000  }
0x2c: {  	[sflag:s18] =	ssyncset.done $0x0  }
0x2d: {  	s3 =	simm.s32 $0x1000;
	s19 =	rddreg [dreg:$0x5];
	[sflag:s18] =	ssyncadd.s32 $0xFFFFF000  }
0x2e: {  	[tilespmem:s3], [sflag:$0x6] =	stream.linear.gather [hbm4b:s19+s2], $0x1000, $0x38;
	[tilespmem:$0x12900] =	vst v63  }
0x2f: {  	_ =	swait.ge [sflag:s18], $0x1000  }
0x30: {  	[sflag:s18] =	ssyncset.done $0x0  }
0x31: {  	s20 =	rddreg [dreg:$0x18];
	[sflag:s18] =	ssyncadd.s32 $0xFFFFF000  }
0x32: {  	[tilespmem:s11], [sflag:$0x2] =	stream.linear.gather [hbm4b:s20+s2], $0x6400, $0x38;
	[tilespmem:$0x12900] =	vst v63  }
0x33: {  	s21 =	rddreg [dreg:$0x1a]  }
0x34: {  	[tilespmem:s12], [sflag:$0x3] =	stream.linear.gather [hbm4b:s21+s2], $0x6400, $0x38;
	[tilespmem:$0x12900] =	vst v63  }
0x35: {  	_ =	swait.ge [sflag:s5], $0x6400  }
0x36: {  	[sflag:s5] =	ssyncset.done $0x0  }
0x37: {  	s22 =	rddreg [dreg:$0x19];
	[sflag:s5] =	ssyncadd.s32 $0xFFFF9C00  }
0x38: {  	[hbm4b:s22+s2] =	stream.linear.scatter [tilespmem:s11], [sflag:$0x4], $0x6400, $0x38;
	[tilespmem:$0x12900] =	vst v63  }
0x39: {  	_ =	swait.ge [sflag:s24], $0x6400  }
0x3a: {  	[sflag:s24] =	ssyncset.done $0x0  }
0x3b: {  	s23 =	rddreg [dreg:$0x1b];
	[sflag:s24] =	ssyncadd.s32 $0xFFFF9C00  }
0x3c: {  	[hbm4b:s23+s2] =	stream.linear.scatter [tilespmem:s12], [sflag:$0x5], $0x6400, $0x38;
	[tilespmem:$0x12900] =	vst v63  }
0x3d: {  	_ =	swait.ge [sflag:s25], $0x6400  }
0x3e: {  	s29 =	sadd.s32 $0x0, s9;
	[sflag:s25] =	ssyncset.done $0x0  }
0x3f: {  	s4 =	sadd.s32 $0x32000, s29;
	[sflag:s25] =	ssyncadd.s32 $0xFFFF9C00  }
0x40: {  	[tilespmem:s11], [sflag:$0x2] =	stream.linear.gather [hbm4b:s4+s2], $0x6400, $0x38;
	[tilespmem:$0x12900] =	vst v63  }
0x41: {  	_ =	swait.ge [sflag:s26], $0x6400  }
0x42: {  	[sflag:s26] =	ssyncset.done $0x0  }
0x43: {  	s0 =	sadd.s32 $0x4B000, s29;
	[sflag:s26] =	ssyncadd.s32 $0xFFFF9C00  }
0x44: {  	[tilespmem:s12], [sflag:$0x3] =	stream.linear.gather [hbm4b:s0+s2], $0x6400, $0x38;
	[tilespmem:$0x12900] =	vst v63  }
0x45: {  	_ =	swait.ge [sflag:s5], $0x6400  }
0x46: {  	s30 =	sadd.s32 $0x0, s10;
	[sflag:s5] =	ssyncset.done $0x0  }
0x47: {  	s31 =	sadd.s32 $0x32000, s30;
	[sflag:s5] =	ssyncadd.s32 $0xFFFF9C00  }
0x48: {  	[hbm4b:s31+s2] =	stream.linear.scatter [tilespmem:s11], [sflag:$0x4], $0x6400, $0x38;
	[tilespmem:$0x12900] =	vst v63  }
0x49: {  	_ =	swait.ge [sflag:s24], $0x6400  }
0x4a: {  	[sflag:s24] =	ssyncset.done $0x0  }
0x4b: {  	s4 =	sadd.s32 $0x4B000, s30;
	s0 =	simm.s32 $0x32000;
	[sflag:s24] =	ssyncadd.s32 $0xFFFF9C00  }
.LBB2_2:
0x4c: {  	[hbm4b:s4+s2] =	stream.linear.scatter [tilespmem:s12], [sflag:$0x5], $0x6400, $0x38;
	[tilespmem:$0x12900] =	vst v63  }
0x4d: {  	s4 =	smov.u32 s0  }
0x4e: {  	p1 =	sne.s32 s0, $0x73A000;
	s0 =	sadd.s32 $0x32000, s0;
	_ =	swait.ge [sflag:s25], $0x6400  }
0x4f: {  	s7 =	sadd.s32 s4, s9;
	[sflag:s25] =	ssyncset.done $0x0  }
0x50: {  	s8 =	sadd.s32 $0x32000, s7;
	[sflag:s25] =	ssyncadd.s32 $0xFFFF9C00  }
0x51: {  	[tilespmem:s11], [sflag:$0x2] =	stream.linear.gather [hbm4b:s8+s2], $0x6400, $0x38;
	[tilespmem:$0x12900] =	vst v63  }
0x52: {  	_ =	swait.ge [sflag:s26], $0x6400  }
0x53: {  	[sflag:s26] =	ssyncset.done $0x0  }
0x54: {  	s7 =	sadd.s32 $0x4B000, s7;
	[sflag:s26] =	ssyncadd.s32 $0xFFFF9C00  }
0x55: {  	[tilespmem:s12], [sflag:$0x3] =	stream.linear.gather [hbm4b:s7+s2], $0x6400, $0x38;
	[tilespmem:$0x12900] =	vst v63  }
0x56: {  	_ =	swait.ge [sflag:s5], $0x6400  }
0x57: {  	s4 =	sadd.s32 s4, s10;
	[sflag:s5] =	ssyncset.done $0x0  }
.Ltmp2:
0x58: {  	s7 =	sadd.s32 $0x32000, s4;
	[sflag:s5] =	ssyncadd.s32 $0xFFFF9C00;
	(pc) =	sbr.rel @p1 .LBB2_2-.Ltmp2, $4  }
0x59: {  	[hbm4b:s7+s2] =	stream.linear.scatter [tilespmem:s11], [sflag:$0x4], $0x6400, $0x38;
	[tilespmem:$0x12900] =	vst v63  }
0x5a: {  	_ =	swait.ge [sflag:s24], $0x6400  }
0x5b: {  	[sflag:s24] =	ssyncset.done $0x0  }
0x5c: {  	s4 =	sadd.s32 $0x4B000, s4;
	[sflag:s24] =	ssyncadd.s32 $0xFFFF9C00  }
0x5d: {  	[hbm4b:s4+s2] =	stream.linear.scatter [tilespmem:s12], [sflag:$0x5], $0x6400, $0x38;
	[tilespmem:$0x12900] =	vst v63  }
0x5e: {  	s0 =	simm.s32 @!p0 $0x4  }
0x5f: {  	_ =	swait.ge @!p0 [sflag:s0], $0x6400  }
0x60: {  	s4 =	simm.s32 @!p0 $0x6100;
	s7 =	simm.s32 @!p0 $0x2;
	[sflag:s0] =	ssyncset.done @!p0 $0x0  }
0x61: {  	s1 =	rddreg [dreg:$0x1c];
	[sflag:s0] =	ssyncadd.s32 @!p0 $0xFFFF9C00;
	s0 =	simm.s32 @!p0 $0x0  }
0x62: {  	[tilespmem:s4], [sflag:$0x2] =	stream.linear.gather @!p0 [hbm4b:s1+s0], $0x6400, $0x38;
	[tilespmem:$0x12900] =	vst v63  }
0x63: {  	_ =	swait.ge @!p0 [sflag:s7], $0x6400  }
0x64: {  	[sflag:s7] =	ssyncset.done @!p0 $0x0  }
0x65: {  	s1 =	rddreg [dreg:$0x1d];
	[sflag:s7] =	ssyncadd.s32 @!p0 $0xFFFF9C00  }
0x66: {  	[hbm4b:s1+s0] =	stream.linear.scatter @!p0 [tilespmem:s4], [sflag:$0x4], $0x6400, $0x38;
	[tilespmem:$0x12900] =	vst v63  }
0x67: {  	_ =	swait.ge [sflag:s25], $0x6400  }
.Ltmp3:
0x68: {  	[sflag:s25] =	ssyncset.done $0x0;
	(pc) =	sbr.rel .LBB2_4-.Ltmp3, $4  }
0x69: {  	[sflag:s25] =	ssyncadd.s32 $0xFFFF9C00  }
0x6a: {  	_ =	swait.ge [sflag:s26], $0x6400  }
0x6b: {  	[sflag:s26] =	ssyncset.done $0x0  }
0x6c: {  	s29 =	simm.s32 $0x0;
	s1 =	simm.s32 $0x0;
	[sflag:s26] =	ssyncadd.s32 $0xFFFF9C00  }
.LBB2_9:
0x6d: {  	s30 =	sadd.s32 $0x1, s30  }
0x6e: {  	p1 =	seq.s32 s30, $0x100  }
.Ltmp4:
0x6f: {  	_ = 	snop;
	(pc) =	sbr.rel @p1 .LBB2_10-.Ltmp4, $2  }
0x70: {  	_ =	sdelay $0x2  }
0x71: {  	s1 =	smov.u32 s30  }
.LBB2_4:
0x72: {  	s0 =	sshll.u32 s1, $0x4  }
0x73: {  	v5 =	vld [tilespmem:s0+$0x0];
	_ =	sdelay $0x4  }
0x74: {  	(v2sf) =	vpush v5, $0xD;
	_ =	sdelay $0x1  }
0x75: {  	(v2sf) =	vpush v5, $0xC;
	_ =	sdelay $0x1  }
0x76: {  	(v2sf) =	vpush v5, $0xE;
	_ =	sdelay $0x1  }
0x77: {  	(v2sf) =	vpush v5, $0xF;
	_ =	sdelay $0x1  }
0x78: {  	(v2sf) =	vpush v5, $0x9;
	_ =	sdelay $0x1  }
0x79: {  	(v2sf) =	vpush v5, $0x8;
	_ =	sdelay $0x1  }
0x7a: {  	(v2sf) =	vpush v5, $0xA;
	_ =	sdelay $0x1  }
0x7b: {  	(v2sf) =	vpush v5, $0xB  }
0x7c: {  	s4 =	spop (v2sf)  }
0x7d: {  	(v2sf) =	vpush v5, $0x0;
	s7 =	smulhi.u32 $0x51EB851F, s4;
	s4 =	sshra.s32 s4, $0x1F  }
0x7e: {  	s8 =	spop (v2sf);
	s4 =	smul.u32 $0x51EB851F, s4  }
0x7f: {  	(v2sf) =	vpush v5, $0x1;
	s9 =	smulhi.u32 $0x51EB851F, s8;
	s8 =	sshra.s32 s8, $0x1F  }
0x80: {  	s10 =	spop (v2sf);
	s11 =	smul.u32 $0x51EB851F, s8  }
0x81: {  	[smem:$0x7F9] =	sst s1;
	(v2sf) =	vpush v5, $0x2;
	s12 =	smulhi.u32 $0x51EB851F, s10;
	s23 =	sshra.s32 s10, $0x1F  }
0x82: {  	s31 =	spop (v2sf);
	s13 =	smul.u32 $0x51EB851F, s23  }
0x83: {  	[dreg:$0x1f] =	wrdreg s0;
	(v2sf) =	vpush v5, $0x3;
	s14 =	smulhi.u32 $0x51EB851F, s31;
	s0 =	sshra.s32 s31, $0x1F  }
0x84: {  	(v2sf) =	vpush v5, $0x4;
	s1 =	spop (v2sf);
	s10 =	smul.u32 $0x51EB851F, s0  }
0x85: {  	(v2sf) =	vpush v5, $0x5;
	s15 =	smulhi.u32 $0x51EB851F, s1;
	s8 =	sshra.s32 s1, $0x1F  }
0x86: {  	(v2sf) =	vpush v5, $0x6;
	s7 =	sadd.s32 s4, s7;
	s16 =	spop (v2sf);
	s17 =	smul.u32 $0x51EB851F, s8  }
0x87: {  	(v2sf) =	vpush v5, $0x7;
	[smem:$0x7FB] =	sst s7;
	s21 =	smulhi.u32 $0x51EB851F, s16;
	s16 =	sshra.s32 s16, $0x1F  }
0x88: {  	s9 =	sadd.s32 s11, s9;
	s3 =	spop (v2sf);
	s16 =	smul.u32 $0x51EB851F, s16  }
0x89: {  	[smem:$0x7FA] =	sst s9;
	s30 =	smulhi.u32 $0x51EB851F, s3;
	s8 =	sshra.s32 s3, $0x1F  }
0x8a: {  	s13 =	sadd.s32 s13, s12;
	s18 =	spop (v2sf);
	s8 =	smul.u32 $0x51EB851F, s8  }
0x8b: {  	[smem:$0x7FC] =	sst s13;
	s20 =	smulhi.u32 $0x51EB851F, s18;
	s18 =	sshra.s32 s18, $0x1F  }
0x8c: {  	s9 =	sshrl.u32 s9, $0x1F;
	s22 =	spop (v2sf);
	s3 =	smul.u32 $0x51EB851F, s18  }
0x8d: {  	s13 =	sshrl.u32 s13, $0x1F;
	s4 =	smulhi.u32 $0x51EB851F, s22;
	s22 =	sshra.s32 s22, $0x1F  }
0x8e: {  	s15 =	sadd.s32 s17, s15;
	s23 =	spop (v2sf);
	s11 =	smul.u32 $0x51EB851F, s22  }
0x8f: {  	s18 =	sshrl.u32 s7, $0x1F;
	s7 =	smulhi.u32 $0x51EB851F, s23;
	s31 =	sshra.s32 s23, $0x1F  }
0x90: {  	s0 =	spop (v2sf);
	s23 =	sadd.s32 s10, s14;
	s12 =	smul.u32 $0x51EB851F, s31  }
0x91: {  	s14 =	sadd.s32 s16, s21;
	s10 =	smulhi.u32 $0x51EB851F, s0;
	s0 =	sshra.s32 s0, $0x1F  }
0x92: {  	s8 =	sadd.s32 s8, s30;
	s0 =	smul.u32 $0x51EB851F, s0;
	s19 =	spop (v2sf)  }
0x93: {  	s1 =	spop (v2sf);
	s16 =	smulhi.u32 $0x51EB851F, s19;
	s22 =	sshra.s32 s19, $0x1F  }
0x94: {  	s19 =	spop (v2sf);
	s17 =	smul.u32 $0x51EB851F, s22;
	s22 =	sadd.s32 s3, s20  }
0x95: {  	s20 =	smulhi.u32 $0x51EB851F, s1;
	s1 =	sshra.s32 s1, $0x1F;
	s21 =	spop (v2sf)  }
0x96: {  	s4 =	sadd.s32 s11, s4;
	s1 =	smul.u32 $0x51EB851F, s1;
	s30 =	spop (v2sf)  }
0x97: {  	s7 =	sadd.s32 s12, s7;
	s31 =	smulhi.u32 $0x51EB851F, s30;
	s30 =	sshra.s32 s30, $0x1F  }
0x98: {  	s12 =	sshrl.u32 s14, $0x1F;
	s0 =	sadd.s32 s0, s10;
	s3 =	smul.u32 $0x51EB851F, s30  }
0x99: {  	v7 =	vmov s9;
	s10 =	sshrl.u32 s15, $0x1F;
	s9 =	smulhi.u32 $0x51EB851F, s19;
	s16 =	sadd.s32 s17, s16  }
0x9a: {  	v7 =	vsel vm0, s18, v7;
	s17 =	sshrl.u32 s22, $0x1F;
	s18 =	smulhi.u32 $0x51EB851F, s21;
	s11 =	sadd.s32 s3, s31  }
0x9b: {  	v9 =	vmov s12;
	s1 =	sadd.s32 s1, s20;
	s20 =	sshrl.u32 s8, $0x1F;
	s31 =	sshra.s32 s11, $0x1F  }
0x9c: {  	vm9 =	vcmask $0x300;
	v9 =	vsel vm0, s10, v9;
	s12 =	sshra.s32 s16, $0x7;
	s30 =	sshrl.u32 s23, $0x1F;
	v6 =	vmov s31;
	s31 =	sshra.s32 s4, $0x7  }
0x9d: {  	s10 =	sshrl.u32 s1, $0x1F;
	v9 =	vsel vm1, s20, v9;
	s3 =	sshrl.u32 s4, $0x1F;
	s4 =	sshra.s32 s4, $0x1F;
	v6 =	vsel vm9, s31, v6  }
0x9e: {  	v9 =	vsel vm2, s17, v9;
	s17 =	sld [smem:$0x7FC];
	v8 =	vmov s3;
	s3 =	sshra.s32 s19, $0x1F;
	s19 =	sshra.s32 s7, $0x7;
	v6 =	vsel vm11, s4, v6  }
0x9f: {  	v7 =	vsel vm1, s13, v7;
	v8 =	vnsel vm9, $0x0, v8;
	s13 =	smul.u32 $0x51EB851F, s3;
	s31 =	sshrl.u32 s7, $0x1F;
	s7 =	sshra.s32 s7, $0x1F;
	v6 =	vsel vm0, s19, v6  }
0xa0: {  	s3 =	sshra.s32 s0, $0x7;
	s4 =	sshrl.u32 s0, $0x1F;
	v8 =	vsel vm0, s31, v8;
	s0 =	sshra.s32 s0, $0x1F;
	v6 =	vsel vm12, s7, v6  }
0xa1: {  	s9 =	sadd.s32 s13, s9;
	s19 =	sshra.s32 s21, $0x1F;
	v8 =	vsel vm1, s4, v8;
	s4 =	sld [smem:$0x7FA];
	v6 =	vsel vm1, s3, v6  }
0xa2: {  	vm3 =	vcmask $0x2F2C;
	s21 =	sshrl.u32 s16, $0x1F;
	s13 =	sshrl.u32 s9, $0x1F;
	s3 =	smul.u32 $0x51EB851F, s19;
	v6 =	vsel vm13, s0, v6  }
0xa3: {  	v7 =	vsel vm2, s30, v7;
	v8 =	vsel vm2, s21, v8;
	s19 =	sshra.s32 s16, $0x1F;
	v6 =	vsel vm2, s12, v6;
	s12 =	sshra.s32 s14, $0x7;
	s14 =	sld [smem:$0x7FB]  }
0xa4: {  	v7 =	vcombine.low v9, v7;
	s21 =	sshra.s32 s1, $0x7;
	v8 =	vsel vm5, s10, v8;
	s10 =	sshra.s32 s4, $0x7;
	s7 =	sadd.s32 s3, s18;
	v6 =	vsel vm14, s19, v6  }
0xa5: {  	v8 =	vsel vm6, s13, v8;
	s13 =	sshra.s32 s1, $0x1F;
	v58 =	vmov s10;
	s20 =	sshrl.u32 s7, $0x1F;
	v6 =	vsel vm5, s21, v6  }
0xa6: {  	s15 =	sshra.s32 s15, $0x7;
	s16 =	sshra.s32 s9, $0x7;
	v10 =	vmov s12;
	v8 =	vsel vm7, s20, v8;
	s1 =	sshra.s32 s14, $0x7;
	v6 =	vsel vm15, s13, v6  }
0xa7: {  	s18 =	sshra.s32 s8, $0x7;
	s19 =	sshra.s32 s9, $0x1F;
	v10 =	vsel vm0, s15, v10;
	v9 =	vsel vm0, s1, v58;
	s1 =	sshra.s32 s17, $0x7;
	v6 =	vsel vm6, s16, v6  }
0xa8: {  	v59 =	vld [tilespmem:$0x1FFE0];
	s20 =	sshra.s32 s23, $0x7;
	s21 =	sshra.s32 s22, $0x7;
	s22 =	sshra.s32 s7, $0x7;
	v10 =	vsel vm1, s18, v10;
	v9 =	vsel vm1, s1, v9;
	v6 =	vsel vm3, s19, v6  }
0xa9: {  	s3 =	sshra.s32 s7, $0x1F;
	s23 =	sshrl.u32 s11, $0x1F;
	v10 =	vsel vm2, s21, v10;
	v9 =	vsel vm2, s20, v9;
	v6 =	vsel vm7, s22, v6  }
0xaa: {  	s4 =	sshra.s32 s11, $0x7;
	v8 =	vsel vm8, s23, v8;
	v9 =	vcombine.low v10, v9;
	v6 =	vsel vm4, s3, v6  }
0xab: {  	v7 =	vperm.xlane v7, v1;
	v8 =	vperm.xlane v8, v3;
	v6 =	vsel vm8, s4, v6  }
0xac: {  	v9 =	vperm.xlane v9, v1;
	v6 =	vperm.xlane v6, v3  }
0xad: {  	vm9 =	vnez.u8 v59  }
0xae: {  	v7 =	vsel vm9, v8, v7;
	v6 =	vsel vm9, v6, v9  }
0xaf: {  	v6 =	vadd.s32 v7, v6  }
0xb0: {  	v7 =	vmul.u32 $0xFFFFFE70, v6  }
0xb1: {  	v60 =	vsub.s32 $0x0, v5  }
0xb2: {  	vm9 =	vlt.s32 v5, $0x1;
	vm10 =	vne.s32 v7, v60  }
0xb3: {  	vm9 =	vmand vm9, vm10  }
0xb4: {  	v7 =	vsel vm9, $0xFFFFFFFF, v4  }
0xb5: {  	v6 =	vadd.s32 v7, v6  }
0xb6: {  	v7 =	vshra.s32 v6, $0x1F;
	v61 =	vand.u32 $0x1F, v6  }
0xb7: {  	vm9 =	vlt.s32 v6, $0x1;
	v7 =	vshrl.u32 v7, $0x1B;
	vm10 =	vne.s32 v61, $0x0  }
0xb8: {  	v7 =	vadd.s32 v7, v6;
	vm9 =	vmand vm9, vm10  }
0xb9: {  	v7 =	vshrl.u32 v7, $0x5;
	v63 =	vsel vm9, $0x1, v4  }
0xba: {  	v7 =	vsub.s32 v63, v7  }
0xbb: {  	s7 =	rddreg [dreg:$0x1f];
	v7 =	vshll.u32 v7, $0x5  }
0xbc: {  	v62 =	vld [tilespmem:s7+$0x1000];
	v6 =	vadd.s32 v6, v7  }
0xbd: {  	vm10 =	veq.s32 v6, v0;
	v6 =	vld [tilespmem:$0x1FFF0];
	_ =	sdelay $0x3  }
0xbe: {  	vm9 =	vgt.s32 v62, $0x0  }
0xbf: {  	vm9 =	vmand vm9, vm10;
	vm10 =	vnez.u8 v6  }
0xc0: {  	v5 =	vxor.u32 $0x80000000, v5;
	vm10 =	vmand vm9, vm10  }
0xc1: {  	v6 =	vnsel vm10, $0xC0000000, v5  }
0xc2: {  	(xrf0) =	vmin.scan.msk.u32 $0xffff, v6;
	_ =	sdelay $0x4  }
0xc3: {  	vm10 =	vmand vm9, vm11  }
0xc4: {  	v7 =	vnsel vm10, $0xC0000000, v5;
	v6, _, _ =	vpop (xrf0)  }
0xc5: {  	(xrf0) =	vmin.scan.msk.u32 $0xffff, v7;
	(v2sf) =	vpush v6, $0xF;
	_ =	sdelay $0x5  }
0xc6: {  	vm10 =	vmand vm9, vm0;
	v6, _, _ =	vpop (xrf0)  }
0xc7: {  	v7 =	vnsel vm10, $0xC0000000, v5;
	(v2sf) =	vpush v6, $0xF  }
0xc8: {  	(xrf0) =	vmin.scan.msk.u32 $0xffff, v7;
	_ =	sdelay $0x5  }
0xc9: {  	vm10 =	vmand vm9, vm12;
	v6, _, _ =	vpop (xrf0)  }
0xca: {  	v7 =	vnsel vm10, $0xC0000000, v5;
	(v2sf) =	vpush v6, $0xF;
	s8 =	spop (v2sf)  }
0xcb: {  	s31 =	sld [smem:$0x7F9];
	(xrf0) =	vmin.scan.msk.u32 $0xffff, v7;
	s1 =	sxor.u32 $0x80000000, s8  }
0xcc: {  	p2 =	sgt.s32 s1, $0x3FFFFFFF  }
0xcd: {  	s0 =	sshll.u32 @!p2 s29, $0x8  }
0xce: {  	s4 =	rddreg [dreg:$0x4];
	s3 =	sshll.u32 @!p2 s31, $0x7;
	s0 =	sshra.s32 @!p2 s0, $0x2  }
0xcf: {  	s3 =	sadd.s32 @!p2 s4, s3;
	s4 =	simm.s32 @!p2 $0x0;
	s0 =	sadd.s32 @!p2 $0x2000, s0  }
0xd0: {  	[tilespmem:s0], [sflag:$0x1] =	stream.linear.gather @!p2 [hbm4b:s3+s4], $0x40, $0x38;
	[tilespmem:$0x12900] =	vst v63  }
0xd1: {  	vm10 =	vmand vm9, vm1;
	v6, _, _ =	vpop (xrf0);
	p1 =	slt.s32 s1, $0x40000000;
	v7 =	vmov @!p2 s29;
	s0 =	simm.s32 $0x1;
	s9 =	spop (v2sf)  }
0xd2: {  	(v2sf) =	vpush v6, $0xF;
	v6 =	vnsel vm10, $0xC0000000, v5;
	s0 =	simm.s32 @!p1 $0x0;
	s3 =	sxor.u32 $0x80000000, s9  }
0xd3: {  	(xrf0) =	vmin.scan.msk.u32 $0xffff, v6;
	s7 =	sadd.s32 s0, s29;
	p1 =	sgt.s32 s3, $0x3FFFFFFF  }
0xd4: {  	s4 =	sshll.u32 @!p1 s7, $0x8  }
0xd5: {  	v6 =	vmov @!p2 s1;
	s1 =	simm.s32 @!p2 $0x6000;
	s4 =	sshra.s32 @!p1 s4, $0x2  }
0xd6: {  	[tilespmem:v7+s1+$0x0] =	vst.idx.msk @!p2 $0x1, v6;
	s8 =	sshll.u32 @!p1 s31, $0x7;
	s1 =	sadd.s32 @!p1 $0x2000, s4;
	s4 =	rddreg [dreg:$0x6]  }
0xd7: {  	s4 =	sadd.s32 @!p1 s8, s4;
	s8 =	simm.s32 @!p1 $0x0  }
0xd8: {  	[tilespmem:s1], [sflag:$0x1] =	stream.linear.gather @!p1 [hbm4b:s4+s8], $0x40, $0x38;
	[tilespmem:$0x12900] =	vst v63  }
0xd9: {  	vm10 =	vmand vm9, vm13;
	p2 =	slt.s32 s3, $0x40000000;
	v8 =	vmov @!p1 s7;
	v6, _, _ =	vpop (xrf0);
	s10 =	spop (v2sf);
	s4 =	simm.s32 $0x1  }
0xda: {  	v7 =	vnsel vm10, $0xC0000000, v5;
	(v2sf) =	vpush v6, $0xF;
	s1 =	sxor.u32 $0x80000000, s10;
	s4 =	simm.s32 @!p2 $0x0  }
0xdb: {  	(xrf0) =	vmin.scan.msk.u32 $0xffff, v7;
	p2 =	sgt.s32 s1, $0x3FFFFFFF;
	s8 =	sadd.s32 s4, s7  }
0xdc: {  	s7 =	sshll.u32 @!p2 s8, $0x8  }
0xdd: {  	v6 =	vmov @!p1 s3;
	s3 =	simm.s32 @!p1 $0x6000;
	s7 =	sshra.s32 @!p2 s7, $0x2  }
0xde: {  	[tilespmem:v8+s3+$0x0] =	vst.idx.msk @!p1 $0x1, v6;
	s9 =	sshll.u32 @!p2 s31, $0x7;
	s3 =	sadd.s32 @!p2 $0x2000, s7;
	s7 =	rddreg [dreg:$0x7]  }
0xdf: {  	s7 =	sadd.s32 @!p2 s9, s7;
	s9 =	simm.s32 @!p2 $0x0  }
0xe0: {  	vm10 =	vmand vm9, vm2;
	[tilespmem:s3], [sflag:$0x1] =	stream.linear.gather @!p2 [hbm4b:s7+s9], $0x40, $0x38;
	[tilespmem:$0x12900] =	vst v63  }
0xe1: {  	v7 =	vnsel vm10, $0xC0000000, v5;
	p1 =	slt.s32 s1, $0x40000000;
	v6, _, _ =	vpop (xrf0);
	v8 =	vmov @!p2 s8;
	s11 =	spop (v2sf);
	s7 =	simm.s32 $0x1  }
0xe2: {  	(xrf0) =	vmin.scan.msk.u32 $0xffff, v7;
	(v2sf) =	vpush v6, $0xF;
	s3 =	sxor.u32 $0x80000000, s11;
	s7 =	simm.s32 @!p1 $0x0  }
0xe3: {  	p1 =	sgt.s32 s3, $0x3FFFFFFF;
	s9 =	sadd.s32 s7, s8  }
0xe4: {  	s8 =	sshll.u32 @!p1 s9, $0x8  }
0xe5: {  	v6 =	vmov @!p2 s1;
	s1 =	simm.s32 @!p2 $0x6000;
	s8 =	sshra.s32 @!p1 s8, $0x2  }
0xe6: {  	[tilespmem:v8+s1+$0x0] =	vst.idx.msk @!p2 $0x1, v6;
	s10 =	sshll.u32 @!p1 s31, $0x7;
	s1 =	sadd.s32 @!p1 $0x2000, s8;
	s8 =	rddreg [dreg:$0x8]  }
0xe7: {  	s8 =	sadd.s32 @!p1 s10, s8;
	s10 =	simm.s32 @!p1 $0x0  }
0xe8: {  	v6, _, _ =	vpop (xrf0);
	[tilespmem:s1], [sflag:$0x1] =	stream.linear.gather @!p1 [hbm4b:s8+s10], $0x40, $0x38;
	[tilespmem:$0x12900] =	vst v63  }
0xe9: {  	vm10 =	vmand vm9, vm14;
	p2 =	slt.s32 s3, $0x40000000;
	(v2sf) =	vpush v6, $0xF;
	v6 =	vmov @!p1 s9;
	s12 =	spop (v2sf);
	s8 =	simm.s32 $0x1  }
0xea: {  	v7 =	vnsel vm10, $0xC0000000, v5;
	s1 =	sxor.u32 $0x80000000, s12;
	s8 =	simm.s32 @!p2 $0x0  }
0xeb: {  	(xrf0) =	vmin.scan.msk.u32 $0xffff, v7;
	p2 =	sgt.s32 s1, $0x3FFFFFFF;
	s10 =	sadd.s32 s8, s9  }
0xec: {  	s9 =	sshll.u32 @!p2 s10, $0x8  }
0xed: {  	v7 =	vmov @!p1 s3;
	s3 =	simm.s32 @!p1 $0x6000;
	s9 =	sshra.s32 @!p2 s9, $0x2  }
0xee: {  	[tilespmem:v6+s3+$0x0] =	vst.idx.msk @!p1 $0x1, v7;
	s11 =	sshll.u32 @!p2 s31, $0x7;
	s3 =	sadd.s32 @!p2 $0x2000, s9;
	s9 =	rddreg [dreg:$0x9]  }
0xef: {  	s9 =	sadd.s32 @!p2 s11, s9;
	s11 =	simm.s32 @!p2 $0x0  }
0xf0: {  	[tilespmem:s3], [sflag:$0x1] =	stream.linear.gather @!p2 [hbm4b:s9+s11], $0x40, $0x38;
	[tilespmem:$0x12900] =	vst v63  }
0xf1: {  	vm10 =	vmand vm9, vm5;
	v6, _, _ =	vpop (xrf0);
	p1 =	slt.s32 s1, $0x40000000;
	v7 =	vmov @!p2 s10;
	s13 =	spop (v2sf);
	s9 =	simm.s32 $0x1  }
0xf2: {  	(v2sf) =	vpush v6, $0xF;
	v6 =	vnsel vm10, $0xC0000000, v5;
	s3 =	sxor.u32 $0x80000000, s13;
	s9 =	simm.s32 @!p1 $0x0  }
0xf3: {  	(xrf0) =	vmin.scan.msk.u32 $0xffff, v6;
	p1 =	sgt.s32 s3, $0x3FFFFFFF;
	s11 =	sadd.s32 s9, s10  }
0xf4: {  	s10 =	sshll.u32 @!p1 s11, $0x8  }
0xf5: {  	v6 =	vmov @!p2 s1;
	s1 =	simm.s32 @!p2 $0x6000;
	s10 =	sshra.s32 @!p1 s10, $0x2  }
0xf6: {  	[tilespmem:v7+s1+$0x0] =	vst.idx.msk @!p2 $0x1, v6;
	s12 =	sshll.u32 @!p1 s31, $0x7;
	s1 =	sadd.s32 @!p1 $0x2000, s10;
	s10 =	rddreg [dreg:$0xa]  }
0xf7: {  	s10 =	sadd.s32 @!p1 s12, s10;
	s12 =	simm.s32 @!p1 $0x0  }
0xf8: {  	[tilespmem:s1], [sflag:$0x1] =	stream.linear.gather @!p1 [hbm4b:s10+s12], $0x40, $0x38;
	[tilespmem:$0x12900] =	vst v63  }
0xf9: {  	vm10 =	vmand vm9, vm15;
	p2 =	slt.s32 s3, $0x40000000;
	v6, _, _ =	vpop (xrf0);
	v8 =	vmov @!p1 s11;
	s14 =	spop (v2sf);
	s10 =	simm.s32 $0x1  }
0xfa: {  	v7 =	vnsel vm10, $0xC0000000, v5;
	(v2sf) =	vpush v6, $0xF;
	s1 =	sxor.u32 $0x80000000, s14;
	s10 =	simm.s32 @!p2 $0x0  }
0xfb: {  	(xrf0) =	vmin.scan.msk.u32 $0xffff, v7;
	p2 =	sgt.s32 s1, $0x3FFFFFFF;
	s12 =	sadd.s32 s10, s11  }
0xfc: {  	s11 =	sshll.u32 @!p2 s12, $0x8  }
0xfd: {  	v6 =	vmov @!p1 s3;
	s3 =	simm.s32 @!p1 $0x6000;
	s11 =	sshra.s32 @!p2 s11, $0x2  }
0xfe: {  	[tilespmem:v8+s3+$0x0] =	vst.idx.msk @!p1 $0x1, v6;
	s13 =	sshll.u32 @!p2 s31, $0x7;
	s3 =	sadd.s32 @!p2 $0x2000, s11;
	s11 =	rddreg [dreg:$0xb]  }
0xff: {  	s11 =	sadd.s32 @!p2 s13, s11;
	s13 =	simm.s32 @!p2 $0x0  }
0x100: {  	vm10 =	vmand vm9, vm6;
	[tilespmem:s3], [sflag:$0x1] =	stream.linear.gather @!p2 [hbm4b:s11+s13], $0x40, $0x38;
	[tilespmem:$0x12900] =	vst v63  }
0x101: {  	v7 =	vnsel vm10, $0xC0000000, v5;
	v6, _, _ =	vpop (xrf0);
	p1 =	slt.s32 s1, $0x40000000;
	v8 =	vmov @!p2 s12;
	s15 =	spop (v2sf);
	s11 =	simm.s32 $0x1  }
0x102: {  	(xrf0) =	vmin.scan.msk.u32 $0xffff, v7;
	(v2sf) =	vpush v6, $0xF;
	s3 =	sxor.u32 $0x80000000, s15;
	s11 =	simm.s32 @!p1 $0x0  }
0x103: {  	p1 =	sgt.s32 s3, $0x3FFFFFFF;
	s13 =	sadd.s32 s11, s12  }
0x104: {  	s12 =	sshll.u32 @!p1 s13, $0x8  }
0x105: {  	v6 =	vmov @!p2 s1;
	s1 =	simm.s32 @!p2 $0x6000;
	s12 =	sshra.s32 @!p1 s12, $0x2  }
0x106: {  	[tilespmem:v8+s1+$0x0] =	vst.idx.msk @!p2 $0x1, v6;
	s14 =	sshll.u32 @!p1 s31, $0x7;
	s1 =	sadd.s32 @!p1 $0x2000, s12;
	s12 =	rddreg [dreg:$0xc]  }
0x107: {  	s12 =	sadd.s32 @!p1 s14, s12;
	s14 =	simm.s32 @!p1 $0x0  }
0x108: {  	v6, _, _ =	vpop (xrf0);
	[tilespmem:s1], [sflag:$0x1] =	stream.linear.gather @!p1 [hbm4b:s12+s14], $0x40, $0x38;
	[tilespmem:$0x12900] =	vst v63  }
0x109: {  	vm10 =	vmand vm9, vm3;
	p2 =	slt.s32 s3, $0x40000000;
	(v2sf) =	vpush v6, $0xF;
	v6 =	vmov @!p1 s13;
	s16 =	spop (v2sf);
	s12 =	simm.s32 $0x1  }
0x10a: {  	v7 =	vnsel vm10, $0xC0000000, v5;
	s1 =	sxor.u32 $0x80000000, s16;
	s12 =	simm.s32 @!p2 $0x0  }
0x10b: {  	(xrf0) =	vmin.scan.msk.u32 $0xffff, v7;
	p2 =	sgt.s32 s1, $0x3FFFFFFF;
	s14 =	sadd.s32 s12, s13  }
0x10c: {  	s13 =	sshll.u32 @!p2 s14, $0x8  }
0x10d: {  	v7 =	vmov @!p1 s3;
	s3 =	simm.s32 @!p1 $0x6000;
	s13 =	sshra.s32 @!p2 s13, $0x2  }
0x10e: {  	[tilespmem:v6+s3+$0x0] =	vst.idx.msk @!p1 $0x1, v7;
	s15 =	sshll.u32 @!p2 s31, $0x7;
	s3 =	sadd.s32 @!p2 $0x2000, s13;
	s13 =	rddreg [dreg:$0xd]  }
0x10f: {  	s13 =	sadd.s32 @!p2 s15, s13;
	s15 =	simm.s32 @!p2 $0x0  }
0x110: {  	[tilespmem:s3], [sflag:$0x1] =	stream.linear.gather @!p2 [hbm4b:s13+s15], $0x40, $0x38;
	[tilespmem:$0x12900] =	vst v63  }
0x111: {  	vm10 =	vmand vm9, vm7;
	v6, _, _ =	vpop (xrf0);
	p1 =	slt.s32 s1, $0x40000000;
	v7 =	vmov @!p2 s14;
	s17 =	spop (v2sf);
	s13 =	simm.s32 $0x1  }
0x112: {  	(v2sf) =	vpush v6, $0xF;
	v6 =	vnsel vm10, $0xC0000000, v5;
	s3 =	sxor.u32 $0x80000000, s17;
	s13 =	simm.s32 @!p1 $0x0  }
0x113: {  	(xrf0) =	vmin.scan.msk.u32 $0xffff, v6;
	p1 =	sgt.s32 s3, $0x3FFFFFFF;
	s15 =	sadd.s32 s13, s14  }
0x114: {  	s14 =	sshll.u32 @!p1 s15, $0x8  }
0x115: {  	v6 =	vmov @!p2 s1;
	s1 =	simm.s32 @!p2 $0x6000;
	s14 =	sshra.s32 @!p1 s14, $0x2  }
0x116: {  	[tilespmem:v7+s1+$0x0] =	vst.idx.msk @!p2 $0x1, v6;
	s16 =	sshll.u32 @!p1 s31, $0x7;
	s1 =	sadd.s32 @!p1 $0x2000, s14;
	s14 =	rddreg [dreg:$0xe]  }
0x117: {  	s14 =	sadd.s32 @!p1 s16, s14;
	s16 =	simm.s32 @!p1 $0x0  }
0x118: {  	[tilespmem:s1], [sflag:$0x1] =	stream.linear.gather @!p1 [hbm4b:s14+s16], $0x40, $0x38;
	[tilespmem:$0x12900] =	vst v63  }
0x119: {  	vm10 =	vmand vm9, vm4;
	p2 =	slt.s32 s3, $0x40000000;
	v6, _, _ =	vpop (xrf0);
	v8 =	vmov @!p1 s15;
	s18 =	spop (v2sf);
	s14 =	simm.s32 $0x1  }
0x11a: {  	v7 =	vnsel vm10, $0xC0000000, v5;
	(v2sf) =	vpush v6, $0xF;
	s1 =	sxor.u32 $0x80000000, s18;
	s14 =	simm.s32 @!p2 $0x0  }
0x11b: {  	(xrf0) =	vmin.scan.msk.u32 $0xffff, v7;
	p2 =	sgt.s32 s1, $0x3FFFFFFF;
	s16 =	sadd.s32 s14, s15  }
0x11c: {  	s15 =	sshll.u32 @!p2 s16, $0x8  }
0x11d: {  	v6 =	vmov @!p1 s3;
	s3 =	simm.s32 @!p1 $0x6000;
	s15 =	sshra.s32 @!p2 s15, $0x2  }
0x11e: {  	[tilespmem:v8+s3+$0x0] =	vst.idx.msk @!p1 $0x1, v6;
	s17 =	sshll.u32 @!p2 s31, $0x7;
	s3 =	sadd.s32 @!p2 $0x2000, s15;
	s15 =	rddreg [dreg:$0xf]  }
0x11f: {  	s15 =	sadd.s32 @!p2 s17, s15;
	s17 =	simm.s32 @!p2 $0x0  }
0x120: {  	[tilespmem:s3], [sflag:$0x1] =	stream.linear.gather @!p2 [hbm4b:s15+s17], $0x40, $0x38;
	[tilespmem:$0x12900] =	vst v63  }
0x121: {  	vm10 =	vmand vm9, vm8;
	v7, _, _ =	vpop (xrf0);
	p1 =	slt.s32 s1, $0x40000000;
	v8 =	vmov @!p2 s16;
	s19 =	spop (v2sf);
	s15 =	simm.s32 $0x1  }
0x122: {  	v6 =	vnsel vm10, $0xC0000000, v5;
	(v2sf) =	vpush v7, $0xF;
	s3 =	sxor.u32 $0x80000000, s19;
	s15 =	simm.s32 @!p1 $0x0  }
0x123: {  	(xrf0) =	vmin.scan.msk.u32 $0xffff, v6;
	p1 =	sgt.s32 s3, $0x3FFFFFFF;
	s17 =	sadd.s32 s15, s16  }
0x124: {  	s16 =	sshll.u32 @!p1 s17, $0x8  }
0x125: {  	v6 =	vmov @!p2 s1;
	s1 =	simm.s32 @!p2 $0x6000;
	s16 =	sshra.s32 @!p1 s16, $0x2  }
0x126: {  	vm3 =	vcmask $0x3F3C;
	[tilespmem:v8+s1+$0x0] =	vst.idx.msk @!p2 $0x1, v6;
	s18 =	sshll.u32 @!p1 s31, $0x7;
	s1 =	sadd.s32 @!p1 $0x2000, s16;
	s16 =	rddreg [dreg:$0x10]  }
0x127: {  	vm9 =	vmand vm9, vm3;
	s16 =	sadd.s32 @!p1 s18, s16;
	s18 =	simm.s32 @!p1 $0x0  }
0x128: {  	v5 =	vnsel vm9, $0xC0000000, v5;
	[tilespmem:s1], [sflag:$0x1] =	stream.linear.gather @!p1 [hbm4b:s16+s18], $0x40, $0x38;
	[tilespmem:$0x12900] =	vst v63  }
0x129: {  	v6, _, _ =	vpop (xrf0);
	(xrf0) =	vmin.scan.msk.u32 $0xffff, v5;
	p2 =	slt.s32 s3, $0x40000000;
	v5 =	vmov @!p1 s17;
	s20 =	spop (v2sf);
	s16 =	simm.s32 $0x1  }
0x12a: {  	(v2sf) =	vpush v6, $0xF;
	s1 =	sxor.u32 $0x80000000, s20;
	s16 =	simm.s32 @!p2 $0x0  }
0x12b: {  	p2 =	sgt.s32 s1, $0x3FFFFFFF;
	s18 =	sadd.s32 s16, s17  }
0x12c: {  	s17 =	sshll.u32 @!p2 s18, $0x8  }
0x12d: {  	v6 =	vmov @!p1 s3;
	s3 =	simm.s32 @!p1 $0x6000;
	s17 =	sshra.s32 @!p2 s17, $0x2  }
0x12e: {  	[tilespmem:v5+s3+$0x0] =	vst.idx.msk @!p1 $0x1, v6;
	s19 =	sshll.u32 @!p2 s31, $0x7;
	s3 =	sadd.s32 @!p2 $0x2000, s17;
	s17 =	rddreg [dreg:$0x11]  }
0x12f: {  	v5, _, _ =	vpop (xrf0);
	s17 =	sadd.s32 @!p2 s19, s17;
	s19 =	simm.s32 @!p2 $0x0  }
0x130: {  	(v2sf) =	vpush v5, $0xF;
	[tilespmem:s3], [sflag:$0x1] =	stream.linear.gather @!p2 [hbm4b:s17+s19], $0x40, $0x38;
	[tilespmem:$0x12900] =	vst v63  }
0x131: {  	p1 =	slt.s32 s1, $0x40000000;
	v5 =	vmov @!p2 s18;
	s21 =	spop (v2sf);
	s17 =	simm.s32 $0x1  }
0x132: {  	s3 =	sxor.u32 $0x80000000, s21;
	s17 =	simm.s32 @!p1 $0x0  }
0x133: {  	p1 =	sgt.s32 s3, $0x3FFFFFFF;
	s19 =	sadd.s32 s17, s18  }
0x134: {  	s18 =	sshll.u32 @!p1 s19, $0x8  }
0x135: {  	v6 =	vmov @!p2 s1;
	s1 =	simm.s32 @!p2 $0x6000;
	s18 =	sshra.s32 @!p1 s18, $0x2  }
0x136: {  	[tilespmem:v5+s1+$0x0] =	vst.idx.msk @!p2 $0x1, v6;
	s20 =	sshll.u32 @!p1 s31, $0x7;
	s1 =	sadd.s32 @!p1 $0x2000, s18;
	s18 =	rddreg [dreg:$0x14]  }
0x137: {  	s18 =	sadd.s32 @!p1 s20, s18;
	s20 =	simm.s32 @!p1 $0x0  }
0x138: {  	v5 =	vmov @!p1 s19;
	[tilespmem:s1], [sflag:$0x1] =	stream.linear.gather @!p1 [hbm4b:s18+s20], $0x40, $0x38;
	[tilespmem:$0x12900] =	vst v63  }
0x139: {  	p2 =	slt.s32 s3, $0x40000000;
	s22 =	spop (v2sf);
	s18 =	simm.s32 $0x1  }
0x13a: {  	s1 =	sxor.u32 $0x80000000, s22;
	s18 =	simm.s32 @!p2 $0x0  }
0x13b: {  	p2 =	sgt.s32 s1, $0x3FFFFFFF;
	s19 =	sadd.s32 s18, s19  }
0x13c: {  	v6 =	vmov @!p1 s3;
	s3 =	simm.s32 @!p1 $0x6000;
	s20 =	sshll.u32 @!p2 s19, $0x8  }
0x13d: {  	[tilespmem:v5+s3+$0x0] =	vst.idx.msk @!p1 $0x1, v6;
	p1 =	slt.s32 s1, $0x40000000;
	v5 =	vmov @!p2 s19;
	s20 =	sshra.s32 @!p2 s20, $0x2  }
0x13e: {  	s21 =	sshll.u32 @!p2 s31, $0x7;
	s3 =	sadd.s32 @!p2 $0x2000, s20;
	s20 =	rddreg [dreg:$0x15]  }
0x13f: {  	s23 =	spop (v2sf);
	s20 =	sadd.s32 @!p2 s21, s20;
	s21 =	simm.s32 @!p2 $0x0  }
0x140: {  	[tilespmem:s3], [sflag:$0x1] =	stream.linear.gather @!p2 [hbm4b:s20+s21], $0x40, $0x38;
	[tilespmem:$0x12900] =	vst v63  }
0x141: {  	v6 =	vmov @!p2 s1;
	s1 =	simm.s32 @!p2 $0x6000;
	s21 =	simm.s32 $0x1;
	s3 =	sxor.u32 $0x80000000, s23  }
0x142: {  	s22 =	simm.s32 $0x1;
	s21 =	simm.s32 @!p1 $0x0;
	[tilespmem:v5+s1+$0x0] =	vst.idx.msk @!p2 $0x1, v6;
	p2 =	slt.s32 s3, $0x40000000  }
0x143: {  	p1 =	sgt.s32 s3, $0x3FFFFFFF;
	s23 =	sadd.s32 s21, s19;
	s22 =	simm.s32 @!p2 $0x0  }
0x144: {  	[smem:$0x7FD] =	sst s29;
	s19 =	sshll.u32 @!p1 s23, $0x8;
	s29 =	sadd.s32 s22, s23  }
0x145: {  	s20 =	sshll.u32 @!p1 s31, $0x7;
	v5 =	vmov @!p1 s23;
	s19 =	sshra.s32 @!p1 s19, $0x2;
	p2 =	slt.s32 s29, $0xF0  }
.Ltmp5:
0x146: {  	s1 =	sadd.s32 @!p1 $0x2000, s19;
	s19 =	rddreg [dreg:$0x16];
	(pc) =	sbr.rel @p2 .LBB2_9-.Ltmp5, $4  }
0x147: {  	s19 =	sadd.s32 @!p1 s20, s19;
	s20 =	simm.s32 @!p1 $0x0  }
0x148: {  	[tilespmem:s1], [sflag:$0x1] =	stream.linear.gather @!p1 [hbm4b:s19+s20], $0x40, $0x38;
	[tilespmem:$0x12900] =	vst v63  }
0x149: {  	v6 =	vmov @!p1 s3;
	s1 =	simm.s32 @!p1 $0x6000  }
0x14a: {  	s30 =	smov.u32 s31;
	[tilespmem:v5+s1+$0x0] =	vst.idx.msk @!p1 $0x1, v6  }
0x14b: {  	s0 =	simm.s32 $0x0  }
0x14c: {  	s4 =	sadd.s32 $0x1, s0  }
0x14d: {  	p1 =	slt.s32 s4, s29  }
.Ltmp6:
0x14e: {  	_ = 	snop;
	(pc) =	sbr.rel @!p1 .LBB2_7-.Ltmp6, $3  }
0x14f: {  	_ =	sdelay $0x1  }
0x150: {  	_ =	swait.ge [sflag:s28], $0x40  }
0x151: {  	[sflag:s28] =	ssyncset.done $0x0;
	s0 =	simm.s32 $0x2000  }
.LBB2_6:
0x152: {  	s4 =	sadd.s32 $0x1, s4  }
0x153: {  	[sflag:s28] =	ssyncadd.s32 $0xFFFFFFC0;
	p1 =	slt.s32 s4, s29  }
.Ltmp7:
0x154: {  	(pc) =	sbr.rel @p1 .LBB2_6-.Ltmp7, $3  }
0x155: {  	_ =	sdelay $0x1  }
0x156: {  	_ =	swait.ge [sflag:s28], $0x40  }
0x157: {  	[sflag:s28] =	ssyncset.done $0x0  }
.LBB2_7:
0x158: {  	s1 =	simm.s32 $0x0  }
0x159: {  	[sflag:s28] =	ssyncadd.s32 $0xFFFFFFC0;
	s3 =	sand.u32 $0x7FFFFFF0, s1  }
0x15a: {  	v5 =	vld [tilespmem:s3+$0x6000];
	_ =	sdelay $0x2  }
0x15b: {  	s1 =	sand.u32 $0xF, s1  }
0x15c: {  	v6 =	vmov s1  }
0x15d: {  	vm9 =	veq.s32 v6, v2;
	v5 =	vxor.u32 $0x80000000, v5  }
0x15e: {  	v5 =	vnsel vm9, $0xC0000000, v5  }
0x15f: {  	(xrf0) =	vmin.scan.msk.u32 $0xffff, v5;
	_ =	sdelay $0x5  }
0x160: {  	v5, _, _ =	vpop (xrf0)  }
0x161: {  	(v2sf) =	vpush v5, $0xF;
	_ =	sdelay $0xb  }
0x162: {  	p2 =	sgt.s32 s29, $0x1  }
.Ltmp8:
0x163: {  	_ = 	snop;
	(pc) =	sbr.rel @!p2 .LBB2_8-.Ltmp8, $4  }
0x164: {  	_ = 	snop  }
0x165: {  	s31 =	spop (v2sf)  }
0x166: {  	s1 =	sshll.u32 s31, $0x3  }
0x167: {  	s4 =	simm.s32 $0x1;
	p1 =	por $0x0, $0x0;
	s8 =	sand.u32 $0x1FFFFFF8, s1  }
0x168: {  	s1 =	sand.u32 $0x7FFFFFF0, s4;
	s3 =	sadd.s32 s6, s8  }
0x169: {  	[hbm4b:s3+s2] =	stream.linear.scatter [tilespmem:s0], [sflag:$0x1], $0x40, $0x38;
	[tilespmem:$0x12900] =	vst v63  }
0x16a: {  	v5 =	vld [tilespmem:s1+$0x6000];
	_ =	sdelay $0x2  }
0x16b: {  	s23 =	sand.u32 $0xF, s4  }
0x16c: {  	v6 =	vmov s23  }
0x16d: {  	vm9 =	veq.s32 v6, v2;
	v5 =	vxor.u32 $0x80000000, v5  }
0x16e: {  	v5 =	vnsel vm9, $0xC0000000, v5  }
0x16f: {  	(xrf0) =	vmin.scan.msk.u32 $0xffff, v5;
	_ =	sdelay $0x5  }
0x170: {  	v5, _, _ =	vpop (xrf0)  }
0x171: {  	(v2sf) =	vpush v5, $0xF;
	_ =	sdelay $0xb  }
0x172: {  	p2 =	sgt.s32 s29, $0x2  }
.Ltmp9:
0x173: {  	_ = 	snop;
	(pc) =	sbr.rel @!p2 .LBB2_16-.Ltmp9, $4  }
0x174: {  	_ = 	snop  }
0x175: {  	s31 =	spop (v2sf)  }
0x176: {  	s7 =	simm.s32 $0x2;
	s1 =	sshll.u32 s31, $0x3  }
0x177: {  	p1 =	por $0x1, $0x1;
	s4 =	smov.u32 s0;
	s8 =	sand.u32 $0x1FFFFFF8, s1  }
.LBB2_17:
0x178: {  	s1 =	sand.u32 $0x7FFFFFF0, s7;
	s3 =	sadd.s32 s6, s8;
	s4 =	sadd.s32 $0x40, s4  }
0x179: {  	[hbm4b:s3+s2] =	stream.linear.scatter [tilespmem:s4], [sflag:$0x1], $0x40, $0x38;
	[tilespmem:$0x12900] =	vst v63  }
0x17a: {  	v5 =	vld [tilespmem:s1+$0x6000];
	s1 =	smov.u32 s7;
	s7 =	sadd.s32 $0x1, s7  }
0x17b: {  	p2 =	slt.s32 s7, s29;
	_ =	sdelay $0x1  }
0x17c: {  	s1 =	sand.u32 $0xF, s1  }
0x17d: {  	v6 =	vmov s1  }
0x17e: {  	vm9 =	veq.s32 v6, v2;
	v5 =	vxor.u32 $0x80000000, v5  }
0x17f: {  	v5 =	vnsel vm9, $0xC0000000, v5  }
0x180: {  	(xrf0) =	vmin.scan.msk.u32 $0xffff, v5;
	_ =	sdelay $0x5  }
0x181: {  	v5, _, _ =	vpop (xrf0)  }
0x182: {  	(v2sf) =	vpush v5, $0xF;
	_ =	sdelay $0xc  }
.Ltmp10:
0x183: {  	(pc) =	sbr.rel @p2 .LBB2_17-.Ltmp10, $4  }
0x184: {  	_ = 	snop  }
0x185: {  	s1 =	spop (v2sf)  }
0x186: {  	s1 =	sshll.u32 s1, $0x3  }
0x187: {  	s8 =	sand.u32 $0x1FFFFFF8, s1  }
.LBB2_18:
0x188: {  	s1 =	sadd.s32 @p1 $0x40, s4  }
0x189: {  	s0 =	smov.u32 @p1 s1;
	p1 =	seq.s32 s29, $0x1  }
.Ltmp11:
0x18a: {  	_ = 	snop;
	(pc) =	sbr.rel @p1 .LBB2_20-.Ltmp11, $4  }
0x18b: {  	s3 =	sadd.s32 s6, s8  }
0x18c: {  	[hbm4b:s3+s2] =	stream.linear.scatter [tilespmem:s0], [sflag:$0x1], $0x40, $0x38;
	[tilespmem:$0x12900] =	vst v63  }
0x18d: {  	_ =	swait.ge [sflag:s28], $0x40  }
0x18e: {  	s0 =	sadd.s32 $0xFFFFFFFF, s29;
	[sflag:s28] =	ssyncset.done $0x0  }
.LBB2_19:
0x18f: {  	p1 =	seq.s32 s0, $0x1;
	s0 =	sadd.s32 $0xFFFFFFFF, s0;
	[sflag:s28] =	ssyncadd.s32 $0xFFFFFFC0  }
.Ltmp12:
0x190: {  	(pc) =	sbr.rel @!p1 .LBB2_19-.Ltmp12, $3  }
0x191: {  	_ =	sdelay $0x1  }
0x192: {  	_ =	swait.ge [sflag:s28], $0x40  }
0x193: {  	[sflag:s28] =	ssyncset.done $0x0  }
.LBB2_20:
0x194: {  	s30 =	sadd.s32 $0x1, s30  }
0x195: {  	p1 =	seq.s32 s30, $0x100  }
.Ltmp13:
0x196: {  	_ = 	snop;
	(pc) =	sbr.rel @!p1 .LBB2_4-.Ltmp13, $4  }
.Ltmp14:
0x197: {  	_ = 	snop;
	(pc) =	sbr.rel @p1 .LBB2_27-.Ltmp14, $4  }
0x198: {  	_ = 	snop  }
0x199: {  	_ = 	snop  }
0x19a: {  	[sflag:s28] =	ssyncadd.s32 $0xFFFFFFC0;
	s29 =	simm.s32 $0x0;
	s1 =	smov.u32 s30  }
0x19b: {  	_ = 	snop  }
.LBB2_8:
.Ltmp15:
0x19c: {  	(pc) =	sbr.rel .LBB2_18-.Ltmp15, $2  }
0x19d: {  	_ =	sdelay $0x2  }
0x19e: {  	s4 =	smov.u32 s0  }
.LBB2_16:
.Ltmp16:
0x19f: {  	(pc) =	sbr.rel .LBB2_18-.Ltmp16, $2  }
0x1a0: {  	_ =	sdelay $0x2  }
0x1a1: {  	s4 =	smov.u32 s0  }
.LBB2_10:
0x1a2: {  	p1 =	slt.s32 s29, $0x1  }
.Ltmp17:
0x1a3: {  	_ = 	snop;
	(pc) =	sbr.rel @p1 .LBB2_27-.Ltmp17, $1  }
0x1a4: {  	_ =	sdelay $0x3  }
0x1a5: {  	s29 =	sadd.s32 s22, s23  }
0x1a6: {  	p1 =	sne.s32 s29, $0x1  }
.Ltmp18:
0x1a7: {  	_ = 	snop;
	(pc) =	sbr.rel @!p1 .LBB2_13-.Ltmp18, $3  }
0x1a8: {  	_ =	sdelay $0x1  }
0x1a9: {  	_ =	swait.ge [sflag:s28], $0x40  }
0x1aa: {  	s23 =	sadd.s32 $0xFFFFFFFF, s29;
	[sflag:s28] =	ssyncset.done $0x0  }
.LBB2_12:
0x1ab: {  	p2 =	sne.s32 s23, $0x1;
	s23 =	sadd.s32 $0xFFFFFFFF, s23;
	[sflag:s28] =	ssyncadd.s32 $0xFFFFFFC0  }
.Ltmp19:
0x1ac: {  	(pc) =	sbr.rel @p2 .LBB2_12-.Ltmp19, $3  }
0x1ad: {  	_ =	sdelay $0x1  }
0x1ae: {  	_ =	swait.ge [sflag:s28], $0x40  }
0x1af: {  	[sflag:s28] =	ssyncset.done $0x0  }
.LBB2_13:
0x1b0: {  	s1 =	simm.s32 $0x0  }
0x1b1: {  	[sflag:s28] =	ssyncadd.s32 $0xFFFFFFC0;
	s3 =	sand.u32 $0x7FFFFFF0, s1  }
0x1b2: {  	v5 =	vld [tilespmem:s3+$0x6000];
	_ =	sdelay $0x2  }
0x1b3: {  	s1 =	sand.u32 $0xF, s1  }
0x1b4: {  	v6 =	vmov s1  }
0x1b5: {  	vm9 =	veq.s32 v6, v2;
	v5 =	vxor.u32 $0x80000000, v5  }
0x1b6: {  	v5 =	vnsel vm9, $0xC0000000, v5  }
0x1b7: {  	s30 =	sld [smem:$0x7FD];
	(xrf0) =	vmin.scan.msk.u32 $0xffff, v5;
	_ =	sdelay $0x2  }
0x1b8: {  	s1 =	sadd.s32 s4, s30  }
0x1b9: {  	s1 =	sadd.s32 s7, s1  }
0x1ba: {  	s1 =	sadd.s32 s8, s1  }
0x1bb: {  	s1 =	sadd.s32 s9, s1;
	v5, _, _ =	vpop (xrf0)  }
0x1bc: {  	s1 =	sadd.s32 s10, s1;
	(v2sf) =	vpush v5, $0xF  }
0x1bd: {  	s1 =	sadd.s32 s11, s1  }
0x1be: {  	s1 =	sadd.s32 s12, s1  }
0x1bf: {  	s1 =	sadd.s32 s13, s1  }
0x1c0: {  	s1 =	sadd.s32 s14, s1  }
0x1c1: {  	s1 =	sadd.s32 s15, s1  }
0x1c2: {  	s1 =	sadd.s32 s16, s1  }
0x1c3: {  	s1 =	sadd.s32 s17, s1  }
0x1c4: {  	s1 =	sadd.s32 s18, s1  }
0x1c5: {  	s1 =	sadd.s32 s21, s1  }
0x1c6: {  	s1 =	sadd.s32 s22, s1  }
0x1c7: {  	s4 =	sadd.s32 s0, s1  }
0x1c8: {  	p3 =	sne.s32 s4, $0x1  }
.Ltmp20:
0x1c9: {  	_ = 	snop;
	(pc) =	sbr.rel @!p3 .LBB2_14-.Ltmp20, $4  }
0x1ca: {  	_ = 	snop  }
0x1cb: {  	s31 =	spop (v2sf)  }
0x1cc: {  	p2 =	por $0x0, $0x0;
	s1 =	sshll.u32 s31, $0x3  }
0x1cd: {  	s7 =	simm.s32 $0x1;
	s0 =	simm.s32 $0x2000;
	s9 =	sand.u32 $0x1FFFFFF8, s1  }
0x1ce: {  	s1 =	sand.u32 $0x7FFFFFF0, s7;
	s3 =	sadd.s32 s6, s9  }
0x1cf: {  	[hbm4b:s3+s2] =	stream.linear.scatter [tilespmem:s0], [sflag:$0x1], $0x40, $0x38;
	[tilespmem:$0x12900] =	vst v63  }
0x1d0: {  	v5 =	vld [tilespmem:s1+$0x6000];
	_ =	sdelay $0x2  }
0x1d1: {  	s30 =	sand.u32 $0xF, s7  }
0x1d2: {  	v6 =	vmov s30  }
0x1d3: {  	vm9 =	veq.s32 v6, v2;
	v5 =	vxor.u32 $0x80000000, v5  }
0x1d4: {  	v5 =	vnsel vm9, $0xC0000000, v5  }
0x1d5: {  	(xrf0) =	vmin.scan.msk.u32 $0xffff, v5;
	_ =	sdelay $0x5  }
0x1d6: {  	v5, _, _ =	vpop (xrf0)  }
0x1d7: {  	(v2sf) =	vpush v5, $0xF;
	_ =	sdelay $0xb  }
0x1d8: {  	p3 =	sne.s32 s4, $0x2  }
.Ltmp21:
0x1d9: {  	_ = 	snop;
	(pc) =	sbr.rel @!p3 .LBB2_22-.Ltmp21, $4  }
0x1da: {  	_ = 	snop  }
0x1db: {  	s31 =	spop (v2sf)  }
0x1dc: {  	s8 =	simm.s32 $0x2;
	s1 =	sshll.u32 s31, $0x3  }
0x1dd: {  	p2 =	por $0x1, $0x1;
	s7 =	simm.s32 $0x2000;
	s9 =	sand.u32 $0x1FFFFFF8, s1  }
.LBB2_23:
0x1de: {  	s1 =	sand.u32 $0x7FFFFFF0, s8;
	s3 =	sadd.s32 s6, s9;
	s7 =	sadd.s32 $0x40, s7  }
0x1df: {  	[hbm4b:s3+s2] =	stream.linear.scatter [tilespmem:s7], [sflag:$0x1], $0x40, $0x38;
	[tilespmem:$0x12900] =	vst v63  }
0x1e0: {  	v5 =	vld [tilespmem:s1+$0x6000];
	s1 =	smov.u32 s8;
	s8 =	sadd.s32 $0x1, s8  }
0x1e1: {  	p3 =	sne.s32 s4, s8;
	_ =	sdelay $0x1  }
0x1e2: {  	s1 =	sand.u32 $0xF, s1  }
0x1e3: {  	v6 =	vmov s1  }
0x1e4: {  	vm9 =	veq.s32 v6, v2;
	v5 =	vxor.u32 $0x80000000, v5  }
0x1e5: {  	v5 =	vnsel vm9, $0xC0000000, v5  }
0x1e6: {  	(xrf0) =	vmin.scan.msk.u32 $0xffff, v5;
	_ =	sdelay $0x5  }
0x1e7: {  	v5, _, _ =	vpop (xrf0)  }
0x1e8: {  	(v2sf) =	vpush v5, $0xF;
	_ =	sdelay $0xc  }
.Ltmp22:
0x1e9: {  	(pc) =	sbr.rel @p3 .LBB2_23-.Ltmp22, $4  }
0x1ea: {  	_ = 	snop  }
0x1eb: {  	s1 =	spop (v2sf)  }
0x1ec: {  	s1 =	sshll.u32 s1, $0x3  }
0x1ed: {  	s9 =	sand.u32 $0x1FFFFFF8, s1  }
.LBB2_24:
.Ltmp23:
0x1ee: {  	s1 =	sadd.s32 @p2 $0x40, s7;
	(pc) =	sbr.rel @!p1 .LBB2_26-.Ltmp23, $4  }
0x1ef: {  	s3 =	sadd.s32 s6, s9;
	s0 =	smov.u32 @p2 s1  }
0x1f0: {  	[hbm4b:s3+s2] =	stream.linear.scatter [tilespmem:s0], [sflag:$0x1], $0x40, $0x38;
	[tilespmem:$0x12900] =	vst v63  }
0x1f1: {  	_ =	swait.ge [sflag:s28], $0x40  }
0x1f2: {  	s0 =	sadd.s32 $0xFFFFFFFF, s29;
	[sflag:s28] =	ssyncset.done $0x0  }
.LBB2_25:
0x1f3: {  	p1 =	sne.s32 s0, $0x1;
	s0 =	sadd.s32 $0xFFFFFFFF, s0;
	[sflag:s28] =	ssyncadd.s32 $0xFFFFFFC0  }
.Ltmp24:
0x1f4: {  	(pc) =	sbr.rel @p1 .LBB2_25-.Ltmp24, $3  }
0x1f5: {  	_ =	sdelay $0x1  }
0x1f6: {  	_ =	swait.ge [sflag:s28], $0x40  }
0x1f7: {  	[sflag:s28] =	ssyncset.done $0x0  }
.Ltmp25:
0x1f8: {  	_ = 	snop;
	(pc) =	sbr.rel .LBB2_26-.Ltmp25, $1  }
0x1f9: {  	_ =	sdelay $0x3  }
.LBB2_14:
.Ltmp26:
0x1fa: {  	(pc) =	sbr.rel .LBB2_24-.Ltmp26, $2  }
0x1fb: {  	_ =	sdelay $0x2  }
0x1fc: {  	s7 =	simm.s32 $0x2000  }
.LBB2_22:
.Ltmp27:
0x1fd: {  	(pc) =	sbr.rel .LBB2_24-.Ltmp27, $2  }
0x1fe: {  	_ =	sdelay $0x2  }
0x1ff: {  	s7 =	simm.s32 $0x2000  }
.LBB2_28:
0x200: {  	_ =	sfence.sel $0x180000  }
0x201: {  	[bflag:$0x0] =	sbarrier.arrive $0xFFFF  }
0x202: {  	_ =	strace $0x90000047  }
0x203: {  	s0 =	stileid.u32;
	[bflag:$0x2] =	sbarrier.arrive $0xFFFF  }
0x204: {  	p0 =	sne.s32 s0, $0x0;
	s0 =	rddreg [dreg:$0x3]  }
0x205: {  	s0 =	sadd.s32 @!p0 $0x100000, s0  }
0x206: {  	[sflag:s0] =	ssyncadd.tile.s32 @!p0 $0x1;
	_ =	shalt  }
.Lfunc_end2:
_tile_overlayer_lowered:
.L_overlay_start_2:
0x207: {  	(tag) =	ssettag $0x2  }
0x208: {  	s0 =	rddreg [dreg:$0x0];
	s2 =	stileid.u32  }
0x209: {  	s1 =	rddreg [dreg:$0x1];
	p0 =	sne.s32 s2, $0x0  }
0x20a: {  	s3 =	rddreg [dreg:$0x2];
	[bflag:$0x3] =	sbarrier.arrive $0xFFFF;
	s2 =	simm.s32 @!p0 $0x1C06  }
0x20b: {  	[timem:s3], [sflag:s2] =	dma.local @!p0 [hbm:s0], s1  }
0x20c: {  	s0 =	simm.s32 @!p0 $0x6  }
0x20d: {  	_ =	swait.ge @!p0 [sflag:s0], s1  }
0x20e: {  	s1 =	ssub.s32 @!p0 $0x0, s1;
	[sflag:s0] =	ssyncset.done @!p0 $0x0  }
0x20f: {  	[sflag:s0] =	ssyncadd.s32 @!p0 s1  }
0x210: {  	[bflag:$0x3] =	sbarrier.arrive $0xFFFF  }
0x211: {  	_ =	shalt  }

// kernel: sparse-core-data-format-call.cloned.1.call-start
scs
called_computation_lowered:
.L_overlay_start_0:
0x0: {  	s2 =	sld [smem:$0x3FD9]  }
0x1: {  	s3 =	sld [smem:$0x3FFE];
	_ =	sdelay $0x1  }
0x2: {  	s1 =	srdreg.scid  }
0x3: {  	s0 =	sand.u32 $0x1, s1  }
0x4: {  	s16 =	sshll.u32 s0, $0xA;
	s2 =	sadd.s32 s3, s2  }
0x5: {  	s2 =	sadd.s32 s2, s16  }
0x6: {  	[smem:$0x3FC3] =	sst s2  }
0x7: {  	_ = 	snop  }
0x8: {  	s2 =	sld [smem:$0x3FD0];
	_ =	sdelay $0x2  }
0x9: {  	s17 =	simm.s32 $0xB;
	s4 =	simm.s32 $0x10  }
0xa: {  	[smem:s4], [sflag:s17] =	dma.local [hbm:s2], $0x1  }
0xb: {  	_ =	swait.eq [sflag:s17], $0x1  }
0xc: {  	[sflag:s17] =	ssyncset.done $0x0  }
0xd: {  	[sflag:s17] =	ssyncadd.s32 $0xFFFFFFFF  }
0xe: {  	s18 =	sld [smem:$0x12];
	(tm) =	ssettm $0x1  }
0xf: {  	s19 =	sld [smem:$0x3FFB];
	_ =	sdelay $0x3  }
0x10: {  	_ =	strace s19  }
0x11: {  	s2 =	sld [smem:$0x3FFC];
	_ =	sdelay $0x3  }
0x12: {  	_ =	strace s2  }
0x13: {  	s2 =	sld [smem:$0x3FFD];
	_ =	sdelay $0x3  }
0x14: {  	_ =	strace s2  }
0x15: {  	_ =	strace $0x8FFFFFFF  }
0x16: {  	s20 =	sld [smem:$0x3FDB];
	_ =	sdelay $0x1  }
0x17: {  	s21 =	simm.s32 $_scs_section_size  }
0x18: {  	s5 =	simm.s32 $_size__tile_overlayer_lowered;
	s6 =	simm.s32 $_tile_overlayer_lowered  }
0x19: {  	s7 =	simm.s32 $0x1BFF;
	s22 =	sshll.u32 s6, $0x1;
	s4 =	sadd.s32 s21, s20  }
0x1a: {  	s23 =	simm.s32 $0x0;
	s5 =	sshll.u32 s5, $0x1;
	s6 =	sadd.s32 s22, s4  }
0x1b: {  	[timem:s23], [sflag:s7] =	dma.local [hbm:s6], s5  }
0x1c: {  	_ =	swait.ge [sflag:s7], s5  }
0x1d: {  	s5 =	ssub.s32 $0x0, s5;
	[sflag:s7] =	ssyncset.done $0x0  }
0x1e: {  	[sflag:s7] =	ssyncadd.s32 s5;
	_ =	sdelay $0x1  }
0x1f: {  	s24 =	simm.s32 $0x1B8B  }
0x20: {  	_ =	swait.ge [sflag:s24], $0x1  }
0x21: {  	[sflag:s24] =	ssyncset.done $0x0  }
0x22: {  	[sflag:s24] =	ssyncadd.s32 $0xFFFFFFFF  }
0x23: {  	s5 =	sld [smem:$0x0]  }
0x24: {  	s6 =	sand.u32 $0xFFFFFFFE, s1  }
0x25: {  	p0 =	sne.s32 s1, s6  }
0x26: {  	s6 =	sshll.u32 @p0 s6, $0xE  }
0x27: {  	s6 =	sadd.s32 @p0 $0x11B8D, s6;
	s7 =	sshll.u32 @p0 s5, $0x11  }
0x28: {  	s6 =	sor.u32 @p0 s7, s6  }
0x29: {  	[sflag:s6] =	ssyncadd.remote.s32 @p0 $0x1;
	_ =	sdelay $0x1  }
0x2a: {  	s6 =	simm.s32 @p0 $0x1B8D  }
0x2b: {  	_ =	swait.eq @p0 [sflag:s6], $0x1  }
0x2c: {  	[sflag:s6] =	ssyncadd.s32 @p0 $0xFFFFFFFF  }
0x2d: {  	s7 =	sshll.u32 @!p0 s1, $0xE  }
0x2e: {  	s7 =	sor.u32 @!p0 $0x4000, s7;
	s6 =	simm.s32 @!p0 $0x1B8D  }
0x2f: {  	s5 =	sshll.u32 @!p0 s5, $0x11;
	s7 =	sadd.s32 @!p0 $0x11B8D, s7;
	_ =	swait.eq @!p0 [sflag:s6], $0x1  }
0x30: {  	s5 =	sor.u32 @!p0 s5, s7;
	[sflag:s6] =	ssyncadd.s32 @!p0 $0xFFFFFFFF  }
0x31: {  	s26 =	simm.s32 $0x1B8E;
	s25 =	sld [smem:$0x3FFE];
	[sflag:s5] =	ssyncadd.remote.s32 @!p0 $0x1  }
0x32: {  	s27 =	simm.s32 $execute0_lowered;
	[smem:$0x3FD2] =	sst s26  }
0x33: {  	s6 =	sshll.u32 s27, $0x1;
	_ =	strace $0x8000004C;
	[dreg:$0x1] =	wrdreg $0xFFFFFFFF  }
0x34: {  	s28 =	simm.s32 $_size_execute0_lowered;
	s4 =	sadd.s32 s4, s6;
	[dreg:$0x0] =	wrdreg $0x0  }
0x35: {  	s6 =	sshll.u32 s28, $0x1;
	[dreg:$0x2] =	wrdreg s4  }
0x36: {  	[dreg:$0x3] =	wrdreg s6  }
0x37: {  	[dreg:$0x4] =	wrdreg $0xC0  }
0x38: {  	_ =	task [dreg:s23], $0x5FFFF  }
0x39: {  	[dreg:$0x1] =	wrdreg $0xFFFFFFFF  }
0x3a: {  	[dreg:$0x0] =	wrdreg $0x60  }
0x3b: {  	[dreg:$0x2] =	wrdreg s25  }
0x3c: {  	[dreg:$0x3] =	wrdreg s18  }
0x3d: {  	[dreg:$0x4] =	wrdreg $0xA  }
0x3e: {  	_ =	task.clear_ibuf [dreg:s23], $0x5FFFF;
	_ =	strace $0x9000004C  }
0x3f: {  	s29 =	simm.s32 $0xA;
	_ =	strace $0x8000004E  }
0x40: {  	_ =	swait.ge [sflag:s29], $0x1  }
0x41: {  	[sflag:s29] =	ssyncadd.s32 $0xFFFFFFFF  }
0x42: {  	_ =	strace $0x9000004E  }
0x43: {  	_ =	sfence  }
0x44: {  	s30 =	sld [smem:$0x0];
	_ =	sdelay $0x2  }
0x45: {  	s31 =	sshll.u32 s1, $0xD;
	s1 =	sshrl.u32 s1, $0x2  }
0x46: {  	s4 =	sand.u32 $0x4000, s31;
	s1 =	sadd.s32 s1, s30  }
0x47: {  	s0 =	sor.u32 s4, s0;
	s1 =	sshll.u32 s1, $0x11  }
0x48: {  	s0 =	sor.u32 s1, s0  }
0x49: {  	s0 =	sadd.s32 $0x8F2B, s0  }
0x4a: {  	[sflag:s0] =	ssyncadd.remote.s32 $0x1  }
0x4b: {  	_ =	sfence.sel $0xFFFF  }
0x4c: {  	[dreg:$0x0] =	wrdreg $0xFFFFFFFF;
	(pc) =	sbr.abs _section_cstart, $3  }
0x4d: {  	[dreg:$0x1] =	wrdreg $0xFFFFFFFF  }
0x4e: {  	_ =	task.clear_ibuf [dreg:s23], $0x2FFFF;
	_ =	strace $0x9FFFFFFF  }
0x4f: {  	(tm) =	ssettm $0x7FFFFFFF  }
tec
execute0_lowered:
.L_overlay_start_1:
0x0: {  	(tag) =	ssettag $0x1  }
0x1: {  	s4 =	rddreg [dreg:$0x0]  }
0x2: {  	s0 =	srdreg.scid;
	s2 =	rddreg [dreg:$0x1]  }
0x3: {  	s1 =	stileid.u32;
	s5 =	simm.s32 $0x1;
	s0 =	sshll.u32 s0, $0x4  }
0x4: {  	s7 =	simm.s32 $0x2;
	s11 =	simm.s32 $0x0;
	s3 =	sand.u32 $0x10, s0  }
.Ltmp0:
0x5: {  	p0 =	por $0x0, $0x0;
	s3 =	sor.u32 s1, s3;
	(pc) =	sbr.rel .LBB1_1-.Ltmp0, $4  }
0x6: {  	s8 =	simm.s32 $0x7A1400;
	s10 =	simm.s32 $0x0;
	s3 =	sshll.u32 s3, $0x7  }
0x7: {  	s0 =	rddreg [dreg:$0x2];
	_ =	strace $0x8000004D;
	s6 =	ssub.s32 $0xF4200, s3  }
0x8: {  	s4 =	sadd.s32 $0x171C200, s4;
	[sflag:s5] =	ssyncpa.u1 $0x0;
	s6 =	sshrl.u32 s6, $0xC  }
0x9: {  	[sflag:s7] =	ssyncpa.u1 $0x0;
	s9 =	smov.u32 s3;
	s7 =	sadd.s32 $0x2, s6  }
.LBB1_5:
0xa: {  	s13 =	sadd.s32 $0x1000, s9  }
0xb: {  	p2 =	sgt.s32 s13, $0xF423F  }
0xc: {  	s13 =	smov.u32 @p2 s3;
	p2 =	sne.s32 s10, s7  }
.Ltmp1:
0xd: {  	p1 =	slt.u32 s10, $0x2;
	(pc) =	sbr.rel @!p2 .LBB1_6-.Ltmp1, $4  }
0xe: {  	s12 =	simm.s32 @!p1 $0x2  }
0xf: {  	s14 =	sadd.s32 $0x1, s10;
	_ =	swait.ge @!p1 [sflag:s12], $0x2000  }
0x10: {  	s11 =	smov.u32 s9;
	p0 =	por !p0, !p0;
	[sflag:s12] =	ssyncset.done @!p1 $0x0  }
0x11: {  	s10 =	smov.u32 s14;
	s9 =	smov.u32 s13;
	[sflag:s12] =	ssyncadd.s32 @!p1 $0xFFFFE000  }
.LBB1_1:
0x12: {  	p1 =	sgt.u32 s10, s6  }
0x13: {  	s13 =	smov.u32 s9;
	p2 =	sgt.s32 @!p1 s9, $0xF41C0  }
0x14: {  	s12 =	sand.u32 @!p1 $0x1FFFFFF, s9;
	s14 =	sshra.s32 @!p1 s9, $0x1F;
	p2 =	por !p2, p1  }
0x15: {  	s15 =	smulhi.u32 @!p1 $0x218DEF5, s12;
	s14 =	sand.u32 @!p1 s14, s9;
	s13 =	simm.s32 @p2 $0xF41C0  }
0x16: {  	s13 =	ssub.s32 @!p1 s13, s14  }
0x17: {  	s14 =	sshrl.u32 @!p1 s15, $0xD;
	s13 =	sadd.s32 @!p1 $0xFFF0BE40, s13  }
0x18: {  	s15 =	sxor.u32 @!p1 $0xFFFFFFFF, s10;
	s14 =	smul.u32 @!p1 $0xF4240, s14;
	s16 =	sshll.u32 @!p1 s13, $0x8  }
0x19: {  	s15 =	sshll.u32 @!p1 s15, $0xD;
	p2 =	sgt.s32 @!p1 s13, $0x7F;
	s13 =	ssub.s32 @!p1 $0x8000, s16  }
0x1a: {  	s12 =	ssub.s32 @!p1 s12, s14;
	p2 =	por !p2, p1;
	s14 =	sand.u32 @!p1 $0x2000, s15  }
0x1b: {  	s15 =	simm.s32 @!p1 $0x40;
	s13 =	sshrl.u32 @!p1 s13, $0x2;
	s12 =	sshll.u32 @!p1 s12, $0x4  }
0x1c: {  	s16 =	simm.s32 @!p1 $0x80;
	s13 =	simm.s32 @!p2 $0x0;
	s12 =	sadd.s32 @!p1 s4, s12  }
0x1d: {  	[tilespmem:s14], [sflag:$0x1] =	stream.strided.gather @!p1 [hbm4b:s12+s15], s13, s16, s15, $0x38;
	[tilespmem:$0x8080] =	vst v63  }
0x1e: {  	p1 =	seq.s32 s10, $0x0  }
0x1f: {  	p2 =	sge.u32 @!p1 s10, s7  }
0x20: {  	p1 =	por p1, p2  }
.Ltmp2:
0x21: {  	_ = 	snop;
	(pc) =	sbr.rel @p1 .LBB1_5-.Ltmp2, $1  }
0x22: {  	_ =	sdelay $0x3  }
0x23: {  	p1 =	sgt.s32 s11, $0xF41C0;
	s12 =	smov.u32 s11;
	s13 =	sshra.s32 s11, $0x1F  }
0x24: {  	s12 =	simm.s32 @!p1 $0xF41C0;
	s13 =	sand.u32 s13, s11  }
0x25: {  	s12 =	ssub.s32 s12, s13  }
0x26: {  	s12 =	sadd.s32 $0xFFF0BE40, s12  }
0x27: {  	s28 =	sshll.u32 s12, $0x8  }
0x28: {  	s13 =	ssub.s32 $0x8000, s28  }
0x29: {  	p1 =	sgt.s32 s12, $0x7F;
	s12 =	sshrl.u32 s13, $0x2  }
0x2a: {  	s13 =	simm.s32 $0x1;
	s12 =	simm.s32 @p1 $0x0  }
0x2b: {  	s13 =	simm.s32 @!p0 $0x0;
	_ =	swait.ge [sflag:s5], s12  }
0x2c: {  	s14 =	sshll.u32 s13, $0xD;
	s12 =	ssub.s32 $0x0, s12;
	[sflag:s5] =	ssyncset.done $0x0  }
0x2d: {  	s16 =	sor.u32 $0x20, s14;
	[sflag:s5] =	ssyncadd.s32 s12  }
0x2e: {  	s29 =	smul.u32 $0x8100, s13;
	v3 =	vld [tilespmem:s16+$0x10]  }
0x2f: {  	s30 =	sand.u32 $0x1, s10;
	v2 =	vld [tilespmem:s16+$0xFFFFFFF0]  }
0x30: {  	s13 =	smul.u32 $0x8100, s30;
	s12 =	sshrl.u32 s29, $0x2;
	v0 =	vld [tilespmem:s16+$0x0]  }
0x31: {  	s14 =	sor.u32 $0x4000, s12;
	v1 =	vld [tilespmem:s16+$0xFFFFFFE0]  }
0x32: {  	s31 =	sshrl.u32 s13, $0x2;
	s13 =	sadd.s32 $0x0, s14  }
0x33: {  	s15 =	simm.s32 $0x4;
	s12 =	sor.u32 $0x4000, s31;
	s16 =	sadd.s32 $0x40, s16;
	[tilespmem:s13+$0x1830 ss:$0x81] =	vst.msk $0xffff, v3  }
.LBB1_3:
0x34: {  	v3 =	vld [tilespmem:s16+$0x10];
	p1 =	sne.s32 s15, $0x1FC;
	[tilespmem:s13+$0x810 ss:$0x81] =	vst.msk $0xffff, v2;
	s17 =	smov.u32 s15;
	s15 =	sadd.s32 $0x4, s15  }
.Ltmp3:
0x35: {  	v2 =	vld [tilespmem:s16+$0xFFFFFFF0];
	[tilespmem:s13+$0x1020 ss:$0x81] =	vst.msk $0xffff, v0;
	(pc) =	sbr.rel @p1 .LBB1_3-.Ltmp3, $4  }
0x36: {  	v0 =	vld [tilespmem:s16+$0x0];
	[tilespmem:s13+$0x0 ss:$0x81] =	vst.msk $0xffff, v1  }
0x37: {  	s13 =	sshra.s32 s17, $0x2;
	v1 =	vld [tilespmem:s16+$0xFFFFFFE0]  }
0x38: {  	s13 =	sadd.s32 s13, s14  }
0x39: {  	s16 =	sadd.s32 $0x40, s16;
	[tilespmem:s13+$0x1830 ss:$0x81] =	vst.msk $0xffff, v3  }
0x3a: {  	s14 =	sshll.u32 s11, $0x3  }
0x3b: {  	s30 =	sand.u32 $0x7F, s11;
	s14 =	sand.u32 $0xFFFFFC00, s14  }
0x3c: {  	s11 =	sor.u32 s30, s14  }
0x3d: {  	s15 =	smulhi.u32 $0x218D6287, s11;
	_ =	sdelay $0x1  }
0x3e: {  	s14 =	smulhi.u32 $0x218D6287, s14;
	s15 =	sshrl.u32 s15, $0x11  }
0x3f: {  	s15 =	smul.u32 $0xF4280, s15  }
0x40: {  	s14 =	sshrl.u32 s14, $0x11  }
.Ltmp4:
0x41: {  	s14 =	sand.u32 $0x3F, s14;
	s11 =	ssub.s32 s11, s15;
	(pc) =	sbr.rel .LBB1_5-.Ltmp4, $4  }
0x42: {  	[tilespmem:s13+$0x810 ss:$0x81] =	vst.msk $0xffff, v2;
	s14 =	smul.u32 $0x1E850, s14;
	s15 =	sshrl.u32 s11, $0x3;
	s11 =	sand.u32 $0x7, s11  }
0x43: {  	[tilespmem:s13+$0x1020 ss:$0x81] =	vst.msk $0xffff, v0;
	s15 =	sadd.s32 s2, s15;
	s11 =	sshll.u32 s11, $0x12  }
0x44: {  	[tilespmem:s13+$0x0 ss:$0x81] =	vst.msk $0xffff, v1;
	s31 =	sadd.s32 s14, s15;
	s11 =	sor.u32 $0x400, s11  }
0x45: {  	[hbm4b:s31+s11] =	stream.strided.scatter [tilespmem:s12], [sflag:$0x2], $0x2000, s8, s11, $0x20;
	[tilespmem:$0x8080] =	vst v63  }
.LBB1_6:
0x46: {  	_ =	sfence.sel $0x180000  }
0x47: {  	s2 =	simm.s32 $0x1;
	[bflag:$0x0] =	sbarrier.arrive $0xFFFF  }
0x48: {  	s31 =	simm.s32 $0x2;
	[sflag:s2] =	ssyncpa.u1 $0x1  }
0x49: {  	[sflag:s31] =	ssyncpa.u1 $0x1  }
0x4a: {  	p0 =	sne.s32 s1, $0x0;
	_ =	strace $0x9000004D  }
0x4b: {  	s0 =	sadd.s32 @!p0 $0x100000, s0;
	[bflag:$0x2] =	sbarrier.arrive $0xFFFF  }
0x4c: {  	[sflag:s0] =	ssyncadd.tile.s32 @!p0 $0x1;
	_ =	shalt  }
.Lfunc_end1:
_tile_overlayer_lowered:
.L_overlay_start_2:
0x4d: {  	(tag) =	ssettag $0x2  }
0x4e: {  	s0 =	rddreg [dreg:$0x0];
	s2 =	stileid.u32  }
0x4f: {  	s1 =	rddreg [dreg:$0x1];
	p0 =	sne.s32 s2, $0x0  }
0x50: {  	s3 =	rddreg [dreg:$0x2];
	[bflag:$0x3] =	sbarrier.arrive $0xFFFF;
	s2 =	simm.s32 @!p0 $0x1C01  }
0x51: {  	[timem:s3], [sflag:s2] =	dma.local @!p0 [hbm:s0], s1  }
0x52: {  	s0 =	simm.s32 @!p0 $0x1  }
0x53: {  	_ =	swait.ge @!p0 [sflag:s0], s1  }
0x54: {  	s1 =	ssub.s32 @!p0 $0x0, s1;
	[sflag:s0] =	ssyncset.done @!p0 $0x0  }
0x55: {  	[sflag:s0] =	ssyncadd.s32 @!p0 s1  }
0x56: {  	[bflag:$0x3] =	sbarrier.arrive $0xFFFF  }
0x57: {  	_ =	shalt  }

</sc_bundles>
